<compile_context>
chip_gen: v7x
topology: tpu7x:2x2x1
jax: 0.10.2.dev20260603
libtpu: 0.0.44.dev20260713+nightly
codegen_flags: <defaults>
</compile_context>

<pallas_src>
import functools

import jax
import jax.numpy as jnp
from jax import lax
from jax.experimental import pallas as pl
from jax.experimental.pallas import tpu as pltpu
from jax.experimental.pallas import tpu_sc as plsc

N = 16384
D = 64
NC = 2
NS = 16
NW = NC * NS
CHUNK = N // NW
Q = 128
NQ = CHUNK // Q
L = 16
GPQ = Q // L
RS = D + 1


def _build_kernel(n_cell: int, n_dev: int, n_sex: int):
    mesh = plsc.VectorSubcoreMesh(core_axis_name="c", subcore_axis_name="s")

    @functools.partial(
        pl.kernel,
        mesh=mesh,
        out_type=jax.ShapeDtypeStruct((3, D // 8, N // Q, 8 * Q), jnp.float32),
        compiler_params=pltpu.CompilerParams(needs_layout_passes=False,
                                             use_tc_tiling_on_sc=False),
        scratch_types=[
            pltpu.VMEM((CHUNK,), jnp.int32),
            pltpu.VMEM((CHUNK,), jnp.int32),
            pltpu.VMEM((CHUNK,), jnp.int32),
            pltpu.VMEM((n_cell * RS + D,), jnp.float32),
            pltpu.VMEM((n_dev * RS + D,), jnp.float32),
            pltpu.VMEM((n_sex * L * RS + D,), jnp.float32),
            pltpu.VMEM((1, D // 8, 1, 8 * Q), jnp.float32),
            pltpu.VMEM((1, D // 8, 1, 8 * Q), jnp.float32),
            pltpu.VMEM((1, D // 8, 1, 8 * Q), jnp.float32),
            pltpu.SemaphoreType.DMA,
            pltpu.SemaphoreType.DMA,
            pltpu.SemaphoreType.DMA,
            pltpu.SemaphoreType.DMA,
        ],
    )
    def body(cell_hbm, dev_hbm, sex_hbm, tc_hbm, td_hbm, ts_hbm, out_hbm,
             idx_c, idx_d, idx_s, tabc, tabd, tabs,
             fbuf0, fbuf1, fbuf2, sem0, fsem0, fsem1, fsem2):
        wid = lax.axis_index("s") * NC + lax.axis_index("c")
        base = wid * CHUNK
        staging = [
            pltpu.async_copy(tc_hbm, tabc.at[pl.ds(0, n_cell * RS)], sem0),
            pltpu.async_copy(td_hbm, tabd.at[pl.ds(0, n_dev * RS)], sem0),
            pltpu.async_copy(ts_hbm, tabs.at[pl.ds(0, n_sex * L * RS)], sem0),
            pltpu.async_copy(cell_hbm.at[pl.ds(base, CHUNK)], idx_c, sem0),
            pltpu.async_copy(dev_hbm.at[pl.ds(base, CHUNK)], idx_d, sem0),
            pltpu.async_copy(sex_hbm.at[pl.ds(base, CHUNK)], idx_s, sem0),
        ]
        for cp in staging:
            cp.wait()

        iota = lax.iota(jnp.int32, L)

        KB = 8
        tabc_k = [tabc.at[pl.ds(k * KB, n_cell * RS)] for k in range(D // KB)]
        tabd_k = [tabd.at[pl.ds(k * KB, n_dev * RS)] for k in range(D // KB)]
        tabs_k = [tabs.at[pl.ds(k * KB, n_sex * L * RS)]
                  for k in range(D // KB)]

        def make_field(h, buf, tab_k, idx_ref, is_sex):
            def group(g):
                t0 = h * Q + g * L
                c0 = g * L
                rows = idx_ref[pl.ds(t0, L)]
                gbase = (rows * L + iota) * RS if is_sex else rows * RS
                gvecs = [gbase + cp for cp in range(KB)]
                for k in range(D // KB):
                    for cp in range(KB):
                        val = plsc.load_gather(tab_k[k], [gvecs[cp]])
                        buf[0, k, 0, pl.ds(cp * Q + c0, L)] = val
            return group

        fbufs = (fbuf0, fbuf1, fbuf2)
        fsems = (fsem0, fsem1, fsem2)
        fields = ((tabc_k, idx_c, False),
                  (tabd_k, idx_d, False),
                  (tabs_k, idx_s, True))

        def slab(h, carry):
            for f in range(3):
                tab_k, idx_ref, is_sex = fields[f]
                buf, sem = fbufs[f], fsems[f]

                @pl.when(h > 0)
                def _wait_prev(buf=buf, sem=sem, f=f):
                    pltpu.make_async_copy(
                        buf,
                        out_hbm.at[pl.ds(f, 1), :,
                                   pl.ds(wid * NQ + h - 1, 1), :],
                        sem).wait()

                plsc.parallel_loop(0, GPQ)(
                    make_field(h, buf, tab_k, idx_ref, is_sex))
                pltpu.async_copy(
                    buf,
                    out_hbm.at[pl.ds(f, 1), :, pl.ds(wid * NQ + h, 1), :],
                    sem)
            return carry

        lax.fori_loop(0, NQ, slab, 0)
        for f in range(3):
            pltpu.make_async_copy(
                fbufs[f],
                out_hbm.at[pl.ds(f, 1), :, pl.ds(wid * NQ + NQ - 1, 1), :],
                fsems[f]).wait()

    return body


def kernel(cell_type, development_stage, sex,
           E_cell_type, E_development_stage, E_sex):
    n_cell = E_cell_type.shape[0]
    n_dev = E_development_stage.shape[0]
    n_sex = E_sex.shape[0]
    pad = [(0, 0), (0, RS - D)]
    tabc = jnp.pad(E_cell_type, pad).reshape(-1)
    tabd = jnp.pad(E_development_stage, pad).reshape(-1)
    tabs = jnp.pad(jnp.repeat(E_sex, L, axis=0), pad).reshape(-1)
    body = _build_kernel(n_cell, n_dev, n_sex)
    out = body(cell_type.astype(jnp.int32),
               development_stage.astype(jnp.int32),
               sex.astype(jnp.int32),
               tabc, tabd, tabs)
    out = out.reshape(3, D // 8, N // Q, 8, Q).transpose(0, 1, 3, 2, 4)
    return out.reshape(3, D, N).transpose(2, 0, 1)

# --- scband reference (transcript-rebuilt; emitter-appended) ---
"""Pipeline reference for scband-meta-data-embedding-2963527434903 (READ-ONLY COPY).

The authoritative reference and input builder live on the scoring server;
editing this copy changes nothing except your own understanding.
"""

import jax, jax.numpy as jnp
import numpy as np

N = 16384
D = 64
N_CELL = 1000 + 1
N_DEV = 100 + 1
N_SEX = 2 + 1


def setup_inputs(seed: int = 0) -> dict:
    key = jax.random.key(seed)
    k1, k2, k3, k4, k5, k6 = jax.random.split(key, 6)
    return {
        "cell_type": jax.random.randint(k1, (N,), 0, N_CELL, dtype=jnp.int64 if jax.config.jax_enable_x64 else jnp.int32),
        "development_stage": jax.random.randint(k2, (N,), 0, N_DEV, dtype=jnp.int64 if jax.config.jax_enable_x64 else jnp.int32),
        "sex": jax.random.randint(k3, (N,), 0, N_SEX, dtype=jnp.int64 if jax.config.jax_enable_x64 else jnp.int32),
        "E_cell_type": jax.random.normal(k4, (N_CELL, D), dtype=jnp.float32),
        "E_development_stage": jax.random.normal(k5, (N_DEV, D), dtype=jnp.float32),
        "E_sex": jax.random.normal(k6, (N_SEX, D), dtype=jnp.float32),
    }


def reference(cell_type, development_stage, sex, E_cell_type, E_development_stage, E_sex):
    # Faithful translation of MetaDataEmbedding.forward:
    # stack per-field embedding lookups along dim=1 -> (n, 3, d)
    emb_cell = jnp.take(E_cell_type, cell_type, axis=0)
    emb_dev = jnp.take(E_development_stage, development_stage, axis=0)
    emb_sex = jnp.take(E_sex, sex, axis=0)
    return jnp.stack([emb_cell, emb_dev, emb_sex], axis=1)

if __name__ == "__main__":
    import jax
    _d = setup_inputs()
    print(jax.jit(kernel)(*tuple(_d.values())))

</pallas_src>

<mosaic_0001>
#map = affine_map<(d0, d1) -> (0)>
#map1 = affine_map<(d0, d1) -> (0, 0, 0, 0)>
module attributes {stable_mosaic.version = 14 : i64} {
  func.func @body(%arg0: i32, %arg1: i32, %arg2: memref<16384xi32, #tpu.memory_space<hbm>>, %arg3: memref<16384xi32, #tpu.memory_space<hbm>>, %arg4: memref<16384xi32, #tpu.memory_space<hbm>>, %arg5: memref<65065xf32, #tpu.memory_space<hbm>>, %arg6: memref<6565xf32, #tpu.memory_space<hbm>>, %arg7: memref<3120xf32, #tpu.memory_space<hbm>>, %arg8: memref<3x8x128x1024xf32, #tpu.memory_space<hbm>>, %arg9: memref<512xi32, #tpu.memory_space<vmem>>, %arg10: memref<512xi32, #tpu.memory_space<vmem>>, %arg11: memref<512xi32, #tpu.memory_space<vmem>>, %arg12: memref<65129xf32, #tpu.memory_space<vmem>>, %arg13: memref<6629xf32, #tpu.memory_space<vmem>>, %arg14: memref<3184xf32, #tpu.memory_space<vmem>>, %arg15: memref<1x8x1x1024xf32, #tpu.memory_space<vmem>>, %arg16: memref<1x8x1x1024xf32, #tpu.memory_space<vmem>>, %arg17: memref<1x8x1x1024xf32, #tpu.memory_space<vmem>>, %arg18: memref<!tpu.dma_semaphore, #tpu.memory_space<semaphore_mem>>, %arg19: memref<!tpu.dma_semaphore, #tpu.memory_space<semaphore_mem>>, %arg20: memref<!tpu.dma_semaphore, #tpu.memory_space<semaphore_mem>>, %arg21: memref<!tpu.dma_semaphore, #tpu.memory_space<semaphore_mem>>) attributes {dimension_semantics = [#tpu.dimension_semantics<core_parallel>, #tpu.dimension_semantics<subcore_parallel>], iteration_bounds = array<i64: 2, 16>, scalar_prefetch = 0 : i64, scratch_operands = 13 : i64, tpu.core_type = #tpu.core_type<sc_vector_subcore>, window_params = [{transform_indices = #map}, {transform_indices = #map}, {transform_indices = #map}, {transform_indices = #map}, {transform_indices = #map}, {transform_indices = #map}, {transform_indices = #map1}]} {
    %mul3A = arith.constant 2 : i32
    %mul3A_0 = arith.muli %arg1, %mul3A : i32
    %add3A = arith.addi %mul3A_0, %arg0 : i32
    %mul3A_1 = arith.constant 512 : i32
    %mul3A_2 = arith.muli %add3A, %mul3A_1 : i32
    %dma_start3A = arith.constant 0 : i32
    %dma_start3A_3 = tpu.memref_slice %arg12[%dma_start3A] : memref<65129xf32, #tpu.memory_space<vmem>> -> memref<65065xf32, #tpu.memory_space<vmem>>
    %dma_start3A_4 = arith.constant 0 : i32
    %dma_start3A_5 = tpu.memref_slice %arg12[%dma_start3A_4] : memref<65129xf32, #tpu.memory_space<vmem>> -> memref<65065xf32, #tpu.memory_space<vmem>>
    tpu.enqueue_dma source(%arg5 : memref<65065xf32, #tpu.memory_space<hbm>>) target(%dma_start3A_5 : memref<65065xf32, #tpu.memory_space<vmem>>) target_semaphore(%arg18 : memref<!tpu.dma_semaphore, #tpu.memory_space<semaphore_mem>>)
    %dma_start3A_6 = arith.constant 0 : i32
    %dma_start3A_7 = tpu.memref_slice %arg13[%dma_start3A_6] : memref<6629xf32, #tpu.memory_space<vmem>> -> memref<6565xf32, #tpu.memory_space<vmem>>
    %dma_start3A_8 = arith.constant 0 : i32
    %dma_start3A_9 = tpu.memref_slice %arg13[%dma_start3A_8] : memref<6629xf32, #tpu.memory_space<vmem>> -> memref<6565xf32, #tpu.memory_space<vmem>>
    tpu.enqueue_dma source(%arg6 : memref<6565xf32, #tpu.memory_space<hbm>>) target(%dma_start3A_9 : memref<6565xf32, #tpu.memory_space<vmem>>) target_semaphore(%arg18 : memref<!tpu.dma_semaphore, #tpu.memory_space<semaphore_mem>>)
    %dma_start3A_10 = arith.constant 0 : i32
    %dma_start3A_11 = tpu.memref_slice %arg14[%dma_start3A_10] : memref<3184xf32, #tpu.memory_space<vmem>> -> memref<3120xf32, #tpu.memory_space<vmem>>
    %dma_start3A_12 = arith.constant 0 : i32
    %dma_start3A_13 = tpu.memref_slice %arg14[%dma_start3A_12] : memref<3184xf32, #tpu.memory_space<vmem>> -> memref<3120xf32, #tpu.memory_space<vmem>>
    tpu.enqueue_dma source(%arg7 : memref<3120xf32, #tpu.memory_space<hbm>>) target(%dma_start3A_13 : memref<3120xf32, #tpu.memory_space<vmem>>) target_semaphore(%arg18 : memref<!tpu.dma_semaphore, #tpu.memory_space<semaphore_mem>>)
    %dma_start3A_14 = tpu.memref_slice %arg2[%mul3A_2] : memref<16384xi32, #tpu.memory_space<hbm>> -> memref<512xi32, #tpu.memory_space<hbm>>
    %dma_start3A_15 = tpu.memref_slice %arg2[%mul3A_2] : memref<16384xi32, #tpu.memory_space<hbm>> -> memref<512xi32, #tpu.memory_space<hbm>>
    tpu.enqueue_dma source(%dma_start3A_15 : memref<512xi32, #tpu.memory_space<hbm>>) target(%arg9 : memref<512xi32, #tpu.memory_space<vmem>>) target_semaphore(%arg18 : memref<!tpu.dma_semaphore, #tpu.memory_space<semaphore_mem>>)
    %dma_start3A_16 = tpu.memref_slice %arg3[%mul3A_2] : memref<16384xi32, #tpu.memory_space<hbm>> -> memref<512xi32, #tpu.memory_space<hbm>>
    %dma_start3A_17 = tpu.memref_slice %arg3[%mul3A_2] : memref<16384xi32, #tpu.memory_space<hbm>> -> memref<512xi32, #tpu.memory_space<hbm>>
    tpu.enqueue_dma source(%dma_start3A_17 : memref<512xi32, #tpu.memory_space<hbm>>) target(%arg10 : memref<512xi32, #tpu.memory_space<vmem>>) target_semaphore(%arg18 : memref<!tpu.dma_semaphore, #tpu.memory_space<semaphore_mem>>)
    %dma_start3A_18 = tpu.memref_slice %arg4[%mul3A_2] : memref<16384xi32, #tpu.memory_space<hbm>> -> memref<512xi32, #tpu.memory_space<hbm>>
    %dma_start3A_19 = tpu.memref_slice %arg4[%mul3A_2] : memref<16384xi32, #tpu.memory_space<hbm>> -> memref<512xi32, #tpu.memory_space<hbm>>
    tpu.enqueue_dma source(%dma_start3A_19 : memref<512xi32, #tpu.memory_space<hbm>>) target(%arg11 : memref<512xi32, #tpu.memory_space<vmem>>) target_semaphore(%arg18 : memref<!tpu.dma_semaphore, #tpu.memory_space<semaphore_mem>>)
    %dma_wait3A = arith.constant 0 : i32
    %dma_wait3A_20 = tpu.memref_slice %arg12[%dma_wait3A] : memref<65129xf32, #tpu.memory_space<vmem>> -> memref<65065xf32, #tpu.memory_space<vmem>>
    %dma_wait3A_21 = arith.constant 0 : i32
    %dma_wait3A_22 = tpu.memref_slice %arg12[%dma_wait3A_21] : memref<65129xf32, #tpu.memory_space<vmem>> -> memref<65065xf32, #tpu.memory_space<vmem>>
    tpu.wait_dma2 semaphore(%arg18 : memref<!tpu.dma_semaphore, #tpu.memory_space<semaphore_mem>>) src(%arg5 : memref<65065xf32, #tpu.memory_space<hbm>>) dst(%dma_wait3A_22 : memref<65065xf32, #tpu.memory_space<vmem>>)
    %dma_wait3A_23 = arith.constant 0 : i32
    %dma_wait3A_24 = tpu.memref_slice %arg13[%dma_wait3A_23] : memref<6629xf32, #tpu.memory_space<vmem>> -> memref<6565xf32, #tpu.memory_space<vmem>>
    %dma_wait3A_25 = arith.constant 0 : i32
    %dma_wait3A_26 = tpu.memref_slice %arg13[%dma_wait3A_25] : memref<6629xf32, #tpu.memory_space<vmem>> -> memref<6565xf32, #tpu.memory_space<vmem>>
    tpu.wait_dma2 semaphore(%arg18 : memref<!tpu.dma_semaphore, #tpu.memory_space<semaphore_mem>>) src(%arg6 : memref<6565xf32, #tpu.memory_space<hbm>>) dst(%dma_wait3A_26 : memref<6565xf32, #tpu.memory_space<vmem>>)
    %dma_wait3A_27 = arith.constant 0 : i32
    %dma_wait3A_28 = tpu.memref_slice %arg14[%dma_wait3A_27] : memref<3184xf32, #tpu.memory_space<vmem>> -> memref<3120xf32, #tpu.memory_space<vmem>>
    %dma_wait3A_29 = arith.constant 0 : i32
    %dma_wait3A_30 = tpu.memref_slice %arg14[%dma_wait3A_29] : memref<3184xf32, #tpu.memory_space<vmem>> -> memref<3120xf32, #tpu.memory_space<vmem>>
    tpu.wait_dma2 semaphore(%arg18 : memref<!tpu.dma_semaphore, #tpu.memory_space<semaphore_mem>>) src(%arg7 : memref<3120xf32, #tpu.memory_space<hbm>>) dst(%dma_wait3A_30 : memref<3120xf32, #tpu.memory_space<vmem>>)
    %dma_wait3A_31 = tpu.memref_slice %arg2[%mul3A_2] : memref<16384xi32, #tpu.memory_space<hbm>> -> memref<512xi32, #tpu.memory_space<hbm>>
    %dma_wait3A_32 = tpu.memref_slice %arg2[%mul3A_2] : memref<16384xi32, #tpu.memory_space<hbm>> -> memref<512xi32, #tpu.memory_space<hbm>>
    tpu.wait_dma2 semaphore(%arg18 : memref<!tpu.dma_semaphore, #tpu.memory_space<semaphore_mem>>) src(%dma_wait3A_32 : memref<512xi32, #tpu.memory_space<hbm>>) dst(%arg9 : memref<512xi32, #tpu.memory_space<vmem>>)
    %dma_wait3A_33 = tpu.memref_slice %arg3[%mul3A_2] : memref<16384xi32, #tpu.memory_space<hbm>> -> memref<512xi32, #tpu.memory_space<hbm>>
    %dma_wait3A_34 = tpu.memref_slice %arg3[%mul3A_2] : memref<16384xi32, #tpu.memory_space<hbm>> -> memref<512xi32, #tpu.memory_space<hbm>>
    tpu.wait_dma2 semaphore(%arg18 : memref<!tpu.dma_semaphore, #tpu.memory_space<semaphore_mem>>) src(%dma_wait3A_34 : memref<512xi32, #tpu.memory_space<hbm>>) dst(%arg10 : memref<512xi32, #tpu.memory_space<vmem>>)
    %dma_wait3A_35 = tpu.memref_slice %arg4[%mul3A_2] : memref<16384xi32, #tpu.memory_space<hbm>> -> memref<512xi32, #tpu.memory_space<hbm>>
    %dma_wait3A_36 = tpu.memref_slice %arg4[%mul3A_2] : memref<16384xi32, #tpu.memory_space<hbm>> -> memref<512xi32, #tpu.memory_space<hbm>>
    tpu.wait_dma2 semaphore(%arg18 : memref<!tpu.dma_semaphore, #tpu.memory_space<semaphore_mem>>) src(%dma_wait3A_36 : memref<512xi32, #tpu.memory_space<hbm>>) dst(%arg11 : memref<512xi32, #tpu.memory_space<vmem>>)
    %iota3A = tpu.iota {dimensions = array<i32: 0>} : vector<16xi32>
    %scan3A = arith.constant 0 : i32
    %scan3A_37 = arith.constant 0 : i32
    %scan3A_38 = arith.constant 4 : i32
    %scan3A_39 = arith.addi %scan3A_37, %scan3A_38 : i32
    %scan3A_40 = arith.constant 1 : i32
    scf.for %scan3A_83 = %scan3A_37 to %scan3A_39 step %scan3A_40  : i32 {
      %gt3A = arith.constant 0 : i32
      %gt3A_84 = arith.cmpi sgt, %scan3A_83, %gt3A : i32
      %convert_element_type3A = arith.extui %gt3A_84 : i1 to i32
      %cond3A = arith.constant 0 : i32
      %cond3A_85 = arith.cmpi ne, %convert_element_type3A, %cond3A : i32
      scf.if %cond3A_85 {
        %mul3A_137 = arith.constant 4 : i32
        %mul3A_138 = arith.muli %add3A, %mul3A_137 : i32
        %add3A_139 = arith.addi %mul3A_138, %scan3A_83 : i32
        %sub3A_140 = arith.constant 1 : i32
        %sub3A_141 = arith.subi %add3A_139, %sub3A_140 : i32
        %dma_wait3A_142 = arith.constant 0 : i32
        %dma_wait3A_143 = arith.constant 0 : i32
        %dma_wait3A_144 = arith.constant 0 : i32
        %dma_wait3A_145 = tpu.memref_slice %arg8[%dma_wait3A_142, %dma_wait3A_143, %sub3A_141, %dma_wait3A_144] : memref<3x8x128x1024xf32, #tpu.memory_space<hbm>> -> memref<1x8x1x1024xf32, #tpu.memory_space<hbm>>
        %dma_wait3A_146 = arith.constant 0 : i32
        %dma_wait3A_147 = arith.constant 0 : i32
        %dma_wait3A_148 = arith.constant 0 : i32
        %dma_wait3A_149 = tpu.memref_slice %arg8[%dma_wait3A_146, %dma_wait3A_147, %sub3A_141, %dma_wait3A_148] : memref<3x8x128x1024xf32, #tpu.memory_space<hbm>> -> memref<1x8x1x1024xf32, #tpu.memory_space<hbm>>
        tpu.wait_dma2 semaphore(%arg19 : memref<!tpu.dma_semaphore, #tpu.memory_space<semaphore_mem>>) src(%arg15 : memref<1x8x1x1024xf32, #tpu.memory_space<vmem>>) dst(%dma_wait3A_149 : memref<1x8x1x1024xf32, #tpu.memory_space<hbm>>)
      } else {
      }
      %parallel_loop3A = arith.constant 0 : i32
      %parallel_loop3A_86 = arith.constant 8 : i32
      %parallel_loop3A_87 = arith.constant 1 : i32
      scf.for %parallel_loop3A_137 = %parallel_loop3A to %parallel_loop3A_86 step %parallel_loop3A_87  : i32 {
        %parallel_loop3A_138 = arith.constant 128 : i32
        %parallel_loop3A_139 = arith.muli %scan3A_83, %parallel_loop3A_138 : i32
        %parallel_loop3A_140 = arith.constant 16 : i32
        %parallel_loop3A_141 = arith.muli %parallel_loop3A_137, %parallel_loop3A_140 : i32
        %parallel_loop3A_142 = arith.addi %parallel_loop3A_139, %parallel_loop3A_141 : i32
        %parallel_loop3A_143 = arith.constant 16 : i32
        %parallel_loop3A_144 = arith.muli %parallel_loop3A_137, %parallel_loop3A_143 : i32
        %parallel_loop3A_145 = arith.index_cast %parallel_loop3A_142 : i32 to index
        %parallel_loop3A_146 = tpu.vector_load %arg9[%parallel_loop3A_145] {strides = array<i32>} : memref<512xi32, #tpu.memory_space<vmem>>, vector<16xi32>,
        %parallel_loop3A_147 = arith.constant 65 : i32
        %parallel_loop3A_148 = vector.broadcast %parallel_loop3A_147 : i32 to vector<16xi32>
        %parallel_loop3A_149 = arith.muli %parallel_loop3A_146, %parallel_loop3A_148 : vector<16xi32>
        %parallel_loop3A_150 = arith.constant 0 : i32
        %parallel_loop3A_151 = vector.broadcast %parallel_loop3A_150 : i32 to vector<16xi32>
        %parallel_loop3A_152 = arith.addi %parallel_loop3A_149, %parallel_loop3A_151 : vector<16xi32>
        %parallel_loop3A_153 = arith.constant 1 : i32
        %parallel_loop3A_154 = vector.broadcast %parallel_loop3A_153 : i32 to vector<16xi32>
        %parallel_loop3A_155 = arith.addi %parallel_loop3A_149, %parallel_loop3A_154 : vector<16xi32>
        %parallel_loop3A_156 = arith.constant 2 : i32
        %parallel_loop3A_157 = vector.broadcast %parallel_loop3A_156 : i32 to vector<16xi32>
        %parallel_loop3A_158 = arith.addi %parallel_loop3A_149, %parallel_loop3A_157 : vector<16xi32>
        %parallel_loop3A_159 = arith.constant 3 : i32
        %parallel_loop3A_160 = vector.broadcast %parallel_loop3A_159 : i32 to vector<16xi32>
        %parallel_loop3A_161 = arith.addi %parallel_loop3A_149, %parallel_loop3A_160 : vector<16xi32>
        %parallel_loop3A_162 = arith.constant 4 : i32
        %parallel_loop3A_163 = vector.broadcast %parallel_loop3A_162 : i32 to vector<16xi32>
        %parallel_loop3A_164 = arith.addi %parallel_loop3A_149, %parallel_loop3A_163 : vector<16xi32>
        %parallel_loop3A_165 = arith.constant 5 : i32
        %parallel_loop3A_166 = vector.broadcast %parallel_loop3A_165 : i32 to vector<16xi32>
        %parallel_loop3A_167 = arith.addi %parallel_loop3A_149, %parallel_loop3A_166 : vector<16xi32>
        %parallel_loop3A_168 = arith.constant 6 : i32
        %parallel_loop3A_169 = vector.broadcast %parallel_loop3A_168 : i32 to vector<16xi32>
        %parallel_loop3A_170 = arith.addi %parallel_loop3A_149, %parallel_loop3A_169 : vector<16xi32>
        %parallel_loop3A_171 = arith.constant 7 : i32
        %parallel_loop3A_172 = vector.broadcast %parallel_loop3A_171 : i32 to vector<16xi32>
        %parallel_loop3A_173 = arith.addi %parallel_loop3A_149, %parallel_loop3A_172 : vector<16xi32>
        %parallel_loop3A_174 = arith.constant 0 : i32
        %parallel_loop3A_175 = tpu.memref_slice %arg12[%parallel_loop3A_174] : memref<65129xf32, #tpu.memory_space<vmem>> -> memref<65065xf32, #tpu.memory_space<vmem>>
        %parallel_loop3A_176 = tpu.vector_load_idx %parallel_loop3A_175[%parallel_loop3A_152] : memref<65065xf32, #tpu.memory_space<vmem>>[vector<16xi32>], vector<16xf32>,
        %parallel_loop3A_177 = arith.constant 0 : i32
        %parallel_loop3A_178 = arith.addi %parallel_loop3A_177, %parallel_loop3A_144 : i32
        %parallel_loop3A_179 = arith.constant 0 : i32
        %parallel_loop3A_180 = arith.constant 0 : i32
        %parallel_loop3A_181 = arith.constant 0 : i32
        %parallel_loop3A_182 = arith.index_cast %parallel_loop3A_179 : i32 to index
        %parallel_loop3A_183 = arith.index_cast %parallel_loop3A_180 : i32 to index
        %parallel_loop3A_184 = arith.index_cast %parallel_loop3A_181 : i32 to index
        %parallel_loop3A_185 = arith.index_cast %parallel_loop3A_178 : i32 to index
        %parallel_loop3A_186 = tpu.vector_load %arg15[%parallel_loop3A_182, %parallel_loop3A_183, %parallel_loop3A_184, %parallel_loop3A_185] {strides = array<i32>} : memref<1x8x1x1024xf32, #tpu.memory_space<vmem>>, vector<16xf32>,
        tpu.vector_store %arg15[%parallel_loop3A_182, %parallel_loop3A_183, %parallel_loop3A_184, %parallel_loop3A_185], %parallel_loop3A_176 {strides = array<i32>} : memref<1x8x1x1024xf32, #tpu.memory_space<vmem>>, vector<16xf32>,
        %parallel_loop3A_187 = arith.constant 0 : i32
        %parallel_loop3A_188 = tpu.memref_slice %arg12[%parallel_loop3A_187] : memref<65129xf32, #tpu.memory_space<vmem>> -> memref<65065xf32, #tpu.memory_space<vmem>>
        %parallel_loop3A_189 = tpu.vector_load_idx %parallel_loop3A_188[%parallel_loop3A_155] : memref<65065xf32, #tpu.memory_space<vmem>>[vector<16xi32>], vector<16xf32>,
        %parallel_loop3A_190 = arith.constant 128 : i32
        %parallel_loop3A_191 = arith.addi %parallel_loop3A_190, %parallel_loop3A_144 : i32
        %parallel_loop3A_192 = arith.constant 0 : i32
        %parallel_loop3A_193 = arith.constant 0 : i32
        %parallel_loop3A_194 = arith.constant 0 : i32
        %parallel_loop3A_195 = arith.index_cast %parallel_loop3A_192 : i32 to index
        %parallel_loop3A_196 = arith.index_cast %parallel_loop3A_193 : i32 to index
        %parallel_loop3A_197 = arith.index_cast %parallel_loop3A_194 : i32 to index
        %parallel_loop3A_198 = arith.index_cast %parallel_loop3A_191 : i32 to index
        %parallel_loop3A_199 = tpu.vector_load %arg15[%parallel_loop3A_195, %parallel_loop3A_196, %parallel_loop3A_197, %parallel_loop3A_198] {strides = array<i32>} : memref<1x8x1x1024xf32, #tpu.memory_space<vmem>>, vector<16xf32>,
        tpu.vector_store %arg15[%parallel_loop3A_195, %parallel_loop3A_196, %parallel_loop3A_197, %parallel_loop3A_198], %parallel_loop3A_189 {strides = array<i32>} : memref<1x8x1x1024xf32, #tpu.memory_space<vmem>>, vector<16xf32>,
        %parallel_loop3A_200 = arith.constant 0 : i32
        %parallel_loop3A_201 = tpu.memref_slice %arg12[%parallel_loop3A_200] : memref<65129xf32, #tpu.memory_space<vmem>> -> memref<65065xf32, #tpu.memory_space<vmem>>
        %parallel_loop3A_202 = tpu.vector_load_idx %parallel_loop3A_201[%parallel_loop3A_158] : memref<65065xf32, #tpu.memory_space<vmem>>[vector<16xi32>], vector<16xf32>,
        %parallel_loop3A_203 = arith.constant 256 : i32
        %parallel_loop3A_204 = arith.addi %parallel_loop3A_203, %parallel_loop3A_144 : i32
        %parallel_loop3A_205 = arith.constant 0 : i32
        %parallel_loop3A_206 = arith.constant 0 : i32
        %parallel_loop3A_207 = arith.constant 0 : i32
        %parallel_loop3A_208 = arith.index_cast %parallel_loop3A_205 : i32 to index
        %parallel_loop3A_209 = arith.index_cast %parallel_loop3A_206 : i32 to index
        %parallel_loop3A_210 = arith.index_cast %parallel_loop3A_207 : i32 to index
        %parallel_loop3A_211 = arith.index_cast %parallel_loop3A_204 : i32 to index
        %parallel_loop3A_212 = tpu.vector_load %arg15[%parallel_loop3A_208, %parallel_loop3A_209, %parallel_loop3A_210, %parallel_loop3A_211] {strides = array<i32>} : memref<1x8x1x1024xf32, #tpu.memory_space<vmem>>, vector<16xf32>,
        tpu.vector_store %arg15[%parallel_loop3A_208, %parallel_loop3A_209, %parallel_loop3A_210, %parallel_loop3A_211], %parallel_loop3A_202 {strides = array<i32>} : memref<1x8x1x1024xf32, #tpu.memory_space<vmem>>, vector<16xf32>,
        %parallel_loop3A_213 = arith.constant 0 : i32
        %parallel_loop3A_214 = tpu.memref_slice %arg12[%parallel_loop3A_213] : memref<65129xf32, #tpu.memory_space<vmem>> -> memref<65065xf32, #tpu.memory_space<vmem>>
        %parallel_loop3A_215 = tpu.vector_load_idx %parallel_loop3A_214[%parallel_loop3A_161] : memref<65065xf32, #tpu.memory_space<vmem>>[vector<16xi32>], vector<16xf32>,
        %parallel_loop3A_216 = arith.constant 384 : i32
        %parallel_loop3A_217 = arith.addi %parallel_loop3A_216, %parallel_loop3A_144 : i32
        %parallel_loop3A_218 = arith.constant 0 : i32
        %parallel_loop3A_219 = arith.constant 0 : i32
        %parallel_loop3A_220 = arith.constant 0 : i32
        %parallel_loop3A_221 = arith.index_cast %parallel_loop3A_218 : i32 to index
        %parallel_loop3A_222 = arith.index_cast %parallel_loop3A_219 : i32 to index
        %parallel_loop3A_223 = arith.index_cast %parallel_loop3A_220 : i32 to index
        %parallel_loop3A_224 = arith.index_cast %parallel_loop3A_217 : i32 to index
        %parallel_loop3A_225 = tpu.vector_load %arg15[%parallel_loop3A_221, %parallel_loop3A_222, %parallel_loop3A_223, %parallel_loop3A_224] {strides = array<i32>} : memref<1x8x1x1024xf32, #tpu.memory_space<vmem>>, vector<16xf32>,
        tpu.vector_store %arg15[%parallel_loop3A_221, %parallel_loop3A_222, %parallel_loop3A_223, %parallel_loop3A_224], %parallel_loop3A_215 {strides = array<i32>} : memref<1x8x1x1024xf32, #tpu.memory_space<vmem>>, vector<16xf32>,
        %parallel_loop3A_226 = arith.constant 0 : i32
        %parallel_loop3A_227 = tpu.memref_slice %arg12[%parallel_loop3A_226] : memref<65129xf32, #tpu.memory_space<vmem>> -> memref<65065xf32, #tpu.memory_space<vmem>>
        %parallel_loop3A_228 = tpu.vector_load_idx %parallel_loop3A_227[%parallel_loop3A_164] : memref<65065xf32, #tpu.memory_space<vmem>>[vector<16xi32>], vector<16xf32>,
        %parallel_loop3A_229 = arith.constant 512 : i32
        %parallel_loop3A_230 = arith.addi %parallel_loop3A_229, %parallel_loop3A_144 : i32
        %parallel_loop3A_231 = arith.constant 0 : i32
        %parallel_loop3A_232 = arith.constant 0 : i32
        %parallel_loop3A_233 = arith.constant 0 : i32
        %parallel_loop3A_234 = arith.index_cast %parallel_loop3A_231 : i32 to index
        %parallel_loop3A_235 = arith.index_cast %parallel_loop3A_232 : i32 to index
        %parallel_loop3A_236 = arith.index_cast %parallel_loop3A_233 : i32 to index
        %parallel_loop3A_237 = arith.index_cast %parallel_loop3A_230 : i32 to index
        %parallel_loop3A_238 = tpu.vector_load %arg15[%parallel_loop3A_234, %parallel_loop3A_235, %parallel_loop3A_236, %parallel_loop3A_237] {strides = array<i32>} : memref<1x8x1x1024xf32, #tpu.memory_space<vmem>>, vector<16xf32>,
        tpu.vector_store %arg15[%parallel_loop3A_234, %parallel_loop3A_235, %parallel_loop3A_236, %parallel_loop3A_237], %parallel_loop3A_228 {strides = array<i32>} : memref<1x8x1x1024xf32, #tpu.memory_space<vmem>>, vector<16xf32>,
        %parallel_loop3A_239 = arith.constant 0 : i32
        %parallel_loop3A_240 = tpu.memref_slice %arg12[%parallel_loop3A_239] : memref<65129xf32, #tpu.memory_space<vmem>> -> memref<65065xf32, #tpu.memory_space<vmem>>
        %parallel_loop3A_241 = tpu.vector_load_idx %parallel_loop3A_240[%parallel_loop3A_167] : memref<65065xf32, #tpu.memory_space<vmem>>[vector<16xi32>], vector<16xf32>,
        %parallel_loop3A_242 = arith.constant 640 : i32
        %parallel_loop3A_243 = arith.addi %parallel_loop3A_242, %parallel_loop3A_144 : i32
        %parallel_loop3A_244 = arith.constant 0 : i32
        %parallel_loop3A_245 = arith.constant 0 : i32
        %parallel_loop3A_246 = arith.constant 0 : i32
        %parallel_loop3A_247 = arith.index_cast %parallel_loop3A_244 : i32 to index
        %parallel_loop3A_248 = arith.index_cast %parallel_loop3A_245 : i32 to index
        %parallel_loop3A_249 = arith.index_cast %parallel_loop3A_246 : i32 to index
        %parallel_loop3A_250 = arith.index_cast %parallel_loop3A_243 : i32 to index
        %parallel_loop3A_251 = tpu.vector_load %arg15[%parallel_loop3A_247, %parallel_loop3A_248, %parallel_loop3A_249, %parallel_loop3A_250] {strides = array<i32>} : memref<1x8x1x1024xf32, #tpu.memory_space<vmem>>, vector<16xf32>,
        tpu.vector_store %arg15[%parallel_loop3A_247, %parallel_loop3A_248, %parallel_loop3A_249, %parallel_loop3A_250], %parallel_loop3A_241 {strides = array<i32>} : memref<1x8x1x1024xf32, #tpu.memory_space<vmem>>, vector<16xf32>,
        %parallel_loop3A_252 = arith.constant 0 : i32
        %parallel_loop3A_253 = tpu.memref_slice %arg12[%parallel_loop3A_252] : memref<65129xf32, #tpu.memory_space<vmem>> -> memref<65065xf32, #tpu.memory_space<vmem>>
        %parallel_loop3A_254 = tpu.vector_load_idx %parallel_loop3A_253[%parallel_loop3A_170] : memref<65065xf32, #tpu.memory_space<vmem>>[vector<16xi32>], vector<16xf32>,
        %parallel_loop3A_255 = arith.constant 768 : i32
        %parallel_loop3A_256 = arith.addi %parallel_loop3A_255, %parallel_loop3A_144 : i32
        %parallel_loop3A_257 = arith.constant 0 : i32
        %parallel_loop3A_258 = arith.constant 0 : i32
        %parallel_loop3A_259 = arith.constant 0 : i32
        %parallel_loop3A_260 = arith.index_cast %parallel_loop3A_257 : i32 to index
        %parallel_loop3A_261 = arith.index_cast %parallel_loop3A_258 : i32 to index
        %parallel_loop3A_262 = arith.index_cast %parallel_loop3A_259 : i32 to index
        %parallel_loop3A_263 = arith.index_cast %parallel_loop3A_256 : i32 to index
        %parallel_loop3A_264 = tpu.vector_load %arg15[%parallel_loop3A_260, %parallel_loop3A_261, %parallel_loop3A_262, %parallel_loop3A_263] {strides = array<i32>} : memref<1x8x1x1024xf32, #tpu.memory_space<vmem>>, vector<16xf32>,
        tpu.vector_store %arg15[%parallel_loop3A_260, %parallel_loop3A_261, %parallel_loop3A_262, %parallel_loop3A_263], %parallel_loop3A_254 {strides = array<i32>} : memref<1x8x1x1024xf32, #tpu.memory_space<vmem>>, vector<16xf32>,
        %parallel_loop3A_265 = arith.constant 0 : i32
        %parallel_loop3A_266 = tpu.memref_slice %arg12[%parallel_loop3A_265] : memref<65129xf32, #tpu.memory_space<vmem>> -> memref<65065xf32, #tpu.memory_space<vmem>>
        %parallel_loop3A_267 = tpu.vector_load_idx %parallel_loop3A_266[%parallel_loop3A_173] : memref<65065xf32, #tpu.memory_space<vmem>>[vector<16xi32>], vector<16xf32>,
        %parallel_loop3A_268 = arith.constant 896 : i32
        %parallel_loop3A_269 = arith.addi %parallel_loop3A_268, %parallel_loop3A_144 : i32
        %parallel_loop3A_270 = arith.constant 0 : i32
        %parallel_loop3A_271 = arith.constant 0 : i32
        %parallel_loop3A_272 = arith.constant 0 : i32
        %parallel_loop3A_273 = arith.index_cast %parallel_loop3A_270 : i32 to index
        %parallel_loop3A_274 = arith.index_cast %parallel_loop3A_271 : i32 to index
        %parallel_loop3A_275 = arith.index_cast %parallel_loop3A_272 : i32 to index
        %parallel_loop3A_276 = arith.index_cast %parallel_loop3A_269 : i32 to index
        %parallel_loop3A_277 = tpu.vector_load %arg15[%parallel_loop3A_273, %parallel_loop3A_274, %parallel_loop3A_275, %parallel_loop3A_276] {strides = array<i32>} : memref<1x8x1x1024xf32, #tpu.memory_space<vmem>>, vector<16xf32>,
        tpu.vector_store %arg15[%parallel_loop3A_273, %parallel_loop3A_274, %parallel_loop3A_275, %parallel_loop3A_276], %parallel_loop3A_267 {strides = array<i32>} : memref<1x8x1x1024xf32, #tpu.memory_space<vmem>>, vector<16xf32>,
        %parallel_loop3A_278 = arith.constant 8 : i32
        %parallel_loop3A_279 = tpu.memref_slice %arg12[%parallel_loop3A_278] : memref<65129xf32, #tpu.memory_space<vmem>> -> memref<65065xf32, #tpu.memory_space<vmem>>
        %parallel_loop3A_280 = tpu.vector_load_idx %parallel_loop3A_279[%parallel_loop3A_152] : memref<65065xf32, #tpu.memory_space<vmem>>[vector<16xi32>], vector<16xf32>,
        %parallel_loop3A_281 = arith.constant 0 : i32
        %parallel_loop3A_282 = arith.addi %parallel_loop3A_281, %parallel_loop3A_144 : i32
        %parallel_loop3A_283 = arith.constant 0 : i32
        %parallel_loop3A_284 = arith.constant 1 : i32
        %parallel_loop3A_285 = arith.constant 0 : i32
        %parallel_loop3A_286 = arith.index_cast %parallel_loop3A_283 : i32 to index
        %parallel_loop3A_287 = arith.index_cast %parallel_loop3A_284 : i32 to index
        %parallel_loop3A_288 = arith.index_cast %parallel_loop3A_285 : i32 to index
        %parallel_loop3A_289 = arith.index_cast %parallel_loop3A_282 : i32 to index
        %parallel_loop3A_290 = tpu.vector_load %arg15[%parallel_loop3A_286, %parallel_loop3A_287, %parallel_loop3A_288, %parallel_loop3A_289] {strides = array<i32>} : memref<1x8x1x1024xf32, #tpu.memory_space<vmem>>, vector<16xf32>,
        tpu.vector_store %arg15[%parallel_loop3A_286, %parallel_loop3A_287, %parallel_loop3A_288, %parallel_loop3A_289], %parallel_loop3A_280 {strides = array<i32>} : memref<1x8x1x1024xf32, #tpu.memory_space<vmem>>, vector<16xf32>,
        %parallel_loop3A_291 = arith.constant 8 : i32
        %parallel_loop3A_292 = tpu.memref_slice %arg12[%parallel_loop3A_291] : memref<65129xf32, #tpu.memory_space<vmem>> -> memref<65065xf32, #tpu.memory_space<vmem>>
        %parallel_loop3A_293 = tpu.vector_load_idx %parallel_loop3A_292[%parallel_loop3A_155] : memref<65065xf32, #tpu.memory_space<vmem>>[vector<16xi32>], vector<16xf32>,
        %parallel_loop3A_294 = arith.constant 128 : i32
        %parallel_loop3A_295 = arith.addi %parallel_loop3A_294, %parallel_loop3A_144 : i32
        %parallel_loop3A_296 = arith.constant 0 : i32
        %parallel_loop3A_297 = arith.constant 1 : i32
        %parallel_loop3A_298 = arith.constant 0 : i32
        %parallel_loop3A_299 = arith.index_cast %parallel_loop3A_296 : i32 to index
        %parallel_loop3A_300 = arith.index_cast %parallel_loop3A_297 : i32 to index
        %parallel_loop3A_301 = arith.index_cast %parallel_loop3A_298 : i32 to index
        %parallel_loop3A_302 = arith.index_cast %parallel_loop3A_295 : i32 to index
        %parallel_loop3A_303 = tpu.vector_load %arg15[%parallel_loop3A_299, %parallel_loop3A_300, %parallel_loop3A_301, %parallel_loop3A_302] {strides = array<i32>} : memref<1x8x1x1024xf32, #tpu.memory_space<vmem>>, vector<16xf32>,
        tpu.vector_store %arg15[%parallel_loop3A_299, %parallel_loop3A_300, %parallel_loop3A_301, %parallel_loop3A_302], %parallel_loop3A_293 {strides = array<i32>} : memref<1x8x1x1024xf32, #tpu.memory_space<vmem>>, vector<16xf32>,
        %parallel_loop3A_304 = arith.constant 8 : i32
        %parallel_loop3A_305 = tpu.memref_slice %arg12[%parallel_loop3A_304] : memref<65129xf32, #tpu.memory_space<vmem>> -> memref<65065xf32, #tpu.memory_space<vmem>>
        %parallel_loop3A_306 = tpu.vector_load_idx %parallel_loop3A_305[%parallel_loop3A_158] : memref<65065xf32, #tpu.memory_space<vmem>>[vector<16xi32>], vector<16xf32>,
        %parallel_loop3A_307 = arith.constant 256 : i32
        %parallel_loop3A_308 = arith.addi %parallel_loop3A_307, %parallel_loop3A_144 : i32
        %parallel_loop3A_309 = arith.constant 0 : i32
        %parallel_loop3A_310 = arith.constant 1 : i32
        %parallel_loop3A_311 = arith.constant 0 : i32
        %parallel_loop3A_312 = arith.index_cast %parallel_loop3A_309 : i32 to index
        %parallel_loop3A_313 = arith.index_cast %parallel_loop3A_310 : i32 to index
        %parallel_loop3A_314 = arith.index_cast %parallel_loop3A_311 : i32 to index
        %parallel_loop3A_315 = arith.index_cast %parallel_loop3A_308 : i32 to index
        %parallel_loop3A_316 = tpu.vector_load %arg15[%parallel_loop3A_312, %parallel_loop3A_313, %parallel_loop3A_314, %parallel_loop3A_315] {strides = array<i32>} : memref<1x8x1x1024xf32, #tpu.memory_space<vmem>>, vector<16xf32>,
        tpu.vector_store %arg15[%parallel_loop3A_312, %parallel_loop3A_313, %parallel_loop3A_314, %parallel_loop3A_315], %parallel_loop3A_306 {strides = array<i32>} : memref<1x8x1x1024xf32, #tpu.memory_space<vmem>>, vector<16xf32>,
        %parallel_loop3A_317 = arith.constant 8 : i32
        %parallel_loop3A_318 = tpu.memref_slice %arg12[%parallel_loop3A_317] : memref<65129xf32, #tpu.memory_space<vmem>> -> memref<65065xf32, #tpu.memory_space<vmem>>
        %parallel_loop3A_319 = tpu.vector_load_idx %parallel_loop3A_318[%parallel_loop3A_161] : memref<65065xf32, #tpu.memory_space<vmem>>[vector<16xi32>], vector<16xf32>,
        %parallel_loop3A_320 = arith.constant 384 : i32
        %parallel_loop3A_321 = arith.addi %parallel_loop3A_320, %parallel_loop3A_144 : i32
        %parallel_loop3A_322 = arith.constant 0 : i32
        %parallel_loop3A_323 = arith.constant 1 : i32
        %parallel_loop3A_324 = arith.constant 0 : i32
        %parallel_loop3A_325 = arith.index_cast %parallel_loop3A_322 : i32 to index
        %parallel_loop3A_326 = arith.index_cast %parallel_loop3A_323 : i32 to index
        %parallel_loop3A_327 = arith.index_cast %parallel_loop3A_324 : i32 to index
        %parallel_loop3A_328 = arith.index_cast %parallel_loop3A_321 : i32 to index
        %parallel_loop3A_329 = tpu.vector_load %arg15[%parallel_loop3A_325, %parallel_loop3A_326, %parallel_loop3A_327, %parallel_loop3A_328] {strides = array<i32>} : memref<1x8x1x1024xf32, #tpu.memory_space<vmem>>, vector<16xf32>,
        tpu.vector_store %arg15[%parallel_loop3A_325, %parallel_loop3A_326, %parallel_loop3A_327, %parallel_loop3A_328], %parallel_loop3A_319 {strides = array<i32>} : memref<1x8x1x1024xf32, #tpu.memory_space<vmem>>, vector<16xf32>,
        %parallel_loop3A_330 = arith.constant 8 : i32
        %parallel_loop3A_331 = tpu.memref_slice %arg12[%parallel_loop3A_330] : memref<65129xf32, #tpu.memory_space<vmem>> -> memref<65065xf32, #tpu.memory_space<vmem>>
        %parallel_loop3A_332 = tpu.vector_load_idx %parallel_loop3A_331[%parallel_loop3A_164] : memref<65065xf32, #tpu.memory_space<vmem>>[vector<16xi32>], vector<16xf32>,
        %parallel_loop3A_333 = arith.constant 512 : i32
        %parallel_loop3A_334 = arith.addi %parallel_loop3A_333, %parallel_loop3A_144 : i32
        %parallel_loop3A_335 = arith.constant 0 : i32
        %parallel_loop3A_336 = arith.constant 1 : i32
        %parallel_loop3A_337 = arith.constant 0 : i32
        %parallel_loop3A_338 = arith.index_cast %parallel_loop3A_335 : i32 to index
        %parallel_loop3A_339 = arith.index_cast %parallel_loop3A_336 : i32 to index
        %parallel_loop3A_340 = arith.index_cast %parallel_loop3A_337 : i32 to index
        %parallel_loop3A_341 = arith.index_cast %parallel_loop3A_334 : i32 to index
        %parallel_loop3A_342 = tpu.vector_load %arg15[%parallel_loop3A_338, %parallel_loop3A_339, %parallel_loop3A_340, %parallel_loop3A_341] {strides = array<i32>} : memref<1x8x1x1024xf32, #tpu.memory_space<vmem>>, vector<16xf32>,
        tpu.vector_store %arg15[%parallel_loop3A_338, %parallel_loop3A_339, %parallel_loop3A_340, %parallel_loop3A_341], %parallel_loop3A_332 {strides = array<i32>} : memref<1x8x1x1024xf32, #tpu.memory_space<vmem>>, vector<16xf32>,
        %parallel_loop3A_343 = arith.constant 8 : i32
        %parallel_loop3A_344 = tpu.memref_slice %arg12[%parallel_loop3A_343] : memref<65129xf32, #tpu.memory_space<vmem>> -> memref<65065xf32, #tpu.memory_space<vmem>>
        %parallel_loop3A_345 = tpu.vector_load_idx %parallel_loop3A_344[%parallel_loop3A_167] : memref<65065xf32, #tpu.memory_space<vmem>>[vector<16xi32>], vector<16xf32>,
        %parallel_loop3A_346 = arith.constant 640 : i32
        %parallel_loop3A_347 = arith.addi %parallel_loop3A_346, %parallel_loop3A_144 : i32
        %parallel_loop3A_348 = arith.constant 0 : i32
        %parallel_loop3A_349 = arith.constant 1 : i32
        %parallel_loop3A_350 = arith.constant 0 : i32
        %parallel_loop3A_351 = arith.index_cast %parallel_loop3A_348 : i32 to index
        %parallel_loop3A_352 = arith.index_cast %parallel_loop3A_349 : i32 to index
        %parallel_loop3A_353 = arith.index_cast %parallel_loop3A_350 : i32 to index
        %parallel_loop3A_354 = arith.index_cast %parallel_loop3A_347 : i32 to index
        %parallel_loop3A_355 = tpu.vector_load %arg15[%parallel_loop3A_351, %parallel_loop3A_352, %parallel_loop3A_353, %parallel_loop3A_354] {strides = array<i32>} : memref<1x8x1x1024xf32, #tpu.memory_space<vmem>>, vector<16xf32>,
        tpu.vector_store %arg15[%parallel_loop3A_351, %parallel_loop3A_352, %parallel_loop3A_353, %parallel_loop3A_354], %parallel_loop3A_345 {strides = array<i32>} : memref<1x8x1x1024xf32, #tpu.memory_space<vmem>>, vector<16xf32>,
        %parallel_loop3A_356 = arith.constant 8 : i32
        %parallel_loop3A_357 = tpu.memref_slice %arg12[%parallel_loop3A_356] : memref<65129xf32, #tpu.memory_space<vmem>> -> memref<65065xf32, #tpu.memory_space<vmem>>
        %parallel_loop3A_358 = tpu.vector_load_idx %parallel_loop3A_357[%parallel_loop3A_170] : memref<65065xf32, #tpu.memory_space<vmem>>[vector<16xi32>], vector<16xf32>,
        %parallel_loop3A_359 = arith.constant 768 : i32
        %parallel_loop3A_360 = arith.addi %parallel_loop3A_359, %parallel_loop3A_144 : i32
        %parallel_loop3A_361 = arith.constant 0 : i32
        %parallel_loop3A_362 = arith.constant 1 : i32
        %parallel_loop3A_363 = arith.constant 0 : i32
        %parallel_loop3A_364 = arith.index_cast %parallel_loop3A_361 : i32 to index
        %parallel_loop3A_365 = arith.index_cast %parallel_loop3A_362 : i32 to index
        %parallel_loop3A_366 = arith.index_cast %parallel_loop3A_363 : i32 to index
        %parallel_loop3A_367 = arith.index_cast %parallel_loop3A_360 : i32 to index
        %parallel_loop3A_368 = tpu.vector_load %arg15[%parallel_loop3A_364, %parallel_loop3A_365, %parallel_loop3A_366, %parallel_loop3A_367] {strides = array<i32>} : memref<1x8x1x1024xf32, #tpu.memory_space<vmem>>, vector<16xf32>,
        tpu.vector_store %arg15[%parallel_loop3A_364, %parallel_loop3A_365, %parallel_loop3A_366, %parallel_loop3A_367], %parallel_loop3A_358 {strides = array<i32>} : memref<1x8x1x1024xf32, #tpu.memory_space<vmem>>, vector<16xf32>,
        %parallel_loop3A_369 = arith.constant 8 : i32
        %parallel_loop3A_370 = tpu.memref_slice %arg12[%parallel_loop3A_369] : memref<65129xf32, #tpu.memory_space<vmem>> -> memref<65065xf32, #tpu.memory_space<vmem>>
        %parallel_loop3A_371 = tpu.vector_load_idx %parallel_loop3A_370[%parallel_loop3A_173] : memref<65065xf32, #tpu.memory_space<vmem>>[vector<16xi32>], vector<16xf32>,
        %parallel_loop3A_372 = arith.constant 896 : i32
        %parallel_loop3A_373 = arith.addi %parallel_loop3A_372, %parallel_loop3A_144 : i32
        %parallel_loop3A_374 = arith.constant 0 : i32
        %parallel_loop3A_375 = arith.constant 1 : i32
        %parallel_loop3A_376 = arith.constant 0 : i32
        %parallel_loop3A_377 = arith.index_cast %parallel_loop3A_374 : i32 to index
        %parallel_loop3A_378 = arith.index_cast %parallel_loop3A_375 : i32 to index
        %parallel_loop3A_379 = arith.index_cast %parallel_loop3A_376 : i32 to index
        %parallel_loop3A_380 = arith.index_cast %parallel_loop3A_373 : i32 to index
        %parallel_loop3A_381 = tpu.vector_load %arg15[%parallel_loop3A_377, %parallel_loop3A_378, %parallel_loop3A_379, %parallel_loop3A_380] {strides = array<i32>} : memref<1x8x1x1024xf32, #tpu.memory_space<vmem>>, vector<16xf32>,
        tpu.vector_store %arg15[%parallel_loop3A_377, %parallel_loop3A_378, %parallel_loop3A_379, %parallel_loop3A_380], %parallel_loop3A_371 {strides = array<i32>} : memref<1x8x1x1024xf32, #tpu.memory_space<vmem>>, vector<16xf32>,
        %parallel_loop3A_382 = arith.constant 16 : i32
        %parallel_loop3A_383 = tpu.memref_slice %arg12[%parallel_loop3A_382] : memref<65129xf32, #tpu.memory_space<vmem>> -> memref<65065xf32, #tpu.memory_space<vmem>>
        %parallel_loop3A_384 = tpu.vector_load_idx %parallel_loop3A_383[%parallel_loop3A_152] : memref<65065xf32, #tpu.memory_space<vmem>>[vector<16xi32>], vector<16xf32>,
        %parallel_loop3A_385 = arith.constant 0 : i32
        %parallel_loop3A_386 = arith.addi %parallel_loop3A_385, %parallel_loop3A_144 : i32
        %parallel_loop3A_387 = arith.constant 0 : i32
        %parallel_loop3A_388 = arith.constant 2 : i32
        %parallel_loop3A_389 = arith.constant 0 : i32
        %parallel_loop3A_390 = arith.index_cast %parallel_loop3A_387 : i32 to index
        %parallel_loop3A_391 = arith.index_cast %parallel_loop3A_388 : i32 to index
        %parallel_loop3A_392 = arith.index_cast %parallel_loop3A_389 : i32 to index
        %parallel_loop3A_393 = arith.index_cast %parallel_loop3A_386 : i32 to index
        %parallel_loop3A_394 = tpu.vector_load %arg15[%parallel_loop3A_390, %parallel_loop3A_391, %parallel_loop3A_392, %parallel_loop3A_393] {strides = array<i32>} : memref<1x8x1x1024xf32, #tpu.memory_space<vmem>>, vector<16xf32>,
        tpu.vector_store %arg15[%parallel_loop3A_390, %parallel_loop3A_391, %parallel_loop3A_392, %parallel_loop3A_393], %parallel_loop3A_384 {strides = array<i32>} : memref<1x8x1x1024xf32, #tpu.memory_space<vmem>>, vector<16xf32>,
        %parallel_loop3A_395 = arith.constant 16 : i32
        %parallel_loop3A_396 = tpu.memref_slice %arg12[%parallel_loop3A_395] : memref<65129xf32, #tpu.memory_space<vmem>> -> memref<65065xf32, #tpu.memory_space<vmem>>
        %parallel_loop3A_397 = tpu.vector_load_idx %parallel_loop3A_396[%parallel_loop3A_155] : memref<65065xf32, #tpu.memory_space<vmem>>[vector<16xi32>], vector<16xf32>,
        %parallel_loop3A_398 = arith.constant 128 : i32
        %parallel_loop3A_399 = arith.addi %parallel_loop3A_398, %parallel_loop3A_144 : i32
        %parallel_loop3A_400 = arith.constant 0 : i32
        %parallel_loop3A_401 = arith.constant 2 : i32
        %parallel_loop3A_402 = arith.constant 0 : i32
        %parallel_loop3A_403 = arith.index_cast %parallel_loop3A_400 : i32 to index
        %parallel_loop3A_404 = arith.index_cast %parallel_loop3A_401 : i32 to index
        %parallel_loop3A_405 = arith.index_cast %parallel_loop3A_402 : i32 to index
        %parallel_loop3A_406 = arith.index_cast %parallel_loop3A_399 : i32 to index
        %parallel_loop3A_407 = tpu.vector_load %arg15[%parallel_loop3A_403, %parallel_loop3A_404, %parallel_loop3A_405, %parallel_loop3A_406] {strides = array<i32>} : memref<1x8x1x1024xf32, #tpu.memory_space<vmem>>, vector<16xf32>,
        tpu.vector_store %arg15[%parallel_loop3A_403, %parallel_loop3A_404, %parallel_loop3A_405, %parallel_loop3A_406], %parallel_loop3A_397 {strides = array<i32>} : memref<1x8x1x1024xf32, #tpu.memory_space<vmem>>, vector<16xf32>,
        %parallel_loop3A_408 = arith.constant 16 : i32
        %parallel_loop3A_409 = tpu.memref_slice %arg12[%parallel_loop3A_408] : memref<65129xf32, #tpu.memory_space<vmem>> -> memref<65065xf32, #tpu.memory_space<vmem>>
        %parallel_loop3A_410 = tpu.vector_load_idx %parallel_loop3A_409[%parallel_loop3A_158] : memref<65065xf32, #tpu.memory_space<vmem>>[vector<16xi32>], vector<16xf32>,
        %parallel_loop3A_411 = arith.constant 256 : i32
        %parallel_loop3A_412 = arith.addi %parallel_loop3A_411, %parallel_loop3A_144 : i32
        %parallel_loop3A_413 = arith.constant 0 : i32
        %parallel_loop3A_414 = arith.constant 2 : i32
        %parallel_loop3A_415 = arith.constant 0 : i32
        %parallel_loop3A_416 = arith.index_cast %parallel_loop3A_413 : i32 to index
        %parallel_loop3A_417 = arith.index_cast %parallel_loop3A_414 : i32 to index
        %parallel_loop3A_418 = arith.index_cast %parallel_loop3A_415 : i32 to index
        %parallel_loop3A_419 = arith.index_cast %parallel_loop3A_412 : i32 to index
        %parallel_loop3A_420 = tpu.vector_load %arg15[%parallel_loop3A_416, %parallel_loop3A_417, %parallel_loop3A_418, %parallel_loop3A_419] {strides = array<i32>} : memref<1x8x1x1024xf32, #tpu.memory_space<vmem>>, vector<16xf32>,
        tpu.vector_store %arg15[%parallel_loop3A_416, %parallel_loop3A_417, %parallel_loop3A_418, %parallel_loop3A_419], %parallel_loop3A_410 {strides = array<i32>} : memref<1x8x1x1024xf32, #tpu.memory_space<vmem>>, vector<16xf32>,
        %parallel_loop3A_421 = arith.constant 16 : i32
        %parallel_loop3A_422 = tpu.memref_slice %arg12[%parallel_loop3A_421] : memref<65129xf32, #tpu.memory_space<vmem>> -> memref<65065xf32, #tpu.memory_space<vmem>>
        %parallel_loop3A_423 = tpu.vector_load_idx %parallel_loop3A_422[%parallel_loop3A_161] : memref<65065xf32, #tpu.memory_space<vmem>>[vector<16xi32>], vector<16xf32>,
        %parallel_loop3A_424 = arith.constant 384 : i32
        %parallel_loop3A_425 = arith.addi %parallel_loop3A_424, %parallel_loop3A_144 : i32
        %parallel_loop3A_426 = arith.constant 0 : i32
        %parallel_loop3A_427 = arith.constant 2 : i32
        %parallel_loop3A_428 = arith.constant 0 : i32
        %parallel_loop3A_429 = arith.index_cast %parallel_loop3A_426 : i32 to index
        %parallel_loop3A_430 = arith.index_cast %parallel_loop3A_427 : i32 to index
        %parallel_loop3A_431 = arith.index_cast %parallel_loop3A_428 : i32 to index
        %parallel_loop3A_432 = arith.index_cast %parallel_loop3A_425 : i32 to index
        %parallel_loop3A_433 = tpu.vector_load %arg15[%parallel_loop3A_429, %parallel_loop3A_430, %parallel_loop3A_431, %parallel_loop3A_432] {strides = array<i32>} : memref<1x8x1x1024xf32, #tpu.memory_space<vmem>>, vector<16xf32>,
        tpu.vector_store %arg15[%parallel_loop3A_429, %parallel_loop3A_430, %parallel_loop3A_431, %parallel_loop3A_432], %parallel_loop3A_423 {strides = array<i32>} : memref<1x8x1x1024xf32, #tpu.memory_space<vmem>>, vector<16xf32>,
        %parallel_loop3A_434 = arith.constant 16 : i32
        %parallel_loop3A_435 = tpu.memref_slice %arg12[%parallel_loop3A_434] : memref<65129xf32, #tpu.memory_space<vmem>> -> memref<65065xf32, #tpu.memory_space<vmem>>
        %parallel_loop3A_436 = tpu.vector_load_idx %parallel_loop3A_435[%parallel_loop3A_164] : memref<65065xf32, #tpu.memory_space<vmem>>[vector<16xi32>], vector<16xf32>,
        %parallel_loop3A_437 = arith.constant 512 : i32
        %parallel_loop3A_438 = arith.addi %parallel_loop3A_437, %parallel_loop3A_144 : i32
        %parallel_loop3A_439 = arith.constant 0 : i32
        %parallel_loop3A_440 = arith.constant 2 : i32
        %parallel_loop3A_441 = arith.constant 0 : i32
        %parallel_loop3A_442 = arith.index_cast %parallel_loop3A_439 : i32 to index
        %parallel_loop3A_443 = arith.index_cast %parallel_loop3A_440 : i32 to index
        %parallel_loop3A_444 = arith.index_cast %parallel_loop3A_441 : i32 to index
        %parallel_loop3A_445 = arith.index_cast %parallel_loop3A_438 : i32 to index
        %parallel_loop3A_446 = tpu.vector_load %arg15[%parallel_loop3A_442, %parallel_loop3A_443, %parallel_loop3A_444, %parallel_loop3A_445] {strides = array<i32>} : memref<1x8x1x1024xf32, #tpu.memory_space<vmem>>, vector<16xf32>,
        tpu.vector_store %arg15[%parallel_loop3A_442, %parallel_loop3A_443, %parallel_loop3A_444, %parallel_loop3A_445], %parallel_loop3A_436 {strides = array<i32>} : memref<1x8x1x1024xf32, #tpu.memory_space<vmem>>, vector<16xf32>,
        %parallel_loop3A_447 = arith.constant 16 : i32
        %parallel_loop3A_448 = tpu.memref_slice %arg12[%parallel_loop3A_447] : memref<65129xf32, #tpu.memory_space<vmem>> -> memref<65065xf32, #tpu.memory_space<vmem>>
        %parallel_loop3A_449 = tpu.vector_load_idx %parallel_loop3A_448[%parallel_loop3A_167] : memref<65065xf32, #tpu.memory_space<vmem>>[vector<16xi32>], vector<16xf32>,
        %parallel_loop3A_450 = arith.constant 640 : i32
        %parallel_loop3A_451 = arith.addi %parallel_loop3A_450, %parallel_loop3A_144 : i32
        %parallel_loop3A_452 = arith.constant 0 : i32
        %parallel_loop3A_453 = arith.constant 2 : i32
        %parallel_loop3A_454 = arith.constant 0 : i32
        %parallel_loop3A_455 = arith.index_cast %parallel_loop3A_452 : i32 to index
        %parallel_loop3A_456 = arith.index_cast %parallel_loop3A_453 : i32 to index
        %parallel_loop3A_457 = arith.index_cast %parallel_loop3A_454 : i32 to index
        %parallel_loop3A_458 = arith.index_cast %parallel_loop3A_451 : i32 to index
        %parallel_loop3A_459 = tpu.vector_load %arg15[%parallel_loop3A_455, %parallel_loop3A_456, %parallel_loop3A_457, %parallel_loop3A_458] {strides = array<i32>} : memref<1x8x1x1024xf32, #tpu.memory_space<vmem>>, vector<16xf32>,
        tpu.vector_store %arg15[%parallel_loop3A_455, %parallel_loop3A_456, %parallel_loop3A_457, %parallel_loop3A_458], %parallel_loop3A_449 {strides = array<i32>} : memref<1x8x1x1024xf32, #tpu.memory_space<vmem>>, vector<16xf32>,
        %parallel_loop3A_460 = arith.constant 16 : i32
        %parallel_loop3A_461 = tpu.memref_slice %arg12[%parallel_loop3A_460] : memref<65129xf32, #tpu.memory_space<vmem>> -> memref<65065xf32, #tpu.memory_space<vmem>>
        %parallel_loop3A_462 = tpu.vector_load_idx %parallel_loop3A_461[%parallel_loop3A_170] : memref<65065xf32, #tpu.memory_space<vmem>>[vector<16xi32>], vector<16xf32>,
        %parallel_loop3A_463 = arith.constant 768 : i32
        %parallel_loop3A_464 = arith.addi %parallel_loop3A_463, %parallel_loop3A_144 : i32
        %parallel_loop3A_465 = arith.constant 0 : i32
        %parallel_loop3A_466 = arith.constant 2 : i32
        %parallel_loop3A_467 = arith.constant 0 : i32
        %parallel_loop3A_468 = arith.index_cast %parallel_loop3A_465 : i32 to index
        %parallel_loop3A_469 = arith.index_cast %parallel_loop3A_466 : i32 to index
        %parallel_loop3A_470 = arith.index_cast %parallel_loop3A_467 : i32 to index
        %parallel_loop3A_471 = arith.index_cast %parallel_loop3A_464 : i32 to index
        %parallel_loop3A_472 = tpu.vector_load %arg15[%parallel_loop3A_468, %parallel_loop3A_469, %parallel_loop3A_470, %parallel_loop3A_471] {strides = array<i32>} : memref<1x8x1x1024xf32, #tpu.memory_space<vmem>>, vector<16xf32>,
        tpu.vector_store %arg15[%parallel_loop3A_468, %parallel_loop3A_469, %parallel_loop3A_470, %parallel_loop3A_471], %parallel_loop3A_462 {strides = array<i32>} : memref<1x8x1x1024xf32, #tpu.memory_space<vmem>>, vector<16xf32>,
        %parallel_loop3A_473 = arith.constant 16 : i32
        %parallel_loop3A_474 = tpu.memref_slice %arg12[%parallel_loop3A_473] : memref<65129xf32, #tpu.memory_space<vmem>> -> memref<65065xf32, #tpu.memory_space<vmem>>
        %parallel_loop3A_475 = tpu.vector_load_idx %parallel_loop3A_474[%parallel_loop3A_173] : memref<65065xf32, #tpu.memory_space<vmem>>[vector<16xi32>], vector<16xf32>,
        %parallel_loop3A_476 = arith.constant 896 : i32
        %parallel_loop3A_477 = arith.addi %parallel_loop3A_476, %parallel_loop3A_144 : i32
        %parallel_loop3A_478 = arith.constant 0 : i32
        %parallel_loop3A_479 = arith.constant 2 : i32
        %parallel_loop3A_480 = arith.constant 0 : i32
        %parallel_loop3A_481 = arith.index_cast %parallel_loop3A_478 : i32 to index
        %parallel_loop3A_482 = arith.index_cast %parallel_loop3A_479 : i32 to index
        %parallel_loop3A_483 = arith.index_cast %parallel_loop3A_480 : i32 to index
        %parallel_loop3A_484 = arith.index_cast %parallel_loop3A_477 : i32 to index
        %parallel_loop3A_485 = tpu.vector_load %arg15[%parallel_loop3A_481, %parallel_loop3A_482, %parallel_loop3A_483, %parallel_loop3A_484] {strides = array<i32>} : memref<1x8x1x1024xf32, #tpu.memory_space<vmem>>, vector<16xf32>,
        tpu.vector_store %arg15[%parallel_loop3A_481, %parallel_loop3A_482, %parallel_loop3A_483, %parallel_loop3A_484], %parallel_loop3A_475 {strides = array<i32>} : memref<1x8x1x1024xf32, #tpu.memory_space<vmem>>, vector<16xf32>,
        %parallel_loop3A_486 = arith.constant 24 : i32
        %parallel_loop3A_487 = tpu.memref_slice %arg12[%parallel_loop3A_486] : memref<65129xf32, #tpu.memory_space<vmem>> -> memref<65065xf32, #tpu.memory_space<vmem>>
        %parallel_loop3A_488 = tpu.vector_load_idx %parallel_loop3A_487[%parallel_loop3A_152] : memref<65065xf32, #tpu.memory_space<vmem>>[vector<16xi32>], vector<16xf32>,
        %parallel_loop3A_489 = arith.constant 0 : i32
        %parallel_loop3A_490 = arith.addi %parallel_loop3A_489, %parallel_loop3A_144 : i32
        %parallel_loop3A_491 = arith.constant 0 : i32
        %parallel_loop3A_492 = arith.constant 3 : i32
        %parallel_loop3A_493 = arith.constant 0 : i32
        %parallel_loop3A_494 = arith.index_cast %parallel_loop3A_491 : i32 to index
        %parallel_loop3A_495 = arith.index_cast %parallel_loop3A_492 : i32 to index
        %parallel_loop3A_496 = arith.index_cast %parallel_loop3A_493 : i32 to index
        %parallel_loop3A_497 = arith.index_cast %parallel_loop3A_490 : i32 to index
        %parallel_loop3A_498 = tpu.vector_load %arg15[%parallel_loop3A_494, %parallel_loop3A_495, %parallel_loop3A_496, %parallel_loop3A_497] {strides = array<i32>} : memref<1x8x1x1024xf32, #tpu.memory_space<vmem>>, vector<16xf32>,
        tpu.vector_store %arg15[%parallel_loop3A_494, %parallel_loop3A_495, %parallel_loop3A_496, %parallel_loop3A_497], %parallel_loop3A_488 {strides = array<i32>} : memref<1x8x1x1024xf32, #tpu.memory_space<vmem>>, vector<16xf32>,
        %parallel_loop3A_499 = arith.constant 24 : i32
        %parallel_loop3A_500 = tpu.memref_slice %arg12[%parallel_loop3A_499] : memref<65129xf32, #tpu.memory_space<vmem>> -> memref<65065xf32, #tpu.memory_space<vmem>>
        %parallel_loop3A_501 = tpu.vector_load_idx %parallel_loop3A_500[%parallel_loop3A_155] : memref<65065xf32, #tpu.memory_space<vmem>>[vector<16xi32>], vector<16xf32>,
        %parallel_loop3A_502 = arith.constant 128 : i32
        %parallel_loop3A_503 = arith.addi %parallel_loop3A_502, %parallel_loop3A_144 : i32
        %parallel_loop3A_504 = arith.constant 0 : i32
        %parallel_loop3A_505 = arith.constant 3 : i32
        %parallel_loop3A_506 = arith.constant 0 : i32
        %parallel_loop3A_507 = arith.index_cast %parallel_loop3A_504 : i32 to index
        %parallel_loop3A_508 = arith.index_cast %parallel_loop3A_505 : i32 to index
        %parallel_loop3A_509 = arith.index_cast %parallel_loop3A_506 : i32 to index
        %parallel_loop3A_510 = arith.index_cast %parallel_loop3A_503 : i32 to index
        %parallel_loop3A_511 = tpu.vector_load %arg15[%parallel_loop3A_507, %parallel_loop3A_508, %parallel_loop3A_509, %parallel_loop3A_510] {strides = array<i32>} : memref<1x8x1x1024xf32, #tpu.memory_space<vmem>>, vector<16xf32>,
        tpu.vector_store %arg15[%parallel_loop3A_507, %parallel_loop3A_508, %parallel_loop3A_509, %parallel_loop3A_510], %parallel_loop3A_501 {strides = array<i32>} : memref<1x8x1x1024xf32, #tpu.memory_space<vmem>>, vector<16xf32>,
        %parallel_loop3A_512 = arith.constant 24 : i32
        %parallel_loop3A_513 = tpu.memref_slice %arg12[%parallel_loop3A_512] : memref<65129xf32, #tpu.memory_space<vmem>> -> memref<65065xf32, #tpu.memory_space<vmem>>
        %parallel_loop3A_514 = tpu.vector_load_idx %parallel_loop3A_513[%parallel_loop3A_158] : memref<65065xf32, #tpu.memory_space<vmem>>[vector<16xi32>], vector<16xf32>,
        %parallel_loop3A_515 = arith.constant 256 : i32
        %parallel_loop3A_516 = arith.addi %parallel_loop3A_515, %parallel_loop3A_144 : i32
        %parallel_loop3A_517 = arith.constant 0 : i32
        %parallel_loop3A_518 = arith.constant 3 : i32
        %parallel_loop3A_519 = arith.constant 0 : i32
        %parallel_loop3A_520 = arith.index_cast %parallel_loop3A_517 : i32 to index
        %parallel_loop3A_521 = arith.index_cast %parallel_loop3A_518 : i32 to index
        %parallel_loop3A_522 = arith.index_cast %parallel_loop3A_519 : i32 to index
        %parallel_loop3A_523 = arith.index_cast %parallel_loop3A_516 : i32 to index
        %parallel_loop3A_524 = tpu.vector_load %arg15[%parallel_loop3A_520, %parallel_loop3A_521, %parallel_loop3A_522, %parallel_loop3A_523] {strides = array<i32>} : memref<1x8x1x1024xf32, #tpu.memory_space<vmem>>, vector<16xf32>,
        tpu.vector_store %arg15[%parallel_loop3A_520, %parallel_loop3A_521, %parallel_loop3A_522, %parallel_loop3A_523], %parallel_loop3A_514 {strides = array<i32>} : memref<1x8x1x1024xf32, #tpu.memory_space<vmem>>, vector<16xf32>,
        %parallel_loop3A_525 = arith.constant 24 : i32
        %parallel_loop3A_526 = tpu.memref_slice %arg12[%parallel_loop3A_525] : memref<65129xf32, #tpu.memory_space<vmem>> -> memref<65065xf32, #tpu.memory_space<vmem>>
        %parallel_loop3A_527 = tpu.vector_load_idx %parallel_loop3A_526[%parallel_loop3A_161] : memref<65065xf32, #tpu.memory_space<vmem>>[vector<16xi32>], vector<16xf32>,
        %parallel_loop3A_528 = arith.constant 384 : i32
        %parallel_loop3A_529 = arith.addi %parallel_loop3A_528, %parallel_loop3A_144 : i32
        %parallel_loop3A_530 = arith.constant 0 : i32
        %parallel_loop3A_531 = arith.constant 3 : i32
        %parallel_loop3A_532 = arith.constant 0 : i32
        %parallel_loop3A_533 = arith.index_cast %parallel_loop3A_530 : i32 to index
        %parallel_loop3A_534 = arith.index_cast %parallel_loop3A_531 : i32 to index
        %parallel_loop3A_535 = arith.index_cast %parallel_loop3A_532 : i32 to index
        %parallel_loop3A_536 = arith.index_cast %parallel_loop3A_529 : i32 to index
        %parallel_loop3A_537 = tpu.vector_load %arg15[%parallel_loop3A_533, %parallel_loop3A_534, %parallel_loop3A_535, %parallel_loop3A_536] {strides = array<i32>} : memref<1x8x1x1024xf32, #tpu.memory_space<vmem>>, vector<16xf32>,
        tpu.vector_store %arg15[%parallel_loop3A_533, %parallel_loop3A_534, %parallel_loop3A_535, %parallel_loop3A_536], %parallel_loop3A_527 {strides = array<i32>} : memref<1x8x1x1024xf32, #tpu.memory_space<vmem>>, vector<16xf32>,
        %parallel_loop3A_538 = arith.constant 24 : i32
        %parallel_loop3A_539 = tpu.memref_slice %arg12[%parallel_loop3A_538] : memref<65129xf32, #tpu.memory_space<vmem>> -> memref<65065xf32, #tpu.memory_space<vmem>>
        %parallel_loop3A_540 = tpu.vector_load_idx %parallel_loop3A_539[%parallel_loop3A_164] : memref<65065xf32, #tpu.memory_space<vmem>>[vector<16xi32>], vector<16xf32>,
        %parallel_loop3A_541 = arith.constant 512 : i32
        %parallel_loop3A_542 = arith.addi %parallel_loop3A_541, %parallel_loop3A_144 : i32
        %parallel_loop3A_543 = arith.constant 0 : i32
        %parallel_loop3A_544 = arith.constant 3 : i32
        %parallel_loop3A_545 = arith.constant 0 : i32
        %parallel_loop3A_546 = arith.index_cast %parallel_loop3A_543 : i32 to index
        %parallel_loop3A_547 = arith.index_cast %parallel_loop3A_544 : i32 to index
        %parallel_loop3A_548 = arith.index_cast %parallel_loop3A_545 : i32 to index
        %parallel_loop3A_549 = arith.index_cast %parallel_loop3A_542 : i32 to index
        %parallel_loop3A_550 = tpu.vector_load %arg15[%parallel_loop3A_546, %parallel_loop3A_547, %parallel_loop3A_548, %parallel_loop3A_549] {strides = array<i32>} : memref<1x8x1x1024xf32, #tpu.memory_space<vmem>>, vector<16xf32>,
        tpu.vector_store %arg15[%parallel_loop3A_546, %parallel_loop3A_547, %parallel_loop3A_548, %parallel_loop3A_549], %parallel_loop3A_540 {strides = array<i32>} : memref<1x8x1x1024xf32, #tpu.memory_space<vmem>>, vector<16xf32>,
        %parallel_loop3A_551 = arith.constant 24 : i32
        %parallel_loop3A_552 = tpu.memref_slice %arg12[%parallel_loop3A_551] : memref<65129xf32, #tpu.memory_space<vmem>> -> memref<65065xf32, #tpu.memory_space<vmem>>
        %parallel_loop3A_553 = tpu.vector_load_idx %parallel_loop3A_552[%parallel_loop3A_167] : memref<65065xf32, #tpu.memory_space<vmem>>[vector<16xi32>], vector<16xf32>,
        %parallel_loop3A_554 = arith.constant 640 : i32
        %parallel_loop3A_555 = arith.addi %parallel_loop3A_554, %parallel_loop3A_144 : i32
        %parallel_loop3A_556 = arith.constant 0 : i32
        %parallel_loop3A_557 = arith.constant 3 : i32
        %parallel_loop3A_558 = arith.constant 0 : i32
        %parallel_loop3A_559 = arith.index_cast %parallel_loop3A_556 : i32 to index
        %parallel_loop3A_560 = arith.index_cast %parallel_loop3A_557 : i32 to index
        %parallel_loop3A_561 = arith.index_cast %parallel_loop3A_558 : i32 to index
        %parallel_loop3A_562 = arith.index_cast %parallel_loop3A_555 : i32 to index
        %parallel_loop3A_563 = tpu.vector_load %arg15[%parallel_loop3A_559, %parallel_loop3A_560, %parallel_loop3A_561, %parallel_loop3A_562] {strides = array<i32>} : memref<1x8x1x1024xf32, #tpu.memory_space<vmem>>, vector<16xf32>,
        tpu.vector_store %arg15[%parallel_loop3A_559, %parallel_loop3A_560, %parallel_loop3A_561, %parallel_loop3A_562], %parallel_loop3A_553 {strides = array<i32>} : memref<1x8x1x1024xf32, #tpu.memory_space<vmem>>, vector<16xf32>,
        %parallel_loop3A_564 = arith.constant 24 : i32
        %parallel_loop3A_565 = tpu.memref_slice %arg12[%parallel_loop3A_564] : memref<65129xf32, #tpu.memory_space<vmem>> -> memref<65065xf32, #tpu.memory_space<vmem>>
        %parallel_loop3A_566 = tpu.vector_load_idx %parallel_loop3A_565[%parallel_loop3A_170] : memref<65065xf32, #tpu.memory_space<vmem>>[vector<16xi32>], vector<16xf32>,
        %parallel_loop3A_567 = arith.constant 768 : i32
        %parallel_loop3A_568 = arith.addi %parallel_loop3A_567, %parallel_loop3A_144 : i32
        %parallel_loop3A_569 = arith.constant 0 : i32
        %parallel_loop3A_570 = arith.constant 3 : i32
        %parallel_loop3A_571 = arith.constant 0 : i32
        %parallel_loop3A_572 = arith.index_cast %parallel_loop3A_569 : i32 to index
        %parallel_loop3A_573 = arith.index_cast %parallel_loop3A_570 : i32 to index
        %parallel_loop3A_574 = arith.index_cast %parallel_loop3A_571 : i32 to index
        %parallel_loop3A_575 = arith.index_cast %parallel_loop3A_568 : i32 to index
        %parallel_loop3A_576 = tpu.vector_load %arg15[%parallel_loop3A_572, %parallel_loop3A_573, %parallel_loop3A_574, %parallel_loop3A_575] {strides = array<i32>} : memref<1x8x1x1024xf32, #tpu.memory_space<vmem>>, vector<16xf32>,
        tpu.vector_store %arg15[%parallel_loop3A_572, %parallel_loop3A_573, %parallel_loop3A_574, %parallel_loop3A_575], %parallel_loop3A_566 {strides = array<i32>} : memref<1x8x1x1024xf32, #tpu.memory_space<vmem>>, vector<16xf32>,
        %parallel_loop3A_577 = arith.constant 24 : i32
        %parallel_loop3A_578 = tpu.memref_slice %arg12[%parallel_loop3A_577] : memref<65129xf32, #tpu.memory_space<vmem>> -> memref<65065xf32, #tpu.memory_space<vmem>>
        %parallel_loop3A_579 = tpu.vector_load_idx %parallel_loop3A_578[%parallel_loop3A_173] : memref<65065xf32, #tpu.memory_space<vmem>>[vector<16xi32>], vector<16xf32>,
        %parallel_loop3A_580 = arith.constant 896 : i32
        %parallel_loop3A_581 = arith.addi %parallel_loop3A_580, %parallel_loop3A_144 : i32
        %parallel_loop3A_582 = arith.constant 0 : i32
        %parallel_loop3A_583 = arith.constant 3 : i32
        %parallel_loop3A_584 = arith.constant 0 : i32
        %parallel_loop3A_585 = arith.index_cast %parallel_loop3A_582 : i32 to index
        %parallel_loop3A_586 = arith.index_cast %parallel_loop3A_583 : i32 to index
        %parallel_loop3A_587 = arith.index_cast %parallel_loop3A_584 : i32 to index
        %parallel_loop3A_588 = arith.index_cast %parallel_loop3A_581 : i32 to index
        %parallel_loop3A_589 = tpu.vector_load %arg15[%parallel_loop3A_585, %parallel_loop3A_586, %parallel_loop3A_587, %parallel_loop3A_588] {strides = array<i32>} : memref<1x8x1x1024xf32, #tpu.memory_space<vmem>>, vector<16xf32>,
        tpu.vector_store %arg15[%parallel_loop3A_585, %parallel_loop3A_586, %parallel_loop3A_587, %parallel_loop3A_588], %parallel_loop3A_579 {strides = array<i32>} : memref<1x8x1x1024xf32, #tpu.memory_space<vmem>>, vector<16xf32>,
        %parallel_loop3A_590 = arith.constant 32 : i32
        %parallel_loop3A_591 = tpu.memref_slice %arg12[%parallel_loop3A_590] : memref<65129xf32, #tpu.memory_space<vmem>> -> memref<65065xf32, #tpu.memory_space<vmem>>
        %parallel_loop3A_592 = tpu.vector_load_idx %parallel_loop3A_591[%parallel_loop3A_152] : memref<65065xf32, #tpu.memory_space<vmem>>[vector<16xi32>], vector<16xf32>,
        %parallel_loop3A_593 = arith.constant 0 : i32
        %parallel_loop3A_594 = arith.addi %parallel_loop3A_593, %parallel_loop3A_144 : i32
        %parallel_loop3A_595 = arith.constant 0 : i32
        %parallel_loop3A_596 = arith.constant 4 : i32
        %parallel_loop3A_597 = arith.constant 0 : i32
        %parallel_loop3A_598 = arith.index_cast %parallel_loop3A_595 : i32 to index
        %parallel_loop3A_599 = arith.index_cast %parallel_loop3A_596 : i32 to index
        %parallel_loop3A_600 = arith.index_cast %parallel_loop3A_597 : i32 to index
        %parallel_loop3A_601 = arith.index_cast %parallel_loop3A_594 : i32 to index
        %parallel_loop3A_602 = tpu.vector_load %arg15[%parallel_loop3A_598, %parallel_loop3A_599, %parallel_loop3A_600, %parallel_loop3A_601] {strides = array<i32>} : memref<1x8x1x1024xf32, #tpu.memory_space<vmem>>, vector<16xf32>,
        tpu.vector_store %arg15[%parallel_loop3A_598, %parallel_loop3A_599, %parallel_loop3A_600, %parallel_loop3A_601], %parallel_loop3A_592 {strides = array<i32>} : memref<1x8x1x1024xf32, #tpu.memory_space<vmem>>, vector<16xf32>,
        %parallel_loop3A_603 = arith.constant 32 : i32
        %parallel_loop3A_604 = tpu.memref_slice %arg12[%parallel_loop3A_603] : memref<65129xf32, #tpu.memory_space<vmem>> -> memref<65065xf32, #tpu.memory_space<vmem>>
        %parallel_loop3A_605 = tpu.vector_load_idx %parallel_loop3A_604[%parallel_loop3A_155] : memref<65065xf32, #tpu.memory_space<vmem>>[vector<16xi32>], vector<16xf32>,
        %parallel_loop3A_606 = arith.constant 128 : i32
        %parallel_loop3A_607 = arith.addi %parallel_loop3A_606, %parallel_loop3A_144 : i32
        %parallel_loop3A_608 = arith.constant 0 : i32
        %parallel_loop3A_609 = arith.constant 4 : i32
        %parallel_loop3A_610 = arith.constant 0 : i32
        %parallel_loop3A_611 = arith.index_cast %parallel_loop3A_608 : i32 to index
        %parallel_loop3A_612 = arith.index_cast %parallel_loop3A_609 : i32 to index
        %parallel_loop3A_613 = arith.index_cast %parallel_loop3A_610 : i32 to index
        %parallel_loop3A_614 = arith.index_cast %parallel_loop3A_607 : i32 to index
        %parallel_loop3A_615 = tpu.vector_load %arg15[%parallel_loop3A_611, %parallel_loop3A_612, %parallel_loop3A_613, %parallel_loop3A_614] {strides = array<i32>} : memref<1x8x1x1024xf32, #tpu.memory_space<vmem>>, vector<16xf32>,
        tpu.vector_store %arg15[%parallel_loop3A_611, %parallel_loop3A_612, %parallel_loop3A_613, %parallel_loop3A_614], %parallel_loop3A_605 {strides = array<i32>} : memref<1x8x1x1024xf32, #tpu.memory_space<vmem>>, vector<16xf32>,
        %parallel_loop3A_616 = arith.constant 32 : i32
        %parallel_loop3A_617 = tpu.memref_slice %arg12[%parallel_loop3A_616] : memref<65129xf32, #tpu.memory_space<vmem>> -> memref<65065xf32, #tpu.memory_space<vmem>>
        %parallel_loop3A_618 = tpu.vector_load_idx %parallel_loop3A_617[%parallel_loop3A_158] : memref<65065xf32, #tpu.memory_space<vmem>>[vector<16xi32>], vector<16xf32>,
        %parallel_loop3A_619 = arith.constant 256 : i32
        %parallel_loop3A_620 = arith.addi %parallel_loop3A_619, %parallel_loop3A_144 : i32
        %parallel_loop3A_621 = arith.constant 0 : i32
        %parallel_loop3A_622 = arith.constant 4 : i32
        %parallel_loop3A_623 = arith.constant 0 : i32
        %parallel_loop3A_624 = arith.index_cast %parallel_loop3A_621 : i32 to index
        %parallel_loop3A_625 = arith.index_cast %parallel_loop3A_622 : i32 to index
        %parallel_loop3A_626 = arith.index_cast %parallel_loop3A_623 : i32 to index
        %parallel_loop3A_627 = arith.index_cast %parallel_loop3A_620 : i32 to index
        %parallel_loop3A_628 = tpu.vector_load %arg15[%parallel_loop3A_624, %parallel_loop3A_625, %parallel_loop3A_626, %parallel_loop3A_627] {strides = array<i32>} : memref<1x8x1x1024xf32, #tpu.memory_space<vmem>>, vector<16xf32>,
        tpu.vector_store %arg15[%parallel_loop3A_624, %parallel_loop3A_625, %parallel_loop3A_626, %parallel_loop3A_627], %parallel_loop3A_618 {strides = array<i32>} : memref<1x8x1x1024xf32, #tpu.memory_space<vmem>>, vector<16xf32>,
        %parallel_loop3A_629 = arith.constant 32 : i32
        %parallel_loop3A_630 = tpu.memref_slice %arg12[%parallel_loop3A_629] : memref<65129xf32, #tpu.memory_space<vmem>> -> memref<65065xf32, #tpu.memory_space<vmem>>
        %parallel_loop3A_631 = tpu.vector_load_idx %parallel_loop3A_630[%parallel_loop3A_161] : memref<65065xf32, #tpu.memory_space<vmem>>[vector<16xi32>], vector<16xf32>,
        %parallel_loop3A_632 = arith.constant 384 : i32
        %parallel_loop3A_633 = arith.addi %parallel_loop3A_632, %parallel_loop3A_144 : i32
        %parallel_loop3A_634 = arith.constant 0 : i32
        %parallel_loop3A_635 = arith.constant 4 : i32
        %parallel_loop3A_636 = arith.constant 0 : i32
        %parallel_loop3A_637 = arith.index_cast %parallel_loop3A_634 : i32 to index
        %parallel_loop3A_638 = arith.index_cast %parallel_loop3A_635 : i32 to index
        %parallel_loop3A_639 = arith.index_cast %parallel_loop3A_636 : i32 to index
        %parallel_loop3A_640 = arith.index_cast %parallel_loop3A_633 : i32 to index
        %parallel_loop3A_641 = tpu.vector_load %arg15[%parallel_loop3A_637, %parallel_loop3A_638, %parallel_loop3A_639, %parallel_loop3A_640] {strides = array<i32>} : memref<1x8x1x1024xf32, #tpu.memory_space<vmem>>, vector<16xf32>,
        tpu.vector_store %arg15[%parallel_loop3A_637, %parallel_loop3A_638, %parallel_loop3A_639, %parallel_loop3A_640], %parallel_loop3A_631 {strides = array<i32>} : memref<1x8x1x1024xf32, #tpu.memory_space<vmem>>, vector<16xf32>,
        %parallel_loop3A_642 = arith.constant 32 : i32
        %parallel_loop3A_643 = tpu.memref_slice %arg12[%parallel_loop3A_642] : memref<65129xf32, #tpu.memory_space<vmem>> -> memref<65065xf32, #tpu.memory_space<vmem>>
        %parallel_loop3A_644 = tpu.vector_load_idx %parallel_loop3A_643[%parallel_loop3A_164] : memref<65065xf32, #tpu.memory_space<vmem>>[vector<16xi32>], vector<16xf32>,
        %parallel_loop3A_645 = arith.constant 512 : i32
        %parallel_loop3A_646 = arith.addi %parallel_loop3A_645, %parallel_loop3A_144 : i32
        %parallel_loop3A_647 = arith.constant 0 : i32
        %parallel_loop3A_648 = arith.constant 4 : i32
        %parallel_loop3A_649 = arith.constant 0 : i32
        %parallel_loop3A_650 = arith.index_cast %parallel_loop3A_647 : i32 to index
        %parallel_loop3A_651 = arith.index_cast %parallel_loop3A_648 : i32 to index
        %parallel_loop3A_652 = arith.index_cast %parallel_loop3A_649 : i32 to index
        %parallel_loop3A_653 = arith.index_cast %parallel_loop3A_646 : i32 to index
        %parallel_loop3A_654 = tpu.vector_load %arg15[%parallel_loop3A_650, %parallel_loop3A_651, %parallel_loop3A_652, %parallel_loop3A_653] {strides = array<i32>} : memref<1x8x1x1024xf32, #tpu.memory_space<vmem>>, vector<16xf32>,
        tpu.vector_store %arg15[%parallel_loop3A_650, %parallel_loop3A_651, %parallel_loop3A_652, %parallel_loop3A_653], %parallel_loop3A_644 {strides = array<i32>} : memref<1x8x1x1024xf32, #tpu.memory_space<vmem>>, vector<16xf32>,
        %parallel_loop3A_655 = arith.constant 32 : i32
        %parallel_loop3A_656 = tpu.memref_slice %arg12[%parallel_loop3A_655] : memref<65129xf32, #tpu.memory_space<vmem>> -> memref<65065xf32, #tpu.memory_space<vmem>>
        %parallel_loop3A_657 = tpu.vector_load_idx %parallel_loop3A_656[%parallel_loop3A_167] : memref<65065xf32, #tpu.memory_space<vmem>>[vector<16xi32>], vector<16xf32>,
        %parallel_loop3A_658 = arith.constant 640 : i32
        %parallel_loop3A_659 = arith.addi %parallel_loop3A_658, %parallel_loop3A_144 : i32
        %parallel_loop3A_660 = arith.constant 0 : i32
        %parallel_loop3A_661 = arith.constant 4 : i32
        %parallel_loop3A_662 = arith.constant 0 : i32
        %parallel_loop3A_663 = arith.index_cast %parallel_loop3A_660 : i32 to index
        %parallel_loop3A_664 = arith.index_cast %parallel_loop3A_661 : i32 to index
        %parallel_loop3A_665 = arith.index_cast %parallel_loop3A_662 : i32 to index
        %parallel_loop3A_666 = arith.index_cast %parallel_loop3A_659 : i32 to index
        %parallel_loop3A_667 = tpu.vector_load %arg15[%parallel_loop3A_663, %parallel_loop3A_664, %parallel_loop3A_665, %parallel_loop3A_666] {strides = array<i32>} : memref<1x8x1x1024xf32, #tpu.memory_space<vmem>>, vector<16xf32>,
        tpu.vector_store %arg15[%parallel_loop3A_663, %parallel_loop3A_664, %parallel_loop3A_665, %parallel_loop3A_666], %parallel_loop3A_657 {strides = array<i32>} : memref<1x8x1x1024xf32, #tpu.memory_space<vmem>>, vector<16xf32>,
        %parallel_loop3A_668 = arith.constant 32 : i32
        %parallel_loop3A_669 = tpu.memref_slice %arg12[%parallel_loop3A_668] : memref<65129xf32, #tpu.memory_space<vmem>> -> memref<65065xf32, #tpu.memory_space<vmem>>
        %parallel_loop3A_670 = tpu.vector_load_idx %parallel_loop3A_669[%parallel_loop3A_170] : memref<65065xf32, #tpu.memory_space<vmem>>[vector<16xi32>], vector<16xf32>,
        %parallel_loop3A_671 = arith.constant 768 : i32
        %parallel_loop3A_672 = arith.addi %parallel_loop3A_671, %parallel_loop3A_144 : i32
        %parallel_loop3A_673 = arith.constant 0 : i32
        %parallel_loop3A_674 = arith.constant 4 : i32
        %parallel_loop3A_675 = arith.constant 0 : i32
        %parallel_loop3A_676 = arith.index_cast %parallel_loop3A_673 : i32 to index
        %parallel_loop3A_677 = arith.index_cast %parallel_loop3A_674 : i32 to index
        %parallel_loop3A_678 = arith.index_cast %parallel_loop3A_675 : i32 to index
        %parallel_loop3A_679 = arith.index_cast %parallel_loop3A_672 : i32 to index
        %parallel_loop3A_680 = tpu.vector_load %arg15[%parallel_loop3A_676, %parallel_loop3A_677, %parallel_loop3A_678, %parallel_loop3A_679] {strides = array<i32>} : memref<1x8x1x1024xf32, #tpu.memory_space<vmem>>, vector<16xf32>,
        tpu.vector_store %arg15[%parallel_loop3A_676, %parallel_loop3A_677, %parallel_loop3A_678, %parallel_loop3A_679], %parallel_loop3A_670 {strides = array<i32>} : memref<1x8x1x1024xf32, #tpu.memory_space<vmem>>, vector<16xf32>,
        %parallel_loop3A_681 = arith.constant 32 : i32
        %parallel_loop3A_682 = tpu.memref_slice %arg12[%parallel_loop3A_681] : memref<65129xf32, #tpu.memory_space<vmem>> -> memref<65065xf32, #tpu.memory_space<vmem>>
        %parallel_loop3A_683 = tpu.vector_load_idx %parallel_loop3A_682[%parallel_loop3A_173] : memref<65065xf32, #tpu.memory_space<vmem>>[vector<16xi32>], vector<16xf32>,
        %parallel_loop3A_684 = arith.constant 896 : i32
        %parallel_loop3A_685 = arith.addi %parallel_loop3A_684, %parallel_loop3A_144 : i32
        %parallel_loop3A_686 = arith.constant 0 : i32
        %parallel_loop3A_687 = arith.constant 4 : i32
        %parallel_loop3A_688 = arith.constant 0 : i32
        %parallel_loop3A_689 = arith.index_cast %parallel_loop3A_686 : i32 to index
        %parallel_loop3A_690 = arith.index_cast %parallel_loop3A_687 : i32 to index
        %parallel_loop3A_691 = arith.index_cast %parallel_loop3A_688 : i32 to index
        %parallel_loop3A_692 = arith.index_cast %parallel_loop3A_685 : i32 to index
        %parallel_loop3A_693 = tpu.vector_load %arg15[%parallel_loop3A_689, %parallel_loop3A_690, %parallel_loop3A_691, %parallel_loop3A_692] {strides = array<i32>} : memref<1x8x1x1024xf32, #tpu.memory_space<vmem>>, vector<16xf32>,
        tpu.vector_store %arg15[%parallel_loop3A_689, %parallel_loop3A_690, %parallel_loop3A_691, %parallel_loop3A_692], %parallel_loop3A_683 {strides = array<i32>} : memref<1x8x1x1024xf32, #tpu.memory_space<vmem>>, vector<16xf32>,
        %parallel_loop3A_694 = arith.constant 40 : i32
        %parallel_loop3A_695 = tpu.memref_slice %arg12[%parallel_loop3A_694] : memref<65129xf32, #tpu.memory_space<vmem>> -> memref<65065xf32, #tpu.memory_space<vmem>>
        %parallel_loop3A_696 = tpu.vector_load_idx %parallel_loop3A_695[%parallel_loop3A_152] : memref<65065xf32, #tpu.memory_space<vmem>>[vector<16xi32>], vector<16xf32>,
        %parallel_loop3A_697 = arith.constant 0 : i32
        %parallel_loop3A_698 = arith.addi %parallel_loop3A_697, %parallel_loop3A_144 : i32
        %parallel_loop3A_699 = arith.constant 0 : i32
        %parallel_loop3A_700 = arith.constant 5 : i32
        %parallel_loop3A_701 = arith.constant 0 : i32
        %parallel_loop3A_702 = arith.index_cast %parallel_loop3A_699 : i32 to index
        %parallel_loop3A_703 = arith.index_cast %parallel_loop3A_700 : i32 to index
        %parallel_loop3A_704 = arith.index_cast %parallel_loop3A_701 : i32 to index
        %parallel_loop3A_705 = arith.index_cast %parallel_loop3A_698 : i32 to index
        %parallel_loop3A_706 = tpu.vector_load %arg15[%parallel_loop3A_702, %parallel_loop3A_703, %parallel_loop3A_704, %parallel_loop3A_705] {strides = array<i32>} : memref<1x8x1x1024xf32, #tpu.memory_space<vmem>>, vector<16xf32>,
        tpu.vector_store %arg15[%parallel_loop3A_702, %parallel_loop3A_703, %parallel_loop3A_704, %parallel_loop3A_705], %parallel_loop3A_696 {strides = array<i32>} : memref<1x8x1x1024xf32, #tpu.memory_space<vmem>>, vector<16xf32>,
        %parallel_loop3A_707 = arith.constant 40 : i32
        %parallel_loop3A_708 = tpu.memref_slice %arg12[%parallel_loop3A_707] : memref<65129xf32, #tpu.memory_space<vmem>> -> memref<65065xf32, #tpu.memory_space<vmem>>
        %parallel_loop3A_709 = tpu.vector_load_idx %parallel_loop3A_708[%parallel_loop3A_155] : memref<65065xf32, #tpu.memory_space<vmem>>[vector<16xi32>], vector<16xf32>,
        %parallel_loop3A_710 = arith.constant 128 : i32
        %parallel_loop3A_711 = arith.addi %parallel_loop3A_710, %parallel_loop3A_144 : i32
        %parallel_loop3A_712 = arith.constant 0 : i32
        %parallel_loop3A_713 = arith.constant 5 : i32
        %parallel_loop3A_714 = arith.constant 0 : i32
        %parallel_loop3A_715 = arith.index_cast %parallel_loop3A_712 : i32 to index
        %parallel_loop3A_716 = arith.index_cast %parallel_loop3A_713 : i32 to index
        %parallel_loop3A_717 = arith.index_cast %parallel_loop3A_714 : i32 to index
        %parallel_loop3A_718 = arith.index_cast %parallel_loop3A_711 : i32 to index
        %parallel_loop3A_719 = tpu.vector_load %arg15[%parallel_loop3A_715, %parallel_loop3A_716, %parallel_loop3A_717, %parallel_loop3A_718] {strides = array<i32>} : memref<1x8x1x1024xf32, #tpu.memory_space<vmem>>, vector<16xf32>,
        tpu.vector_store %arg15[%parallel_loop3A_715, %parallel_loop3A_716, %parallel_loop3A_717, %parallel_loop3A_718], %parallel_loop3A_709 {strides = array<i32>} : memref<1x8x1x1024xf32, #tpu.memory_space<vmem>>, vector<16xf32>,
        %parallel_loop3A_720 = arith.constant 40 : i32
        %parallel_loop3A_721 = tpu.memref_slice %arg12[%parallel_loop3A_720] : memref<65129xf32, #tpu.memory_space<vmem>> -> memref<65065xf32, #tpu.memory_space<vmem>>
        %parallel_loop3A_722 = tpu.vector_load_idx %parallel_loop3A_721[%parallel_loop3A_158] : memref<65065xf32, #tpu.memory_space<vmem>>[vector<16xi32>], vector<16xf32>,
        %parallel_loop3A_723 = arith.constant 256 : i32
        %parallel_loop3A_724 = arith.addi %parallel_loop3A_723, %parallel_loop3A_144 : i32
        %parallel_loop3A_725 = arith.constant 0 : i32
        %parallel_loop3A_726 = arith.constant 5 : i32
        %parallel_loop3A_727 = arith.constant 0 : i32
        %parallel_loop3A_728 = arith.index_cast %parallel_loop3A_725 : i32 to index
        %parallel_loop3A_729 = arith.index_cast %parallel_loop3A_726 : i32 to index
        %parallel_loop3A_730 = arith.index_cast %parallel_loop3A_727 : i32 to index
        %parallel_loop3A_731 = arith.index_cast %parallel_loop3A_724 : i32 to index
        %parallel_loop3A_732 = tpu.vector_load %arg15[%parallel_loop3A_728, %parallel_loop3A_729, %parallel_loop3A_730, %parallel_loop3A_731] {strides = array<i32>} : memref<1x8x1x1024xf32, #tpu.memory_space<vmem>>, vector<16xf32>,
        tpu.vector_store %arg15[%parallel_loop3A_728, %parallel_loop3A_729, %parallel_loop3A_730, %parallel_loop3A_731], %parallel_loop3A_722 {strides = array<i32>} : memref<1x8x1x1024xf32, #tpu.memory_space<vmem>>, vector<16xf32>,
        %parallel_loop3A_733 = arith.constant 40 : i32
        %parallel_loop3A_734 = tpu.memref_slice %arg12[%parallel_loop3A_733] : memref<65129xf32, #tpu.memory_space<vmem>> -> memref<65065xf32, #tpu.memory_space<vmem>>
        %parallel_loop3A_735 = tpu.vector_load_idx %parallel_loop3A_734[%parallel_loop3A_161] : memref<65065xf32, #tpu.memory_space<vmem>>[vector<16xi32>], vector<16xf32>,
        %parallel_loop3A_736 = arith.constant 384 : i32
        %parallel_loop3A_737 = arith.addi %parallel_loop3A_736, %parallel_loop3A_144 : i32
        %parallel_loop3A_738 = arith.constant 0 : i32
        %parallel_loop3A_739 = arith.constant 5 : i32
        %parallel_loop3A_740 = arith.constant 0 : i32
        %parallel_loop3A_741 = arith.index_cast %parallel_loop3A_738 : i32 to index
        %parallel_loop3A_742 = arith.index_cast %parallel_loop3A_739 : i32 to index
        %parallel_loop3A_743 = arith.index_cast %parallel_loop3A_740 : i32 to index
        %parallel_loop3A_744 = arith.index_cast %parallel_loop3A_737 : i32 to index
        %parallel_loop3A_745 = tpu.vector_load %arg15[%parallel_loop3A_741, %parallel_loop3A_742, %parallel_loop3A_743, %parallel_loop3A_744] {strides = array<i32>} : memref<1x8x1x1024xf32, #tpu.memory_space<vmem>>, vector<16xf32>,
        tpu.vector_store %arg15[%parallel_loop3A_741, %parallel_loop3A_742, %parallel_loop3A_743, %parallel_loop3A_744], %parallel_loop3A_735 {strides = array<i32>} : memref<1x8x1x1024xf32, #tpu.memory_space<vmem>>, vector<16xf32>,
        %parallel_loop3A_746 = arith.constant 40 : i32
        %parallel_loop3A_747 = tpu.memref_slice %arg12[%parallel_loop3A_746] : memref<65129xf32, #tpu.memory_space<vmem>> -> memref<65065xf32, #tpu.memory_space<vmem>>
        %parallel_loop3A_748 = tpu.vector_load_idx %parallel_loop3A_747[%parallel_loop3A_164] : memref<65065xf32, #tpu.memory_space<vmem>>[vector<16xi32>], vector<16xf32>,
        %parallel_loop3A_749 = arith.constant 512 : i32
        %parallel_loop3A_750 = arith.addi %parallel_loop3A_749, %parallel_loop3A_144 : i32
        %parallel_loop3A_751 = arith.constant 0 : i32
        %parallel_loop3A_752 = arith.constant 5 : i32
        %parallel_loop3A_753 = arith.constant 0 : i32
        %parallel_loop3A_754 = arith.index_cast %parallel_loop3A_751 : i32 to index
        %parallel_loop3A_755 = arith.index_cast %parallel_loop3A_752 : i32 to index
        %parallel_loop3A_756 = arith.index_cast %parallel_loop3A_753 : i32 to index
        %parallel_loop3A_757 = arith.index_cast %parallel_loop3A_750 : i32 to index
        %parallel_loop3A_758 = tpu.vector_load %arg15[%parallel_loop3A_754, %parallel_loop3A_755, %parallel_loop3A_756, %parallel_loop3A_757] {strides = array<i32>} : memref<1x8x1x1024xf32, #tpu.memory_space<vmem>>, vector<16xf32>,
        tpu.vector_store %arg15[%parallel_loop3A_754, %parallel_loop3A_755, %parallel_loop3A_756, %parallel_loop3A_757], %parallel_loop3A_748 {strides = array<i32>} : memref<1x8x1x1024xf32, #tpu.memory_space<vmem>>, vector<16xf32>,
        %parallel_loop3A_759 = arith.constant 40 : i32
        %parallel_loop3A_760 = tpu.memref_slice %arg12[%parallel_loop3A_759] : memref<65129xf32, #tpu.memory_space<vmem>> -> memref<65065xf32, #tpu.memory_space<vmem>>
        %parallel_loop3A_761 = tpu.vector_load_idx %parallel_loop3A_760[%parallel_loop3A_167] : memref<65065xf32, #tpu.memory_space<vmem>>[vector<16xi32>], vector<16xf32>,
        %parallel_loop3A_762 = arith.constant 640 : i32
        %parallel_loop3A_763 = arith.addi %parallel_loop3A_762, %parallel_loop3A_144 : i32
        %parallel_loop3A_764 = arith.constant 0 : i32
        %parallel_loop3A_765 = arith.constant 5 : i32
        %parallel_loop3A_766 = arith.constant 0 : i32
        %parallel_loop3A_767 = arith.index_cast %parallel_loop3A_764 : i32 to index
        %parallel_loop3A_768 = arith.index_cast %parallel_loop3A_765 : i32 to index
        %parallel_loop3A_769 = arith.index_cast %parallel_loop3A_766 : i32 to index
        %parallel_loop3A_770 = arith.index_cast %parallel_loop3A_763 : i32 to index
        %parallel_loop3A_771 = tpu.vector_load %arg15[%parallel_loop3A_767, %parallel_loop3A_768, %parallel_loop3A_769, %parallel_loop3A_770] {strides = array<i32>} : memref<1x8x1x1024xf32, #tpu.memory_space<vmem>>, vector<16xf32>,
        tpu.vector_store %arg15[%parallel_loop3A_767, %parallel_loop3A_768, %parallel_loop3A_769, %parallel_loop3A_770], %parallel_loop3A_761 {strides = array<i32>} : memref<1x8x1x1024xf32, #tpu.memory_space<vmem>>, vector<16xf32>,
        %parallel_loop3A_772 = arith.constant 40 : i32
        %parallel_loop3A_773 = tpu.memref_slice %arg12[%parallel_loop3A_772] : memref<65129xf32, #tpu.memory_space<vmem>> -> memref<65065xf32, #tpu.memory_space<vmem>>
        %parallel_loop3A_774 = tpu.vector_load_idx %parallel_loop3A_773[%parallel_loop3A_170] : memref<65065xf32, #tpu.memory_space<vmem>>[vector<16xi32>], vector<16xf32>,
        %parallel_loop3A_775 = arith.constant 768 : i32
        %parallel_loop3A_776 = arith.addi %parallel_loop3A_775, %parallel_loop3A_144 : i32
        %parallel_loop3A_777 = arith.constant 0 : i32
        %parallel_loop3A_778 = arith.constant 5 : i32
        %parallel_loop3A_779 = arith.constant 0 : i32
        %parallel_loop3A_780 = arith.index_cast %parallel_loop3A_777 : i32 to index
        %parallel_loop3A_781 = arith.index_cast %parallel_loop3A_778 : i32 to index
        %parallel_loop3A_782 = arith.index_cast %parallel_loop3A_779 : i32 to index
        %parallel_loop3A_783 = arith.index_cast %parallel_loop3A_776 : i32 to index
        %parallel_loop3A_784 = tpu.vector_load %arg15[%parallel_loop3A_780, %parallel_loop3A_781, %parallel_loop3A_782, %parallel_loop3A_783] {strides = array<i32>} : memref<1x8x1x1024xf32, #tpu.memory_space<vmem>>, vector<16xf32>,
        tpu.vector_store %arg15[%parallel_loop3A_780, %parallel_loop3A_781, %parallel_loop3A_782, %parallel_loop3A_783], %parallel_loop3A_774 {strides = array<i32>} : memref<1x8x1x1024xf32, #tpu.memory_space<vmem>>, vector<16xf32>,
        %parallel_loop3A_785 = arith.constant 40 : i32
        %parallel_loop3A_786 = tpu.memref_slice %arg12[%parallel_loop3A_785] : memref<65129xf32, #tpu.memory_space<vmem>> -> memref<65065xf32, #tpu.memory_space<vmem>>
        %parallel_loop3A_787 = tpu.vector_load_idx %parallel_loop3A_786[%parallel_loop3A_173] : memref<65065xf32, #tpu.memory_space<vmem>>[vector<16xi32>], vector<16xf32>,
        %parallel_loop3A_788 = arith.constant 896 : i32
        %parallel_loop3A_789 = arith.addi %parallel_loop3A_788, %parallel_loop3A_144 : i32
        %parallel_loop3A_790 = arith.constant 0 : i32
        %parallel_loop3A_791 = arith.constant 5 : i32
        %parallel_loop3A_792 = arith.constant 0 : i32
        %parallel_loop3A_793 = arith.index_cast %parallel_loop3A_790 : i32 to index
        %parallel_loop3A_794 = arith.index_cast %parallel_loop3A_791 : i32 to index
        %parallel_loop3A_795 = arith.index_cast %parallel_loop3A_792 : i32 to index
        %parallel_loop3A_796 = arith.index_cast %parallel_loop3A_789 : i32 to index
        %parallel_loop3A_797 = tpu.vector_load %arg15[%parallel_loop3A_793, %parallel_loop3A_794, %parallel_loop3A_795, %parallel_loop3A_796] {strides = array<i32>} : memref<1x8x1x1024xf32, #tpu.memory_space<vmem>>, vector<16xf32>,
        tpu.vector_store %arg15[%parallel_loop3A_793, %parallel_loop3A_794, %parallel_loop3A_795, %parallel_loop3A_796], %parallel_loop3A_787 {strides = array<i32>} : memref<1x8x1x1024xf32, #tpu.memory_space<vmem>>, vector<16xf32>,
        %parallel_loop3A_798 = arith.constant 48 : i32
        %parallel_loop3A_799 = tpu.memref_slice %arg12[%parallel_loop3A_798] : memref<65129xf32, #tpu.memory_space<vmem>> -> memref<65065xf32, #tpu.memory_space<vmem>>
        %parallel_loop3A_800 = tpu.vector_load_idx %parallel_loop3A_799[%parallel_loop3A_152] : memref<65065xf32, #tpu.memory_space<vmem>>[vector<16xi32>], vector<16xf32>,
        %parallel_loop3A_801 = arith.constant 0 : i32
        %parallel_loop3A_802 = arith.addi %parallel_loop3A_801, %parallel_loop3A_144 : i32
        %parallel_loop3A_803 = arith.constant 0 : i32
        %parallel_loop3A_804 = arith.constant 6 : i32
        %parallel_loop3A_805 = arith.constant 0 : i32
        %parallel_loop3A_806 = arith.index_cast %parallel_loop3A_803 : i32 to index
        %parallel_loop3A_807 = arith.index_cast %parallel_loop3A_804 : i32 to index
        %parallel_loop3A_808 = arith.index_cast %parallel_loop3A_805 : i32 to index
        %parallel_loop3A_809 = arith.index_cast %parallel_loop3A_802 : i32 to index
        %parallel_loop3A_810 = tpu.vector_load %arg15[%parallel_loop3A_806, %parallel_loop3A_807, %parallel_loop3A_808, %parallel_loop3A_809] {strides = array<i32>} : memref<1x8x1x1024xf32, #tpu.memory_space<vmem>>, vector<16xf32>,
        tpu.vector_store %arg15[%parallel_loop3A_806, %parallel_loop3A_807, %parallel_loop3A_808, %parallel_loop3A_809], %parallel_loop3A_800 {strides = array<i32>} : memref<1x8x1x1024xf32, #tpu.memory_space<vmem>>, vector<16xf32>,
        %parallel_loop3A_811 = arith.constant 48 : i32
        %parallel_loop3A_812 = tpu.memref_slice %arg12[%parallel_loop3A_811] : memref<65129xf32, #tpu.memory_space<vmem>> -> memref<65065xf32, #tpu.memory_space<vmem>>
        %parallel_loop3A_813 = tpu.vector_load_idx %parallel_loop3A_812[%parallel_loop3A_155] : memref<65065xf32, #tpu.memory_space<vmem>>[vector<16xi32>], vector<16xf32>,
        %parallel_loop3A_814 = arith.constant 128 : i32
        %parallel_loop3A_815 = arith.addi %parallel_loop3A_814, %parallel_loop3A_144 : i32
        %parallel_loop3A_816 = arith.constant 0 : i32
        %parallel_loop3A_817 = arith.constant 6 : i32
        %parallel_loop3A_818 = arith.constant 0 : i32
        %parallel_loop3A_819 = arith.index_cast %parallel_loop3A_816 : i32 to index
        %parallel_loop3A_820 = arith.index_cast %parallel_loop3A_817 : i32 to index
        %parallel_loop3A_821 = arith.index_cast %parallel_loop3A_818 : i32 to index
        %parallel_loop3A_822 = arith.index_cast %parallel_loop3A_815 : i32 to index
        %parallel_loop3A_823 = tpu.vector_load %arg15[%parallel_loop3A_819, %parallel_loop3A_820, %parallel_loop3A_821, %parallel_loop3A_822] {strides = array<i32>} : memref<1x8x1x1024xf32, #tpu.memory_space<vmem>>, vector<16xf32>,
        tpu.vector_store %arg15[%parallel_loop3A_819, %parallel_loop3A_820, %parallel_loop3A_821, %parallel_loop3A_822], %parallel_loop3A_813 {strides = array<i32>} : memref<1x8x1x1024xf32, #tpu.memory_space<vmem>>, vector<16xf32>,
        %parallel_loop3A_824 = arith.constant 48 : i32
        %parallel_loop3A_825 = tpu.memref_slice %arg12[%parallel_loop3A_824] : memref<65129xf32, #tpu.memory_space<vmem>> -> memref<65065xf32, #tpu.memory_space<vmem>>
        %parallel_loop3A_826 = tpu.vector_load_idx %parallel_loop3A_825[%parallel_loop3A_158] : memref<65065xf32, #tpu.memory_space<vmem>>[vector<16xi32>], vector<16xf32>,
        %parallel_loop3A_827 = arith.constant 256 : i32
        %parallel_loop3A_828 = arith.addi %parallel_loop3A_827, %parallel_loop3A_144 : i32
        %parallel_loop3A_829 = arith.constant 0 : i32
        %parallel_loop3A_830 = arith.constant 6 : i32
        %parallel_loop3A_831 = arith.constant 0 : i32
        %parallel_loop3A_832 = arith.index_cast %parallel_loop3A_829 : i32 to index
        %parallel_loop3A_833 = arith.index_cast %parallel_loop3A_830 : i32 to index
        %parallel_loop3A_834 = arith.index_cast %parallel_loop3A_831 : i32 to index
        %parallel_loop3A_835 = arith.index_cast %parallel_loop3A_828 : i32 to index
        %parallel_loop3A_836 = tpu.vector_load %arg15[%parallel_loop3A_832, %parallel_loop3A_833, %parallel_loop3A_834, %parallel_loop3A_835] {strides = array<i32>} : memref<1x8x1x1024xf32, #tpu.memory_space<vmem>>, vector<16xf32>,
        tpu.vector_store %arg15[%parallel_loop3A_832, %parallel_loop3A_833, %parallel_loop3A_834, %parallel_loop3A_835], %parallel_loop3A_826 {strides = array<i32>} : memref<1x8x1x1024xf32, #tpu.memory_space<vmem>>, vector<16xf32>,
        %parallel_loop3A_837 = arith.constant 48 : i32
        %parallel_loop3A_838 = tpu.memref_slice %arg12[%parallel_loop3A_837] : memref<65129xf32, #tpu.memory_space<vmem>> -> memref<65065xf32, #tpu.memory_space<vmem>>
        %parallel_loop3A_839 = tpu.vector_load_idx %parallel_loop3A_838[%parallel_loop3A_161] : memref<65065xf32, #tpu.memory_space<vmem>>[vector<16xi32>], vector<16xf32>,
        %parallel_loop3A_840 = arith.constant 384 : i32
        %parallel_loop3A_841 = arith.addi %parallel_loop3A_840, %parallel_loop3A_144 : i32
        %parallel_loop3A_842 = arith.constant 0 : i32
        %parallel_loop3A_843 = arith.constant 6 : i32
        %parallel_loop3A_844 = arith.constant 0 : i32
        %parallel_loop3A_845 = arith.index_cast %parallel_loop3A_842 : i32 to index
        %parallel_loop3A_846 = arith.index_cast %parallel_loop3A_843 : i32 to index
        %parallel_loop3A_847 = arith.index_cast %parallel_loop3A_844 : i32 to index
        %parallel_loop3A_848 = arith.index_cast %parallel_loop3A_841 : i32 to index
        %parallel_loop3A_849 = tpu.vector_load %arg15[%parallel_loop3A_845, %parallel_loop3A_846, %parallel_loop3A_847, %parallel_loop3A_848] {strides = array<i32>} : memref<1x8x1x1024xf32, #tpu.memory_space<vmem>>, vector<16xf32>,
        tpu.vector_store %arg15[%parallel_loop3A_845, %parallel_loop3A_846, %parallel_loop3A_847, %parallel_loop3A_848], %parallel_loop3A_839 {strides = array<i32>} : memref<1x8x1x1024xf32, #tpu.memory_space<vmem>>, vector<16xf32>,
        %parallel_loop3A_850 = arith.constant 48 : i32
        %parallel_loop3A_851 = tpu.memref_slice %arg12[%parallel_loop3A_850] : memref<65129xf32, #tpu.memory_space<vmem>> -> memref<65065xf32, #tpu.memory_space<vmem>>
        %parallel_loop3A_852 = tpu.vector_load_idx %parallel_loop3A_851[%parallel_loop3A_164] : memref<65065xf32, #tpu.memory_space<vmem>>[vector<16xi32>], vector<16xf32>,
        %parallel_loop3A_853 = arith.constant 512 : i32
        %parallel_loop3A_854 = arith.addi %parallel_loop3A_853, %parallel_loop3A_144 : i32
        %parallel_loop3A_855 = arith.constant 0 : i32
        %parallel_loop3A_856 = arith.constant 6 : i32
        %parallel_loop3A_857 = arith.constant 0 : i32
        %parallel_loop3A_858 = arith.index_cast %parallel_loop3A_855 : i32 to index
        %parallel_loop3A_859 = arith.index_cast %parallel_loop3A_856 : i32 to index
        %parallel_loop3A_860 = arith.index_cast %parallel_loop3A_857 : i32 to index
        %parallel_loop3A_861 = arith.index_cast %parallel_loop3A_854 : i32 to index
        %parallel_loop3A_862 = tpu.vector_load %arg15[%parallel_loop3A_858, %parallel_loop3A_859, %parallel_loop3A_860, %parallel_loop3A_861] {strides = array<i32>} : memref<1x8x1x1024xf32, #tpu.memory_space<vmem>>, vector<16xf32>,
        tpu.vector_store %arg15[%parallel_loop3A_858, %parallel_loop3A_859, %parallel_loop3A_860, %parallel_loop3A_861], %parallel_loop3A_852 {strides = array<i32>} : memref<1x8x1x1024xf32, #tpu.memory_space<vmem>>, vector<16xf32>,
        %parallel_loop3A_863 = arith.constant 48 : i32
        %parallel_loop3A_864 = tpu.memref_slice %arg12[%parallel_loop3A_863] : memref<65129xf32, #tpu.memory_space<vmem>> -> memref<65065xf32, #tpu.memory_space<vmem>>
        %parallel_loop3A_865 = tpu.vector_load_idx %parallel_loop3A_864[%parallel_loop3A_167] : memref<65065xf32, #tpu.memory_space<vmem>>[vector<16xi32>], vector<16xf32>,
        %parallel_loop3A_866 = arith.constant 640 : i32
        %parallel_loop3A_867 = arith.addi %parallel_loop3A_866, %parallel_loop3A_144 : i32
        %parallel_loop3A_868 = arith.constant 0 : i32
        %parallel_loop3A_869 = arith.constant 6 : i32
        %parallel_loop3A_870 = arith.constant 0 : i32
        %parallel_loop3A_871 = arith.index_cast %parallel_loop3A_868 : i32 to index
        %parallel_loop3A_872 = arith.index_cast %parallel_loop3A_869 : i32 to index
        %parallel_loop3A_873 = arith.index_cast %parallel_loop3A_870 : i32 to index
        %parallel_loop3A_874 = arith.index_cast %parallel_loop3A_867 : i32 to index
        %parallel_loop3A_875 = tpu.vector_load %arg15[%parallel_loop3A_871, %parallel_loop3A_872, %parallel_loop3A_873, %parallel_loop3A_874] {strides = array<i32>} : memref<1x8x1x1024xf32, #tpu.memory_space<vmem>>, vector<16xf32>,
        tpu.vector_store %arg15[%parallel_loop3A_871, %parallel_loop3A_872, %parallel_loop3A_873, %parallel_loop3A_874], %parallel_loop3A_865 {strides = array<i32>} : memref<1x8x1x1024xf32, #tpu.memory_space<vmem>>, vector<16xf32>,
        %parallel_loop3A_876 = arith.constant 48 : i32
        %parallel_loop3A_877 = tpu.memref_slice %arg12[%parallel_loop3A_876] : memref<65129xf32, #tpu.memory_space<vmem>> -> memref<65065xf32, #tpu.memory_space<vmem>>
        %parallel_loop3A_878 = tpu.vector_load_idx %parallel_loop3A_877[%parallel_loop3A_170] : memref<65065xf32, #tpu.memory_space<vmem>>[vector<16xi32>], vector<16xf32>,
        %parallel_loop3A_879 = arith.constant 768 : i32
        %parallel_loop3A_880 = arith.addi %parallel_loop3A_879, %parallel_loop3A_144 : i32
        %parallel_loop3A_881 = arith.constant 0 : i32
        %parallel_loop3A_882 = arith.constant 6 : i32
        %parallel_loop3A_883 = arith.constant 0 : i32
        %parallel_loop3A_884 = arith.index_cast %parallel_loop3A_881 : i32 to index
        %parallel_loop3A_885 = arith.index_cast %parallel_loop3A_882 : i32 to index
        %parallel_loop3A_886 = arith.index_cast %parallel_loop3A_883 : i32 to index
        %parallel_loop3A_887 = arith.index_cast %parallel_loop3A_880 : i32 to index
        %parallel_loop3A_888 = tpu.vector_load %arg15[%parallel_loop3A_884, %parallel_loop3A_885, %parallel_loop3A_886, %parallel_loop3A_887] {strides = array<i32>} : memref<1x8x1x1024xf32, #tpu.memory_space<vmem>>, vector<16xf32>,
        tpu.vector_store %arg15[%parallel_loop3A_884, %parallel_loop3A_885, %parallel_loop3A_886, %parallel_loop3A_887], %parallel_loop3A_878 {strides = array<i32>} : memref<1x8x1x1024xf32, #tpu.memory_space<vmem>>, vector<16xf32>,
        %parallel_loop3A_889 = arith.constant 48 : i32
        %parallel_loop3A_890 = tpu.memref_slice %arg12[%parallel_loop3A_889] : memref<65129xf32, #tpu.memory_space<vmem>> -> memref<65065xf32, #tpu.memory_space<vmem>>
        %parallel_loop3A_891 = tpu.vector_load_idx %parallel_loop3A_890[%parallel_loop3A_173] : memref<65065xf32, #tpu.memory_space<vmem>>[vector<16xi32>], vector<16xf32>,
        %parallel_loop3A_892 = arith.constant 896 : i32
        %parallel_loop3A_893 = arith.addi %parallel_loop3A_892, %parallel_loop3A_144 : i32
        %parallel_loop3A_894 = arith.constant 0 : i32
        %parallel_loop3A_895 = arith.constant 6 : i32
        %parallel_loop3A_896 = arith.constant 0 : i32
        %parallel_loop3A_897 = arith.index_cast %parallel_loop3A_894 : i32 to index
        %parallel_loop3A_898 = arith.index_cast %parallel_loop3A_895 : i32 to index
        %parallel_loop3A_899 = arith.index_cast %parallel_loop3A_896 : i32 to index
        %parallel_loop3A_900 = arith.index_cast %parallel_loop3A_893 : i32 to index
        %parallel_loop3A_901 = tpu.vector_load %arg15[%parallel_loop3A_897, %parallel_loop3A_898, %parallel_loop3A_899, %parallel_loop3A_900] {strides = array<i32>} : memref<1x8x1x1024xf32, #tpu.memory_space<vmem>>, vector<16xf32>,
        tpu.vector_store %arg15[%parallel_loop3A_897, %parallel_loop3A_898, %parallel_loop3A_899, %parallel_loop3A_900], %parallel_loop3A_891 {strides = array<i32>} : memref<1x8x1x1024xf32, #tpu.memory_space<vmem>>, vector<16xf32>,
        %parallel_loop3A_902 = arith.constant 56 : i32
        %parallel_loop3A_903 = tpu.memref_slice %arg12[%parallel_loop3A_902] : memref<65129xf32, #tpu.memory_space<vmem>> -> memref<65065xf32, #tpu.memory_space<vmem>>
        %parallel_loop3A_904 = tpu.vector_load_idx %parallel_loop3A_903[%parallel_loop3A_152] : memref<65065xf32, #tpu.memory_space<vmem>>[vector<16xi32>], vector<16xf32>,
        %parallel_loop3A_905 = arith.constant 0 : i32
        %parallel_loop3A_906 = arith.addi %parallel_loop3A_905, %parallel_loop3A_144 : i32
        %parallel_loop3A_907 = arith.constant 0 : i32
        %parallel_loop3A_908 = arith.constant 7 : i32
        %parallel_loop3A_909 = arith.constant 0 : i32
        %parallel_loop3A_910 = arith.index_cast %parallel_loop3A_907 : i32 to index
        %parallel_loop3A_911 = arith.index_cast %parallel_loop3A_908 : i32 to index
        %parallel_loop3A_912 = arith.index_cast %parallel_loop3A_909 : i32 to index
        %parallel_loop3A_913 = arith.index_cast %parallel_loop3A_906 : i32 to index
        %parallel_loop3A_914 = tpu.vector_load %arg15[%parallel_loop3A_910, %parallel_loop3A_911, %parallel_loop3A_912, %parallel_loop3A_913] {strides = array<i32>} : memref<1x8x1x1024xf32, #tpu.memory_space<vmem>>, vector<16xf32>,
        tpu.vector_store %arg15[%parallel_loop3A_910, %parallel_loop3A_911, %parallel_loop3A_912, %parallel_loop3A_913], %parallel_loop3A_904 {strides = array<i32>} : memref<1x8x1x1024xf32, #tpu.memory_space<vmem>>, vector<16xf32>,
        %parallel_loop3A_915 = arith.constant 56 : i32
        %parallel_loop3A_916 = tpu.memref_slice %arg12[%parallel_loop3A_915] : memref<65129xf32, #tpu.memory_space<vmem>> -> memref<65065xf32, #tpu.memory_space<vmem>>
        %parallel_loop3A_917 = tpu.vector_load_idx %parallel_loop3A_916[%parallel_loop3A_155] : memref<65065xf32, #tpu.memory_space<vmem>>[vector<16xi32>], vector<16xf32>,
        %parallel_loop3A_918 = arith.constant 128 : i32
        %parallel_loop3A_919 = arith.addi %parallel_loop3A_918, %parallel_loop3A_144 : i32
        %parallel_loop3A_920 = arith.constant 0 : i32
        %parallel_loop3A_921 = arith.constant 7 : i32
        %parallel_loop3A_922 = arith.constant 0 : i32
        %parallel_loop3A_923 = arith.index_cast %parallel_loop3A_920 : i32 to index
        %parallel_loop3A_924 = arith.index_cast %parallel_loop3A_921 : i32 to index
        %parallel_loop3A_925 = arith.index_cast %parallel_loop3A_922 : i32 to index
        %parallel_loop3A_926 = arith.index_cast %parallel_loop3A_919 : i32 to index
        %parallel_loop3A_927 = tpu.vector_load %arg15[%parallel_loop3A_923, %parallel_loop3A_924, %parallel_loop3A_925, %parallel_loop3A_926] {strides = array<i32>} : memref<1x8x1x1024xf32, #tpu.memory_space<vmem>>, vector<16xf32>,
        tpu.vector_store %arg15[%parallel_loop3A_923, %parallel_loop3A_924, %parallel_loop3A_925, %parallel_loop3A_926], %parallel_loop3A_917 {strides = array<i32>} : memref<1x8x1x1024xf32, #tpu.memory_space<vmem>>, vector<16xf32>,
        %parallel_loop3A_928 = arith.constant 56 : i32
        %parallel_loop3A_929 = tpu.memref_slice %arg12[%parallel_loop3A_928] : memref<65129xf32, #tpu.memory_space<vmem>> -> memref<65065xf32, #tpu.memory_space<vmem>>
        %parallel_loop3A_930 = tpu.vector_load_idx %parallel_loop3A_929[%parallel_loop3A_158] : memref<65065xf32, #tpu.memory_space<vmem>>[vector<16xi32>], vector<16xf32>,
        %parallel_loop3A_931 = arith.constant 256 : i32
        %parallel_loop3A_932 = arith.addi %parallel_loop3A_931, %parallel_loop3A_144 : i32
        %parallel_loop3A_933 = arith.constant 0 : i32
        %parallel_loop3A_934 = arith.constant 7 : i32
        %parallel_loop3A_935 = arith.constant 0 : i32
        %parallel_loop3A_936 = arith.index_cast %parallel_loop3A_933 : i32 to index
        %parallel_loop3A_937 = arith.index_cast %parallel_loop3A_934 : i32 to index
        %parallel_loop3A_938 = arith.index_cast %parallel_loop3A_935 : i32 to index
        %parallel_loop3A_939 = arith.index_cast %parallel_loop3A_932 : i32 to index
        %parallel_loop3A_940 = tpu.vector_load %arg15[%parallel_loop3A_936, %parallel_loop3A_937, %parallel_loop3A_938, %parallel_loop3A_939] {strides = array<i32>} : memref<1x8x1x1024xf32, #tpu.memory_space<vmem>>, vector<16xf32>,
        tpu.vector_store %arg15[%parallel_loop3A_936, %parallel_loop3A_937, %parallel_loop3A_938, %parallel_loop3A_939], %parallel_loop3A_930 {strides = array<i32>} : memref<1x8x1x1024xf32, #tpu.memory_space<vmem>>, vector<16xf32>,
        %parallel_loop3A_941 = arith.constant 56 : i32
        %parallel_loop3A_942 = tpu.memref_slice %arg12[%parallel_loop3A_941] : memref<65129xf32, #tpu.memory_space<vmem>> -> memref<65065xf32, #tpu.memory_space<vmem>>
        %parallel_loop3A_943 = tpu.vector_load_idx %parallel_loop3A_942[%parallel_loop3A_161] : memref<65065xf32, #tpu.memory_space<vmem>>[vector<16xi32>], vector<16xf32>,
        %parallel_loop3A_944 = arith.constant 384 : i32
        %parallel_loop3A_945 = arith.addi %parallel_loop3A_944, %parallel_loop3A_144 : i32
        %parallel_loop3A_946 = arith.constant 0 : i32
        %parallel_loop3A_947 = arith.constant 7 : i32
        %parallel_loop3A_948 = arith.constant 0 : i32
        %parallel_loop3A_949 = arith.index_cast %parallel_loop3A_946 : i32 to index
        %parallel_loop3A_950 = arith.index_cast %parallel_loop3A_947 : i32 to index
        %parallel_loop3A_951 = arith.index_cast %parallel_loop3A_948 : i32 to index
        %parallel_loop3A_952 = arith.index_cast %parallel_loop3A_945 : i32 to index
        %parallel_loop3A_953 = tpu.vector_load %arg15[%parallel_loop3A_949, %parallel_loop3A_950, %parallel_loop3A_951, %parallel_loop3A_952] {strides = array<i32>} : memref<1x8x1x1024xf32, #tpu.memory_space<vmem>>, vector<16xf32>,
        tpu.vector_store %arg15[%parallel_loop3A_949, %parallel_loop3A_950, %parallel_loop3A_951, %parallel_loop3A_952], %parallel_loop3A_943 {strides = array<i32>} : memref<1x8x1x1024xf32, #tpu.memory_space<vmem>>, vector<16xf32>,
        %parallel_loop3A_954 = arith.constant 56 : i32
        %parallel_loop3A_955 = tpu.memref_slice %arg12[%parallel_loop3A_954] : memref<65129xf32, #tpu.memory_space<vmem>> -> memref<65065xf32, #tpu.memory_space<vmem>>
        %parallel_loop3A_956 = tpu.vector_load_idx %parallel_loop3A_955[%parallel_loop3A_164] : memref<65065xf32, #tpu.memory_space<vmem>>[vector<16xi32>], vector<16xf32>,
        %parallel_loop3A_957 = arith.constant 512 : i32
        %parallel_loop3A_958 = arith.addi %parallel_loop3A_957, %parallel_loop3A_144 : i32
        %parallel_loop3A_959 = arith.constant 0 : i32
        %parallel_loop3A_960 = arith.constant 7 : i32
        %parallel_loop3A_961 = arith.constant 0 : i32
        %parallel_loop3A_962 = arith.index_cast %parallel_loop3A_959 : i32 to index
        %parallel_loop3A_963 = arith.index_cast %parallel_loop3A_960 : i32 to index
        %parallel_loop3A_964 = arith.index_cast %parallel_loop3A_961 : i32 to index
        %parallel_loop3A_965 = arith.index_cast %parallel_loop3A_958 : i32 to index
        %parallel_loop3A_966 = tpu.vector_load %arg15[%parallel_loop3A_962, %parallel_loop3A_963, %parallel_loop3A_964, %parallel_loop3A_965] {strides = array<i32>} : memref<1x8x1x1024xf32, #tpu.memory_space<vmem>>, vector<16xf32>,
        tpu.vector_store %arg15[%parallel_loop3A_962, %parallel_loop3A_963, %parallel_loop3A_964, %parallel_loop3A_965], %parallel_loop3A_956 {strides = array<i32>} : memref<1x8x1x1024xf32, #tpu.memory_space<vmem>>, vector<16xf32>,
        %parallel_loop3A_967 = arith.constant 56 : i32
        %parallel_loop3A_968 = tpu.memref_slice %arg12[%parallel_loop3A_967] : memref<65129xf32, #tpu.memory_space<vmem>> -> memref<65065xf32, #tpu.memory_space<vmem>>
        %parallel_loop3A_969 = tpu.vector_load_idx %parallel_loop3A_968[%parallel_loop3A_167] : memref<65065xf32, #tpu.memory_space<vmem>>[vector<16xi32>], vector<16xf32>,
        %parallel_loop3A_970 = arith.constant 640 : i32
        %parallel_loop3A_971 = arith.addi %parallel_loop3A_970, %parallel_loop3A_144 : i32
        %parallel_loop3A_972 = arith.constant 0 : i32
        %parallel_loop3A_973 = arith.constant 7 : i32
        %parallel_loop3A_974 = arith.constant 0 : i32
        %parallel_loop3A_975 = arith.index_cast %parallel_loop3A_972 : i32 to index
        %parallel_loop3A_976 = arith.index_cast %parallel_loop3A_973 : i32 to index
        %parallel_loop3A_977 = arith.index_cast %parallel_loop3A_974 : i32 to index
        %parallel_loop3A_978 = arith.index_cast %parallel_loop3A_971 : i32 to index
        %parallel_loop3A_979 = tpu.vector_load %arg15[%parallel_loop3A_975, %parallel_loop3A_976, %parallel_loop3A_977, %parallel_loop3A_978] {strides = array<i32>} : memref<1x8x1x1024xf32, #tpu.memory_space<vmem>>, vector<16xf32>,
        tpu.vector_store %arg15[%parallel_loop3A_975, %parallel_loop3A_976, %parallel_loop3A_977, %parallel_loop3A_978], %parallel_loop3A_969 {strides = array<i32>} : memref<1x8x1x1024xf32, #tpu.memory_space<vmem>>, vector<16xf32>,
        %parallel_loop3A_980 = arith.constant 56 : i32
        %parallel_loop3A_981 = tpu.memref_slice %arg12[%parallel_loop3A_980] : memref<65129xf32, #tpu.memory_space<vmem>> -> memref<65065xf32, #tpu.memory_space<vmem>>
        %parallel_loop3A_982 = tpu.vector_load_idx %parallel_loop3A_981[%parallel_loop3A_170] : memref<65065xf32, #tpu.memory_space<vmem>>[vector<16xi32>], vector<16xf32>,
        %parallel_loop3A_983 = arith.constant 768 : i32
        %parallel_loop3A_984 = arith.addi %parallel_loop3A_983, %parallel_loop3A_144 : i32
        %parallel_loop3A_985 = arith.constant 0 : i32
        %parallel_loop3A_986 = arith.constant 7 : i32
        %parallel_loop3A_987 = arith.constant 0 : i32
        %parallel_loop3A_988 = arith.index_cast %parallel_loop3A_985 : i32 to index
        %parallel_loop3A_989 = arith.index_cast %parallel_loop3A_986 : i32 to index
        %parallel_loop3A_990 = arith.index_cast %parallel_loop3A_987 : i32 to index
        %parallel_loop3A_991 = arith.index_cast %parallel_loop3A_984 : i32 to index
        %parallel_loop3A_992 = tpu.vector_load %arg15[%parallel_loop3A_988, %parallel_loop3A_989, %parallel_loop3A_990, %parallel_loop3A_991] {strides = array<i32>} : memref<1x8x1x1024xf32, #tpu.memory_space<vmem>>, vector<16xf32>,
        tpu.vector_store %arg15[%parallel_loop3A_988, %parallel_loop3A_989, %parallel_loop3A_990, %parallel_loop3A_991], %parallel_loop3A_982 {strides = array<i32>} : memref<1x8x1x1024xf32, #tpu.memory_space<vmem>>, vector<16xf32>,
        %parallel_loop3A_993 = arith.constant 56 : i32
        %parallel_loop3A_994 = tpu.memref_slice %arg12[%parallel_loop3A_993] : memref<65129xf32, #tpu.memory_space<vmem>> -> memref<65065xf32, #tpu.memory_space<vmem>>
        %parallel_loop3A_995 = tpu.vector_load_idx %parallel_loop3A_994[%parallel_loop3A_173] : memref<65065xf32, #tpu.memory_space<vmem>>[vector<16xi32>], vector<16xf32>,
        %parallel_loop3A_996 = arith.constant 896 : i32
        %parallel_loop3A_997 = arith.addi %parallel_loop3A_996, %parallel_loop3A_144 : i32
        %parallel_loop3A_998 = arith.constant 0 : i32
        %parallel_loop3A_999 = arith.constant 7 : i32
        %parallel_loop3A_1000 = arith.constant 0 : i32
        %parallel_loop3A_1001 = arith.index_cast %parallel_loop3A_998 : i32 to index
        %parallel_loop3A_1002 = arith.index_cast %parallel_loop3A_999 : i32 to index
        %parallel_loop3A_1003 = arith.index_cast %parallel_loop3A_1000 : i32 to index
        %parallel_loop3A_1004 = arith.index_cast %parallel_loop3A_997 : i32 to index
        %parallel_loop3A_1005 = tpu.vector_load %arg15[%parallel_loop3A_1001, %parallel_loop3A_1002, %parallel_loop3A_1003, %parallel_loop3A_1004] {strides = array<i32>} : memref<1x8x1x1024xf32, #tpu.memory_space<vmem>>, vector<16xf32>,
        tpu.vector_store %arg15[%parallel_loop3A_1001, %parallel_loop3A_1002, %parallel_loop3A_1003, %parallel_loop3A_1004], %parallel_loop3A_995 {strides = array<i32>} : memref<1x8x1x1024xf32, #tpu.memory_space<vmem>>, vector<16xf32>,
      } {sc.loop_unroll_factor = 1 : i64, sc.parallel_access}
      %mul3A_88 = arith.constant 4 : i32
      %mul3A_89 = arith.muli %add3A, %mul3A_88 : i32
      %add3A_90 = arith.addi %mul3A_89, %scan3A_83 : i32
      %dma_start3A_91 = arith.constant 0 : i32
      %dma_start3A_92 = arith.constant 0 : i32
      %dma_start3A_93 = arith.constant 0 : i32
      %dma_start3A_94 = tpu.memref_slice %arg8[%dma_start3A_91, %dma_start3A_92, %add3A_90, %dma_start3A_93] : memref<3x8x128x1024xf32, #tpu.memory_space<hbm>> -> memref<1x8x1x1024xf32, #tpu.memory_space<hbm>>
      %dma_start3A_95 = arith.constant 0 : i32
      %dma_start3A_96 = arith.constant 0 : i32
      %dma_start3A_97 = arith.constant 0 : i32
      %dma_start3A_98 = tpu.memref_slice %arg8[%dma_start3A_95, %dma_start3A_96, %add3A_90, %dma_start3A_97] : memref<3x8x128x1024xf32, #tpu.memory_space<hbm>> -> memref<1x8x1x1024xf32, #tpu.memory_space<hbm>>
      tpu.enqueue_dma source(%arg15 : memref<1x8x1x1024xf32, #tpu.memory_space<vmem>>) target(%dma_start3A_98 : memref<1x8x1x1024xf32, #tpu.memory_space<hbm>>) target_semaphore(%arg19 : memref<!tpu.dma_semaphore, #tpu.memory_space<semaphore_mem>>)
      %gt3A_99 = arith.constant 0 : i32
      %gt3A_100 = arith.cmpi sgt, %scan3A_83, %gt3A_99 : i32
      %convert_element_type3A_101 = arith.extui %gt3A_100 : i1 to i32
      %cond3A_102 = arith.constant 0 : i32
      %cond3A_103 = arith.cmpi ne, %convert_element_type3A_101, %cond3A_102 : i32
      scf.if %cond3A_103 {
        %mul3A_137 = arith.constant 4 : i32
        %mul3A_138 = arith.muli %add3A, %mul3A_137 : i32
        %add3A_139 = arith.addi %mul3A_138, %scan3A_83 : i32
        %sub3A_140 = arith.constant 1 : i32
        %sub3A_141 = arith.subi %add3A_139, %sub3A_140 : i32
        %dma_wait3A_142 = arith.constant 1 : i32
        %dma_wait3A_143 = arith.constant 0 : i32
        %dma_wait3A_144 = arith.constant 0 : i32
        %dma_wait3A_145 = tpu.memref_slice %arg8[%dma_wait3A_142, %dma_wait3A_143, %sub3A_141, %dma_wait3A_144] : memref<3x8x128x1024xf32, #tpu.memory_space<hbm>> -> memref<1x8x1x1024xf32, #tpu.memory_space<hbm>>
        %dma_wait3A_146 = arith.constant 1 : i32
        %dma_wait3A_147 = arith.constant 0 : i32
        %dma_wait3A_148 = arith.constant 0 : i32
        %dma_wait3A_149 = tpu.memref_slice %arg8[%dma_wait3A_146, %dma_wait3A_147, %sub3A_141, %dma_wait3A_148] : memref<3x8x128x1024xf32, #tpu.memory_space<hbm>> -> memref<1x8x1x1024xf32, #tpu.memory_space<hbm>>
        tpu.wait_dma2 semaphore(%arg20 : memref<!tpu.dma_semaphore, #tpu.memory_space<semaphore_mem>>) src(%arg16 : memref<1x8x1x1024xf32, #tpu.memory_space<vmem>>) dst(%dma_wait3A_149 : memref<1x8x1x1024xf32, #tpu.memory_space<hbm>>)
      } else {
      }
      %parallel_loop3A_104 = arith.constant 0 : i32
      %parallel_loop3A_105 = arith.constant 8 : i32
      %parallel_loop3A_106 = arith.constant 1 : i32
      scf.for %parallel_loop3A_137 = %parallel_loop3A_104 to %parallel_loop3A_105 step %parallel_loop3A_106  : i32 {
        %parallel_loop3A_138 = arith.constant 128 : i32
        %parallel_loop3A_139 = arith.muli %scan3A_83, %parallel_loop3A_138 : i32
        %parallel_loop3A_140 = arith.constant 16 : i32
        %parallel_loop3A_141 = arith.muli %parallel_loop3A_137, %parallel_loop3A_140 : i32
        %parallel_loop3A_142 = arith.addi %parallel_loop3A_139, %parallel_loop3A_141 : i32
        %parallel_loop3A_143 = arith.constant 16 : i32
        %parallel_loop3A_144 = arith.muli %parallel_loop3A_137, %parallel_loop3A_143 : i32
        %parallel_loop3A_145 = arith.index_cast %parallel_loop3A_142 : i32 to index
        %parallel_loop3A_146 = tpu.vector_load %arg10[%parallel_loop3A_145] {strides = array<i32>} : memref<512xi32, #tpu.memory_space<vmem>>, vector<16xi32>,
        %parallel_loop3A_147 = arith.constant 65 : i32
        %parallel_loop3A_148 = vector.broadcast %parallel_loop3A_147 : i32 to vector<16xi32>
        %parallel_loop3A_149 = arith.muli %parallel_loop3A_146, %parallel_loop3A_148 : vector<16xi32>
        %parallel_loop3A_150 = arith.constant 0 : i32
        %parallel_loop3A_151 = vector.broadcast %parallel_loop3A_150 : i32 to vector<16xi32>
        %parallel_loop3A_152 = arith.addi %parallel_loop3A_149, %parallel_loop3A_151 : vector<16xi32>
        %parallel_loop3A_153 = arith.constant 1 : i32
        %parallel_loop3A_154 = vector.broadcast %parallel_loop3A_153 : i32 to vector<16xi32>
        %parallel_loop3A_155 = arith.addi %parallel_loop3A_149, %parallel_loop3A_154 : vector<16xi32>
        %parallel_loop3A_156 = arith.constant 2 : i32
        %parallel_loop3A_157 = vector.broadcast %parallel_loop3A_156 : i32 to vector<16xi32>
        %parallel_loop3A_158 = arith.addi %parallel_loop3A_149, %parallel_loop3A_157 : vector<16xi32>
        %parallel_loop3A_159 = arith.constant 3 : i32
        %parallel_loop3A_160 = vector.broadcast %parallel_loop3A_159 : i32 to vector<16xi32>
        %parallel_loop3A_161 = arith.addi %parallel_loop3A_149, %parallel_loop3A_160 : vector<16xi32>
        %parallel_loop3A_162 = arith.constant 4 : i32
        %parallel_loop3A_163 = vector.broadcast %parallel_loop3A_162 : i32 to vector<16xi32>
        %parallel_loop3A_164 = arith.addi %parallel_loop3A_149, %parallel_loop3A_163 : vector<16xi32>
        %parallel_loop3A_165 = arith.constant 5 : i32
        %parallel_loop3A_166 = vector.broadcast %parallel_loop3A_165 : i32 to vector<16xi32>
        %parallel_loop3A_167 = arith.addi %parallel_loop3A_149, %parallel_loop3A_166 : vector<16xi32>
        %parallel_loop3A_168 = arith.constant 6 : i32
        %parallel_loop3A_169 = vector.broadcast %parallel_loop3A_168 : i32 to vector<16xi32>
        %parallel_loop3A_170 = arith.addi %parallel_loop3A_149, %parallel_loop3A_169 : vector<16xi32>
        %parallel_loop3A_171 = arith.constant 7 : i32
        %parallel_loop3A_172 = vector.broadcast %parallel_loop3A_171 : i32 to vector<16xi32>
        %parallel_loop3A_173 = arith.addi %parallel_loop3A_149, %parallel_loop3A_172 : vector<16xi32>
        %parallel_loop3A_174 = arith.constant 0 : i32
        %parallel_loop3A_175 = tpu.memref_slice %arg13[%parallel_loop3A_174] : memref<6629xf32, #tpu.memory_space<vmem>> -> memref<6565xf32, #tpu.memory_space<vmem>>
        %parallel_loop3A_176 = tpu.vector_load_idx %parallel_loop3A_175[%parallel_loop3A_152] : memref<6565xf32, #tpu.memory_space<vmem>>[vector<16xi32>], vector<16xf32>,
        %parallel_loop3A_177 = arith.constant 0 : i32
        %parallel_loop3A_178 = arith.addi %parallel_loop3A_177, %parallel_loop3A_144 : i32
        %parallel_loop3A_179 = arith.constant 0 : i32
        %parallel_loop3A_180 = arith.constant 0 : i32
        %parallel_loop3A_181 = arith.constant 0 : i32
        %parallel_loop3A_182 = arith.index_cast %parallel_loop3A_179 : i32 to index
        %parallel_loop3A_183 = arith.index_cast %parallel_loop3A_180 : i32 to index
        %parallel_loop3A_184 = arith.index_cast %parallel_loop3A_181 : i32 to index
        %parallel_loop3A_185 = arith.index_cast %parallel_loop3A_178 : i32 to index
        %parallel_loop3A_186 = tpu.vector_load %arg16[%parallel_loop3A_182, %parallel_loop3A_183, %parallel_loop3A_184, %parallel_loop3A_185] {strides = array<i32>} : memref<1x8x1x1024xf32, #tpu.memory_space<vmem>>, vector<16xf32>,
        tpu.vector_store %arg16[%parallel_loop3A_182, %parallel_loop3A_183, %parallel_loop3A_184, %parallel_loop3A_185], %parallel_loop3A_176 {strides = array<i32>} : memref<1x8x1x1024xf32, #tpu.memory_space<vmem>>, vector<16xf32>,
        %parallel_loop3A_187 = arith.constant 0 : i32
        %parallel_loop3A_188 = tpu.memref_slice %arg13[%parallel_loop3A_187] : memref<6629xf32, #tpu.memory_space<vmem>> -> memref<6565xf32, #tpu.memory_space<vmem>>
        %parallel_loop3A_189 = tpu.vector_load_idx %parallel_loop3A_188[%parallel_loop3A_155] : memref<6565xf32, #tpu.memory_space<vmem>>[vector<16xi32>], vector<16xf32>,
        %parallel_loop3A_190 = arith.constant 128 : i32
        %parallel_loop3A_191 = arith.addi %parallel_loop3A_190, %parallel_loop3A_144 : i32
        %parallel_loop3A_192 = arith.constant 0 : i32
        %parallel_loop3A_193 = arith.constant 0 : i32
        %parallel_loop3A_194 = arith.constant 0 : i32
        %parallel_loop3A_195 = arith.index_cast %parallel_loop3A_192 : i32 to index
        %parallel_loop3A_196 = arith.index_cast %parallel_loop3A_193 : i32 to index
        %parallel_loop3A_197 = arith.index_cast %parallel_loop3A_194 : i32 to index
        %parallel_loop3A_198 = arith.index_cast %parallel_loop3A_191 : i32 to index
        %parallel_loop3A_199 = tpu.vector_load %arg16[%parallel_loop3A_195, %parallel_loop3A_196, %parallel_loop3A_197, %parallel_loop3A_198] {strides = array<i32>} : memref<1x8x1x1024xf32, #tpu.memory_space<vmem>>, vector<16xf32>,
        tpu.vector_store %arg16[%parallel_loop3A_195, %parallel_loop3A_196, %parallel_loop3A_197, %parallel_loop3A_198], %parallel_loop3A_189 {strides = array<i32>} : memref<1x8x1x1024xf32, #tpu.memory_space<vmem>>, vector<16xf32>,
        %parallel_loop3A_200 = arith.constant 0 : i32
        %parallel_loop3A_201 = tpu.memref_slice %arg13[%parallel_loop3A_200] : memref<6629xf32, #tpu.memory_space<vmem>> -> memref<6565xf32, #tpu.memory_space<vmem>>
        %parallel_loop3A_202 = tpu.vector_load_idx %parallel_loop3A_201[%parallel_loop3A_158] : memref<6565xf32, #tpu.memory_space<vmem>>[vector<16xi32>], vector<16xf32>,
        %parallel_loop3A_203 = arith.constant 256 : i32
        %parallel_loop3A_204 = arith.addi %parallel_loop3A_203, %parallel_loop3A_144 : i32
        %parallel_loop3A_205 = arith.constant 0 : i32
        %parallel_loop3A_206 = arith.constant 0 : i32
        %parallel_loop3A_207 = arith.constant 0 : i32
        %parallel_loop3A_208 = arith.index_cast %parallel_loop3A_205 : i32 to index
        %parallel_loop3A_209 = arith.index_cast %parallel_loop3A_206 : i32 to index
        %parallel_loop3A_210 = arith.index_cast %parallel_loop3A_207 : i32 to index
        %parallel_loop3A_211 = arith.index_cast %parallel_loop3A_204 : i32 to index
        %parallel_loop3A_212 = tpu.vector_load %arg16[%parallel_loop3A_208, %parallel_loop3A_209, %parallel_loop3A_210, %parallel_loop3A_211] {strides = array<i32>} : memref<1x8x1x1024xf32, #tpu.memory_space<vmem>>, vector<16xf32>,
        tpu.vector_store %arg16[%parallel_loop3A_208, %parallel_loop3A_209, %parallel_loop3A_210, %parallel_loop3A_211], %parallel_loop3A_202 {strides = array<i32>} : memref<1x8x1x1024xf32, #tpu.memory_space<vmem>>, vector<16xf32>,
        %parallel_loop3A_213 = arith.constant 0 : i32
        %parallel_loop3A_214 = tpu.memref_slice %arg13[%parallel_loop3A_213] : memref<6629xf32, #tpu.memory_space<vmem>> -> memref<6565xf32, #tpu.memory_space<vmem>>
        %parallel_loop3A_215 = tpu.vector_load_idx %parallel_loop3A_214[%parallel_loop3A_161] : memref<6565xf32, #tpu.memory_space<vmem>>[vector<16xi32>], vector<16xf32>,
        %parallel_loop3A_216 = arith.constant 384 : i32
        %parallel_loop3A_217 = arith.addi %parallel_loop3A_216, %parallel_loop3A_144 : i32
        %parallel_loop3A_218 = arith.constant 0 : i32
        %parallel_loop3A_219 = arith.constant 0 : i32
        %parallel_loop3A_220 = arith.constant 0 : i32
        %parallel_loop3A_221 = arith.index_cast %parallel_loop3A_218 : i32 to index
        %parallel_loop3A_222 = arith.index_cast %parallel_loop3A_219 : i32 to index
        %parallel_loop3A_223 = arith.index_cast %parallel_loop3A_220 : i32 to index
        %parallel_loop3A_224 = arith.index_cast %parallel_loop3A_217 : i32 to index
        %parallel_loop3A_225 = tpu.vector_load %arg16[%parallel_loop3A_221, %parallel_loop3A_222, %parallel_loop3A_223, %parallel_loop3A_224] {strides = array<i32>} : memref<1x8x1x1024xf32, #tpu.memory_space<vmem>>, vector<16xf32>,
        tpu.vector_store %arg16[%parallel_loop3A_221, %parallel_loop3A_222, %parallel_loop3A_223, %parallel_loop3A_224], %parallel_loop3A_215 {strides = array<i32>} : memref<1x8x1x1024xf32, #tpu.memory_space<vmem>>, vector<16xf32>,
        %parallel_loop3A_226 = arith.constant 0 : i32
        %parallel_loop3A_227 = tpu.memref_slice %arg13[%parallel_loop3A_226] : memref<6629xf32, #tpu.memory_space<vmem>> -> memref<6565xf32, #tpu.memory_space<vmem>>
        %parallel_loop3A_228 = tpu.vector_load_idx %parallel_loop3A_227[%parallel_loop3A_164] : memref<6565xf32, #tpu.memory_space<vmem>>[vector<16xi32>], vector<16xf32>,
        %parallel_loop3A_229 = arith.constant 512 : i32
        %parallel_loop3A_230 = arith.addi %parallel_loop3A_229, %parallel_loop3A_144 : i32
        %parallel_loop3A_231 = arith.constant 0 : i32
        %parallel_loop3A_232 = arith.constant 0 : i32
        %parallel_loop3A_233 = arith.constant 0 : i32
        %parallel_loop3A_234 = arith.index_cast %parallel_loop3A_231 : i32 to index
        %parallel_loop3A_235 = arith.index_cast %parallel_loop3A_232 : i32 to index
        %parallel_loop3A_236 = arith.index_cast %parallel_loop3A_233 : i32 to index
        %parallel_loop3A_237 = arith.index_cast %parallel_loop3A_230 : i32 to index
        %parallel_loop3A_238 = tpu.vector_load %arg16[%parallel_loop3A_234, %parallel_loop3A_235, %parallel_loop3A_236, %parallel_loop3A_237] {strides = array<i32>} : memref<1x8x1x1024xf32, #tpu.memory_space<vmem>>, vector<16xf32>,
        tpu.vector_store %arg16[%parallel_loop3A_234, %parallel_loop3A_235, %parallel_loop3A_236, %parallel_loop3A_237], %parallel_loop3A_228 {strides = array<i32>} : memref<1x8x1x1024xf32, #tpu.memory_space<vmem>>, vector<16xf32>,
        %parallel_loop3A_239 = arith.constant 0 : i32
        %parallel_loop3A_240 = tpu.memref_slice %arg13[%parallel_loop3A_239] : memref<6629xf32, #tpu.memory_space<vmem>> -> memref<6565xf32, #tpu.memory_space<vmem>>
        %parallel_loop3A_241 = tpu.vector_load_idx %parallel_loop3A_240[%parallel_loop3A_167] : memref<6565xf32, #tpu.memory_space<vmem>>[vector<16xi32>], vector<16xf32>,
        %parallel_loop3A_242 = arith.constant 640 : i32
        %parallel_loop3A_243 = arith.addi %parallel_loop3A_242, %parallel_loop3A_144 : i32
        %parallel_loop3A_244 = arith.constant 0 : i32
        %parallel_loop3A_245 = arith.constant 0 : i32
        %parallel_loop3A_246 = arith.constant 0 : i32
        %parallel_loop3A_247 = arith.index_cast %parallel_loop3A_244 : i32 to index
        %parallel_loop3A_248 = arith.index_cast %parallel_loop3A_245 : i32 to index
        %parallel_loop3A_249 = arith.index_cast %parallel_loop3A_246 : i32 to index
        %parallel_loop3A_250 = arith.index_cast %parallel_loop3A_243 : i32 to index
        %parallel_loop3A_251 = tpu.vector_load %arg16[%parallel_loop3A_247, %parallel_loop3A_248, %parallel_loop3A_249, %parallel_loop3A_250] {strides = array<i32>} : memref<1x8x1x1024xf32, #tpu.memory_space<vmem>>, vector<16xf32>,
        tpu.vector_store %arg16[%parallel_loop3A_247, %parallel_loop3A_248, %parallel_loop3A_249, %parallel_loop3A_250], %parallel_loop3A_241 {strides = array<i32>} : memref<1x8x1x1024xf32, #tpu.memory_space<vmem>>, vector<16xf32>,
        %parallel_loop3A_252 = arith.constant 0 : i32
        %parallel_loop3A_253 = tpu.memref_slice %arg13[%parallel_loop3A_252] : memref<6629xf32, #tpu.memory_space<vmem>> -> memref<6565xf32, #tpu.memory_space<vmem>>
        %parallel_loop3A_254 = tpu.vector_load_idx %parallel_loop3A_253[%parallel_loop3A_170] : memref<6565xf32, #tpu.memory_space<vmem>>[vector<16xi32>], vector<16xf32>,
        %parallel_loop3A_255 = arith.constant 768 : i32
        %parallel_loop3A_256 = arith.addi %parallel_loop3A_255, %parallel_loop3A_144 : i32
        %parallel_loop3A_257 = arith.constant 0 : i32
        %parallel_loop3A_258 = arith.constant 0 : i32
        %parallel_loop3A_259 = arith.constant 0 : i32
        %parallel_loop3A_260 = arith.index_cast %parallel_loop3A_257 : i32 to index
        %parallel_loop3A_261 = arith.index_cast %parallel_loop3A_258 : i32 to index
        %parallel_loop3A_262 = arith.index_cast %parallel_loop3A_259 : i32 to index
        %parallel_loop3A_263 = arith.index_cast %parallel_loop3A_256 : i32 to index
        %parallel_loop3A_264 = tpu.vector_load %arg16[%parallel_loop3A_260, %parallel_loop3A_261, %parallel_loop3A_262, %parallel_loop3A_263] {strides = array<i32>} : memref<1x8x1x1024xf32, #tpu.memory_space<vmem>>, vector<16xf32>,
        tpu.vector_store %arg16[%parallel_loop3A_260, %parallel_loop3A_261, %parallel_loop3A_262, %parallel_loop3A_263], %parallel_loop3A_254 {strides = array<i32>} : memref<1x8x1x1024xf32, #tpu.memory_space<vmem>>, vector<16xf32>,
        %parallel_loop3A_265 = arith.constant 0 : i32
        %parallel_loop3A_266 = tpu.memref_slice %arg13[%parallel_loop3A_265] : memref<6629xf32, #tpu.memory_space<vmem>> -> memref<6565xf32, #tpu.memory_space<vmem>>
        %parallel_loop3A_267 = tpu.vector_load_idx %parallel_loop3A_266[%parallel_loop3A_173] : memref<6565xf32, #tpu.memory_space<vmem>>[vector<16xi32>], vector<16xf32>,
        %parallel_loop3A_268 = arith.constant 896 : i32
        %parallel_loop3A_269 = arith.addi %parallel_loop3A_268, %parallel_loop3A_144 : i32
        %parallel_loop3A_270 = arith.constant 0 : i32
        %parallel_loop3A_271 = arith.constant 0 : i32
        %parallel_loop3A_272 = arith.constant 0 : i32
        %parallel_loop3A_273 = arith.index_cast %parallel_loop3A_270 : i32 to index
        %parallel_loop3A_274 = arith.index_cast %parallel_loop3A_271 : i32 to index
        %parallel_loop3A_275 = arith.index_cast %parallel_loop3A_272 : i32 to index
        %parallel_loop3A_276 = arith.index_cast %parallel_loop3A_269 : i32 to index
        %parallel_loop3A_277 = tpu.vector_load %arg16[%parallel_loop3A_273, %parallel_loop3A_274, %parallel_loop3A_275, %parallel_loop3A_276] {strides = array<i32>} : memref<1x8x1x1024xf32, #tpu.memory_space<vmem>>, vector<16xf32>,
        tpu.vector_store %arg16[%parallel_loop3A_273, %parallel_loop3A_274, %parallel_loop3A_275, %parallel_loop3A_276], %parallel_loop3A_267 {strides = array<i32>} : memref<1x8x1x1024xf32, #tpu.memory_space<vmem>>, vector<16xf32>,
        %parallel_loop3A_278 = arith.constant 8 : i32
        %parallel_loop3A_279 = tpu.memref_slice %arg13[%parallel_loop3A_278] : memref<6629xf32, #tpu.memory_space<vmem>> -> memref<6565xf32, #tpu.memory_space<vmem>>
        %parallel_loop3A_280 = tpu.vector_load_idx %parallel_loop3A_279[%parallel_loop3A_152] : memref<6565xf32, #tpu.memory_space<vmem>>[vector<16xi32>], vector<16xf32>,
        %parallel_loop3A_281 = arith.constant 0 : i32
        %parallel_loop3A_282 = arith.addi %parallel_loop3A_281, %parallel_loop3A_144 : i32
        %parallel_loop3A_283 = arith.constant 0 : i32
        %parallel_loop3A_284 = arith.constant 1 : i32
        %parallel_loop3A_285 = arith.constant 0 : i32
        %parallel_loop3A_286 = arith.index_cast %parallel_loop3A_283 : i32 to index
        %parallel_loop3A_287 = arith.index_cast %parallel_loop3A_284 : i32 to index
        %parallel_loop3A_288 = arith.index_cast %parallel_loop3A_285 : i32 to index
        %parallel_loop3A_289 = arith.index_cast %parallel_loop3A_282 : i32 to index
        %parallel_loop3A_290 = tpu.vector_load %arg16[%parallel_loop3A_286, %parallel_loop3A_287, %parallel_loop3A_288, %parallel_loop3A_289] {strides = array<i32>} : memref<1x8x1x1024xf32, #tpu.memory_space<vmem>>, vector<16xf32>,
        tpu.vector_store %arg16[%parallel_loop3A_286, %parallel_loop3A_287, %parallel_loop3A_288, %parallel_loop3A_289], %parallel_loop3A_280 {strides = array<i32>} : memref<1x8x1x1024xf32, #tpu.memory_space<vmem>>, vector<16xf32>,
        %parallel_loop3A_291 = arith.constant 8 : i32
        %parallel_loop3A_292 = tpu.memref_slice %arg13[%parallel_loop3A_291] : memref<6629xf32, #tpu.memory_space<vmem>> -> memref<6565xf32, #tpu.memory_space<vmem>>
        %parallel_loop3A_293 = tpu.vector_load_idx %parallel_loop3A_292[%parallel_loop3A_155] : memref<6565xf32, #tpu.memory_space<vmem>>[vector<16xi32>], vector<16xf32>,
        %parallel_loop3A_294 = arith.constant 128 : i32
        %parallel_loop3A_295 = arith.addi %parallel_loop3A_294, %parallel_loop3A_144 : i32
        %parallel_loop3A_296 = arith.constant 0 : i32
        %parallel_loop3A_297 = arith.constant 1 : i32
        %parallel_loop3A_298 = arith.constant 0 : i32
        %parallel_loop3A_299 = arith.index_cast %parallel_loop3A_296 : i32 to index
        %parallel_loop3A_300 = arith.index_cast %parallel_loop3A_297 : i32 to index
        %parallel_loop3A_301 = arith.index_cast %parallel_loop3A_298 : i32 to index
        %parallel_loop3A_302 = arith.index_cast %parallel_loop3A_295 : i32 to index
        %parallel_loop3A_303 = tpu.vector_load %arg16[%parallel_loop3A_299, %parallel_loop3A_300, %parallel_loop3A_301, %parallel_loop3A_302] {strides = array<i32>} : memref<1x8x1x1024xf32, #tpu.memory_space<vmem>>, vector<16xf32>,
        tpu.vector_store %arg16[%parallel_loop3A_299, %parallel_loop3A_300, %parallel_loop3A_301, %parallel_loop3A_302], %parallel_loop3A_293 {strides = array<i32>} : memref<1x8x1x1024xf32, #tpu.memory_space<vmem>>, vector<16xf32>,
        %parallel_loop3A_304 = arith.constant 8 : i32
        %parallel_loop3A_305 = tpu.memref_slice %arg13[%parallel_loop3A_304] : memref<6629xf32, #tpu.memory_space<vmem>> -> memref<6565xf32, #tpu.memory_space<vmem>>
        %parallel_loop3A_306 = tpu.vector_load_idx %parallel_loop3A_305[%parallel_loop3A_158] : memref<6565xf32, #tpu.memory_space<vmem>>[vector<16xi32>], vector<16xf32>,
        %parallel_loop3A_307 = arith.constant 256 : i32
        %parallel_loop3A_308 = arith.addi %parallel_loop3A_307, %parallel_loop3A_144 : i32
        %parallel_loop3A_309 = arith.constant 0 : i32
        %parallel_loop3A_310 = arith.constant 1 : i32
        %parallel_loop3A_311 = arith.constant 0 : i32
        %parallel_loop3A_312 = arith.index_cast %parallel_loop3A_309 : i32 to index
        %parallel_loop3A_313 = arith.index_cast %parallel_loop3A_310 : i32 to index
        %parallel_loop3A_314 = arith.index_cast %parallel_loop3A_311 : i32 to index
        %parallel_loop3A_315 = arith.index_cast %parallel_loop3A_308 : i32 to index
        %parallel_loop3A_316 = tpu.vector_load %arg16[%parallel_loop3A_312, %parallel_loop3A_313, %parallel_loop3A_314, %parallel_loop3A_315] {strides = array<i32>} : memref<1x8x1x1024xf32, #tpu.memory_space<vmem>>, vector<16xf32>,
        tpu.vector_store %arg16[%parallel_loop3A_312, %parallel_loop3A_313, %parallel_loop3A_314, %parallel_loop3A_315], %parallel_loop3A_306 {strides = array<i32>} : memref<1x8x1x1024xf32, #tpu.memory_space<vmem>>, vector<16xf32>,
        %parallel_loop3A_317 = arith.constant 8 : i32
        %parallel_loop3A_318 = tpu.memref_slice %arg13[%parallel_loop3A_317] : memref<6629xf32, #tpu.memory_space<vmem>> -> memref<6565xf32, #tpu.memory_space<vmem>>
        %parallel_loop3A_319 = tpu.vector_load_idx %parallel_loop3A_318[%parallel_loop3A_161] : memref<6565xf32, #tpu.memory_space<vmem>>[vector<16xi32>], vector<16xf32>,
        %parallel_loop3A_320 = arith.constant 384 : i32
        %parallel_loop3A_321 = arith.addi %parallel_loop3A_320, %parallel_loop3A_144 : i32
        %parallel_loop3A_322 = arith.constant 0 : i32
        %parallel_loop3A_323 = arith.constant 1 : i32
        %parallel_loop3A_324 = arith.constant 0 : i32
        %parallel_loop3A_325 = arith.index_cast %parallel_loop3A_322 : i32 to index
        %parallel_loop3A_326 = arith.index_cast %parallel_loop3A_323 : i32 to index
        %parallel_loop3A_327 = arith.index_cast %parallel_loop3A_324 : i32 to index
        %parallel_loop3A_328 = arith.index_cast %parallel_loop3A_321 : i32 to index
        %parallel_loop3A_329 = tpu.vector_load %arg16[%parallel_loop3A_325, %parallel_loop3A_326, %parallel_loop3A_327, %parallel_loop3A_328] {strides = array<i32>} : memref<1x8x1x1024xf32, #tpu.memory_space<vmem>>, vector<16xf32>,
        tpu.vector_store %arg16[%parallel_loop3A_325, %parallel_loop3A_326, %parallel_loop3A_327, %parallel_loop3A_328], %parallel_loop3A_319 {strides = array<i32>} : memref<1x8x1x1024xf32, #tpu.memory_space<vmem>>, vector<16xf32>,
        %parallel_loop3A_330 = arith.constant 8 : i32
        %parallel_loop3A_331 = tpu.memref_slice %arg13[%parallel_loop3A_330] : memref<6629xf32, #tpu.memory_space<vmem>> -> memref<6565xf32, #tpu.memory_space<vmem>>
        %parallel_loop3A_332 = tpu.vector_load_idx %parallel_loop3A_331[%parallel_loop3A_164] : memref<6565xf32, #tpu.memory_space<vmem>>[vector<16xi32>], vector<16xf32>,
        %parallel_loop3A_333 = arith.constant 512 : i32
        %parallel_loop3A_334 = arith.addi %parallel_loop3A_333, %parallel_loop3A_144 : i32
        %parallel_loop3A_335 = arith.constant 0 : i32
        %parallel_loop3A_336 = arith.constant 1 : i32
        %parallel_loop3A_337 = arith.constant 0 : i32
        %parallel_loop3A_338 = arith.index_cast %parallel_loop3A_335 : i32 to index
        %parallel_loop3A_339 = arith.index_cast %parallel_loop3A_336 : i32 to index
        %parallel_loop3A_340 = arith.index_cast %parallel_loop3A_337 : i32 to index
        %parallel_loop3A_341 = arith.index_cast %parallel_loop3A_334 : i32 to index
        %parallel_loop3A_342 = tpu.vector_load %arg16[%parallel_loop3A_338, %parallel_loop3A_339, %parallel_loop3A_340, %parallel_loop3A_341] {strides = array<i32>} : memref<1x8x1x1024xf32, #tpu.memory_space<vmem>>, vector<16xf32>,
        tpu.vector_store %arg16[%parallel_loop3A_338, %parallel_loop3A_339, %parallel_loop3A_340, %parallel_loop3A_341], %parallel_loop3A_332 {strides = array<i32>} : memref<1x8x1x1024xf32, #tpu.memory_space<vmem>>, vector<16xf32>,
        %parallel_loop3A_343 = arith.constant 8 : i32
        %parallel_loop3A_344 = tpu.memref_slice %arg13[%parallel_loop3A_343] : memref<6629xf32, #tpu.memory_space<vmem>> -> memref<6565xf32, #tpu.memory_space<vmem>>
        %parallel_loop3A_345 = tpu.vector_load_idx %parallel_loop3A_344[%parallel_loop3A_167] : memref<6565xf32, #tpu.memory_space<vmem>>[vector<16xi32>], vector<16xf32>,
        %parallel_loop3A_346 = arith.constant 640 : i32
        %parallel_loop3A_347 = arith.addi %parallel_loop3A_346, %parallel_loop3A_144 : i32
        %parallel_loop3A_348 = arith.constant 0 : i32
        %parallel_loop3A_349 = arith.constant 1 : i32
        %parallel_loop3A_350 = arith.constant 0 : i32
        %parallel_loop3A_351 = arith.index_cast %parallel_loop3A_348 : i32 to index
        %parallel_loop3A_352 = arith.index_cast %parallel_loop3A_349 : i32 to index
        %parallel_loop3A_353 = arith.index_cast %parallel_loop3A_350 : i32 to index
        %parallel_loop3A_354 = arith.index_cast %parallel_loop3A_347 : i32 to index
        %parallel_loop3A_355 = tpu.vector_load %arg16[%parallel_loop3A_351, %parallel_loop3A_352, %parallel_loop3A_353, %parallel_loop3A_354] {strides = array<i32>} : memref<1x8x1x1024xf32, #tpu.memory_space<vmem>>, vector<16xf32>,
        tpu.vector_store %arg16[%parallel_loop3A_351, %parallel_loop3A_352, %parallel_loop3A_353, %parallel_loop3A_354], %parallel_loop3A_345 {strides = array<i32>} : memref<1x8x1x1024xf32, #tpu.memory_space<vmem>>, vector<16xf32>,
        %parallel_loop3A_356 = arith.constant 8 : i32
        %parallel_loop3A_357 = tpu.memref_slice %arg13[%parallel_loop3A_356] : memref<6629xf32, #tpu.memory_space<vmem>> -> memref<6565xf32, #tpu.memory_space<vmem>>
        %parallel_loop3A_358 = tpu.vector_load_idx %parallel_loop3A_357[%parallel_loop3A_170] : memref<6565xf32, #tpu.memory_space<vmem>>[vector<16xi32>], vector<16xf32>,
        %parallel_loop3A_359 = arith.constant 768 : i32
        %parallel_loop3A_360 = arith.addi %parallel_loop3A_359, %parallel_loop3A_144 : i32
        %parallel_loop3A_361 = arith.constant 0 : i32
        %parallel_loop3A_362 = arith.constant 1 : i32
        %parallel_loop3A_363 = arith.constant 0 : i32
        %parallel_loop3A_364 = arith.index_cast %parallel_loop3A_361 : i32 to index
        %parallel_loop3A_365 = arith.index_cast %parallel_loop3A_362 : i32 to index
        %parallel_loop3A_366 = arith.index_cast %parallel_loop3A_363 : i32 to index
        %parallel_loop3A_367 = arith.index_cast %parallel_loop3A_360 : i32 to index
        %parallel_loop3A_368 = tpu.vector_load %arg16[%parallel_loop3A_364, %parallel_loop3A_365, %parallel_loop3A_366, %parallel_loop3A_367] {strides = array<i32>} : memref<1x8x1x1024xf32, #tpu.memory_space<vmem>>, vector<16xf32>,
        tpu.vector_store %arg16[%parallel_loop3A_364, %parallel_loop3A_365, %parallel_loop3A_366, %parallel_loop3A_367], %parallel_loop3A_358 {strides = array<i32>} : memref<1x8x1x1024xf32, #tpu.memory_space<vmem>>, vector<16xf32>,
        %parallel_loop3A_369 = arith.constant 8 : i32
        %parallel_loop3A_370 = tpu.memref_slice %arg13[%parallel_loop3A_369] : memref<6629xf32, #tpu.memory_space<vmem>> -> memref<6565xf32, #tpu.memory_space<vmem>>
        %parallel_loop3A_371 = tpu.vector_load_idx %parallel_loop3A_370[%parallel_loop3A_173] : memref<6565xf32, #tpu.memory_space<vmem>>[vector<16xi32>], vector<16xf32>,
        %parallel_loop3A_372 = arith.constant 896 : i32
        %parallel_loop3A_373 = arith.addi %parallel_loop3A_372, %parallel_loop3A_144 : i32
        %parallel_loop3A_374 = arith.constant 0 : i32
        %parallel_loop3A_375 = arith.constant 1 : i32
        %parallel_loop3A_376 = arith.constant 0 : i32
        %parallel_loop3A_377 = arith.index_cast %parallel_loop3A_374 : i32 to index
        %parallel_loop3A_378 = arith.index_cast %parallel_loop3A_375 : i32 to index
        %parallel_loop3A_379 = arith.index_cast %parallel_loop3A_376 : i32 to index
        %parallel_loop3A_380 = arith.index_cast %parallel_loop3A_373 : i32 to index
        %parallel_loop3A_381 = tpu.vector_load %arg16[%parallel_loop3A_377, %parallel_loop3A_378, %parallel_loop3A_379, %parallel_loop3A_380] {strides = array<i32>} : memref<1x8x1x1024xf32, #tpu.memory_space<vmem>>, vector<16xf32>,
        tpu.vector_store %arg16[%parallel_loop3A_377, %parallel_loop3A_378, %parallel_loop3A_379, %parallel_loop3A_380], %parallel_loop3A_371 {strides = array<i32>} : memref<1x8x1x1024xf32, #tpu.memory_space<vmem>>, vector<16xf32>,
        %parallel_loop3A_382 = arith.constant 16 : i32
        %parallel_loop3A_383 = tpu.memref_slice %arg13[%parallel_loop3A_382] : memref<6629xf32, #tpu.memory_space<vmem>> -> memref<6565xf32, #tpu.memory_space<vmem>>
        %parallel_loop3A_384 = tpu.vector_load_idx %parallel_loop3A_383[%parallel_loop3A_152] : memref<6565xf32, #tpu.memory_space<vmem>>[vector<16xi32>], vector<16xf32>,
        %parallel_loop3A_385 = arith.constant 0 : i32
        %parallel_loop3A_386 = arith.addi %parallel_loop3A_385, %parallel_loop3A_144 : i32
        %parallel_loop3A_387 = arith.constant 0 : i32
        %parallel_loop3A_388 = arith.constant 2 : i32
        %parallel_loop3A_389 = arith.constant 0 : i32
        %parallel_loop3A_390 = arith.index_cast %parallel_loop3A_387 : i32 to index
        %parallel_loop3A_391 = arith.index_cast %parallel_loop3A_388 : i32 to index
        %parallel_loop3A_392 = arith.index_cast %parallel_loop3A_389 : i32 to index
        %parallel_loop3A_393 = arith.index_cast %parallel_loop3A_386 : i32 to index
        %parallel_loop3A_394 = tpu.vector_load %arg16[%parallel_loop3A_390, %parallel_loop3A_391, %parallel_loop3A_392, %parallel_loop3A_393] {strides = array<i32>} : memref<1x8x1x1024xf32, #tpu.memory_space<vmem>>, vector<16xf32>,
        tpu.vector_store %arg16[%parallel_loop3A_390, %parallel_loop3A_391, %parallel_loop3A_392, %parallel_loop3A_393], %parallel_loop3A_384 {strides = array<i32>} : memref<1x8x1x1024xf32, #tpu.memory_space<vmem>>, vector<16xf32>,
        %parallel_loop3A_395 = arith.constant 16 : i32
        %parallel_loop3A_396 = tpu.memref_slice %arg13[%parallel_loop3A_395] : memref<6629xf32, #tpu.memory_space<vmem>> -> memref<6565xf32, #tpu.memory_space<vmem>>
        %parallel_loop3A_397 = tpu.vector_load_idx %parallel_loop3A_396[%parallel_loop3A_155] : memref<6565xf32, #tpu.memory_space<vmem>>[vector<16xi32>], vector<16xf32>,
        %parallel_loop3A_398 = arith.constant 128 : i32
        %parallel_loop3A_399 = arith.addi %parallel_loop3A_398, %parallel_loop3A_144 : i32
        %parallel_loop3A_400 = arith.constant 0 : i32
        %parallel_loop3A_401 = arith.constant 2 : i32
        %parallel_loop3A_402 = arith.constant 0 : i32
        %parallel_loop3A_403 = arith.index_cast %parallel_loop3A_400 : i32 to index
        %parallel_loop3A_404 = arith.index_cast %parallel_loop3A_401 : i32 to index
        %parallel_loop3A_405 = arith.index_cast %parallel_loop3A_402 : i32 to index
        %parallel_loop3A_406 = arith.index_cast %parallel_loop3A_399 : i32 to index
        %parallel_loop3A_407 = tpu.vector_load %arg16[%parallel_loop3A_403, %parallel_loop3A_404, %parallel_loop3A_405, %parallel_loop3A_406] {strides = array<i32>} : memref<1x8x1x1024xf32, #tpu.memory_space<vmem>>, vector<16xf32>,
        tpu.vector_store %arg16[%parallel_loop3A_403, %parallel_loop3A_404, %parallel_loop3A_405, %parallel_loop3A_406], %parallel_loop3A_397 {strides = array<i32>} : memref<1x8x1x1024xf32, #tpu.memory_space<vmem>>, vector<16xf32>,
        %parallel_loop3A_408 = arith.constant 16 : i32
        %parallel_loop3A_409 = tpu.memref_slice %arg13[%parallel_loop3A_408] : memref<6629xf32, #tpu.memory_space<vmem>> -> memref<6565xf32, #tpu.memory_space<vmem>>
        %parallel_loop3A_410 = tpu.vector_load_idx %parallel_loop3A_409[%parallel_loop3A_158] : memref<6565xf32, #tpu.memory_space<vmem>>[vector<16xi32>], vector<16xf32>,
        %parallel_loop3A_411 = arith.constant 256 : i32
        %parallel_loop3A_412 = arith.addi %parallel_loop3A_411, %parallel_loop3A_144 : i32
        %parallel_loop3A_413 = arith.constant 0 : i32
        %parallel_loop3A_414 = arith.constant 2 : i32
        %parallel_loop3A_415 = arith.constant 0 : i32
        %parallel_loop3A_416 = arith.index_cast %parallel_loop3A_413 : i32 to index
        %parallel_loop3A_417 = arith.index_cast %parallel_loop3A_414 : i32 to index
        %parallel_loop3A_418 = arith.index_cast %parallel_loop3A_415 : i32 to index
        %parallel_loop3A_419 = arith.index_cast %parallel_loop3A_412 : i32 to index
        %parallel_loop3A_420 = tpu.vector_load %arg16[%parallel_loop3A_416, %parallel_loop3A_417, %parallel_loop3A_418, %parallel_loop3A_419] {strides = array<i32>} : memref<1x8x1x1024xf32, #tpu.memory_space<vmem>>, vector<16xf32>,
        tpu.vector_store %arg16[%parallel_loop3A_416, %parallel_loop3A_417, %parallel_loop3A_418, %parallel_loop3A_419], %parallel_loop3A_410 {strides = array<i32>} : memref<1x8x1x1024xf32, #tpu.memory_space<vmem>>, vector<16xf32>,
        %parallel_loop3A_421 = arith.constant 16 : i32
        %parallel_loop3A_422 = tpu.memref_slice %arg13[%parallel_loop3A_421] : memref<6629xf32, #tpu.memory_space<vmem>> -> memref<6565xf32, #tpu.memory_space<vmem>>
        %parallel_loop3A_423 = tpu.vector_load_idx %parallel_loop3A_422[%parallel_loop3A_161] : memref<6565xf32, #tpu.memory_space<vmem>>[vector<16xi32>], vector<16xf32>,
        %parallel_loop3A_424 = arith.constant 384 : i32
        %parallel_loop3A_425 = arith.addi %parallel_loop3A_424, %parallel_loop3A_144 : i32
        %parallel_loop3A_426 = arith.constant 0 : i32
        %parallel_loop3A_427 = arith.constant 2 : i32
        %parallel_loop3A_428 = arith.constant 0 : i32
        %parallel_loop3A_429 = arith.index_cast %parallel_loop3A_426 : i32 to index
        %parallel_loop3A_430 = arith.index_cast %parallel_loop3A_427 : i32 to index
        %parallel_loop3A_431 = arith.index_cast %parallel_loop3A_428 : i32 to index
        %parallel_loop3A_432 = arith.index_cast %parallel_loop3A_425 : i32 to index
        %parallel_loop3A_433 = tpu.vector_load %arg16[%parallel_loop3A_429, %parallel_loop3A_430, %parallel_loop3A_431, %parallel_loop3A_432] {strides = array<i32>} : memref<1x8x1x1024xf32, #tpu.memory_space<vmem>>, vector<16xf32>,
        tpu.vector_store %arg16[%parallel_loop3A_429, %parallel_loop3A_430, %parallel_loop3A_431, %parallel_loop3A_432], %parallel_loop3A_423 {strides = array<i32>} : memref<1x8x1x1024xf32, #tpu.memory_space<vmem>>, vector<16xf32>,
        %parallel_loop3A_434 = arith.constant 16 : i32
        %parallel_loop3A_435 = tpu.memref_slice %arg13[%parallel_loop3A_434] : memref<6629xf32, #tpu.memory_space<vmem>> -> memref<6565xf32, #tpu.memory_space<vmem>>
        %parallel_loop3A_436 = tpu.vector_load_idx %parallel_loop3A_435[%parallel_loop3A_164] : memref<6565xf32, #tpu.memory_space<vmem>>[vector<16xi32>], vector<16xf32>,
        %parallel_loop3A_437 = arith.constant 512 : i32
        %parallel_loop3A_438 = arith.addi %parallel_loop3A_437, %parallel_loop3A_144 : i32
        %parallel_loop3A_439 = arith.constant 0 : i32
        %parallel_loop3A_440 = arith.constant 2 : i32
        %parallel_loop3A_441 = arith.constant 0 : i32
        %parallel_loop3A_442 = arith.index_cast %parallel_loop3A_439 : i32 to index
        %parallel_loop3A_443 = arith.index_cast %parallel_loop3A_440 : i32 to index
        %parallel_loop3A_444 = arith.index_cast %parallel_loop3A_441 : i32 to index
        %parallel_loop3A_445 = arith.index_cast %parallel_loop3A_438 : i32 to index
        %parallel_loop3A_446 = tpu.vector_load %arg16[%parallel_loop3A_442, %parallel_loop3A_443, %parallel_loop3A_444, %parallel_loop3A_445] {strides = array<i32>} : memref<1x8x1x1024xf32, #tpu.memory_space<vmem>>, vector<16xf32>,
        tpu.vector_store %arg16[%parallel_loop3A_442, %parallel_loop3A_443, %parallel_loop3A_444, %parallel_loop3A_445], %parallel_loop3A_436 {strides = array<i32>} : memref<1x8x1x1024xf32, #tpu.memory_space<vmem>>, vector<16xf32>,
        %parallel_loop3A_447 = arith.constant 16 : i32
        %parallel_loop3A_448 = tpu.memref_slice %arg13[%parallel_loop3A_447] : memref<6629xf32, #tpu.memory_space<vmem>> -> memref<6565xf32, #tpu.memory_space<vmem>>
        %parallel_loop3A_449 = tpu.vector_load_idx %parallel_loop3A_448[%parallel_loop3A_167] : memref<6565xf32, #tpu.memory_space<vmem>>[vector<16xi32>], vector<16xf32>,
        %parallel_loop3A_450 = arith.constant 640 : i32
        %parallel_loop3A_451 = arith.addi %parallel_loop3A_450, %parallel_loop3A_144 : i32
        %parallel_loop3A_452 = arith.constant 0 : i32
        %parallel_loop3A_453 = arith.constant 2 : i32
        %parallel_loop3A_454 = arith.constant 0 : i32
        %parallel_loop3A_455 = arith.index_cast %parallel_loop3A_452 : i32 to index
        %parallel_loop3A_456 = arith.index_cast %parallel_loop3A_453 : i32 to index
        %parallel_loop3A_457 = arith.index_cast %parallel_loop3A_454 : i32 to index
        %parallel_loop3A_458 = arith.index_cast %parallel_loop3A_451 : i32 to index
        %parallel_loop3A_459 = tpu.vector_load %arg16[%parallel_loop3A_455, %parallel_loop3A_456, %parallel_loop3A_457, %parallel_loop3A_458] {strides = array<i32>} : memref<1x8x1x1024xf32, #tpu.memory_space<vmem>>, vector<16xf32>,
        tpu.vector_store %arg16[%parallel_loop3A_455, %parallel_loop3A_456, %parallel_loop3A_457, %parallel_loop3A_458], %parallel_loop3A_449 {strides = array<i32>} : memref<1x8x1x1024xf32, #tpu.memory_space<vmem>>, vector<16xf32>,
        %parallel_loop3A_460 = arith.constant 16 : i32
        %parallel_loop3A_461 = tpu.memref_slice %arg13[%parallel_loop3A_460] : memref<6629xf32, #tpu.memory_space<vmem>> -> memref<6565xf32, #tpu.memory_space<vmem>>
        %parallel_loop3A_462 = tpu.vector_load_idx %parallel_loop3A_461[%parallel_loop3A_170] : memref<6565xf32, #tpu.memory_space<vmem>>[vector<16xi32>], vector<16xf32>,
        %parallel_loop3A_463 = arith.constant 768 : i32
        %parallel_loop3A_464 = arith.addi %parallel_loop3A_463, %parallel_loop3A_144 : i32
        %parallel_loop3A_465 = arith.constant 0 : i32
        %parallel_loop3A_466 = arith.constant 2 : i32
        %parallel_loop3A_467 = arith.constant 0 : i32
        %parallel_loop3A_468 = arith.index_cast %parallel_loop3A_465 : i32 to index
        %parallel_loop3A_469 = arith.index_cast %parallel_loop3A_466 : i32 to index
        %parallel_loop3A_470 = arith.index_cast %parallel_loop3A_467 : i32 to index
        %parallel_loop3A_471 = arith.index_cast %parallel_loop3A_464 : i32 to index
        %parallel_loop3A_472 = tpu.vector_load %arg16[%parallel_loop3A_468, %parallel_loop3A_469, %parallel_loop3A_470, %parallel_loop3A_471] {strides = array<i32>} : memref<1x8x1x1024xf32, #tpu.memory_space<vmem>>, vector<16xf32>,
        tpu.vector_store %arg16[%parallel_loop3A_468, %parallel_loop3A_469, %parallel_loop3A_470, %parallel_loop3A_471], %parallel_loop3A_462 {strides = array<i32>} : memref<1x8x1x1024xf32, #tpu.memory_space<vmem>>, vector<16xf32>,
        %parallel_loop3A_473 = arith.constant 16 : i32
        %parallel_loop3A_474 = tpu.memref_slice %arg13[%parallel_loop3A_473] : memref<6629xf32, #tpu.memory_space<vmem>> -> memref<6565xf32, #tpu.memory_space<vmem>>
        %parallel_loop3A_475 = tpu.vector_load_idx %parallel_loop3A_474[%parallel_loop3A_173] : memref<6565xf32, #tpu.memory_space<vmem>>[vector<16xi32>], vector<16xf32>,
        %parallel_loop3A_476 = arith.constant 896 : i32
        %parallel_loop3A_477 = arith.addi %parallel_loop3A_476, %parallel_loop3A_144 : i32
        %parallel_loop3A_478 = arith.constant 0 : i32
        %parallel_loop3A_479 = arith.constant 2 : i32
        %parallel_loop3A_480 = arith.constant 0 : i32
        %parallel_loop3A_481 = arith.index_cast %parallel_loop3A_478 : i32 to index
        %parallel_loop3A_482 = arith.index_cast %parallel_loop3A_479 : i32 to index
        %parallel_loop3A_483 = arith.index_cast %parallel_loop3A_480 : i32 to index
        %parallel_loop3A_484 = arith.index_cast %parallel_loop3A_477 : i32 to index
        %parallel_loop3A_485 = tpu.vector_load %arg16[%parallel_loop3A_481, %parallel_loop3A_482, %parallel_loop3A_483, %parallel_loop3A_484] {strides = array<i32>} : memref<1x8x1x1024xf32, #tpu.memory_space<vmem>>, vector<16xf32>,
        tpu.vector_store %arg16[%parallel_loop3A_481, %parallel_loop3A_482, %parallel_loop3A_483, %parallel_loop3A_484], %parallel_loop3A_475 {strides = array<i32>} : memref<1x8x1x1024xf32, #tpu.memory_space<vmem>>, vector<16xf32>,
        %parallel_loop3A_486 = arith.constant 24 : i32
        %parallel_loop3A_487 = tpu.memref_slice %arg13[%parallel_loop3A_486] : memref<6629xf32, #tpu.memory_space<vmem>> -> memref<6565xf32, #tpu.memory_space<vmem>>
        %parallel_loop3A_488 = tpu.vector_load_idx %parallel_loop3A_487[%parallel_loop3A_152] : memref<6565xf32, #tpu.memory_space<vmem>>[vector<16xi32>], vector<16xf32>,
        %parallel_loop3A_489 = arith.constant 0 : i32
        %parallel_loop3A_490 = arith.addi %parallel_loop3A_489, %parallel_loop3A_144 : i32
        %parallel_loop3A_491 = arith.constant 0 : i32
        %parallel_loop3A_492 = arith.constant 3 : i32
        %parallel_loop3A_493 = arith.constant 0 : i32
        %parallel_loop3A_494 = arith.index_cast %parallel_loop3A_491 : i32 to index
        %parallel_loop3A_495 = arith.index_cast %parallel_loop3A_492 : i32 to index
        %parallel_loop3A_496 = arith.index_cast %parallel_loop3A_493 : i32 to index
        %parallel_loop3A_497 = arith.index_cast %parallel_loop3A_490 : i32 to index
        %parallel_loop3A_498 = tpu.vector_load %arg16[%parallel_loop3A_494, %parallel_loop3A_495, %parallel_loop3A_496, %parallel_loop3A_497] {strides = array<i32>} : memref<1x8x1x1024xf32, #tpu.memory_space<vmem>>, vector<16xf32>,
        tpu.vector_store %arg16[%parallel_loop3A_494, %parallel_loop3A_495, %parallel_loop3A_496, %parallel_loop3A_497], %parallel_loop3A_488 {strides = array<i32>} : memref<1x8x1x1024xf32, #tpu.memory_space<vmem>>, vector<16xf32>,
        %parallel_loop3A_499 = arith.constant 24 : i32
        %parallel_loop3A_500 = tpu.memref_slice %arg13[%parallel_loop3A_499] : memref<6629xf32, #tpu.memory_space<vmem>> -> memref<6565xf32, #tpu.memory_space<vmem>>
        %parallel_loop3A_501 = tpu.vector_load_idx %parallel_loop3A_500[%parallel_loop3A_155] : memref<6565xf32, #tpu.memory_space<vmem>>[vector<16xi32>], vector<16xf32>,
        %parallel_loop3A_502 = arith.constant 128 : i32
        %parallel_loop3A_503 = arith.addi %parallel_loop3A_502, %parallel_loop3A_144 : i32
        %parallel_loop3A_504 = arith.constant 0 : i32
        %parallel_loop3A_505 = arith.constant 3 : i32
        %parallel_loop3A_506 = arith.constant 0 : i32
        %parallel_loop3A_507 = arith.index_cast %parallel_loop3A_504 : i32 to index
        %parallel_loop3A_508 = arith.index_cast %parallel_loop3A_505 : i32 to index
        %parallel_loop3A_509 = arith.index_cast %parallel_loop3A_506 : i32 to index
        %parallel_loop3A_510 = arith.index_cast %parallel_loop3A_503 : i32 to index
        %parallel_loop3A_511 = tpu.vector_load %arg16[%parallel_loop3A_507, %parallel_loop3A_508, %parallel_loop3A_509, %parallel_loop3A_510] {strides = array<i32>} : memref<1x8x1x1024xf32, #tpu.memory_space<vmem>>, vector<16xf32>,
        tpu.vector_store %arg16[%parallel_loop3A_507, %parallel_loop3A_508, %parallel_loop3A_509, %parallel_loop3A_510], %parallel_loop3A_501 {strides = array<i32>} : memref<1x8x1x1024xf32, #tpu.memory_space<vmem>>, vector<16xf32>,
        %parallel_loop3A_512 = arith.constant 24 : i32
        %parallel_loop3A_513 = tpu.memref_slice %arg13[%parallel_loop3A_512] : memref<6629xf32, #tpu.memory_space<vmem>> -> memref<6565xf32, #tpu.memory_space<vmem>>
        %parallel_loop3A_514 = tpu.vector_load_idx %parallel_loop3A_513[%parallel_loop3A_158] : memref<6565xf32, #tpu.memory_space<vmem>>[vector<16xi32>], vector<16xf32>,
        %parallel_loop3A_515 = arith.constant 256 : i32
        %parallel_loop3A_516 = arith.addi %parallel_loop3A_515, %parallel_loop3A_144 : i32
        %parallel_loop3A_517 = arith.constant 0 : i32
        %parallel_loop3A_518 = arith.constant 3 : i32
        %parallel_loop3A_519 = arith.constant 0 : i32
        %parallel_loop3A_520 = arith.index_cast %parallel_loop3A_517 : i32 to index
        %parallel_loop3A_521 = arith.index_cast %parallel_loop3A_518 : i32 to index
        %parallel_loop3A_522 = arith.index_cast %parallel_loop3A_519 : i32 to index
        %parallel_loop3A_523 = arith.index_cast %parallel_loop3A_516 : i32 to index
        %parallel_loop3A_524 = tpu.vector_load %arg16[%parallel_loop3A_520, %parallel_loop3A_521, %parallel_loop3A_522, %parallel_loop3A_523] {strides = array<i32>} : memref<1x8x1x1024xf32, #tpu.memory_space<vmem>>, vector<16xf32>,
        tpu.vector_store %arg16[%parallel_loop3A_520, %parallel_loop3A_521, %parallel_loop3A_522, %parallel_loop3A_523], %parallel_loop3A_514 {strides = array<i32>} : memref<1x8x1x1024xf32, #tpu.memory_space<vmem>>, vector<16xf32>,
        %parallel_loop3A_525 = arith.constant 24 : i32
        %parallel_loop3A_526 = tpu.memref_slice %arg13[%parallel_loop3A_525] : memref<6629xf32, #tpu.memory_space<vmem>> -> memref<6565xf32, #tpu.memory_space<vmem>>
        %parallel_loop3A_527 = tpu.vector_load_idx %parallel_loop3A_526[%parallel_loop3A_161] : memref<6565xf32, #tpu.memory_space<vmem>>[vector<16xi32>], vector<16xf32>,
        %parallel_loop3A_528 = arith.constant 384 : i32
        %parallel_loop3A_529 = arith.addi %parallel_loop3A_528, %parallel_loop3A_144 : i32
        %parallel_loop3A_530 = arith.constant 0 : i32
        %parallel_loop3A_531 = arith.constant 3 : i32
        %parallel_loop3A_532 = arith.constant 0 : i32
        %parallel_loop3A_533 = arith.index_cast %parallel_loop3A_530 : i32 to index
        %parallel_loop3A_534 = arith.index_cast %parallel_loop3A_531 : i32 to index
        %parallel_loop3A_535 = arith.index_cast %parallel_loop3A_532 : i32 to index
        %parallel_loop3A_536 = arith.index_cast %parallel_loop3A_529 : i32 to index
        %parallel_loop3A_537 = tpu.vector_load %arg16[%parallel_loop3A_533, %parallel_loop3A_534, %parallel_loop3A_535, %parallel_loop3A_536] {strides = array<i32>} : memref<1x8x1x1024xf32, #tpu.memory_space<vmem>>, vector<16xf32>,
        tpu.vector_store %arg16[%parallel_loop3A_533, %parallel_loop3A_534, %parallel_loop3A_535, %parallel_loop3A_536], %parallel_loop3A_527 {strides = array<i32>} : memref<1x8x1x1024xf32, #tpu.memory_space<vmem>>, vector<16xf32>,
        %parallel_loop3A_538 = arith.constant 24 : i32
        %parallel_loop3A_539 = tpu.memref_slice %arg13[%parallel_loop3A_538] : memref<6629xf32, #tpu.memory_space<vmem>> -> memref<6565xf32, #tpu.memory_space<vmem>>
        %parallel_loop3A_540 = tpu.vector_load_idx %parallel_loop3A_539[%parallel_loop3A_164] : memref<6565xf32, #tpu.memory_space<vmem>>[vector<16xi32>], vector<16xf32>,
        %parallel_loop3A_541 = arith.constant 512 : i32
        %parallel_loop3A_542 = arith.addi %parallel_loop3A_541, %parallel_loop3A_144 : i32
        %parallel_loop3A_543 = arith.constant 0 : i32
        %parallel_loop3A_544 = arith.constant 3 : i32
        %parallel_loop3A_545 = arith.constant 0 : i32
        %parallel_loop3A_546 = arith.index_cast %parallel_loop3A_543 : i32 to index
        %parallel_loop3A_547 = arith.index_cast %parallel_loop3A_544 : i32 to index
        %parallel_loop3A_548 = arith.index_cast %parallel_loop3A_545 : i32 to index
        %parallel_loop3A_549 = arith.index_cast %parallel_loop3A_542 : i32 to index
        %parallel_loop3A_550 = tpu.vector_load %arg16[%parallel_loop3A_546, %parallel_loop3A_547, %parallel_loop3A_548, %parallel_loop3A_549] {strides = array<i32>} : memref<1x8x1x1024xf32, #tpu.memory_space<vmem>>, vector<16xf32>,
        tpu.vector_store %arg16[%parallel_loop3A_546, %parallel_loop3A_547, %parallel_loop3A_548, %parallel_loop3A_549], %parallel_loop3A_540 {strides = array<i32>} : memref<1x8x1x1024xf32, #tpu.memory_space<vmem>>, vector<16xf32>,
        %parallel_loop3A_551 = arith.constant 24 : i32
        %parallel_loop3A_552 = tpu.memref_slice %arg13[%parallel_loop3A_551] : memref<6629xf32, #tpu.memory_space<vmem>> -> memref<6565xf32, #tpu.memory_space<vmem>>
        %parallel_loop3A_553 = tpu.vector_load_idx %parallel_loop3A_552[%parallel_loop3A_167] : memref<6565xf32, #tpu.memory_space<vmem>>[vector<16xi32>], vector<16xf32>,
        %parallel_loop3A_554 = arith.constant 640 : i32
        %parallel_loop3A_555 = arith.addi %parallel_loop3A_554, %parallel_loop3A_144 : i32
        %parallel_loop3A_556 = arith.constant 0 : i32
        %parallel_loop3A_557 = arith.constant 3 : i32
        %parallel_loop3A_558 = arith.constant 0 : i32
        %parallel_loop3A_559 = arith.index_cast %parallel_loop3A_556 : i32 to index
        %parallel_loop3A_560 = arith.index_cast %parallel_loop3A_557 : i32 to index
        %parallel_loop3A_561 = arith.index_cast %parallel_loop3A_558 : i32 to index
        %parallel_loop3A_562 = arith.index_cast %parallel_loop3A_555 : i32 to index
        %parallel_loop3A_563 = tpu.vector_load %arg16[%parallel_loop3A_559, %parallel_loop3A_560, %parallel_loop3A_561, %parallel_loop3A_562] {strides = array<i32>} : memref<1x8x1x1024xf32, #tpu.memory_space<vmem>>, vector<16xf32>,
        tpu.vector_store %arg16[%parallel_loop3A_559, %parallel_loop3A_560, %parallel_loop3A_561, %parallel_loop3A_562], %parallel_loop3A_553 {strides = array<i32>} : memref<1x8x1x1024xf32, #tpu.memory_space<vmem>>, vector<16xf32>,
        %parallel_loop3A_564 = arith.constant 24 : i32
        %parallel_loop3A_565 = tpu.memref_slice %arg13[%parallel_loop3A_564] : memref<6629xf32, #tpu.memory_space<vmem>> -> memref<6565xf32, #tpu.memory_space<vmem>>
        %parallel_loop3A_566 = tpu.vector_load_idx %parallel_loop3A_565[%parallel_loop3A_170] : memref<6565xf32, #tpu.memory_space<vmem>>[vector<16xi32>], vector<16xf32>,
        %parallel_loop3A_567 = arith.constant 768 : i32
        %parallel_loop3A_568 = arith.addi %parallel_loop3A_567, %parallel_loop3A_144 : i32
        %parallel_loop3A_569 = arith.constant 0 : i32
        %parallel_loop3A_570 = arith.constant 3 : i32
        %parallel_loop3A_571 = arith.constant 0 : i32
        %parallel_loop3A_572 = arith.index_cast %parallel_loop3A_569 : i32 to index
        %parallel_loop3A_573 = arith.index_cast %parallel_loop3A_570 : i32 to index
        %parallel_loop3A_574 = arith.index_cast %parallel_loop3A_571 : i32 to index
        %parallel_loop3A_575 = arith.index_cast %parallel_loop3A_568 : i32 to index
        %parallel_loop3A_576 = tpu.vector_load %arg16[%parallel_loop3A_572, %parallel_loop3A_573, %parallel_loop3A_574, %parallel_loop3A_575] {strides = array<i32>} : memref<1x8x1x1024xf32, #tpu.memory_space<vmem>>, vector<16xf32>,
        tpu.vector_store %arg16[%parallel_loop3A_572, %parallel_loop3A_573, %parallel_loop3A_574, %parallel_loop3A_575], %parallel_loop3A_566 {strides = array<i32>} : memref<1x8x1x1024xf32, #tpu.memory_space<vmem>>, vector<16xf32>,
        %parallel_loop3A_577 = arith.constant 24 : i32
        %parallel_loop3A_578 = tpu.memref_slice %arg13[%parallel_loop3A_577] : memref<6629xf32, #tpu.memory_space<vmem>> -> memref<6565xf32, #tpu.memory_space<vmem>>
        %parallel_loop3A_579 = tpu.vector_load_idx %parallel_loop3A_578[%parallel_loop3A_173] : memref<6565xf32, #tpu.memory_space<vmem>>[vector<16xi32>], vector<16xf32>,
        %parallel_loop3A_580 = arith.constant 896 : i32
        %parallel_loop3A_581 = arith.addi %parallel_loop3A_580, %parallel_loop3A_144 : i32
        %parallel_loop3A_582 = arith.constant 0 : i32
        %parallel_loop3A_583 = arith.constant 3 : i32
        %parallel_loop3A_584 = arith.constant 0 : i32
        %parallel_loop3A_585 = arith.index_cast %parallel_loop3A_582 : i32 to index
        %parallel_loop3A_586 = arith.index_cast %parallel_loop3A_583 : i32 to index
        %parallel_loop3A_587 = arith.index_cast %parallel_loop3A_584 : i32 to index
        %parallel_loop3A_588 = arith.index_cast %parallel_loop3A_581 : i32 to index
        %parallel_loop3A_589 = tpu.vector_load %arg16[%parallel_loop3A_585, %parallel_loop3A_586, %parallel_loop3A_587, %parallel_loop3A_588] {strides = array<i32>} : memref<1x8x1x1024xf32, #tpu.memory_space<vmem>>, vector<16xf32>,
        tpu.vector_store %arg16[%parallel_loop3A_585, %parallel_loop3A_586, %parallel_loop3A_587, %parallel_loop3A_588], %parallel_loop3A_579 {strides = array<i32>} : memref<1x8x1x1024xf32, #tpu.memory_space<vmem>>, vector<16xf32>,
        %parallel_loop3A_590 = arith.constant 32 : i32
        %parallel_loop3A_591 = tpu.memref_slice %arg13[%parallel_loop3A_590] : memref<6629xf32, #tpu.memory_space<vmem>> -> memref<6565xf32, #tpu.memory_space<vmem>>
        %parallel_loop3A_592 = tpu.vector_load_idx %parallel_loop3A_591[%parallel_loop3A_152] : memref<6565xf32, #tpu.memory_space<vmem>>[vector<16xi32>], vector<16xf32>,
        %parallel_loop3A_593 = arith.constant 0 : i32
        %parallel_loop3A_594 = arith.addi %parallel_loop3A_593, %parallel_loop3A_144 : i32
        %parallel_loop3A_595 = arith.constant 0 : i32
        %parallel_loop3A_596 = arith.constant 4 : i32
        %parallel_loop3A_597 = arith.constant 0 : i32
        %parallel_loop3A_598 = arith.index_cast %parallel_loop3A_595 : i32 to index
        %parallel_loop3A_599 = arith.index_cast %parallel_loop3A_596 : i32 to index
        %parallel_loop3A_600 = arith.index_cast %parallel_loop3A_597 : i32 to index
        %parallel_loop3A_601 = arith.index_cast %parallel_loop3A_594 : i32 to index
        %parallel_loop3A_602 = tpu.vector_load %arg16[%parallel_loop3A_598, %parallel_loop3A_599, %parallel_loop3A_600, %parallel_loop3A_601] {strides = array<i32>} : memref<1x8x1x1024xf32, #tpu.memory_space<vmem>>, vector<16xf32>,
        tpu.vector_store %arg16[%parallel_loop3A_598, %parallel_loop3A_599, %parallel_loop3A_600, %parallel_loop3A_601], %parallel_loop3A_592 {strides = array<i32>} : memref<1x8x1x1024xf32, #tpu.memory_space<vmem>>, vector<16xf32>,
        %parallel_loop3A_603 = arith.constant 32 : i32
        %parallel_loop3A_604 = tpu.memref_slice %arg13[%parallel_loop3A_603] : memref<6629xf32, #tpu.memory_space<vmem>> -> memref<6565xf32, #tpu.memory_space<vmem>>
        %parallel_loop3A_605 = tpu.vector_load_idx %parallel_loop3A_604[%parallel_loop3A_155] : memref<6565xf32, #tpu.memory_space<vmem>>[vector<16xi32>], vector<16xf32>,
        %parallel_loop3A_606 = arith.constant 128 : i32
        %parallel_loop3A_607 = arith.addi %parallel_loop3A_606, %parallel_loop3A_144 : i32
        %parallel_loop3A_608 = arith.constant 0 : i32
        %parallel_loop3A_609 = arith.constant 4 : i32
        %parallel_loop3A_610 = arith.constant 0 : i32
        %parallel_loop3A_611 = arith.index_cast %parallel_loop3A_608 : i32 to index
        %parallel_loop3A_612 = arith.index_cast %parallel_loop3A_609 : i32 to index
        %parallel_loop3A_613 = arith.index_cast %parallel_loop3A_610 : i32 to index
        %parallel_loop3A_614 = arith.index_cast %parallel_loop3A_607 : i32 to index
        %parallel_loop3A_615 = tpu.vector_load %arg16[%parallel_loop3A_611, %parallel_loop3A_612, %parallel_loop3A_613, %parallel_loop3A_614] {strides = array<i32>} : memref<1x8x1x1024xf32, #tpu.memory_space<vmem>>, vector<16xf32>,
        tpu.vector_store %arg16[%parallel_loop3A_611, %parallel_loop3A_612, %parallel_loop3A_613, %parallel_loop3A_614], %parallel_loop3A_605 {strides = array<i32>} : memref<1x8x1x1024xf32, #tpu.memory_space<vmem>>, vector<16xf32>,
        %parallel_loop3A_616 = arith.constant 32 : i32
        %parallel_loop3A_617 = tpu.memref_slice %arg13[%parallel_loop3A_616] : memref<6629xf32, #tpu.memory_space<vmem>> -> memref<6565xf32, #tpu.memory_space<vmem>>
        %parallel_loop3A_618 = tpu.vector_load_idx %parallel_loop3A_617[%parallel_loop3A_158] : memref<6565xf32, #tpu.memory_space<vmem>>[vector<16xi32>], vector<16xf32>,
        %parallel_loop3A_619 = arith.constant 256 : i32
        %parallel_loop3A_620 = arith.addi %parallel_loop3A_619, %parallel_loop3A_144 : i32
        %parallel_loop3A_621 = arith.constant 0 : i32
        %parallel_loop3A_622 = arith.constant 4 : i32
        %parallel_loop3A_623 = arith.constant 0 : i32
        %parallel_loop3A_624 = arith.index_cast %parallel_loop3A_621 : i32 to index
        %parallel_loop3A_625 = arith.index_cast %parallel_loop3A_622 : i32 to index
        %parallel_loop3A_626 = arith.index_cast %parallel_loop3A_623 : i32 to index
        %parallel_loop3A_627 = arith.index_cast %parallel_loop3A_620 : i32 to index
        %parallel_loop3A_628 = tpu.vector_load %arg16[%parallel_loop3A_624, %parallel_loop3A_625, %parallel_loop3A_626, %parallel_loop3A_627] {strides = array<i32>} : memref<1x8x1x1024xf32, #tpu.memory_space<vmem>>, vector<16xf32>,
        tpu.vector_store %arg16[%parallel_loop3A_624, %parallel_loop3A_625, %parallel_loop3A_626, %parallel_loop3A_627], %parallel_loop3A_618 {strides = array<i32>} : memref<1x8x1x1024xf32, #tpu.memory_space<vmem>>, vector<16xf32>,
        %parallel_loop3A_629 = arith.constant 32 : i32
        %parallel_loop3A_630 = tpu.memref_slice %arg13[%parallel_loop3A_629] : memref<6629xf32, #tpu.memory_space<vmem>> -> memref<6565xf32, #tpu.memory_space<vmem>>
        %parallel_loop3A_631 = tpu.vector_load_idx %parallel_loop3A_630[%parallel_loop3A_161] : memref<6565xf32, #tpu.memory_space<vmem>>[vector<16xi32>], vector<16xf32>,
        %parallel_loop3A_632 = arith.constant 384 : i32
        %parallel_loop3A_633 = arith.addi %parallel_loop3A_632, %parallel_loop3A_144 : i32
        %parallel_loop3A_634 = arith.constant 0 : i32
        %parallel_loop3A_635 = arith.constant 4 : i32
        %parallel_loop3A_636 = arith.constant 0 : i32
        %parallel_loop3A_637 = arith.index_cast %parallel_loop3A_634 : i32 to index
        %parallel_loop3A_638 = arith.index_cast %parallel_loop3A_635 : i32 to index
        %parallel_loop3A_639 = arith.index_cast %parallel_loop3A_636 : i32 to index
        %parallel_loop3A_640 = arith.index_cast %parallel_loop3A_633 : i32 to index
        %parallel_loop3A_641 = tpu.vector_load %arg16[%parallel_loop3A_637, %parallel_loop3A_638, %parallel_loop3A_639, %parallel_loop3A_640] {strides = array<i32>} : memref<1x8x1x1024xf32, #tpu.memory_space<vmem>>, vector<16xf32>,
        tpu.vector_store %arg16[%parallel_loop3A_637, %parallel_loop3A_638, %parallel_loop3A_639, %parallel_loop3A_640], %parallel_loop3A_631 {strides = array<i32>} : memref<1x8x1x1024xf32, #tpu.memory_space<vmem>>, vector<16xf32>,
        %parallel_loop3A_642 = arith.constant 32 : i32
        %parallel_loop3A_643 = tpu.memref_slice %arg13[%parallel_loop3A_642] : memref<6629xf32, #tpu.memory_space<vmem>> -> memref<6565xf32, #tpu.memory_space<vmem>>
        %parallel_loop3A_644 = tpu.vector_load_idx %parallel_loop3A_643[%parallel_loop3A_164] : memref<6565xf32, #tpu.memory_space<vmem>>[vector<16xi32>], vector<16xf32>,
        %parallel_loop3A_645 = arith.constant 512 : i32
        %parallel_loop3A_646 = arith.addi %parallel_loop3A_645, %parallel_loop3A_144 : i32
        %parallel_loop3A_647 = arith.constant 0 : i32
        %parallel_loop3A_648 = arith.constant 4 : i32
        %parallel_loop3A_649 = arith.constant 0 : i32
        %parallel_loop3A_650 = arith.index_cast %parallel_loop3A_647 : i32 to index
        %parallel_loop3A_651 = arith.index_cast %parallel_loop3A_648 : i32 to index
        %parallel_loop3A_652 = arith.index_cast %parallel_loop3A_649 : i32 to index
        %parallel_loop3A_653 = arith.index_cast %parallel_loop3A_646 : i32 to index
        %parallel_loop3A_654 = tpu.vector_load %arg16[%parallel_loop3A_650, %parallel_loop3A_651, %parallel_loop3A_652, %parallel_loop3A_653] {strides = array<i32>} : memref<1x8x1x1024xf32, #tpu.memory_space<vmem>>, vector<16xf32>,
        tpu.vector_store %arg16[%parallel_loop3A_650, %parallel_loop3A_651, %parallel_loop3A_652, %parallel_loop3A_653], %parallel_loop3A_644 {strides = array<i32>} : memref<1x8x1x1024xf32, #tpu.memory_space<vmem>>, vector<16xf32>,
        %parallel_loop3A_655 = arith.constant 32 : i32
        %parallel_loop3A_656 = tpu.memref_slice %arg13[%parallel_loop3A_655] : memref<6629xf32, #tpu.memory_space<vmem>> -> memref<6565xf32, #tpu.memory_space<vmem>>
        %parallel_loop3A_657 = tpu.vector_load_idx %parallel_loop3A_656[%parallel_loop3A_167] : memref<6565xf32, #tpu.memory_space<vmem>>[vector<16xi32>], vector<16xf32>,
        %parallel_loop3A_658 = arith.constant 640 : i32
        %parallel_loop3A_659 = arith.addi %parallel_loop3A_658, %parallel_loop3A_144 : i32
        %parallel_loop3A_660 = arith.constant 0 : i32
        %parallel_loop3A_661 = arith.constant 4 : i32
        %parallel_loop3A_662 = arith.constant 0 : i32
        %parallel_loop3A_663 = arith.index_cast %parallel_loop3A_660 : i32 to index
        %parallel_loop3A_664 = arith.index_cast %parallel_loop3A_661 : i32 to index
        %parallel_loop3A_665 = arith.index_cast %parallel_loop3A_662 : i32 to index
        %parallel_loop3A_666 = arith.index_cast %parallel_loop3A_659 : i32 to index
        %parallel_loop3A_667 = tpu.vector_load %arg16[%parallel_loop3A_663, %parallel_loop3A_664, %parallel_loop3A_665, %parallel_loop3A_666] {strides = array<i32>} : memref<1x8x1x1024xf32, #tpu.memory_space<vmem>>, vector<16xf32>,
        tpu.vector_store %arg16[%parallel_loop3A_663, %parallel_loop3A_664, %parallel_loop3A_665, %parallel_loop3A_666], %parallel_loop3A_657 {strides = array<i32>} : memref<1x8x1x1024xf32, #tpu.memory_space<vmem>>, vector<16xf32>,
        %parallel_loop3A_668 = arith.constant 32 : i32
        %parallel_loop3A_669 = tpu.memref_slice %arg13[%parallel_loop3A_668] : memref<6629xf32, #tpu.memory_space<vmem>> -> memref<6565xf32, #tpu.memory_space<vmem>>
        %parallel_loop3A_670 = tpu.vector_load_idx %parallel_loop3A_669[%parallel_loop3A_170] : memref<6565xf32, #tpu.memory_space<vmem>>[vector<16xi32>], vector<16xf32>,
        %parallel_loop3A_671 = arith.constant 768 : i32
        %parallel_loop3A_672 = arith.addi %parallel_loop3A_671, %parallel_loop3A_144 : i32
        %parallel_loop3A_673 = arith.constant 0 : i32
        %parallel_loop3A_674 = arith.constant 4 : i32
        %parallel_loop3A_675 = arith.constant 0 : i32
        %parallel_loop3A_676 = arith.index_cast %parallel_loop3A_673 : i32 to index
        %parallel_loop3A_677 = arith.index_cast %parallel_loop3A_674 : i32 to index
        %parallel_loop3A_678 = arith.index_cast %parallel_loop3A_675 : i32 to index
        %parallel_loop3A_679 = arith.index_cast %parallel_loop3A_672 : i32 to index
        %parallel_loop3A_680 = tpu.vector_load %arg16[%parallel_loop3A_676, %parallel_loop3A_677, %parallel_loop3A_678, %parallel_loop3A_679] {strides = array<i32>} : memref<1x8x1x1024xf32, #tpu.memory_space<vmem>>, vector<16xf32>,
        tpu.vector_store %arg16[%parallel_loop3A_676, %parallel_loop3A_677, %parallel_loop3A_678, %parallel_loop3A_679], %parallel_loop3A_670 {strides = array<i32>} : memref<1x8x1x1024xf32, #tpu.memory_space<vmem>>, vector<16xf32>,
        %parallel_loop3A_681 = arith.constant 32 : i32
        %parallel_loop3A_682 = tpu.memref_slice %arg13[%parallel_loop3A_681] : memref<6629xf32, #tpu.memory_space<vmem>> -> memref<6565xf32, #tpu.memory_space<vmem>>
        %parallel_loop3A_683 = tpu.vector_load_idx %parallel_loop3A_682[%parallel_loop3A_173] : memref<6565xf32, #tpu.memory_space<vmem>>[vector<16xi32>], vector<16xf32>,
        %parallel_loop3A_684 = arith.constant 896 : i32
        %parallel_loop3A_685 = arith.addi %parallel_loop3A_684, %parallel_loop3A_144 : i32
        %parallel_loop3A_686 = arith.constant 0 : i32
        %parallel_loop3A_687 = arith.constant 4 : i32
        %parallel_loop3A_688 = arith.constant 0 : i32
        %parallel_loop3A_689 = arith.index_cast %parallel_loop3A_686 : i32 to index
        %parallel_loop3A_690 = arith.index_cast %parallel_loop3A_687 : i32 to index
        %parallel_loop3A_691 = arith.index_cast %parallel_loop3A_688 : i32 to index
        %parallel_loop3A_692 = arith.index_cast %parallel_loop3A_685 : i32 to index
        %parallel_loop3A_693 = tpu.vector_load %arg16[%parallel_loop3A_689, %parallel_loop3A_690, %parallel_loop3A_691, %parallel_loop3A_692] {strides = array<i32>} : memref<1x8x1x1024xf32, #tpu.memory_space<vmem>>, vector<16xf32>,
        tpu.vector_store %arg16[%parallel_loop3A_689, %parallel_loop3A_690, %parallel_loop3A_691, %parallel_loop3A_692], %parallel_loop3A_683 {strides = array<i32>} : memref<1x8x1x1024xf32, #tpu.memory_space<vmem>>, vector<16xf32>,
        %parallel_loop3A_694 = arith.constant 40 : i32
        %parallel_loop3A_695 = tpu.memref_slice %arg13[%parallel_loop3A_694] : memref<6629xf32, #tpu.memory_space<vmem>> -> memref<6565xf32, #tpu.memory_space<vmem>>
        %parallel_loop3A_696 = tpu.vector_load_idx %parallel_loop3A_695[%parallel_loop3A_152] : memref<6565xf32, #tpu.memory_space<vmem>>[vector<16xi32>], vector<16xf32>,
        %parallel_loop3A_697 = arith.constant 0 : i32
        %parallel_loop3A_698 = arith.addi %parallel_loop3A_697, %parallel_loop3A_144 : i32
        %parallel_loop3A_699 = arith.constant 0 : i32
        %parallel_loop3A_700 = arith.constant 5 : i32
        %parallel_loop3A_701 = arith.constant 0 : i32
        %parallel_loop3A_702 = arith.index_cast %parallel_loop3A_699 : i32 to index
        %parallel_loop3A_703 = arith.index_cast %parallel_loop3A_700 : i32 to index
        %parallel_loop3A_704 = arith.index_cast %parallel_loop3A_701 : i32 to index
        %parallel_loop3A_705 = arith.index_cast %parallel_loop3A_698 : i32 to index
        %parallel_loop3A_706 = tpu.vector_load %arg16[%parallel_loop3A_702, %parallel_loop3A_703, %parallel_loop3A_704, %parallel_loop3A_705] {strides = array<i32>} : memref<1x8x1x1024xf32, #tpu.memory_space<vmem>>, vector<16xf32>,
        tpu.vector_store %arg16[%parallel_loop3A_702, %parallel_loop3A_703, %parallel_loop3A_704, %parallel_loop3A_705], %parallel_loop3A_696 {strides = array<i32>} : memref<1x8x1x1024xf32, #tpu.memory_space<vmem>>, vector<16xf32>,
        %parallel_loop3A_707 = arith.constant 40 : i32
        %parallel_loop3A_708 = tpu.memref_slice %arg13[%parallel_loop3A_707] : memref<6629xf32, #tpu.memory_space<vmem>> -> memref<6565xf32, #tpu.memory_space<vmem>>
        %parallel_loop3A_709 = tpu.vector_load_idx %parallel_loop3A_708[%parallel_loop3A_155] : memref<6565xf32, #tpu.memory_space<vmem>>[vector<16xi32>], vector<16xf32>,
        %parallel_loop3A_710 = arith.constant 128 : i32
        %parallel_loop3A_711 = arith.addi %parallel_loop3A_710, %parallel_loop3A_144 : i32
        %parallel_loop3A_712 = arith.constant 0 : i32
        %parallel_loop3A_713 = arith.constant 5 : i32
        %parallel_loop3A_714 = arith.constant 0 : i32
        %parallel_loop3A_715 = arith.index_cast %parallel_loop3A_712 : i32 to index
        %parallel_loop3A_716 = arith.index_cast %parallel_loop3A_713 : i32 to index
        %parallel_loop3A_717 = arith.index_cast %parallel_loop3A_714 : i32 to index
        %parallel_loop3A_718 = arith.index_cast %parallel_loop3A_711 : i32 to index
        %parallel_loop3A_719 = tpu.vector_load %arg16[%parallel_loop3A_715, %parallel_loop3A_716, %parallel_loop3A_717, %parallel_loop3A_718] {strides = array<i32>} : memref<1x8x1x1024xf32, #tpu.memory_space<vmem>>, vector<16xf32>,
        tpu.vector_store %arg16[%parallel_loop3A_715, %parallel_loop3A_716, %parallel_loop3A_717, %parallel_loop3A_718], %parallel_loop3A_709 {strides = array<i32>} : memref<1x8x1x1024xf32, #tpu.memory_space<vmem>>, vector<16xf32>,
        %parallel_loop3A_720 = arith.constant 40 : i32
        %parallel_loop3A_721 = tpu.memref_slice %arg13[%parallel_loop3A_720] : memref<6629xf32, #tpu.memory_space<vmem>> -> memref<6565xf32, #tpu.memory_space<vmem>>
        %parallel_loop3A_722 = tpu.vector_load_idx %parallel_loop3A_721[%parallel_loop3A_158] : memref<6565xf32, #tpu.memory_space<vmem>>[vector<16xi32>], vector<16xf32>,
        %parallel_loop3A_723 = arith.constant 256 : i32
        %parallel_loop3A_724 = arith.addi %parallel_loop3A_723, %parallel_loop3A_144 : i32
        %parallel_loop3A_725 = arith.constant 0 : i32
        %parallel_loop3A_726 = arith.constant 5 : i32
        %parallel_loop3A_727 = arith.constant 0 : i32
        %parallel_loop3A_728 = arith.index_cast %parallel_loop3A_725 : i32 to index
        %parallel_loop3A_729 = arith.index_cast %parallel_loop3A_726 : i32 to index
        %parallel_loop3A_730 = arith.index_cast %parallel_loop3A_727 : i32 to index
        %parallel_loop3A_731 = arith.index_cast %parallel_loop3A_724 : i32 to index
        %parallel_loop3A_732 = tpu.vector_load %arg16[%parallel_loop3A_728, %parallel_loop3A_729, %parallel_loop3A_730, %parallel_loop3A_731] {strides = array<i32>} : memref<1x8x1x1024xf32, #tpu.memory_space<vmem>>, vector<16xf32>,
        tpu.vector_store %arg16[%parallel_loop3A_728, %parallel_loop3A_729, %parallel_loop3A_730, %parallel_loop3A_731], %parallel_loop3A_722 {strides = array<i32>} : memref<1x8x1x1024xf32, #tpu.memory_space<vmem>>, vector<16xf32>,
        %parallel_loop3A_733 = arith.constant 40 : i32
        %parallel_loop3A_734 = tpu.memref_slice %arg13[%parallel_loop3A_733] : memref<6629xf32, #tpu.memory_space<vmem>> -> memref<6565xf32, #tpu.memory_space<vmem>>
        %parallel_loop3A_735 = tpu.vector_load_idx %parallel_loop3A_734[%parallel_loop3A_161] : memref<6565xf32, #tpu.memory_space<vmem>>[vector<16xi32>], vector<16xf32>,
        %parallel_loop3A_736 = arith.constant 384 : i32
        %parallel_loop3A_737 = arith.addi %parallel_loop3A_736, %parallel_loop3A_144 : i32
        %parallel_loop3A_738 = arith.constant 0 : i32
        %parallel_loop3A_739 = arith.constant 5 : i32
        %parallel_loop3A_740 = arith.constant 0 : i32
        %parallel_loop3A_741 = arith.index_cast %parallel_loop3A_738 : i32 to index
        %parallel_loop3A_742 = arith.index_cast %parallel_loop3A_739 : i32 to index
        %parallel_loop3A_743 = arith.index_cast %parallel_loop3A_740 : i32 to index
        %parallel_loop3A_744 = arith.index_cast %parallel_loop3A_737 : i32 to index
        %parallel_loop3A_745 = tpu.vector_load %arg16[%parallel_loop3A_741, %parallel_loop3A_742, %parallel_loop3A_743, %parallel_loop3A_744] {strides = array<i32>} : memref<1x8x1x1024xf32, #tpu.memory_space<vmem>>, vector<16xf32>,
        tpu.vector_store %arg16[%parallel_loop3A_741, %parallel_loop3A_742, %parallel_loop3A_743, %parallel_loop3A_744], %parallel_loop3A_735 {strides = array<i32>} : memref<1x8x1x1024xf32, #tpu.memory_space<vmem>>, vector<16xf32>,
        %parallel_loop3A_746 = arith.constant 40 : i32
        %parallel_loop3A_747 = tpu.memref_slice %arg13[%parallel_loop3A_746] : memref<6629xf32, #tpu.memory_space<vmem>> -> memref<6565xf32, #tpu.memory_space<vmem>>
        %parallel_loop3A_748 = tpu.vector_load_idx %parallel_loop3A_747[%parallel_loop3A_164] : memref<6565xf32, #tpu.memory_space<vmem>>[vector<16xi32>], vector<16xf32>,
        %parallel_loop3A_749 = arith.constant 512 : i32
        %parallel_loop3A_750 = arith.addi %parallel_loop3A_749, %parallel_loop3A_144 : i32
        %parallel_loop3A_751 = arith.constant 0 : i32
        %parallel_loop3A_752 = arith.constant 5 : i32
        %parallel_loop3A_753 = arith.constant 0 : i32
        %parallel_loop3A_754 = arith.index_cast %parallel_loop3A_751 : i32 to index
        %parallel_loop3A_755 = arith.index_cast %parallel_loop3A_752 : i32 to index
        %parallel_loop3A_756 = arith.index_cast %parallel_loop3A_753 : i32 to index
        %parallel_loop3A_757 = arith.index_cast %parallel_loop3A_750 : i32 to index
        %parallel_loop3A_758 = tpu.vector_load %arg16[%parallel_loop3A_754, %parallel_loop3A_755, %parallel_loop3A_756, %parallel_loop3A_757] {strides = array<i32>} : memref<1x8x1x1024xf32, #tpu.memory_space<vmem>>, vector<16xf32>,
        tpu.vector_store %arg16[%parallel_loop3A_754, %parallel_loop3A_755, %parallel_loop3A_756, %parallel_loop3A_757], %parallel_loop3A_748 {strides = array<i32>} : memref<1x8x1x1024xf32, #tpu.memory_space<vmem>>, vector<16xf32>,
        %parallel_loop3A_759 = arith.constant 40 : i32
        %parallel_loop3A_760 = tpu.memref_slice %arg13[%parallel_loop3A_759] : memref<6629xf32, #tpu.memory_space<vmem>> -> memref<6565xf32, #tpu.memory_space<vmem>>
        %parallel_loop3A_761 = tpu.vector_load_idx %parallel_loop3A_760[%parallel_loop3A_167] : memref<6565xf32, #tpu.memory_space<vmem>>[vector<16xi32>], vector<16xf32>,
        %parallel_loop3A_762 = arith.constant 640 : i32
        %parallel_loop3A_763 = arith.addi %parallel_loop3A_762, %parallel_loop3A_144 : i32
        %parallel_loop3A_764 = arith.constant 0 : i32
        %parallel_loop3A_765 = arith.constant 5 : i32
        %parallel_loop3A_766 = arith.constant 0 : i32
        %parallel_loop3A_767 = arith.index_cast %parallel_loop3A_764 : i32 to index
        %parallel_loop3A_768 = arith.index_cast %parallel_loop3A_765 : i32 to index
        %parallel_loop3A_769 = arith.index_cast %parallel_loop3A_766 : i32 to index
        %parallel_loop3A_770 = arith.index_cast %parallel_loop3A_763 : i32 to index
        %parallel_loop3A_771 = tpu.vector_load %arg16[%parallel_loop3A_767, %parallel_loop3A_768, %parallel_loop3A_769, %parallel_loop3A_770] {strides = array<i32>} : memref<1x8x1x1024xf32, #tpu.memory_space<vmem>>, vector<16xf32>,
        tpu.vector_store %arg16[%parallel_loop3A_767, %parallel_loop3A_768, %parallel_loop3A_769, %parallel_loop3A_770], %parallel_loop3A_761 {strides = array<i32>} : memref<1x8x1x1024xf32, #tpu.memory_space<vmem>>, vector<16xf32>,
        %parallel_loop3A_772 = arith.constant 40 : i32
        %parallel_loop3A_773 = tpu.memref_slice %arg13[%parallel_loop3A_772] : memref<6629xf32, #tpu.memory_space<vmem>> -> memref<6565xf32, #tpu.memory_space<vmem>>
        %parallel_loop3A_774 = tpu.vector_load_idx %parallel_loop3A_773[%parallel_loop3A_170] : memref<6565xf32, #tpu.memory_space<vmem>>[vector<16xi32>], vector<16xf32>,
        %parallel_loop3A_775 = arith.constant 768 : i32
        %parallel_loop3A_776 = arith.addi %parallel_loop3A_775, %parallel_loop3A_144 : i32
        %parallel_loop3A_777 = arith.constant 0 : i32
        %parallel_loop3A_778 = arith.constant 5 : i32
        %parallel_loop3A_779 = arith.constant 0 : i32
        %parallel_loop3A_780 = arith.index_cast %parallel_loop3A_777 : i32 to index
        %parallel_loop3A_781 = arith.index_cast %parallel_loop3A_778 : i32 to index
        %parallel_loop3A_782 = arith.index_cast %parallel_loop3A_779 : i32 to index
        %parallel_loop3A_783 = arith.index_cast %parallel_loop3A_776 : i32 to index
        %parallel_loop3A_784 = tpu.vector_load %arg16[%parallel_loop3A_780, %parallel_loop3A_781, %parallel_loop3A_782, %parallel_loop3A_783] {strides = array<i32>} : memref<1x8x1x1024xf32, #tpu.memory_space<vmem>>, vector<16xf32>,
        tpu.vector_store %arg16[%parallel_loop3A_780, %parallel_loop3A_781, %parallel_loop3A_782, %parallel_loop3A_783], %parallel_loop3A_774 {strides = array<i32>} : memref<1x8x1x1024xf32, #tpu.memory_space<vmem>>, vector<16xf32>,
        %parallel_loop3A_785 = arith.constant 40 : i32
        %parallel_loop3A_786 = tpu.memref_slice %arg13[%parallel_loop3A_785] : memref<6629xf32, #tpu.memory_space<vmem>> -> memref<6565xf32, #tpu.memory_space<vmem>>
        %parallel_loop3A_787 = tpu.vector_load_idx %parallel_loop3A_786[%parallel_loop3A_173] : memref<6565xf32, #tpu.memory_space<vmem>>[vector<16xi32>], vector<16xf32>,
        %parallel_loop3A_788 = arith.constant 896 : i32
        %parallel_loop3A_789 = arith.addi %parallel_loop3A_788, %parallel_loop3A_144 : i32
        %parallel_loop3A_790 = arith.constant 0 : i32
        %parallel_loop3A_791 = arith.constant 5 : i32
        %parallel_loop3A_792 = arith.constant 0 : i32
        %parallel_loop3A_793 = arith.index_cast %parallel_loop3A_790 : i32 to index
        %parallel_loop3A_794 = arith.index_cast %parallel_loop3A_791 : i32 to index
        %parallel_loop3A_795 = arith.index_cast %parallel_loop3A_792 : i32 to index
        %parallel_loop3A_796 = arith.index_cast %parallel_loop3A_789 : i32 to index
        %parallel_loop3A_797 = tpu.vector_load %arg16[%parallel_loop3A_793, %parallel_loop3A_794, %parallel_loop3A_795, %parallel_loop3A_796] {strides = array<i32>} : memref<1x8x1x1024xf32, #tpu.memory_space<vmem>>, vector<16xf32>,
        tpu.vector_store %arg16[%parallel_loop3A_793, %parallel_loop3A_794, %parallel_loop3A_795, %parallel_loop3A_796], %parallel_loop3A_787 {strides = array<i32>} : memref<1x8x1x1024xf32, #tpu.memory_space<vmem>>, vector<16xf32>,
        %parallel_loop3A_798 = arith.constant 48 : i32
        %parallel_loop3A_799 = tpu.memref_slice %arg13[%parallel_loop3A_798] : memref<6629xf32, #tpu.memory_space<vmem>> -> memref<6565xf32, #tpu.memory_space<vmem>>
        %parallel_loop3A_800 = tpu.vector_load_idx %parallel_loop3A_799[%parallel_loop3A_152] : memref<6565xf32, #tpu.memory_space<vmem>>[vector<16xi32>], vector<16xf32>,
        %parallel_loop3A_801 = arith.constant 0 : i32
        %parallel_loop3A_802 = arith.addi %parallel_loop3A_801, %parallel_loop3A_144 : i32
        %parallel_loop3A_803 = arith.constant 0 : i32
        %parallel_loop3A_804 = arith.constant 6 : i32
        %parallel_loop3A_805 = arith.constant 0 : i32
        %parallel_loop3A_806 = arith.index_cast %parallel_loop3A_803 : i32 to index
        %parallel_loop3A_807 = arith.index_cast %parallel_loop3A_804 : i32 to index
        %parallel_loop3A_808 = arith.index_cast %parallel_loop3A_805 : i32 to index
        %parallel_loop3A_809 = arith.index_cast %parallel_loop3A_802 : i32 to index
        %parallel_loop3A_810 = tpu.vector_load %arg16[%parallel_loop3A_806, %parallel_loop3A_807, %parallel_loop3A_808, %parallel_loop3A_809] {strides = array<i32>} : memref<1x8x1x1024xf32, #tpu.memory_space<vmem>>, vector<16xf32>,
        tpu.vector_store %arg16[%parallel_loop3A_806, %parallel_loop3A_807, %parallel_loop3A_808, %parallel_loop3A_809], %parallel_loop3A_800 {strides = array<i32>} : memref<1x8x1x1024xf32, #tpu.memory_space<vmem>>, vector<16xf32>,
        %parallel_loop3A_811 = arith.constant 48 : i32
        %parallel_loop3A_812 = tpu.memref_slice %arg13[%parallel_loop3A_811] : memref<6629xf32, #tpu.memory_space<vmem>> -> memref<6565xf32, #tpu.memory_space<vmem>>
        %parallel_loop3A_813 = tpu.vector_load_idx %parallel_loop3A_812[%parallel_loop3A_155] : memref<6565xf32, #tpu.memory_space<vmem>>[vector<16xi32>], vector<16xf32>,
        %parallel_loop3A_814 = arith.constant 128 : i32
        %parallel_loop3A_815 = arith.addi %parallel_loop3A_814, %parallel_loop3A_144 : i32
        %parallel_loop3A_816 = arith.constant 0 : i32
        %parallel_loop3A_817 = arith.constant 6 : i32
        %parallel_loop3A_818 = arith.constant 0 : i32
        %parallel_loop3A_819 = arith.index_cast %parallel_loop3A_816 : i32 to index
        %parallel_loop3A_820 = arith.index_cast %parallel_loop3A_817 : i32 to index
        %parallel_loop3A_821 = arith.index_cast %parallel_loop3A_818 : i32 to index
        %parallel_loop3A_822 = arith.index_cast %parallel_loop3A_815 : i32 to index
        %parallel_loop3A_823 = tpu.vector_load %arg16[%parallel_loop3A_819, %parallel_loop3A_820, %parallel_loop3A_821, %parallel_loop3A_822] {strides = array<i32>} : memref<1x8x1x1024xf32, #tpu.memory_space<vmem>>, vector<16xf32>,
        tpu.vector_store %arg16[%parallel_loop3A_819, %parallel_loop3A_820, %parallel_loop3A_821, %parallel_loop3A_822], %parallel_loop3A_813 {strides = array<i32>} : memref<1x8x1x1024xf32, #tpu.memory_space<vmem>>, vector<16xf32>,
        %parallel_loop3A_824 = arith.constant 48 : i32
        %parallel_loop3A_825 = tpu.memref_slice %arg13[%parallel_loop3A_824] : memref<6629xf32, #tpu.memory_space<vmem>> -> memref<6565xf32, #tpu.memory_space<vmem>>
        %parallel_loop3A_826 = tpu.vector_load_idx %parallel_loop3A_825[%parallel_loop3A_158] : memref<6565xf32, #tpu.memory_space<vmem>>[vector<16xi32>], vector<16xf32>,
        %parallel_loop3A_827 = arith.constant 256 : i32
        %parallel_loop3A_828 = arith.addi %parallel_loop3A_827, %parallel_loop3A_144 : i32
        %parallel_loop3A_829 = arith.constant 0 : i32
        %parallel_loop3A_830 = arith.constant 6 : i32
        %parallel_loop3A_831 = arith.constant 0 : i32
        %parallel_loop3A_832 = arith.index_cast %parallel_loop3A_829 : i32 to index
        %parallel_loop3A_833 = arith.index_cast %parallel_loop3A_830 : i32 to index
        %parallel_loop3A_834 = arith.index_cast %parallel_loop3A_831 : i32 to index
        %parallel_loop3A_835 = arith.index_cast %parallel_loop3A_828 : i32 to index
        %parallel_loop3A_836 = tpu.vector_load %arg16[%parallel_loop3A_832, %parallel_loop3A_833, %parallel_loop3A_834, %parallel_loop3A_835] {strides = array<i32>} : memref<1x8x1x1024xf32, #tpu.memory_space<vmem>>, vector<16xf32>,
        tpu.vector_store %arg16[%parallel_loop3A_832, %parallel_loop3A_833, %parallel_loop3A_834, %parallel_loop3A_835], %parallel_loop3A_826 {strides = array<i32>} : memref<1x8x1x1024xf32, #tpu.memory_space<vmem>>, vector<16xf32>,
        %parallel_loop3A_837 = arith.constant 48 : i32
        %parallel_loop3A_838 = tpu.memref_slice %arg13[%parallel_loop3A_837] : memref<6629xf32, #tpu.memory_space<vmem>> -> memref<6565xf32, #tpu.memory_space<vmem>>
        %parallel_loop3A_839 = tpu.vector_load_idx %parallel_loop3A_838[%parallel_loop3A_161] : memref<6565xf32, #tpu.memory_space<vmem>>[vector<16xi32>], vector<16xf32>,
        %parallel_loop3A_840 = arith.constant 384 : i32
        %parallel_loop3A_841 = arith.addi %parallel_loop3A_840, %parallel_loop3A_144 : i32
        %parallel_loop3A_842 = arith.constant 0 : i32
        %parallel_loop3A_843 = arith.constant 6 : i32
        %parallel_loop3A_844 = arith.constant 0 : i32
        %parallel_loop3A_845 = arith.index_cast %parallel_loop3A_842 : i32 to index
        %parallel_loop3A_846 = arith.index_cast %parallel_loop3A_843 : i32 to index
        %parallel_loop3A_847 = arith.index_cast %parallel_loop3A_844 : i32 to index
        %parallel_loop3A_848 = arith.index_cast %parallel_loop3A_841 : i32 to index
        %parallel_loop3A_849 = tpu.vector_load %arg16[%parallel_loop3A_845, %parallel_loop3A_846, %parallel_loop3A_847, %parallel_loop3A_848] {strides = array<i32>} : memref<1x8x1x1024xf32, #tpu.memory_space<vmem>>, vector<16xf32>,
        tpu.vector_store %arg16[%parallel_loop3A_845, %parallel_loop3A_846, %parallel_loop3A_847, %parallel_loop3A_848], %parallel_loop3A_839 {strides = array<i32>} : memref<1x8x1x1024xf32, #tpu.memory_space<vmem>>, vector<16xf32>,
        %parallel_loop3A_850 = arith.constant 48 : i32
        %parallel_loop3A_851 = tpu.memref_slice %arg13[%parallel_loop3A_850] : memref<6629xf32, #tpu.memory_space<vmem>> -> memref<6565xf32, #tpu.memory_space<vmem>>
        %parallel_loop3A_852 = tpu.vector_load_idx %parallel_loop3A_851[%parallel_loop3A_164] : memref<6565xf32, #tpu.memory_space<vmem>>[vector<16xi32>], vector<16xf32>,
        %parallel_loop3A_853 = arith.constant 512 : i32
        %parallel_loop3A_854 = arith.addi %parallel_loop3A_853, %parallel_loop3A_144 : i32
        %parallel_loop3A_855 = arith.constant 0 : i32
        %parallel_loop3A_856 = arith.constant 6 : i32
        %parallel_loop3A_857 = arith.constant 0 : i32
        %parallel_loop3A_858 = arith.index_cast %parallel_loop3A_855 : i32 to index
        %parallel_loop3A_859 = arith.index_cast %parallel_loop3A_856 : i32 to index
        %parallel_loop3A_860 = arith.index_cast %parallel_loop3A_857 : i32 to index
        %parallel_loop3A_861 = arith.index_cast %parallel_loop3A_854 : i32 to index
        %parallel_loop3A_862 = tpu.vector_load %arg16[%parallel_loop3A_858, %parallel_loop3A_859, %parallel_loop3A_860, %parallel_loop3A_861] {strides = array<i32>} : memref<1x8x1x1024xf32, #tpu.memory_space<vmem>>, vector<16xf32>,
        tpu.vector_store %arg16[%parallel_loop3A_858, %parallel_loop3A_859, %parallel_loop3A_860, %parallel_loop3A_861], %parallel_loop3A_852 {strides = array<i32>} : memref<1x8x1x1024xf32, #tpu.memory_space<vmem>>, vector<16xf32>,
        %parallel_loop3A_863 = arith.constant 48 : i32
        %parallel_loop3A_864 = tpu.memref_slice %arg13[%parallel_loop3A_863] : memref<6629xf32, #tpu.memory_space<vmem>> -> memref<6565xf32, #tpu.memory_space<vmem>>
        %parallel_loop3A_865 = tpu.vector_load_idx %parallel_loop3A_864[%parallel_loop3A_167] : memref<6565xf32, #tpu.memory_space<vmem>>[vector<16xi32>], vector<16xf32>,
        %parallel_loop3A_866 = arith.constant 640 : i32
        %parallel_loop3A_867 = arith.addi %parallel_loop3A_866, %parallel_loop3A_144 : i32
        %parallel_loop3A_868 = arith.constant 0 : i32
        %parallel_loop3A_869 = arith.constant 6 : i32
        %parallel_loop3A_870 = arith.constant 0 : i32
        %parallel_loop3A_871 = arith.index_cast %parallel_loop3A_868 : i32 to index
        %parallel_loop3A_872 = arith.index_cast %parallel_loop3A_869 : i32 to index
        %parallel_loop3A_873 = arith.index_cast %parallel_loop3A_870 : i32 to index
        %parallel_loop3A_874 = arith.index_cast %parallel_loop3A_867 : i32 to index
        %parallel_loop3A_875 = tpu.vector_load %arg16[%parallel_loop3A_871, %parallel_loop3A_872, %parallel_loop3A_873, %parallel_loop3A_874] {strides = array<i32>} : memref<1x8x1x1024xf32, #tpu.memory_space<vmem>>, vector<16xf32>,
        tpu.vector_store %arg16[%parallel_loop3A_871, %parallel_loop3A_872, %parallel_loop3A_873, %parallel_loop3A_874], %parallel_loop3A_865 {strides = array<i32>} : memref<1x8x1x1024xf32, #tpu.memory_space<vmem>>, vector<16xf32>,
        %parallel_loop3A_876 = arith.constant 48 : i32
        %parallel_loop3A_877 = tpu.memref_slice %arg13[%parallel_loop3A_876] : memref<6629xf32, #tpu.memory_space<vmem>> -> memref<6565xf32, #tpu.memory_space<vmem>>
        %parallel_loop3A_878 = tpu.vector_load_idx %parallel_loop3A_877[%parallel_loop3A_170] : memref<6565xf32, #tpu.memory_space<vmem>>[vector<16xi32>], vector<16xf32>,
        %parallel_loop3A_879 = arith.constant 768 : i32
        %parallel_loop3A_880 = arith.addi %parallel_loop3A_879, %parallel_loop3A_144 : i32
        %parallel_loop3A_881 = arith.constant 0 : i32
        %parallel_loop3A_882 = arith.constant 6 : i32
        %parallel_loop3A_883 = arith.constant 0 : i32
        %parallel_loop3A_884 = arith.index_cast %parallel_loop3A_881 : i32 to index
        %parallel_loop3A_885 = arith.index_cast %parallel_loop3A_882 : i32 to index
        %parallel_loop3A_886 = arith.index_cast %parallel_loop3A_883 : i32 to index
        %parallel_loop3A_887 = arith.index_cast %parallel_loop3A_880 : i32 to index
        %parallel_loop3A_888 = tpu.vector_load %arg16[%parallel_loop3A_884, %parallel_loop3A_885, %parallel_loop3A_886, %parallel_loop3A_887] {strides = array<i32>} : memref<1x8x1x1024xf32, #tpu.memory_space<vmem>>, vector<16xf32>,
        tpu.vector_store %arg16[%parallel_loop3A_884, %parallel_loop3A_885, %parallel_loop3A_886, %parallel_loop3A_887], %parallel_loop3A_878 {strides = array<i32>} : memref<1x8x1x1024xf32, #tpu.memory_space<vmem>>, vector<16xf32>,
        %parallel_loop3A_889 = arith.constant 48 : i32
        %parallel_loop3A_890 = tpu.memref_slice %arg13[%parallel_loop3A_889] : memref<6629xf32, #tpu.memory_space<vmem>> -> memref<6565xf32, #tpu.memory_space<vmem>>
        %parallel_loop3A_891 = tpu.vector_load_idx %parallel_loop3A_890[%parallel_loop3A_173] : memref<6565xf32, #tpu.memory_space<vmem>>[vector<16xi32>], vector<16xf32>,
        %parallel_loop3A_892 = arith.constant 896 : i32
        %parallel_loop3A_893 = arith.addi %parallel_loop3A_892, %parallel_loop3A_144 : i32
        %parallel_loop3A_894 = arith.constant 0 : i32
        %parallel_loop3A_895 = arith.constant 6 : i32
        %parallel_loop3A_896 = arith.constant 0 : i32
        %parallel_loop3A_897 = arith.index_cast %parallel_loop3A_894 : i32 to index
        %parallel_loop3A_898 = arith.index_cast %parallel_loop3A_895 : i32 to index
        %parallel_loop3A_899 = arith.index_cast %parallel_loop3A_896 : i32 to index
        %parallel_loop3A_900 = arith.index_cast %parallel_loop3A_893 : i32 to index
        %parallel_loop3A_901 = tpu.vector_load %arg16[%parallel_loop3A_897, %parallel_loop3A_898, %parallel_loop3A_899, %parallel_loop3A_900] {strides = array<i32>} : memref<1x8x1x1024xf32, #tpu.memory_space<vmem>>, vector<16xf32>,
        tpu.vector_store %arg16[%parallel_loop3A_897, %parallel_loop3A_898, %parallel_loop3A_899, %parallel_loop3A_900], %parallel_loop3A_891 {strides = array<i32>} : memref<1x8x1x1024xf32, #tpu.memory_space<vmem>>, vector<16xf32>,
        %parallel_loop3A_902 = arith.constant 56 : i32
        %parallel_loop3A_903 = tpu.memref_slice %arg13[%parallel_loop3A_902] : memref<6629xf32, #tpu.memory_space<vmem>> -> memref<6565xf32, #tpu.memory_space<vmem>>
        %parallel_loop3A_904 = tpu.vector_load_idx %parallel_loop3A_903[%parallel_loop3A_152] : memref<6565xf32, #tpu.memory_space<vmem>>[vector<16xi32>], vector<16xf32>,
        %parallel_loop3A_905 = arith.constant 0 : i32
        %parallel_loop3A_906 = arith.addi %parallel_loop3A_905, %parallel_loop3A_144 : i32
        %parallel_loop3A_907 = arith.constant 0 : i32
        %parallel_loop3A_908 = arith.constant 7 : i32
        %parallel_loop3A_909 = arith.constant 0 : i32
        %parallel_loop3A_910 = arith.index_cast %parallel_loop3A_907 : i32 to index
        %parallel_loop3A_911 = arith.index_cast %parallel_loop3A_908 : i32 to index
        %parallel_loop3A_912 = arith.index_cast %parallel_loop3A_909 : i32 to index
        %parallel_loop3A_913 = arith.index_cast %parallel_loop3A_906 : i32 to index
        %parallel_loop3A_914 = tpu.vector_load %arg16[%parallel_loop3A_910, %parallel_loop3A_911, %parallel_loop3A_912, %parallel_loop3A_913] {strides = array<i32>} : memref<1x8x1x1024xf32, #tpu.memory_space<vmem>>, vector<16xf32>,
        tpu.vector_store %arg16[%parallel_loop3A_910, %parallel_loop3A_911, %parallel_loop3A_912, %parallel_loop3A_913], %parallel_loop3A_904 {strides = array<i32>} : memref<1x8x1x1024xf32, #tpu.memory_space<vmem>>, vector<16xf32>,
        %parallel_loop3A_915 = arith.constant 56 : i32
        %parallel_loop3A_916 = tpu.memref_slice %arg13[%parallel_loop3A_915] : memref<6629xf32, #tpu.memory_space<vmem>> -> memref<6565xf32, #tpu.memory_space<vmem>>
        %parallel_loop3A_917 = tpu.vector_load_idx %parallel_loop3A_916[%parallel_loop3A_155] : memref<6565xf32, #tpu.memory_space<vmem>>[vector<16xi32>], vector<16xf32>,
        %parallel_loop3A_918 = arith.constant 128 : i32
        %parallel_loop3A_919 = arith.addi %parallel_loop3A_918, %parallel_loop3A_144 : i32
        %parallel_loop3A_920 = arith.constant 0 : i32
        %parallel_loop3A_921 = arith.constant 7 : i32
        %parallel_loop3A_922 = arith.constant 0 : i32
        %parallel_loop3A_923 = arith.index_cast %parallel_loop3A_920 : i32 to index
        %parallel_loop3A_924 = arith.index_cast %parallel_loop3A_921 : i32 to index
        %parallel_loop3A_925 = arith.index_cast %parallel_loop3A_922 : i32 to index
        %parallel_loop3A_926 = arith.index_cast %parallel_loop3A_919 : i32 to index
        %parallel_loop3A_927 = tpu.vector_load %arg16[%parallel_loop3A_923, %parallel_loop3A_924, %parallel_loop3A_925, %parallel_loop3A_926] {strides = array<i32>} : memref<1x8x1x1024xf32, #tpu.memory_space<vmem>>, vector<16xf32>,
        tpu.vector_store %arg16[%parallel_loop3A_923, %parallel_loop3A_924, %parallel_loop3A_925, %parallel_loop3A_926], %parallel_loop3A_917 {strides = array<i32>} : memref<1x8x1x1024xf32, #tpu.memory_space<vmem>>, vector<16xf32>,
        %parallel_loop3A_928 = arith.constant 56 : i32
        %parallel_loop3A_929 = tpu.memref_slice %arg13[%parallel_loop3A_928] : memref<6629xf32, #tpu.memory_space<vmem>> -> memref<6565xf32, #tpu.memory_space<vmem>>
        %parallel_loop3A_930 = tpu.vector_load_idx %parallel_loop3A_929[%parallel_loop3A_158] : memref<6565xf32, #tpu.memory_space<vmem>>[vector<16xi32>], vector<16xf32>,
        %parallel_loop3A_931 = arith.constant 256 : i32
        %parallel_loop3A_932 = arith.addi %parallel_loop3A_931, %parallel_loop3A_144 : i32
        %parallel_loop3A_933 = arith.constant 0 : i32
        %parallel_loop3A_934 = arith.constant 7 : i32
        %parallel_loop3A_935 = arith.constant 0 : i32
        %parallel_loop3A_936 = arith.index_cast %parallel_loop3A_933 : i32 to index
        %parallel_loop3A_937 = arith.index_cast %parallel_loop3A_934 : i32 to index
        %parallel_loop3A_938 = arith.index_cast %parallel_loop3A_935 : i32 to index
        %parallel_loop3A_939 = arith.index_cast %parallel_loop3A_932 : i32 to index
        %parallel_loop3A_940 = tpu.vector_load %arg16[%parallel_loop3A_936, %parallel_loop3A_937, %parallel_loop3A_938, %parallel_loop3A_939] {strides = array<i32>} : memref<1x8x1x1024xf32, #tpu.memory_space<vmem>>, vector<16xf32>,
        tpu.vector_store %arg16[%parallel_loop3A_936, %parallel_loop3A_937, %parallel_loop3A_938, %parallel_loop3A_939], %parallel_loop3A_930 {strides = array<i32>} : memref<1x8x1x1024xf32, #tpu.memory_space<vmem>>, vector<16xf32>,
        %parallel_loop3A_941 = arith.constant 56 : i32
        %parallel_loop3A_942 = tpu.memref_slice %arg13[%parallel_loop3A_941] : memref<6629xf32, #tpu.memory_space<vmem>> -> memref<6565xf32, #tpu.memory_space<vmem>>
        %parallel_loop3A_943 = tpu.vector_load_idx %parallel_loop3A_942[%parallel_loop3A_161] : memref<6565xf32, #tpu.memory_space<vmem>>[vector<16xi32>], vector<16xf32>,
        %parallel_loop3A_944 = arith.constant 384 : i32
        %parallel_loop3A_945 = arith.addi %parallel_loop3A_944, %parallel_loop3A_144 : i32
        %parallel_loop3A_946 = arith.constant 0 : i32
        %parallel_loop3A_947 = arith.constant 7 : i32
        %parallel_loop3A_948 = arith.constant 0 : i32
        %parallel_loop3A_949 = arith.index_cast %parallel_loop3A_946 : i32 to index
        %parallel_loop3A_950 = arith.index_cast %parallel_loop3A_947 : i32 to index
        %parallel_loop3A_951 = arith.index_cast %parallel_loop3A_948 : i32 to index
        %parallel_loop3A_952 = arith.index_cast %parallel_loop3A_945 : i32 to index
        %parallel_loop3A_953 = tpu.vector_load %arg16[%parallel_loop3A_949, %parallel_loop3A_950, %parallel_loop3A_951, %parallel_loop3A_952] {strides = array<i32>} : memref<1x8x1x1024xf32, #tpu.memory_space<vmem>>, vector<16xf32>,
        tpu.vector_store %arg16[%parallel_loop3A_949, %parallel_loop3A_950, %parallel_loop3A_951, %parallel_loop3A_952], %parallel_loop3A_943 {strides = array<i32>} : memref<1x8x1x1024xf32, #tpu.memory_space<vmem>>, vector<16xf32>,
        %parallel_loop3A_954 = arith.constant 56 : i32
        %parallel_loop3A_955 = tpu.memref_slice %arg13[%parallel_loop3A_954] : memref<6629xf32, #tpu.memory_space<vmem>> -> memref<6565xf32, #tpu.memory_space<vmem>>
        %parallel_loop3A_956 = tpu.vector_load_idx %parallel_loop3A_955[%parallel_loop3A_164] : memref<6565xf32, #tpu.memory_space<vmem>>[vector<16xi32>], vector<16xf32>,
        %parallel_loop3A_957 = arith.constant 512 : i32
        %parallel_loop3A_958 = arith.addi %parallel_loop3A_957, %parallel_loop3A_144 : i32
        %parallel_loop3A_959 = arith.constant 0 : i32
        %parallel_loop3A_960 = arith.constant 7 : i32
        %parallel_loop3A_961 = arith.constant 0 : i32
        %parallel_loop3A_962 = arith.index_cast %parallel_loop3A_959 : i32 to index
        %parallel_loop3A_963 = arith.index_cast %parallel_loop3A_960 : i32 to index
        %parallel_loop3A_964 = arith.index_cast %parallel_loop3A_961 : i32 to index
        %parallel_loop3A_965 = arith.index_cast %parallel_loop3A_958 : i32 to index
        %parallel_loop3A_966 = tpu.vector_load %arg16[%parallel_loop3A_962, %parallel_loop3A_963, %parallel_loop3A_964, %parallel_loop3A_965] {strides = array<i32>} : memref<1x8x1x1024xf32, #tpu.memory_space<vmem>>, vector<16xf32>,
        tpu.vector_store %arg16[%parallel_loop3A_962, %parallel_loop3A_963, %parallel_loop3A_964, %parallel_loop3A_965], %parallel_loop3A_956 {strides = array<i32>} : memref<1x8x1x1024xf32, #tpu.memory_space<vmem>>, vector<16xf32>,
        %parallel_loop3A_967 = arith.constant 56 : i32
        %parallel_loop3A_968 = tpu.memref_slice %arg13[%parallel_loop3A_967] : memref<6629xf32, #tpu.memory_space<vmem>> -> memref<6565xf32, #tpu.memory_space<vmem>>
        %parallel_loop3A_969 = tpu.vector_load_idx %parallel_loop3A_968[%parallel_loop3A_167] : memref<6565xf32, #tpu.memory_space<vmem>>[vector<16xi32>], vector<16xf32>,
        %parallel_loop3A_970 = arith.constant 640 : i32
        %parallel_loop3A_971 = arith.addi %parallel_loop3A_970, %parallel_loop3A_144 : i32
        %parallel_loop3A_972 = arith.constant 0 : i32
        %parallel_loop3A_973 = arith.constant 7 : i32
        %parallel_loop3A_974 = arith.constant 0 : i32
        %parallel_loop3A_975 = arith.index_cast %parallel_loop3A_972 : i32 to index
        %parallel_loop3A_976 = arith.index_cast %parallel_loop3A_973 : i32 to index
        %parallel_loop3A_977 = arith.index_cast %parallel_loop3A_974 : i32 to index
        %parallel_loop3A_978 = arith.index_cast %parallel_loop3A_971 : i32 to index
        %parallel_loop3A_979 = tpu.vector_load %arg16[%parallel_loop3A_975, %parallel_loop3A_976, %parallel_loop3A_977, %parallel_loop3A_978] {strides = array<i32>} : memref<1x8x1x1024xf32, #tpu.memory_space<vmem>>, vector<16xf32>,
        tpu.vector_store %arg16[%parallel_loop3A_975, %parallel_loop3A_976, %parallel_loop3A_977, %parallel_loop3A_978], %parallel_loop3A_969 {strides = array<i32>} : memref<1x8x1x1024xf32, #tpu.memory_space<vmem>>, vector<16xf32>,
        %parallel_loop3A_980 = arith.constant 56 : i32
        %parallel_loop3A_981 = tpu.memref_slice %arg13[%parallel_loop3A_980] : memref<6629xf32, #tpu.memory_space<vmem>> -> memref<6565xf32, #tpu.memory_space<vmem>>
        %parallel_loop3A_982 = tpu.vector_load_idx %parallel_loop3A_981[%parallel_loop3A_170] : memref<6565xf32, #tpu.memory_space<vmem>>[vector<16xi32>], vector<16xf32>,
        %parallel_loop3A_983 = arith.constant 768 : i32
        %parallel_loop3A_984 = arith.addi %parallel_loop3A_983, %parallel_loop3A_144 : i32
        %parallel_loop3A_985 = arith.constant 0 : i32
        %parallel_loop3A_986 = arith.constant 7 : i32
        %parallel_loop3A_987 = arith.constant 0 : i32
        %parallel_loop3A_988 = arith.index_cast %parallel_loop3A_985 : i32 to index
        %parallel_loop3A_989 = arith.index_cast %parallel_loop3A_986 : i32 to index
        %parallel_loop3A_990 = arith.index_cast %parallel_loop3A_987 : i32 to index
        %parallel_loop3A_991 = arith.index_cast %parallel_loop3A_984 : i32 to index
        %parallel_loop3A_992 = tpu.vector_load %arg16[%parallel_loop3A_988, %parallel_loop3A_989, %parallel_loop3A_990, %parallel_loop3A_991] {strides = array<i32>} : memref<1x8x1x1024xf32, #tpu.memory_space<vmem>>, vector<16xf32>,
        tpu.vector_store %arg16[%parallel_loop3A_988, %parallel_loop3A_989, %parallel_loop3A_990, %parallel_loop3A_991], %parallel_loop3A_982 {strides = array<i32>} : memref<1x8x1x1024xf32, #tpu.memory_space<vmem>>, vector<16xf32>,
        %parallel_loop3A_993 = arith.constant 56 : i32
        %parallel_loop3A_994 = tpu.memref_slice %arg13[%parallel_loop3A_993] : memref<6629xf32, #tpu.memory_space<vmem>> -> memref<6565xf32, #tpu.memory_space<vmem>>
        %parallel_loop3A_995 = tpu.vector_load_idx %parallel_loop3A_994[%parallel_loop3A_173] : memref<6565xf32, #tpu.memory_space<vmem>>[vector<16xi32>], vector<16xf32>,
        %parallel_loop3A_996 = arith.constant 896 : i32
        %parallel_loop3A_997 = arith.addi %parallel_loop3A_996, %parallel_loop3A_144 : i32
        %parallel_loop3A_998 = arith.constant 0 : i32
        %parallel_loop3A_999 = arith.constant 7 : i32
        %parallel_loop3A_1000 = arith.constant 0 : i32
        %parallel_loop3A_1001 = arith.index_cast %parallel_loop3A_998 : i32 to index
        %parallel_loop3A_1002 = arith.index_cast %parallel_loop3A_999 : i32 to index
        %parallel_loop3A_1003 = arith.index_cast %parallel_loop3A_1000 : i32 to index
        %parallel_loop3A_1004 = arith.index_cast %parallel_loop3A_997 : i32 to index
        %parallel_loop3A_1005 = tpu.vector_load %arg16[%parallel_loop3A_1001, %parallel_loop3A_1002, %parallel_loop3A_1003, %parallel_loop3A_1004] {strides = array<i32>} : memref<1x8x1x1024xf32, #tpu.memory_space<vmem>>, vector<16xf32>,
        tpu.vector_store %arg16[%parallel_loop3A_1001, %parallel_loop3A_1002, %parallel_loop3A_1003, %parallel_loop3A_1004], %parallel_loop3A_995 {strides = array<i32>} : memref<1x8x1x1024xf32, #tpu.memory_space<vmem>>, vector<16xf32>,
      } {sc.loop_unroll_factor = 1 : i64, sc.parallel_access}
      %mul3A_107 = arith.constant 4 : i32
      %mul3A_108 = arith.muli %add3A, %mul3A_107 : i32
      %add3A_109 = arith.addi %mul3A_108, %scan3A_83 : i32
      %dma_start3A_110 = arith.constant 1 : i32
      %dma_start3A_111 = arith.constant 0 : i32
      %dma_start3A_112 = arith.constant 0 : i32
      %dma_start3A_113 = tpu.memref_slice %arg8[%dma_start3A_110, %dma_start3A_111, %add3A_109, %dma_start3A_112] : memref<3x8x128x1024xf32, #tpu.memory_space<hbm>> -> memref<1x8x1x1024xf32, #tpu.memory_space<hbm>>
      %dma_start3A_114 = arith.constant 1 : i32
      %dma_start3A_115 = arith.constant 0 : i32
      %dma_start3A_116 = arith.constant 0 : i32
      %dma_start3A_117 = tpu.memref_slice %arg8[%dma_start3A_114, %dma_start3A_115, %add3A_109, %dma_start3A_116] : memref<3x8x128x1024xf32, #tpu.memory_space<hbm>> -> memref<1x8x1x1024xf32, #tpu.memory_space<hbm>>
      tpu.enqueue_dma source(%arg16 : memref<1x8x1x1024xf32, #tpu.memory_space<vmem>>) target(%dma_start3A_117 : memref<1x8x1x1024xf32, #tpu.memory_space<hbm>>) target_semaphore(%arg20 : memref<!tpu.dma_semaphore, #tpu.memory_space<semaphore_mem>>)
      %gt3A_118 = arith.constant 0 : i32
      %gt3A_119 = arith.cmpi sgt, %scan3A_83, %gt3A_118 : i32
      %convert_element_type3A_120 = arith.extui %gt3A_119 : i1 to i32
      %cond3A_121 = arith.constant 0 : i32
      %cond3A_122 = arith.cmpi ne, %convert_element_type3A_120, %cond3A_121 : i32
      scf.if %cond3A_122 {
        %mul3A_137 = arith.constant 4 : i32
        %mul3A_138 = arith.muli %add3A, %mul3A_137 : i32
        %add3A_139 = arith.addi %mul3A_138, %scan3A_83 : i32
        %sub3A_140 = arith.constant 1 : i32
        %sub3A_141 = arith.subi %add3A_139, %sub3A_140 : i32
        %dma_wait3A_142 = arith.constant 2 : i32
        %dma_wait3A_143 = arith.constant 0 : i32
        %dma_wait3A_144 = arith.constant 0 : i32
        %dma_wait3A_145 = tpu.memref_slice %arg8[%dma_wait3A_142, %dma_wait3A_143, %sub3A_141, %dma_wait3A_144] : memref<3x8x128x1024xf32, #tpu.memory_space<hbm>> -> memref<1x8x1x1024xf32, #tpu.memory_space<hbm>>
        %dma_wait3A_146 = arith.constant 2 : i32
        %dma_wait3A_147 = arith.constant 0 : i32
        %dma_wait3A_148 = arith.constant 0 : i32
        %dma_wait3A_149 = tpu.memref_slice %arg8[%dma_wait3A_146, %dma_wait3A_147, %sub3A_141, %dma_wait3A_148] : memref<3x8x128x1024xf32, #tpu.memory_space<hbm>> -> memref<1x8x1x1024xf32, #tpu.memory_space<hbm>>
        tpu.wait_dma2 semaphore(%arg21 : memref<!tpu.dma_semaphore, #tpu.memory_space<semaphore_mem>>) src(%arg17 : memref<1x8x1x1024xf32, #tpu.memory_space<vmem>>) dst(%dma_wait3A_149 : memref<1x8x1x1024xf32, #tpu.memory_space<hbm>>)
      } else {
      }
      %parallel_loop3A_123 = arith.constant 0 : i32
      %parallel_loop3A_124 = arith.constant 8 : i32
      %parallel_loop3A_125 = arith.constant 1 : i32
      scf.for %parallel_loop3A_137 = %parallel_loop3A_123 to %parallel_loop3A_124 step %parallel_loop3A_125  : i32 {
        %parallel_loop3A_138 = arith.constant 128 : i32
        %parallel_loop3A_139 = arith.muli %scan3A_83, %parallel_loop3A_138 : i32
        %parallel_loop3A_140 = arith.constant 16 : i32
        %parallel_loop3A_141 = arith.muli %parallel_loop3A_137, %parallel_loop3A_140 : i32
        %parallel_loop3A_142 = arith.addi %parallel_loop3A_139, %parallel_loop3A_141 : i32
        %parallel_loop3A_143 = arith.constant 16 : i32
        %parallel_loop3A_144 = arith.muli %parallel_loop3A_137, %parallel_loop3A_143 : i32
        %parallel_loop3A_145 = arith.index_cast %parallel_loop3A_142 : i32 to index
        %parallel_loop3A_146 = tpu.vector_load %arg11[%parallel_loop3A_145] {strides = array<i32>} : memref<512xi32, #tpu.memory_space<vmem>>, vector<16xi32>,
        %parallel_loop3A_147 = arith.constant 16 : i32
        %parallel_loop3A_148 = vector.broadcast %parallel_loop3A_147 : i32 to vector<16xi32>
        %parallel_loop3A_149 = arith.muli %parallel_loop3A_146, %parallel_loop3A_148 : vector<16xi32>
        %parallel_loop3A_150 = arith.addi %parallel_loop3A_149, %iota3A : vector<16xi32>
        %parallel_loop3A_151 = arith.constant 65 : i32
        %parallel_loop3A_152 = vector.broadcast %parallel_loop3A_151 : i32 to vector<16xi32>
        %parallel_loop3A_153 = arith.muli %parallel_loop3A_150, %parallel_loop3A_152 : vector<16xi32>
        %parallel_loop3A_154 = arith.constant 0 : i32
        %parallel_loop3A_155 = vector.broadcast %parallel_loop3A_154 : i32 to vector<16xi32>
        %parallel_loop3A_156 = arith.addi %parallel_loop3A_153, %parallel_loop3A_155 : vector<16xi32>
        %parallel_loop3A_157 = arith.constant 1 : i32
        %parallel_loop3A_158 = vector.broadcast %parallel_loop3A_157 : i32 to vector<16xi32>
        %parallel_loop3A_159 = arith.addi %parallel_loop3A_153, %parallel_loop3A_158 : vector<16xi32>
        %parallel_loop3A_160 = arith.constant 2 : i32
        %parallel_loop3A_161 = vector.broadcast %parallel_loop3A_160 : i32 to vector<16xi32>
        %parallel_loop3A_162 = arith.addi %parallel_loop3A_153, %parallel_loop3A_161 : vector<16xi32>
        %parallel_loop3A_163 = arith.constant 3 : i32
        %parallel_loop3A_164 = vector.broadcast %parallel_loop3A_163 : i32 to vector<16xi32>
        %parallel_loop3A_165 = arith.addi %parallel_loop3A_153, %parallel_loop3A_164 : vector<16xi32>
        %parallel_loop3A_166 = arith.constant 4 : i32
        %parallel_loop3A_167 = vector.broadcast %parallel_loop3A_166 : i32 to vector<16xi32>
        %parallel_loop3A_168 = arith.addi %parallel_loop3A_153, %parallel_loop3A_167 : vector<16xi32>
        %parallel_loop3A_169 = arith.constant 5 : i32
        %parallel_loop3A_170 = vector.broadcast %parallel_loop3A_169 : i32 to vector<16xi32>
        %parallel_loop3A_171 = arith.addi %parallel_loop3A_153, %parallel_loop3A_170 : vector<16xi32>
        %parallel_loop3A_172 = arith.constant 6 : i32
        %parallel_loop3A_173 = vector.broadcast %parallel_loop3A_172 : i32 to vector<16xi32>
        %parallel_loop3A_174 = arith.addi %parallel_loop3A_153, %parallel_loop3A_173 : vector<16xi32>
        %parallel_loop3A_175 = arith.constant 7 : i32
        %parallel_loop3A_176 = vector.broadcast %parallel_loop3A_175 : i32 to vector<16xi32>
        %parallel_loop3A_177 = arith.addi %parallel_loop3A_153, %parallel_loop3A_176 : vector<16xi32>
        %parallel_loop3A_178 = arith.constant 0 : i32
        %parallel_loop3A_179 = tpu.memref_slice %arg14[%parallel_loop3A_178] : memref<3184xf32, #tpu.memory_space<vmem>> -> memref<3120xf32, #tpu.memory_space<vmem>>
        %parallel_loop3A_180 = tpu.vector_load_idx %parallel_loop3A_179[%parallel_loop3A_156] : memref<3120xf32, #tpu.memory_space<vmem>>[vector<16xi32>], vector<16xf32>,
        %parallel_loop3A_181 = arith.constant 0 : i32
        %parallel_loop3A_182 = arith.addi %parallel_loop3A_181, %parallel_loop3A_144 : i32
        %parallel_loop3A_183 = arith.constant 0 : i32
        %parallel_loop3A_184 = arith.constant 0 : i32
        %parallel_loop3A_185 = arith.constant 0 : i32
        %parallel_loop3A_186 = arith.index_cast %parallel_loop3A_183 : i32 to index
        %parallel_loop3A_187 = arith.index_cast %parallel_loop3A_184 : i32 to index
        %parallel_loop3A_188 = arith.index_cast %parallel_loop3A_185 : i32 to index
        %parallel_loop3A_189 = arith.index_cast %parallel_loop3A_182 : i32 to index
        %parallel_loop3A_190 = tpu.vector_load %arg17[%parallel_loop3A_186, %parallel_loop3A_187, %parallel_loop3A_188, %parallel_loop3A_189] {strides = array<i32>} : memref<1x8x1x1024xf32, #tpu.memory_space<vmem>>, vector<16xf32>,
        tpu.vector_store %arg17[%parallel_loop3A_186, %parallel_loop3A_187, %parallel_loop3A_188, %parallel_loop3A_189], %parallel_loop3A_180 {strides = array<i32>} : memref<1x8x1x1024xf32, #tpu.memory_space<vmem>>, vector<16xf32>,
        %parallel_loop3A_191 = arith.constant 0 : i32
        %parallel_loop3A_192 = tpu.memref_slice %arg14[%parallel_loop3A_191] : memref<3184xf32, #tpu.memory_space<vmem>> -> memref<3120xf32, #tpu.memory_space<vmem>>
        %parallel_loop3A_193 = tpu.vector_load_idx %parallel_loop3A_192[%parallel_loop3A_159] : memref<3120xf32, #tpu.memory_space<vmem>>[vector<16xi32>], vector<16xf32>,
        %parallel_loop3A_194 = arith.constant 128 : i32
        %parallel_loop3A_195 = arith.addi %parallel_loop3A_194, %parallel_loop3A_144 : i32
        %parallel_loop3A_196 = arith.constant 0 : i32
        %parallel_loop3A_197 = arith.constant 0 : i32
        %parallel_loop3A_198 = arith.constant 0 : i32
        %parallel_loop3A_199 = arith.index_cast %parallel_loop3A_196 : i32 to index
        %parallel_loop3A_200 = arith.index_cast %parallel_loop3A_197 : i32 to index
        %parallel_loop3A_201 = arith.index_cast %parallel_loop3A_198 : i32 to index
        %parallel_loop3A_202 = arith.index_cast %parallel_loop3A_195 : i32 to index
        %parallel_loop3A_203 = tpu.vector_load %arg17[%parallel_loop3A_199, %parallel_loop3A_200, %parallel_loop3A_201, %parallel_loop3A_202] {strides = array<i32>} : memref<1x8x1x1024xf32, #tpu.memory_space<vmem>>, vector<16xf32>,
        tpu.vector_store %arg17[%parallel_loop3A_199, %parallel_loop3A_200, %parallel_loop3A_201, %parallel_loop3A_202], %parallel_loop3A_193 {strides = array<i32>} : memref<1x8x1x1024xf32, #tpu.memory_space<vmem>>, vector<16xf32>,
        %parallel_loop3A_204 = arith.constant 0 : i32
        %parallel_loop3A_205 = tpu.memref_slice %arg14[%parallel_loop3A_204] : memref<3184xf32, #tpu.memory_space<vmem>> -> memref<3120xf32, #tpu.memory_space<vmem>>
        %parallel_loop3A_206 = tpu.vector_load_idx %parallel_loop3A_205[%parallel_loop3A_162] : memref<3120xf32, #tpu.memory_space<vmem>>[vector<16xi32>], vector<16xf32>,
        %parallel_loop3A_207 = arith.constant 256 : i32
        %parallel_loop3A_208 = arith.addi %parallel_loop3A_207, %parallel_loop3A_144 : i32
        %parallel_loop3A_209 = arith.constant 0 : i32
        %parallel_loop3A_210 = arith.constant 0 : i32
        %parallel_loop3A_211 = arith.constant 0 : i32
        %parallel_loop3A_212 = arith.index_cast %parallel_loop3A_209 : i32 to index
        %parallel_loop3A_213 = arith.index_cast %parallel_loop3A_210 : i32 to index
        %parallel_loop3A_214 = arith.index_cast %parallel_loop3A_211 : i32 to index
        %parallel_loop3A_215 = arith.index_cast %parallel_loop3A_208 : i32 to index
        %parallel_loop3A_216 = tpu.vector_load %arg17[%parallel_loop3A_212, %parallel_loop3A_213, %parallel_loop3A_214, %parallel_loop3A_215] {strides = array<i32>} : memref<1x8x1x1024xf32, #tpu.memory_space<vmem>>, vector<16xf32>,
        tpu.vector_store %arg17[%parallel_loop3A_212, %parallel_loop3A_213, %parallel_loop3A_214, %parallel_loop3A_215], %parallel_loop3A_206 {strides = array<i32>} : memref<1x8x1x1024xf32, #tpu.memory_space<vmem>>, vector<16xf32>,
        %parallel_loop3A_217 = arith.constant 0 : i32
        %parallel_loop3A_218 = tpu.memref_slice %arg14[%parallel_loop3A_217] : memref<3184xf32, #tpu.memory_space<vmem>> -> memref<3120xf32, #tpu.memory_space<vmem>>
        %parallel_loop3A_219 = tpu.vector_load_idx %parallel_loop3A_218[%parallel_loop3A_165] : memref<3120xf32, #tpu.memory_space<vmem>>[vector<16xi32>], vector<16xf32>,
        %parallel_loop3A_220 = arith.constant 384 : i32
        %parallel_loop3A_221 = arith.addi %parallel_loop3A_220, %parallel_loop3A_144 : i32
        %parallel_loop3A_222 = arith.constant 0 : i32
        %parallel_loop3A_223 = arith.constant 0 : i32
        %parallel_loop3A_224 = arith.constant 0 : i32
        %parallel_loop3A_225 = arith.index_cast %parallel_loop3A_222 : i32 to index
        %parallel_loop3A_226 = arith.index_cast %parallel_loop3A_223 : i32 to index
        %parallel_loop3A_227 = arith.index_cast %parallel_loop3A_224 : i32 to index
        %parallel_loop3A_228 = arith.index_cast %parallel_loop3A_221 : i32 to index
        %parallel_loop3A_229 = tpu.vector_load %arg17[%parallel_loop3A_225, %parallel_loop3A_226, %parallel_loop3A_227, %parallel_loop3A_228] {strides = array<i32>} : memref<1x8x1x1024xf32, #tpu.memory_space<vmem>>, vector<16xf32>,
        tpu.vector_store %arg17[%parallel_loop3A_225, %parallel_loop3A_226, %parallel_loop3A_227, %parallel_loop3A_228], %parallel_loop3A_219 {strides = array<i32>} : memref<1x8x1x1024xf32, #tpu.memory_space<vmem>>, vector<16xf32>,
        %parallel_loop3A_230 = arith.constant 0 : i32
        %parallel_loop3A_231 = tpu.memref_slice %arg14[%parallel_loop3A_230] : memref<3184xf32, #tpu.memory_space<vmem>> -> memref<3120xf32, #tpu.memory_space<vmem>>
        %parallel_loop3A_232 = tpu.vector_load_idx %parallel_loop3A_231[%parallel_loop3A_168] : memref<3120xf32, #tpu.memory_space<vmem>>[vector<16xi32>], vector<16xf32>,
        %parallel_loop3A_233 = arith.constant 512 : i32
        %parallel_loop3A_234 = arith.addi %parallel_loop3A_233, %parallel_loop3A_144 : i32
        %parallel_loop3A_235 = arith.constant 0 : i32
        %parallel_loop3A_236 = arith.constant 0 : i32
        %parallel_loop3A_237 = arith.constant 0 : i32
        %parallel_loop3A_238 = arith.index_cast %parallel_loop3A_235 : i32 to index
        %parallel_loop3A_239 = arith.index_cast %parallel_loop3A_236 : i32 to index
        %parallel_loop3A_240 = arith.index_cast %parallel_loop3A_237 : i32 to index
        %parallel_loop3A_241 = arith.index_cast %parallel_loop3A_234 : i32 to index
        %parallel_loop3A_242 = tpu.vector_load %arg17[%parallel_loop3A_238, %parallel_loop3A_239, %parallel_loop3A_240, %parallel_loop3A_241] {strides = array<i32>} : memref<1x8x1x1024xf32, #tpu.memory_space<vmem>>, vector<16xf32>,
        tpu.vector_store %arg17[%parallel_loop3A_238, %parallel_loop3A_239, %parallel_loop3A_240, %parallel_loop3A_241], %parallel_loop3A_232 {strides = array<i32>} : memref<1x8x1x1024xf32, #tpu.memory_space<vmem>>, vector<16xf32>,
        %parallel_loop3A_243 = arith.constant 0 : i32
        %parallel_loop3A_244 = tpu.memref_slice %arg14[%parallel_loop3A_243] : memref<3184xf32, #tpu.memory_space<vmem>> -> memref<3120xf32, #tpu.memory_space<vmem>>
        %parallel_loop3A_245 = tpu.vector_load_idx %parallel_loop3A_244[%parallel_loop3A_171] : memref<3120xf32, #tpu.memory_space<vmem>>[vector<16xi32>], vector<16xf32>,
        %parallel_loop3A_246 = arith.constant 640 : i32
        %parallel_loop3A_247 = arith.addi %parallel_loop3A_246, %parallel_loop3A_144 : i32
        %parallel_loop3A_248 = arith.constant 0 : i32
        %parallel_loop3A_249 = arith.constant 0 : i32
        %parallel_loop3A_250 = arith.constant 0 : i32
        %parallel_loop3A_251 = arith.index_cast %parallel_loop3A_248 : i32 to index
        %parallel_loop3A_252 = arith.index_cast %parallel_loop3A_249 : i32 to index
        %parallel_loop3A_253 = arith.index_cast %parallel_loop3A_250 : i32 to index
        %parallel_loop3A_254 = arith.index_cast %parallel_loop3A_247 : i32 to index
        %parallel_loop3A_255 = tpu.vector_load %arg17[%parallel_loop3A_251, %parallel_loop3A_252, %parallel_loop3A_253, %parallel_loop3A_254] {strides = array<i32>} : memref<1x8x1x1024xf32, #tpu.memory_space<vmem>>, vector<16xf32>,
        tpu.vector_store %arg17[%parallel_loop3A_251, %parallel_loop3A_252, %parallel_loop3A_253, %parallel_loop3A_254], %parallel_loop3A_245 {strides = array<i32>} : memref<1x8x1x1024xf32, #tpu.memory_space<vmem>>, vector<16xf32>,
        %parallel_loop3A_256 = arith.constant 0 : i32
        %parallel_loop3A_257 = tpu.memref_slice %arg14[%parallel_loop3A_256] : memref<3184xf32, #tpu.memory_space<vmem>> -> memref<3120xf32, #tpu.memory_space<vmem>>
        %parallel_loop3A_258 = tpu.vector_load_idx %parallel_loop3A_257[%parallel_loop3A_174] : memref<3120xf32, #tpu.memory_space<vmem>>[vector<16xi32>], vector<16xf32>,
        %parallel_loop3A_259 = arith.constant 768 : i32
        %parallel_loop3A_260 = arith.addi %parallel_loop3A_259, %parallel_loop3A_144 : i32
        %parallel_loop3A_261 = arith.constant 0 : i32
        %parallel_loop3A_262 = arith.constant 0 : i32
        %parallel_loop3A_263 = arith.constant 0 : i32
        %parallel_loop3A_264 = arith.index_cast %parallel_loop3A_261 : i32 to index
        %parallel_loop3A_265 = arith.index_cast %parallel_loop3A_262 : i32 to index
        %parallel_loop3A_266 = arith.index_cast %parallel_loop3A_263 : i32 to index
        %parallel_loop3A_267 = arith.index_cast %parallel_loop3A_260 : i32 to index
        %parallel_loop3A_268 = tpu.vector_load %arg17[%parallel_loop3A_264, %parallel_loop3A_265, %parallel_loop3A_266, %parallel_loop3A_267] {strides = array<i32>} : memref<1x8x1x1024xf32, #tpu.memory_space<vmem>>, vector<16xf32>,
        tpu.vector_store %arg17[%parallel_loop3A_264, %parallel_loop3A_265, %parallel_loop3A_266, %parallel_loop3A_267], %parallel_loop3A_258 {strides = array<i32>} : memref<1x8x1x1024xf32, #tpu.memory_space<vmem>>, vector<16xf32>,
        %parallel_loop3A_269 = arith.constant 0 : i32
        %parallel_loop3A_270 = tpu.memref_slice %arg14[%parallel_loop3A_269] : memref<3184xf32, #tpu.memory_space<vmem>> -> memref<3120xf32, #tpu.memory_space<vmem>>
        %parallel_loop3A_271 = tpu.vector_load_idx %parallel_loop3A_270[%parallel_loop3A_177] : memref<3120xf32, #tpu.memory_space<vmem>>[vector<16xi32>], vector<16xf32>,
        %parallel_loop3A_272 = arith.constant 896 : i32
        %parallel_loop3A_273 = arith.addi %parallel_loop3A_272, %parallel_loop3A_144 : i32
        %parallel_loop3A_274 = arith.constant 0 : i32
        %parallel_loop3A_275 = arith.constant 0 : i32
        %parallel_loop3A_276 = arith.constant 0 : i32
        %parallel_loop3A_277 = arith.index_cast %parallel_loop3A_274 : i32 to index
        %parallel_loop3A_278 = arith.index_cast %parallel_loop3A_275 : i32 to index
        %parallel_loop3A_279 = arith.index_cast %parallel_loop3A_276 : i32 to index
        %parallel_loop3A_280 = arith.index_cast %parallel_loop3A_273 : i32 to index
        %parallel_loop3A_281 = tpu.vector_load %arg17[%parallel_loop3A_277, %parallel_loop3A_278, %parallel_loop3A_279, %parallel_loop3A_280] {strides = array<i32>} : memref<1x8x1x1024xf32, #tpu.memory_space<vmem>>, vector<16xf32>,
        tpu.vector_store %arg17[%parallel_loop3A_277, %parallel_loop3A_278, %parallel_loop3A_279, %parallel_loop3A_280], %parallel_loop3A_271 {strides = array<i32>} : memref<1x8x1x1024xf32, #tpu.memory_space<vmem>>, vector<16xf32>,
        %parallel_loop3A_282 = arith.constant 8 : i32
        %parallel_loop3A_283 = tpu.memref_slice %arg14[%parallel_loop3A_282] : memref<3184xf32, #tpu.memory_space<vmem>> -> memref<3120xf32, #tpu.memory_space<vmem>>
        %parallel_loop3A_284 = tpu.vector_load_idx %parallel_loop3A_283[%parallel_loop3A_156] : memref<3120xf32, #tpu.memory_space<vmem>>[vector<16xi32>], vector<16xf32>,
        %parallel_loop3A_285 = arith.constant 0 : i32
        %parallel_loop3A_286 = arith.addi %parallel_loop3A_285, %parallel_loop3A_144 : i32
        %parallel_loop3A_287 = arith.constant 0 : i32
        %parallel_loop3A_288 = arith.constant 1 : i32
        %parallel_loop3A_289 = arith.constant 0 : i32
        %parallel_loop3A_290 = arith.index_cast %parallel_loop3A_287 : i32 to index
        %parallel_loop3A_291 = arith.index_cast %parallel_loop3A_288 : i32 to index
        %parallel_loop3A_292 = arith.index_cast %parallel_loop3A_289 : i32 to index
        %parallel_loop3A_293 = arith.index_cast %parallel_loop3A_286 : i32 to index
        %parallel_loop3A_294 = tpu.vector_load %arg17[%parallel_loop3A_290, %parallel_loop3A_291, %parallel_loop3A_292, %parallel_loop3A_293] {strides = array<i32>} : memref<1x8x1x1024xf32, #tpu.memory_space<vmem>>, vector<16xf32>,
        tpu.vector_store %arg17[%parallel_loop3A_290, %parallel_loop3A_291, %parallel_loop3A_292, %parallel_loop3A_293], %parallel_loop3A_284 {strides = array<i32>} : memref<1x8x1x1024xf32, #tpu.memory_space<vmem>>, vector<16xf32>,
        %parallel_loop3A_295 = arith.constant 8 : i32
        %parallel_loop3A_296 = tpu.memref_slice %arg14[%parallel_loop3A_295] : memref<3184xf32, #tpu.memory_space<vmem>> -> memref<3120xf32, #tpu.memory_space<vmem>>
        %parallel_loop3A_297 = tpu.vector_load_idx %parallel_loop3A_296[%parallel_loop3A_159] : memref<3120xf32, #tpu.memory_space<vmem>>[vector<16xi32>], vector<16xf32>,
        %parallel_loop3A_298 = arith.constant 128 : i32
        %parallel_loop3A_299 = arith.addi %parallel_loop3A_298, %parallel_loop3A_144 : i32
        %parallel_loop3A_300 = arith.constant 0 : i32
        %parallel_loop3A_301 = arith.constant 1 : i32
        %parallel_loop3A_302 = arith.constant 0 : i32
        %parallel_loop3A_303 = arith.index_cast %parallel_loop3A_300 : i32 to index
        %parallel_loop3A_304 = arith.index_cast %parallel_loop3A_301 : i32 to index
        %parallel_loop3A_305 = arith.index_cast %parallel_loop3A_302 : i32 to index
        %parallel_loop3A_306 = arith.index_cast %parallel_loop3A_299 : i32 to index
        %parallel_loop3A_307 = tpu.vector_load %arg17[%parallel_loop3A_303, %parallel_loop3A_304, %parallel_loop3A_305, %parallel_loop3A_306] {strides = array<i32>} : memref<1x8x1x1024xf32, #tpu.memory_space<vmem>>, vector<16xf32>,
        tpu.vector_store %arg17[%parallel_loop3A_303, %parallel_loop3A_304, %parallel_loop3A_305, %parallel_loop3A_306], %parallel_loop3A_297 {strides = array<i32>} : memref<1x8x1x1024xf32, #tpu.memory_space<vmem>>, vector<16xf32>,
        %parallel_loop3A_308 = arith.constant 8 : i32
        %parallel_loop3A_309 = tpu.memref_slice %arg14[%parallel_loop3A_308] : memref<3184xf32, #tpu.memory_space<vmem>> -> memref<3120xf32, #tpu.memory_space<vmem>>
        %parallel_loop3A_310 = tpu.vector_load_idx %parallel_loop3A_309[%parallel_loop3A_162] : memref<3120xf32, #tpu.memory_space<vmem>>[vector<16xi32>], vector<16xf32>,
        %parallel_loop3A_311 = arith.constant 256 : i32
        %parallel_loop3A_312 = arith.addi %parallel_loop3A_311, %parallel_loop3A_144 : i32
        %parallel_loop3A_313 = arith.constant 0 : i32
        %parallel_loop3A_314 = arith.constant 1 : i32
        %parallel_loop3A_315 = arith.constant 0 : i32
        %parallel_loop3A_316 = arith.index_cast %parallel_loop3A_313 : i32 to index
        %parallel_loop3A_317 = arith.index_cast %parallel_loop3A_314 : i32 to index
        %parallel_loop3A_318 = arith.index_cast %parallel_loop3A_315 : i32 to index
        %parallel_loop3A_319 = arith.index_cast %parallel_loop3A_312 : i32 to index
        %parallel_loop3A_320 = tpu.vector_load %arg17[%parallel_loop3A_316, %parallel_loop3A_317, %parallel_loop3A_318, %parallel_loop3A_319] {strides = array<i32>} : memref<1x8x1x1024xf32, #tpu.memory_space<vmem>>, vector<16xf32>,
        tpu.vector_store %arg17[%parallel_loop3A_316, %parallel_loop3A_317, %parallel_loop3A_318, %parallel_loop3A_319], %parallel_loop3A_310 {strides = array<i32>} : memref<1x8x1x1024xf32, #tpu.memory_space<vmem>>, vector<16xf32>,
        %parallel_loop3A_321 = arith.constant 8 : i32
        %parallel_loop3A_322 = tpu.memref_slice %arg14[%parallel_loop3A_321] : memref<3184xf32, #tpu.memory_space<vmem>> -> memref<3120xf32, #tpu.memory_space<vmem>>
        %parallel_loop3A_323 = tpu.vector_load_idx %parallel_loop3A_322[%parallel_loop3A_165] : memref<3120xf32, #tpu.memory_space<vmem>>[vector<16xi32>], vector<16xf32>,
        %parallel_loop3A_324 = arith.constant 384 : i32
        %parallel_loop3A_325 = arith.addi %parallel_loop3A_324, %parallel_loop3A_144 : i32
        %parallel_loop3A_326 = arith.constant 0 : i32
        %parallel_loop3A_327 = arith.constant 1 : i32
        %parallel_loop3A_328 = arith.constant 0 : i32
        %parallel_loop3A_329 = arith.index_cast %parallel_loop3A_326 : i32 to index
        %parallel_loop3A_330 = arith.index_cast %parallel_loop3A_327 : i32 to index
        %parallel_loop3A_331 = arith.index_cast %parallel_loop3A_328 : i32 to index
        %parallel_loop3A_332 = arith.index_cast %parallel_loop3A_325 : i32 to index
        %parallel_loop3A_333 = tpu.vector_load %arg17[%parallel_loop3A_329, %parallel_loop3A_330, %parallel_loop3A_331, %parallel_loop3A_332] {strides = array<i32>} : memref<1x8x1x1024xf32, #tpu.memory_space<vmem>>, vector<16xf32>,
        tpu.vector_store %arg17[%parallel_loop3A_329, %parallel_loop3A_330, %parallel_loop3A_331, %parallel_loop3A_332], %parallel_loop3A_323 {strides = array<i32>} : memref<1x8x1x1024xf32, #tpu.memory_space<vmem>>, vector<16xf32>,
        %parallel_loop3A_334 = arith.constant 8 : i32
        %parallel_loop3A_335 = tpu.memref_slice %arg14[%parallel_loop3A_334] : memref<3184xf32, #tpu.memory_space<vmem>> -> memref<3120xf32, #tpu.memory_space<vmem>>
        %parallel_loop3A_336 = tpu.vector_load_idx %parallel_loop3A_335[%parallel_loop3A_168] : memref<3120xf32, #tpu.memory_space<vmem>>[vector<16xi32>], vector<16xf32>,
        %parallel_loop3A_337 = arith.constant 512 : i32
        %parallel_loop3A_338 = arith.addi %parallel_loop3A_337, %parallel_loop3A_144 : i32
        %parallel_loop3A_339 = arith.constant 0 : i32
        %parallel_loop3A_340 = arith.constant 1 : i32
        %parallel_loop3A_341 = arith.constant 0 : i32
        %parallel_loop3A_342 = arith.index_cast %parallel_loop3A_339 : i32 to index
        %parallel_loop3A_343 = arith.index_cast %parallel_loop3A_340 : i32 to index
        %parallel_loop3A_344 = arith.index_cast %parallel_loop3A_341 : i32 to index
        %parallel_loop3A_345 = arith.index_cast %parallel_loop3A_338 : i32 to index
        %parallel_loop3A_346 = tpu.vector_load %arg17[%parallel_loop3A_342, %parallel_loop3A_343, %parallel_loop3A_344, %parallel_loop3A_345] {strides = array<i32>} : memref<1x8x1x1024xf32, #tpu.memory_space<vmem>>, vector<16xf32>,
        tpu.vector_store %arg17[%parallel_loop3A_342, %parallel_loop3A_343, %parallel_loop3A_344, %parallel_loop3A_345], %parallel_loop3A_336 {strides = array<i32>} : memref<1x8x1x1024xf32, #tpu.memory_space<vmem>>, vector<16xf32>,
        %parallel_loop3A_347 = arith.constant 8 : i32
        %parallel_loop3A_348 = tpu.memref_slice %arg14[%parallel_loop3A_347] : memref<3184xf32, #tpu.memory_space<vmem>> -> memref<3120xf32, #tpu.memory_space<vmem>>
        %parallel_loop3A_349 = tpu.vector_load_idx %parallel_loop3A_348[%parallel_loop3A_171] : memref<3120xf32, #tpu.memory_space<vmem>>[vector<16xi32>], vector<16xf32>,
        %parallel_loop3A_350 = arith.constant 640 : i32
        %parallel_loop3A_351 = arith.addi %parallel_loop3A_350, %parallel_loop3A_144 : i32
        %parallel_loop3A_352 = arith.constant 0 : i32
        %parallel_loop3A_353 = arith.constant 1 : i32
        %parallel_loop3A_354 = arith.constant 0 : i32
        %parallel_loop3A_355 = arith.index_cast %parallel_loop3A_352 : i32 to index
        %parallel_loop3A_356 = arith.index_cast %parallel_loop3A_353 : i32 to index
        %parallel_loop3A_357 = arith.index_cast %parallel_loop3A_354 : i32 to index
        %parallel_loop3A_358 = arith.index_cast %parallel_loop3A_351 : i32 to index
        %parallel_loop3A_359 = tpu.vector_load %arg17[%parallel_loop3A_355, %parallel_loop3A_356, %parallel_loop3A_357, %parallel_loop3A_358] {strides = array<i32>} : memref<1x8x1x1024xf32, #tpu.memory_space<vmem>>, vector<16xf32>,
        tpu.vector_store %arg17[%parallel_loop3A_355, %parallel_loop3A_356, %parallel_loop3A_357, %parallel_loop3A_358], %parallel_loop3A_349 {strides = array<i32>} : memref<1x8x1x1024xf32, #tpu.memory_space<vmem>>, vector<16xf32>,
        %parallel_loop3A_360 = arith.constant 8 : i32
        %parallel_loop3A_361 = tpu.memref_slice %arg14[%parallel_loop3A_360] : memref<3184xf32, #tpu.memory_space<vmem>> -> memref<3120xf32, #tpu.memory_space<vmem>>
        %parallel_loop3A_362 = tpu.vector_load_idx %parallel_loop3A_361[%parallel_loop3A_174] : memref<3120xf32, #tpu.memory_space<vmem>>[vector<16xi32>], vector<16xf32>,
        %parallel_loop3A_363 = arith.constant 768 : i32
        %parallel_loop3A_364 = arith.addi %parallel_loop3A_363, %parallel_loop3A_144 : i32
        %parallel_loop3A_365 = arith.constant 0 : i32
        %parallel_loop3A_366 = arith.constant 1 : i32
        %parallel_loop3A_367 = arith.constant 0 : i32
        %parallel_loop3A_368 = arith.index_cast %parallel_loop3A_365 : i32 to index
        %parallel_loop3A_369 = arith.index_cast %parallel_loop3A_366 : i32 to index
        %parallel_loop3A_370 = arith.index_cast %parallel_loop3A_367 : i32 to index
        %parallel_loop3A_371 = arith.index_cast %parallel_loop3A_364 : i32 to index
        %parallel_loop3A_372 = tpu.vector_load %arg17[%parallel_loop3A_368, %parallel_loop3A_369, %parallel_loop3A_370, %parallel_loop3A_371] {strides = array<i32>} : memref<1x8x1x1024xf32, #tpu.memory_space<vmem>>, vector<16xf32>,
        tpu.vector_store %arg17[%parallel_loop3A_368, %parallel_loop3A_369, %parallel_loop3A_370, %parallel_loop3A_371], %parallel_loop3A_362 {strides = array<i32>} : memref<1x8x1x1024xf32, #tpu.memory_space<vmem>>, vector<16xf32>,
        %parallel_loop3A_373 = arith.constant 8 : i32
        %parallel_loop3A_374 = tpu.memref_slice %arg14[%parallel_loop3A_373] : memref<3184xf32, #tpu.memory_space<vmem>> -> memref<3120xf32, #tpu.memory_space<vmem>>
        %parallel_loop3A_375 = tpu.vector_load_idx %parallel_loop3A_374[%parallel_loop3A_177] : memref<3120xf32, #tpu.memory_space<vmem>>[vector<16xi32>], vector<16xf32>,
        %parallel_loop3A_376 = arith.constant 896 : i32
        %parallel_loop3A_377 = arith.addi %parallel_loop3A_376, %parallel_loop3A_144 : i32
        %parallel_loop3A_378 = arith.constant 0 : i32
        %parallel_loop3A_379 = arith.constant 1 : i32
        %parallel_loop3A_380 = arith.constant 0 : i32
        %parallel_loop3A_381 = arith.index_cast %parallel_loop3A_378 : i32 to index
        %parallel_loop3A_382 = arith.index_cast %parallel_loop3A_379 : i32 to index
        %parallel_loop3A_383 = arith.index_cast %parallel_loop3A_380 : i32 to index
        %parallel_loop3A_384 = arith.index_cast %parallel_loop3A_377 : i32 to index
        %parallel_loop3A_385 = tpu.vector_load %arg17[%parallel_loop3A_381, %parallel_loop3A_382, %parallel_loop3A_383, %parallel_loop3A_384] {strides = array<i32>} : memref<1x8x1x1024xf32, #tpu.memory_space<vmem>>, vector<16xf32>,
        tpu.vector_store %arg17[%parallel_loop3A_381, %parallel_loop3A_382, %parallel_loop3A_383, %parallel_loop3A_384], %parallel_loop3A_375 {strides = array<i32>} : memref<1x8x1x1024xf32, #tpu.memory_space<vmem>>, vector<16xf32>,
        %parallel_loop3A_386 = arith.constant 16 : i32
        %parallel_loop3A_387 = tpu.memref_slice %arg14[%parallel_loop3A_386] : memref<3184xf32, #tpu.memory_space<vmem>> -> memref<3120xf32, #tpu.memory_space<vmem>>
        %parallel_loop3A_388 = tpu.vector_load_idx %parallel_loop3A_387[%parallel_loop3A_156] : memref<3120xf32, #tpu.memory_space<vmem>>[vector<16xi32>], vector<16xf32>,
        %parallel_loop3A_389 = arith.constant 0 : i32
        %parallel_loop3A_390 = arith.addi %parallel_loop3A_389, %parallel_loop3A_144 : i32
        %parallel_loop3A_391 = arith.constant 0 : i32
        %parallel_loop3A_392 = arith.constant 2 : i32
        %parallel_loop3A_393 = arith.constant 0 : i32
        %parallel_loop3A_394 = arith.index_cast %parallel_loop3A_391 : i32 to index
        %parallel_loop3A_395 = arith.index_cast %parallel_loop3A_392 : i32 to index
        %parallel_loop3A_396 = arith.index_cast %parallel_loop3A_393 : i32 to index
        %parallel_loop3A_397 = arith.index_cast %parallel_loop3A_390 : i32 to index
        %parallel_loop3A_398 = tpu.vector_load %arg17[%parallel_loop3A_394, %parallel_loop3A_395, %parallel_loop3A_396, %parallel_loop3A_397] {strides = array<i32>} : memref<1x8x1x1024xf32, #tpu.memory_space<vmem>>, vector<16xf32>,
        tpu.vector_store %arg17[%parallel_loop3A_394, %parallel_loop3A_395, %parallel_loop3A_396, %parallel_loop3A_397], %parallel_loop3A_388 {strides = array<i32>} : memref<1x8x1x1024xf32, #tpu.memory_space<vmem>>, vector<16xf32>,
        %parallel_loop3A_399 = arith.constant 16 : i32
        %parallel_loop3A_400 = tpu.memref_slice %arg14[%parallel_loop3A_399] : memref<3184xf32, #tpu.memory_space<vmem>> -> memref<3120xf32, #tpu.memory_space<vmem>>
        %parallel_loop3A_401 = tpu.vector_load_idx %parallel_loop3A_400[%parallel_loop3A_159] : memref<3120xf32, #tpu.memory_space<vmem>>[vector<16xi32>], vector<16xf32>,
        %parallel_loop3A_402 = arith.constant 128 : i32
        %parallel_loop3A_403 = arith.addi %parallel_loop3A_402, %parallel_loop3A_144 : i32
        %parallel_loop3A_404 = arith.constant 0 : i32
        %parallel_loop3A_405 = arith.constant 2 : i32
        %parallel_loop3A_406 = arith.constant 0 : i32
        %parallel_loop3A_407 = arith.index_cast %parallel_loop3A_404 : i32 to index
        %parallel_loop3A_408 = arith.index_cast %parallel_loop3A_405 : i32 to index
        %parallel_loop3A_409 = arith.index_cast %parallel_loop3A_406 : i32 to index
        %parallel_loop3A_410 = arith.index_cast %parallel_loop3A_403 : i32 to index
        %parallel_loop3A_411 = tpu.vector_load %arg17[%parallel_loop3A_407, %parallel_loop3A_408, %parallel_loop3A_409, %parallel_loop3A_410] {strides = array<i32>} : memref<1x8x1x1024xf32, #tpu.memory_space<vmem>>, vector<16xf32>,
        tpu.vector_store %arg17[%parallel_loop3A_407, %parallel_loop3A_408, %parallel_loop3A_409, %parallel_loop3A_410], %parallel_loop3A_401 {strides = array<i32>} : memref<1x8x1x1024xf32, #tpu.memory_space<vmem>>, vector<16xf32>,
        %parallel_loop3A_412 = arith.constant 16 : i32
        %parallel_loop3A_413 = tpu.memref_slice %arg14[%parallel_loop3A_412] : memref<3184xf32, #tpu.memory_space<vmem>> -> memref<3120xf32, #tpu.memory_space<vmem>>
        %parallel_loop3A_414 = tpu.vector_load_idx %parallel_loop3A_413[%parallel_loop3A_162] : memref<3120xf32, #tpu.memory_space<vmem>>[vector<16xi32>], vector<16xf32>,
        %parallel_loop3A_415 = arith.constant 256 : i32
        %parallel_loop3A_416 = arith.addi %parallel_loop3A_415, %parallel_loop3A_144 : i32
        %parallel_loop3A_417 = arith.constant 0 : i32
        %parallel_loop3A_418 = arith.constant 2 : i32
        %parallel_loop3A_419 = arith.constant 0 : i32
        %parallel_loop3A_420 = arith.index_cast %parallel_loop3A_417 : i32 to index
        %parallel_loop3A_421 = arith.index_cast %parallel_loop3A_418 : i32 to index
        %parallel_loop3A_422 = arith.index_cast %parallel_loop3A_419 : i32 to index
        %parallel_loop3A_423 = arith.index_cast %parallel_loop3A_416 : i32 to index
        %parallel_loop3A_424 = tpu.vector_load %arg17[%parallel_loop3A_420, %parallel_loop3A_421, %parallel_loop3A_422, %parallel_loop3A_423] {strides = array<i32>} : memref<1x8x1x1024xf32, #tpu.memory_space<vmem>>, vector<16xf32>,
        tpu.vector_store %arg17[%parallel_loop3A_420, %parallel_loop3A_421, %parallel_loop3A_422, %parallel_loop3A_423], %parallel_loop3A_414 {strides = array<i32>} : memref<1x8x1x1024xf32, #tpu.memory_space<vmem>>, vector<16xf32>,
        %parallel_loop3A_425 = arith.constant 16 : i32
        %parallel_loop3A_426 = tpu.memref_slice %arg14[%parallel_loop3A_425] : memref<3184xf32, #tpu.memory_space<vmem>> -> memref<3120xf32, #tpu.memory_space<vmem>>
        %parallel_loop3A_427 = tpu.vector_load_idx %parallel_loop3A_426[%parallel_loop3A_165] : memref<3120xf32, #tpu.memory_space<vmem>>[vector<16xi32>], vector<16xf32>,
        %parallel_loop3A_428 = arith.constant 384 : i32
        %parallel_loop3A_429 = arith.addi %parallel_loop3A_428, %parallel_loop3A_144 : i32
        %parallel_loop3A_430 = arith.constant 0 : i32
        %parallel_loop3A_431 = arith.constant 2 : i32
        %parallel_loop3A_432 = arith.constant 0 : i32
        %parallel_loop3A_433 = arith.index_cast %parallel_loop3A_430 : i32 to index
        %parallel_loop3A_434 = arith.index_cast %parallel_loop3A_431 : i32 to index
        %parallel_loop3A_435 = arith.index_cast %parallel_loop3A_432 : i32 to index
        %parallel_loop3A_436 = arith.index_cast %parallel_loop3A_429 : i32 to index
        %parallel_loop3A_437 = tpu.vector_load %arg17[%parallel_loop3A_433, %parallel_loop3A_434, %parallel_loop3A_435, %parallel_loop3A_436] {strides = array<i32>} : memref<1x8x1x1024xf32, #tpu.memory_space<vmem>>, vector<16xf32>,
        tpu.vector_store %arg17[%parallel_loop3A_433, %parallel_loop3A_434, %parallel_loop3A_435, %parallel_loop3A_436], %parallel_loop3A_427 {strides = array<i32>} : memref<1x8x1x1024xf32, #tpu.memory_space<vmem>>, vector<16xf32>,
        %parallel_loop3A_438 = arith.constant 16 : i32
        %parallel_loop3A_439 = tpu.memref_slice %arg14[%parallel_loop3A_438] : memref<3184xf32, #tpu.memory_space<vmem>> -> memref<3120xf32, #tpu.memory_space<vmem>>
        %parallel_loop3A_440 = tpu.vector_load_idx %parallel_loop3A_439[%parallel_loop3A_168] : memref<3120xf32, #tpu.memory_space<vmem>>[vector<16xi32>], vector<16xf32>,
        %parallel_loop3A_441 = arith.constant 512 : i32
        %parallel_loop3A_442 = arith.addi %parallel_loop3A_441, %parallel_loop3A_144 : i32
        %parallel_loop3A_443 = arith.constant 0 : i32
        %parallel_loop3A_444 = arith.constant 2 : i32
        %parallel_loop3A_445 = arith.constant 0 : i32
        %parallel_loop3A_446 = arith.index_cast %parallel_loop3A_443 : i32 to index
        %parallel_loop3A_447 = arith.index_cast %parallel_loop3A_444 : i32 to index
        %parallel_loop3A_448 = arith.index_cast %parallel_loop3A_445 : i32 to index
        %parallel_loop3A_449 = arith.index_cast %parallel_loop3A_442 : i32 to index
        %parallel_loop3A_450 = tpu.vector_load %arg17[%parallel_loop3A_446, %parallel_loop3A_447, %parallel_loop3A_448, %parallel_loop3A_449] {strides = array<i32>} : memref<1x8x1x1024xf32, #tpu.memory_space<vmem>>, vector<16xf32>,
        tpu.vector_store %arg17[%parallel_loop3A_446, %parallel_loop3A_447, %parallel_loop3A_448, %parallel_loop3A_449], %parallel_loop3A_440 {strides = array<i32>} : memref<1x8x1x1024xf32, #tpu.memory_space<vmem>>, vector<16xf32>,
        %parallel_loop3A_451 = arith.constant 16 : i32
        %parallel_loop3A_452 = tpu.memref_slice %arg14[%parallel_loop3A_451] : memref<3184xf32, #tpu.memory_space<vmem>> -> memref<3120xf32, #tpu.memory_space<vmem>>
        %parallel_loop3A_453 = tpu.vector_load_idx %parallel_loop3A_452[%parallel_loop3A_171] : memref<3120xf32, #tpu.memory_space<vmem>>[vector<16xi32>], vector<16xf32>,
        %parallel_loop3A_454 = arith.constant 640 : i32
        %parallel_loop3A_455 = arith.addi %parallel_loop3A_454, %parallel_loop3A_144 : i32
        %parallel_loop3A_456 = arith.constant 0 : i32
        %parallel_loop3A_457 = arith.constant 2 : i32
        %parallel_loop3A_458 = arith.constant 0 : i32
        %parallel_loop3A_459 = arith.index_cast %parallel_loop3A_456 : i32 to index
        %parallel_loop3A_460 = arith.index_cast %parallel_loop3A_457 : i32 to index
        %parallel_loop3A_461 = arith.index_cast %parallel_loop3A_458 : i32 to index
        %parallel_loop3A_462 = arith.index_cast %parallel_loop3A_455 : i32 to index
        %parallel_loop3A_463 = tpu.vector_load %arg17[%parallel_loop3A_459, %parallel_loop3A_460, %parallel_loop3A_461, %parallel_loop3A_462] {strides = array<i32>} : memref<1x8x1x1024xf32, #tpu.memory_space<vmem>>, vector<16xf32>,
        tpu.vector_store %arg17[%parallel_loop3A_459, %parallel_loop3A_460, %parallel_loop3A_461, %parallel_loop3A_462], %parallel_loop3A_453 {strides = array<i32>} : memref<1x8x1x1024xf32, #tpu.memory_space<vmem>>, vector<16xf32>,
        %parallel_loop3A_464 = arith.constant 16 : i32
        %parallel_loop3A_465 = tpu.memref_slice %arg14[%parallel_loop3A_464] : memref<3184xf32, #tpu.memory_space<vmem>> -> memref<3120xf32, #tpu.memory_space<vmem>>
        %parallel_loop3A_466 = tpu.vector_load_idx %parallel_loop3A_465[%parallel_loop3A_174] : memref<3120xf32, #tpu.memory_space<vmem>>[vector<16xi32>], vector<16xf32>,
        %parallel_loop3A_467 = arith.constant 768 : i32
        %parallel_loop3A_468 = arith.addi %parallel_loop3A_467, %parallel_loop3A_144 : i32
        %parallel_loop3A_469 = arith.constant 0 : i32
        %parallel_loop3A_470 = arith.constant 2 : i32
        %parallel_loop3A_471 = arith.constant 0 : i32
        %parallel_loop3A_472 = arith.index_cast %parallel_loop3A_469 : i32 to index
        %parallel_loop3A_473 = arith.index_cast %parallel_loop3A_470 : i32 to index
        %parallel_loop3A_474 = arith.index_cast %parallel_loop3A_471 : i32 to index
        %parallel_loop3A_475 = arith.index_cast %parallel_loop3A_468 : i32 to index
        %parallel_loop3A_476 = tpu.vector_load %arg17[%parallel_loop3A_472, %parallel_loop3A_473, %parallel_loop3A_474, %parallel_loop3A_475] {strides = array<i32>} : memref<1x8x1x1024xf32, #tpu.memory_space<vmem>>, vector<16xf32>,
        tpu.vector_store %arg17[%parallel_loop3A_472, %parallel_loop3A_473, %parallel_loop3A_474, %parallel_loop3A_475], %parallel_loop3A_466 {strides = array<i32>} : memref<1x8x1x1024xf32, #tpu.memory_space<vmem>>, vector<16xf32>,
        %parallel_loop3A_477 = arith.constant 16 : i32
        %parallel_loop3A_478 = tpu.memref_slice %arg14[%parallel_loop3A_477] : memref<3184xf32, #tpu.memory_space<vmem>> -> memref<3120xf32, #tpu.memory_space<vmem>>
        %parallel_loop3A_479 = tpu.vector_load_idx %parallel_loop3A_478[%parallel_loop3A_177] : memref<3120xf32, #tpu.memory_space<vmem>>[vector<16xi32>], vector<16xf32>,
        %parallel_loop3A_480 = arith.constant 896 : i32
        %parallel_loop3A_481 = arith.addi %parallel_loop3A_480, %parallel_loop3A_144 : i32
        %parallel_loop3A_482 = arith.constant 0 : i32
        %parallel_loop3A_483 = arith.constant 2 : i32
        %parallel_loop3A_484 = arith.constant 0 : i32
        %parallel_loop3A_485 = arith.index_cast %parallel_loop3A_482 : i32 to index
        %parallel_loop3A_486 = arith.index_cast %parallel_loop3A_483 : i32 to index
        %parallel_loop3A_487 = arith.index_cast %parallel_loop3A_484 : i32 to index
        %parallel_loop3A_488 = arith.index_cast %parallel_loop3A_481 : i32 to index
        %parallel_loop3A_489 = tpu.vector_load %arg17[%parallel_loop3A_485, %parallel_loop3A_486, %parallel_loop3A_487, %parallel_loop3A_488] {strides = array<i32>} : memref<1x8x1x1024xf32, #tpu.memory_space<vmem>>, vector<16xf32>,
        tpu.vector_store %arg17[%parallel_loop3A_485, %parallel_loop3A_486, %parallel_loop3A_487, %parallel_loop3A_488], %parallel_loop3A_479 {strides = array<i32>} : memref<1x8x1x1024xf32, #tpu.memory_space<vmem>>, vector<16xf32>,
        %parallel_loop3A_490 = arith.constant 24 : i32
        %parallel_loop3A_491 = tpu.memref_slice %arg14[%parallel_loop3A_490] : memref<3184xf32, #tpu.memory_space<vmem>> -> memref<3120xf32, #tpu.memory_space<vmem>>
        %parallel_loop3A_492 = tpu.vector_load_idx %parallel_loop3A_491[%parallel_loop3A_156] : memref<3120xf32, #tpu.memory_space<vmem>>[vector<16xi32>], vector<16xf32>,
        %parallel_loop3A_493 = arith.constant 0 : i32
        %parallel_loop3A_494 = arith.addi %parallel_loop3A_493, %parallel_loop3A_144 : i32
        %parallel_loop3A_495 = arith.constant 0 : i32
        %parallel_loop3A_496 = arith.constant 3 : i32
        %parallel_loop3A_497 = arith.constant 0 : i32
        %parallel_loop3A_498 = arith.index_cast %parallel_loop3A_495 : i32 to index
        %parallel_loop3A_499 = arith.index_cast %parallel_loop3A_496 : i32 to index
        %parallel_loop3A_500 = arith.index_cast %parallel_loop3A_497 : i32 to index
        %parallel_loop3A_501 = arith.index_cast %parallel_loop3A_494 : i32 to index
        %parallel_loop3A_502 = tpu.vector_load %arg17[%parallel_loop3A_498, %parallel_loop3A_499, %parallel_loop3A_500, %parallel_loop3A_501] {strides = array<i32>} : memref<1x8x1x1024xf32, #tpu.memory_space<vmem>>, vector<16xf32>,
        tpu.vector_store %arg17[%parallel_loop3A_498, %parallel_loop3A_499, %parallel_loop3A_500, %parallel_loop3A_501], %parallel_loop3A_492 {strides = array<i32>} : memref<1x8x1x1024xf32, #tpu.memory_space<vmem>>, vector<16xf32>,
        %parallel_loop3A_503 = arith.constant 24 : i32
        %parallel_loop3A_504 = tpu.memref_slice %arg14[%parallel_loop3A_503] : memref<3184xf32, #tpu.memory_space<vmem>> -> memref<3120xf32, #tpu.memory_space<vmem>>
        %parallel_loop3A_505 = tpu.vector_load_idx %parallel_loop3A_504[%parallel_loop3A_159] : memref<3120xf32, #tpu.memory_space<vmem>>[vector<16xi32>], vector<16xf32>,
        %parallel_loop3A_506 = arith.constant 128 : i32
        %parallel_loop3A_507 = arith.addi %parallel_loop3A_506, %parallel_loop3A_144 : i32
        %parallel_loop3A_508 = arith.constant 0 : i32
        %parallel_loop3A_509 = arith.constant 3 : i32
        %parallel_loop3A_510 = arith.constant 0 : i32
        %parallel_loop3A_511 = arith.index_cast %parallel_loop3A_508 : i32 to index
        %parallel_loop3A_512 = arith.index_cast %parallel_loop3A_509 : i32 to index
        %parallel_loop3A_513 = arith.index_cast %parallel_loop3A_510 : i32 to index
        %parallel_loop3A_514 = arith.index_cast %parallel_loop3A_507 : i32 to index
        %parallel_loop3A_515 = tpu.vector_load %arg17[%parallel_loop3A_511, %parallel_loop3A_512, %parallel_loop3A_513, %parallel_loop3A_514] {strides = array<i32>} : memref<1x8x1x1024xf32, #tpu.memory_space<vmem>>, vector<16xf32>,
        tpu.vector_store %arg17[%parallel_loop3A_511, %parallel_loop3A_512, %parallel_loop3A_513, %parallel_loop3A_514], %parallel_loop3A_505 {strides = array<i32>} : memref<1x8x1x1024xf32, #tpu.memory_space<vmem>>, vector<16xf32>,
        %parallel_loop3A_516 = arith.constant 24 : i32
        %parallel_loop3A_517 = tpu.memref_slice %arg14[%parallel_loop3A_516] : memref<3184xf32, #tpu.memory_space<vmem>> -> memref<3120xf32, #tpu.memory_space<vmem>>
        %parallel_loop3A_518 = tpu.vector_load_idx %parallel_loop3A_517[%parallel_loop3A_162] : memref<3120xf32, #tpu.memory_space<vmem>>[vector<16xi32>], vector<16xf32>,
        %parallel_loop3A_519 = arith.constant 256 : i32
        %parallel_loop3A_520 = arith.addi %parallel_loop3A_519, %parallel_loop3A_144 : i32
        %parallel_loop3A_521 = arith.constant 0 : i32
        %parallel_loop3A_522 = arith.constant 3 : i32
        %parallel_loop3A_523 = arith.constant 0 : i32
        %parallel_loop3A_524 = arith.index_cast %parallel_loop3A_521 : i32 to index
        %parallel_loop3A_525 = arith.index_cast %parallel_loop3A_522 : i32 to index
        %parallel_loop3A_526 = arith.index_cast %parallel_loop3A_523 : i32 to index
        %parallel_loop3A_527 = arith.index_cast %parallel_loop3A_520 : i32 to index
        %parallel_loop3A_528 = tpu.vector_load %arg17[%parallel_loop3A_524, %parallel_loop3A_525, %parallel_loop3A_526, %parallel_loop3A_527] {strides = array<i32>} : memref<1x8x1x1024xf32, #tpu.memory_space<vmem>>, vector<16xf32>,
        tpu.vector_store %arg17[%parallel_loop3A_524, %parallel_loop3A_525, %parallel_loop3A_526, %parallel_loop3A_527], %parallel_loop3A_518 {strides = array<i32>} : memref<1x8x1x1024xf32, #tpu.memory_space<vmem>>, vector<16xf32>,
        %parallel_loop3A_529 = arith.constant 24 : i32
        %parallel_loop3A_530 = tpu.memref_slice %arg14[%parallel_loop3A_529] : memref<3184xf32, #tpu.memory_space<vmem>> -> memref<3120xf32, #tpu.memory_space<vmem>>
        %parallel_loop3A_531 = tpu.vector_load_idx %parallel_loop3A_530[%parallel_loop3A_165] : memref<3120xf32, #tpu.memory_space<vmem>>[vector<16xi32>], vector<16xf32>,
        %parallel_loop3A_532 = arith.constant 384 : i32
        %parallel_loop3A_533 = arith.addi %parallel_loop3A_532, %parallel_loop3A_144 : i32
        %parallel_loop3A_534 = arith.constant 0 : i32
        %parallel_loop3A_535 = arith.constant 3 : i32
        %parallel_loop3A_536 = arith.constant 0 : i32
        %parallel_loop3A_537 = arith.index_cast %parallel_loop3A_534 : i32 to index
        %parallel_loop3A_538 = arith.index_cast %parallel_loop3A_535 : i32 to index
        %parallel_loop3A_539 = arith.index_cast %parallel_loop3A_536 : i32 to index
        %parallel_loop3A_540 = arith.index_cast %parallel_loop3A_533 : i32 to index
        %parallel_loop3A_541 = tpu.vector_load %arg17[%parallel_loop3A_537, %parallel_loop3A_538, %parallel_loop3A_539, %parallel_loop3A_540] {strides = array<i32>} : memref<1x8x1x1024xf32, #tpu.memory_space<vmem>>, vector<16xf32>,
        tpu.vector_store %arg17[%parallel_loop3A_537, %parallel_loop3A_538, %parallel_loop3A_539, %parallel_loop3A_540], %parallel_loop3A_531 {strides = array<i32>} : memref<1x8x1x1024xf32, #tpu.memory_space<vmem>>, vector<16xf32>,
        %parallel_loop3A_542 = arith.constant 24 : i32
        %parallel_loop3A_543 = tpu.memref_slice %arg14[%parallel_loop3A_542] : memref<3184xf32, #tpu.memory_space<vmem>> -> memref<3120xf32, #tpu.memory_space<vmem>>
        %parallel_loop3A_544 = tpu.vector_load_idx %parallel_loop3A_543[%parallel_loop3A_168] : memref<3120xf32, #tpu.memory_space<vmem>>[vector<16xi32>], vector<16xf32>,
        %parallel_loop3A_545 = arith.constant 512 : i32
        %parallel_loop3A_546 = arith.addi %parallel_loop3A_545, %parallel_loop3A_144 : i32
        %parallel_loop3A_547 = arith.constant 0 : i32
        %parallel_loop3A_548 = arith.constant 3 : i32
        %parallel_loop3A_549 = arith.constant 0 : i32
        %parallel_loop3A_550 = arith.index_cast %parallel_loop3A_547 : i32 to index
        %parallel_loop3A_551 = arith.index_cast %parallel_loop3A_548 : i32 to index
        %parallel_loop3A_552 = arith.index_cast %parallel_loop3A_549 : i32 to index
        %parallel_loop3A_553 = arith.index_cast %parallel_loop3A_546 : i32 to index
        %parallel_loop3A_554 = tpu.vector_load %arg17[%parallel_loop3A_550, %parallel_loop3A_551, %parallel_loop3A_552, %parallel_loop3A_553] {strides = array<i32>} : memref<1x8x1x1024xf32, #tpu.memory_space<vmem>>, vector<16xf32>,
        tpu.vector_store %arg17[%parallel_loop3A_550, %parallel_loop3A_551, %parallel_loop3A_552, %parallel_loop3A_553], %parallel_loop3A_544 {strides = array<i32>} : memref<1x8x1x1024xf32, #tpu.memory_space<vmem>>, vector<16xf32>,
        %parallel_loop3A_555 = arith.constant 24 : i32
        %parallel_loop3A_556 = tpu.memref_slice %arg14[%parallel_loop3A_555] : memref<3184xf32, #tpu.memory_space<vmem>> -> memref<3120xf32, #tpu.memory_space<vmem>>
        %parallel_loop3A_557 = tpu.vector_load_idx %parallel_loop3A_556[%parallel_loop3A_171] : memref<3120xf32, #tpu.memory_space<vmem>>[vector<16xi32>], vector<16xf32>,
        %parallel_loop3A_558 = arith.constant 640 : i32
        %parallel_loop3A_559 = arith.addi %parallel_loop3A_558, %parallel_loop3A_144 : i32
        %parallel_loop3A_560 = arith.constant 0 : i32
        %parallel_loop3A_561 = arith.constant 3 : i32
        %parallel_loop3A_562 = arith.constant 0 : i32
        %parallel_loop3A_563 = arith.index_cast %parallel_loop3A_560 : i32 to index
        %parallel_loop3A_564 = arith.index_cast %parallel_loop3A_561 : i32 to index
        %parallel_loop3A_565 = arith.index_cast %parallel_loop3A_562 : i32 to index
        %parallel_loop3A_566 = arith.index_cast %parallel_loop3A_559 : i32 to index
        %parallel_loop3A_567 = tpu.vector_load %arg17[%parallel_loop3A_563, %parallel_loop3A_564, %parallel_loop3A_565, %parallel_loop3A_566] {strides = array<i32>} : memref<1x8x1x1024xf32, #tpu.memory_space<vmem>>, vector<16xf32>,
        tpu.vector_store %arg17[%parallel_loop3A_563, %parallel_loop3A_564, %parallel_loop3A_565, %parallel_loop3A_566], %parallel_loop3A_557 {strides = array<i32>} : memref<1x8x1x1024xf32, #tpu.memory_space<vmem>>, vector<16xf32>,
        %parallel_loop3A_568 = arith.constant 24 : i32
        %parallel_loop3A_569 = tpu.memref_slice %arg14[%parallel_loop3A_568] : memref<3184xf32, #tpu.memory_space<vmem>> -> memref<3120xf32, #tpu.memory_space<vmem>>
        %parallel_loop3A_570 = tpu.vector_load_idx %parallel_loop3A_569[%parallel_loop3A_174] : memref<3120xf32, #tpu.memory_space<vmem>>[vector<16xi32>], vector<16xf32>,
        %parallel_loop3A_571 = arith.constant 768 : i32
        %parallel_loop3A_572 = arith.addi %parallel_loop3A_571, %parallel_loop3A_144 : i32
        %parallel_loop3A_573 = arith.constant 0 : i32
        %parallel_loop3A_574 = arith.constant 3 : i32
        %parallel_loop3A_575 = arith.constant 0 : i32
        %parallel_loop3A_576 = arith.index_cast %parallel_loop3A_573 : i32 to index
        %parallel_loop3A_577 = arith.index_cast %parallel_loop3A_574 : i32 to index
        %parallel_loop3A_578 = arith.index_cast %parallel_loop3A_575 : i32 to index
        %parallel_loop3A_579 = arith.index_cast %parallel_loop3A_572 : i32 to index
        %parallel_loop3A_580 = tpu.vector_load %arg17[%parallel_loop3A_576, %parallel_loop3A_577, %parallel_loop3A_578, %parallel_loop3A_579] {strides = array<i32>} : memref<1x8x1x1024xf32, #tpu.memory_space<vmem>>, vector<16xf32>,
        tpu.vector_store %arg17[%parallel_loop3A_576, %parallel_loop3A_577, %parallel_loop3A_578, %parallel_loop3A_579], %parallel_loop3A_570 {strides = array<i32>} : memref<1x8x1x1024xf32, #tpu.memory_space<vmem>>, vector<16xf32>,
        %parallel_loop3A_581 = arith.constant 24 : i32
        %parallel_loop3A_582 = tpu.memref_slice %arg14[%parallel_loop3A_581] : memref<3184xf32, #tpu.memory_space<vmem>> -> memref<3120xf32, #tpu.memory_space<vmem>>
        %parallel_loop3A_583 = tpu.vector_load_idx %parallel_loop3A_582[%parallel_loop3A_177] : memref<3120xf32, #tpu.memory_space<vmem>>[vector<16xi32>], vector<16xf32>,
        %parallel_loop3A_584 = arith.constant 896 : i32
        %parallel_loop3A_585 = arith.addi %parallel_loop3A_584, %parallel_loop3A_144 : i32
        %parallel_loop3A_586 = arith.constant 0 : i32
        %parallel_loop3A_587 = arith.constant 3 : i32
        %parallel_loop3A_588 = arith.constant 0 : i32
        %parallel_loop3A_589 = arith.index_cast %parallel_loop3A_586 : i32 to index
        %parallel_loop3A_590 = arith.index_cast %parallel_loop3A_587 : i32 to index
        %parallel_loop3A_591 = arith.index_cast %parallel_loop3A_588 : i32 to index
        %parallel_loop3A_592 = arith.index_cast %parallel_loop3A_585 : i32 to index
        %parallel_loop3A_593 = tpu.vector_load %arg17[%parallel_loop3A_589, %parallel_loop3A_590, %parallel_loop3A_591, %parallel_loop3A_592] {strides = array<i32>} : memref<1x8x1x1024xf32, #tpu.memory_space<vmem>>, vector<16xf32>,
        tpu.vector_store %arg17[%parallel_loop3A_589, %parallel_loop3A_590, %parallel_loop3A_591, %parallel_loop3A_592], %parallel_loop3A_583 {strides = array<i32>} : memref<1x8x1x1024xf32, #tpu.memory_space<vmem>>, vector<16xf32>,
        %parallel_loop3A_594 = arith.constant 32 : i32
        %parallel_loop3A_595 = tpu.memref_slice %arg14[%parallel_loop3A_594] : memref<3184xf32, #tpu.memory_space<vmem>> -> memref<3120xf32, #tpu.memory_space<vmem>>
        %parallel_loop3A_596 = tpu.vector_load_idx %parallel_loop3A_595[%parallel_loop3A_156] : memref<3120xf32, #tpu.memory_space<vmem>>[vector<16xi32>], vector<16xf32>,
        %parallel_loop3A_597 = arith.constant 0 : i32
        %parallel_loop3A_598 = arith.addi %parallel_loop3A_597, %parallel_loop3A_144 : i32
        %parallel_loop3A_599 = arith.constant 0 : i32
        %parallel_loop3A_600 = arith.constant 4 : i32
        %parallel_loop3A_601 = arith.constant 0 : i32
        %parallel_loop3A_602 = arith.index_cast %parallel_loop3A_599 : i32 to index
        %parallel_loop3A_603 = arith.index_cast %parallel_loop3A_600 : i32 to index
        %parallel_loop3A_604 = arith.index_cast %parallel_loop3A_601 : i32 to index
        %parallel_loop3A_605 = arith.index_cast %parallel_loop3A_598 : i32 to index
        %parallel_loop3A_606 = tpu.vector_load %arg17[%parallel_loop3A_602, %parallel_loop3A_603, %parallel_loop3A_604, %parallel_loop3A_605] {strides = array<i32>} : memref<1x8x1x1024xf32, #tpu.memory_space<vmem>>, vector<16xf32>,
        tpu.vector_store %arg17[%parallel_loop3A_602, %parallel_loop3A_603, %parallel_loop3A_604, %parallel_loop3A_605], %parallel_loop3A_596 {strides = array<i32>} : memref<1x8x1x1024xf32, #tpu.memory_space<vmem>>, vector<16xf32>,
        %parallel_loop3A_607 = arith.constant 32 : i32
        %parallel_loop3A_608 = tpu.memref_slice %arg14[%parallel_loop3A_607] : memref<3184xf32, #tpu.memory_space<vmem>> -> memref<3120xf32, #tpu.memory_space<vmem>>
        %parallel_loop3A_609 = tpu.vector_load_idx %parallel_loop3A_608[%parallel_loop3A_159] : memref<3120xf32, #tpu.memory_space<vmem>>[vector<16xi32>], vector<16xf32>,
        %parallel_loop3A_610 = arith.constant 128 : i32
        %parallel_loop3A_611 = arith.addi %parallel_loop3A_610, %parallel_loop3A_144 : i32
        %parallel_loop3A_612 = arith.constant 0 : i32
        %parallel_loop3A_613 = arith.constant 4 : i32
        %parallel_loop3A_614 = arith.constant 0 : i32
        %parallel_loop3A_615 = arith.index_cast %parallel_loop3A_612 : i32 to index
        %parallel_loop3A_616 = arith.index_cast %parallel_loop3A_613 : i32 to index
        %parallel_loop3A_617 = arith.index_cast %parallel_loop3A_614 : i32 to index
        %parallel_loop3A_618 = arith.index_cast %parallel_loop3A_611 : i32 to index
        %parallel_loop3A_619 = tpu.vector_load %arg17[%parallel_loop3A_615, %parallel_loop3A_616, %parallel_loop3A_617, %parallel_loop3A_618] {strides = array<i32>} : memref<1x8x1x1024xf32, #tpu.memory_space<vmem>>, vector<16xf32>,
        tpu.vector_store %arg17[%parallel_loop3A_615, %parallel_loop3A_616, %parallel_loop3A_617, %parallel_loop3A_618], %parallel_loop3A_609 {strides = array<i32>} : memref<1x8x1x1024xf32, #tpu.memory_space<vmem>>, vector<16xf32>,
        %parallel_loop3A_620 = arith.constant 32 : i32
        %parallel_loop3A_621 = tpu.memref_slice %arg14[%parallel_loop3A_620] : memref<3184xf32, #tpu.memory_space<vmem>> -> memref<3120xf32, #tpu.memory_space<vmem>>
        %parallel_loop3A_622 = tpu.vector_load_idx %parallel_loop3A_621[%parallel_loop3A_162] : memref<3120xf32, #tpu.memory_space<vmem>>[vector<16xi32>], vector<16xf32>,
        %parallel_loop3A_623 = arith.constant 256 : i32
        %parallel_loop3A_624 = arith.addi %parallel_loop3A_623, %parallel_loop3A_144 : i32
        %parallel_loop3A_625 = arith.constant 0 : i32
        %parallel_loop3A_626 = arith.constant 4 : i32
        %parallel_loop3A_627 = arith.constant 0 : i32
        %parallel_loop3A_628 = arith.index_cast %parallel_loop3A_625 : i32 to index
        %parallel_loop3A_629 = arith.index_cast %parallel_loop3A_626 : i32 to index
        %parallel_loop3A_630 = arith.index_cast %parallel_loop3A_627 : i32 to index
        %parallel_loop3A_631 = arith.index_cast %parallel_loop3A_624 : i32 to index
        %parallel_loop3A_632 = tpu.vector_load %arg17[%parallel_loop3A_628, %parallel_loop3A_629, %parallel_loop3A_630, %parallel_loop3A_631] {strides = array<i32>} : memref<1x8x1x1024xf32, #tpu.memory_space<vmem>>, vector<16xf32>,
        tpu.vector_store %arg17[%parallel_loop3A_628, %parallel_loop3A_629, %parallel_loop3A_630, %parallel_loop3A_631], %parallel_loop3A_622 {strides = array<i32>} : memref<1x8x1x1024xf32, #tpu.memory_space<vmem>>, vector<16xf32>,
        %parallel_loop3A_633 = arith.constant 32 : i32
        %parallel_loop3A_634 = tpu.memref_slice %arg14[%parallel_loop3A_633] : memref<3184xf32, #tpu.memory_space<vmem>> -> memref<3120xf32, #tpu.memory_space<vmem>>
        %parallel_loop3A_635 = tpu.vector_load_idx %parallel_loop3A_634[%parallel_loop3A_165] : memref<3120xf32, #tpu.memory_space<vmem>>[vector<16xi32>], vector<16xf32>,
        %parallel_loop3A_636 = arith.constant 384 : i32
        %parallel_loop3A_637 = arith.addi %parallel_loop3A_636, %parallel_loop3A_144 : i32
        %parallel_loop3A_638 = arith.constant 0 : i32
        %parallel_loop3A_639 = arith.constant 4 : i32
        %parallel_loop3A_640 = arith.constant 0 : i32
        %parallel_loop3A_641 = arith.index_cast %parallel_loop3A_638 : i32 to index
        %parallel_loop3A_642 = arith.index_cast %parallel_loop3A_639 : i32 to index
        %parallel_loop3A_643 = arith.index_cast %parallel_loop3A_640 : i32 to index
        %parallel_loop3A_644 = arith.index_cast %parallel_loop3A_637 : i32 to index
        %parallel_loop3A_645 = tpu.vector_load %arg17[%parallel_loop3A_641, %parallel_loop3A_642, %parallel_loop3A_643, %parallel_loop3A_644] {strides = array<i32>} : memref<1x8x1x1024xf32, #tpu.memory_space<vmem>>, vector<16xf32>,
        tpu.vector_store %arg17[%parallel_loop3A_641, %parallel_loop3A_642, %parallel_loop3A_643, %parallel_loop3A_644], %parallel_loop3A_635 {strides = array<i32>} : memref<1x8x1x1024xf32, #tpu.memory_space<vmem>>, vector<16xf32>,
        %parallel_loop3A_646 = arith.constant 32 : i32
        %parallel_loop3A_647 = tpu.memref_slice %arg14[%parallel_loop3A_646] : memref<3184xf32, #tpu.memory_space<vmem>> -> memref<3120xf32, #tpu.memory_space<vmem>>
        %parallel_loop3A_648 = tpu.vector_load_idx %parallel_loop3A_647[%parallel_loop3A_168] : memref<3120xf32, #tpu.memory_space<vmem>>[vector<16xi32>], vector<16xf32>,
        %parallel_loop3A_649 = arith.constant 512 : i32
        %parallel_loop3A_650 = arith.addi %parallel_loop3A_649, %parallel_loop3A_144 : i32
        %parallel_loop3A_651 = arith.constant 0 : i32
        %parallel_loop3A_652 = arith.constant 4 : i32
        %parallel_loop3A_653 = arith.constant 0 : i32
        %parallel_loop3A_654 = arith.index_cast %parallel_loop3A_651 : i32 to index
        %parallel_loop3A_655 = arith.index_cast %parallel_loop3A_652 : i32 to index
        %parallel_loop3A_656 = arith.index_cast %parallel_loop3A_653 : i32 to index
        %parallel_loop3A_657 = arith.index_cast %parallel_loop3A_650 : i32 to index
        %parallel_loop3A_658 = tpu.vector_load %arg17[%parallel_loop3A_654, %parallel_loop3A_655, %parallel_loop3A_656, %parallel_loop3A_657] {strides = array<i32>} : memref<1x8x1x1024xf32, #tpu.memory_space<vmem>>, vector<16xf32>,
        tpu.vector_store %arg17[%parallel_loop3A_654, %parallel_loop3A_655, %parallel_loop3A_656, %parallel_loop3A_657], %parallel_loop3A_648 {strides = array<i32>} : memref<1x8x1x1024xf32, #tpu.memory_space<vmem>>, vector<16xf32>,
        %parallel_loop3A_659 = arith.constant 32 : i32
        %parallel_loop3A_660 = tpu.memref_slice %arg14[%parallel_loop3A_659] : memref<3184xf32, #tpu.memory_space<vmem>> -> memref<3120xf32, #tpu.memory_space<vmem>>
        %parallel_loop3A_661 = tpu.vector_load_idx %parallel_loop3A_660[%parallel_loop3A_171] : memref<3120xf32, #tpu.memory_space<vmem>>[vector<16xi32>], vector<16xf32>,
        %parallel_loop3A_662 = arith.constant 640 : i32
        %parallel_loop3A_663 = arith.addi %parallel_loop3A_662, %parallel_loop3A_144 : i32
        %parallel_loop3A_664 = arith.constant 0 : i32
        %parallel_loop3A_665 = arith.constant 4 : i32
        %parallel_loop3A_666 = arith.constant 0 : i32
        %parallel_loop3A_667 = arith.index_cast %parallel_loop3A_664 : i32 to index
        %parallel_loop3A_668 = arith.index_cast %parallel_loop3A_665 : i32 to index
        %parallel_loop3A_669 = arith.index_cast %parallel_loop3A_666 : i32 to index
        %parallel_loop3A_670 = arith.index_cast %parallel_loop3A_663 : i32 to index
        %parallel_loop3A_671 = tpu.vector_load %arg17[%parallel_loop3A_667, %parallel_loop3A_668, %parallel_loop3A_669, %parallel_loop3A_670] {strides = array<i32>} : memref<1x8x1x1024xf32, #tpu.memory_space<vmem>>, vector<16xf32>,
        tpu.vector_store %arg17[%parallel_loop3A_667, %parallel_loop3A_668, %parallel_loop3A_669, %parallel_loop3A_670], %parallel_loop3A_661 {strides = array<i32>} : memref<1x8x1x1024xf32, #tpu.memory_space<vmem>>, vector<16xf32>,
        %parallel_loop3A_672 = arith.constant 32 : i32
        %parallel_loop3A_673 = tpu.memref_slice %arg14[%parallel_loop3A_672] : memref<3184xf32, #tpu.memory_space<vmem>> -> memref<3120xf32, #tpu.memory_space<vmem>>
        %parallel_loop3A_674 = tpu.vector_load_idx %parallel_loop3A_673[%parallel_loop3A_174] : memref<3120xf32, #tpu.memory_space<vmem>>[vector<16xi32>], vector<16xf32>,
        %parallel_loop3A_675 = arith.constant 768 : i32
        %parallel_loop3A_676 = arith.addi %parallel_loop3A_675, %parallel_loop3A_144 : i32
        %parallel_loop3A_677 = arith.constant 0 : i32
        %parallel_loop3A_678 = arith.constant 4 : i32
        %parallel_loop3A_679 = arith.constant 0 : i32
        %parallel_loop3A_680 = arith.index_cast %parallel_loop3A_677 : i32 to index
        %parallel_loop3A_681 = arith.index_cast %parallel_loop3A_678 : i32 to index
        %parallel_loop3A_682 = arith.index_cast %parallel_loop3A_679 : i32 to index
        %parallel_loop3A_683 = arith.index_cast %parallel_loop3A_676 : i32 to index
        %parallel_loop3A_684 = tpu.vector_load %arg17[%parallel_loop3A_680, %parallel_loop3A_681, %parallel_loop3A_682, %parallel_loop3A_683] {strides = array<i32>} : memref<1x8x1x1024xf32, #tpu.memory_space<vmem>>, vector<16xf32>,
        tpu.vector_store %arg17[%parallel_loop3A_680, %parallel_loop3A_681, %parallel_loop3A_682, %parallel_loop3A_683], %parallel_loop3A_674 {strides = array<i32>} : memref<1x8x1x1024xf32, #tpu.memory_space<vmem>>, vector<16xf32>,
        %parallel_loop3A_685 = arith.constant 32 : i32
        %parallel_loop3A_686 = tpu.memref_slice %arg14[%parallel_loop3A_685] : memref<3184xf32, #tpu.memory_space<vmem>> -> memref<3120xf32, #tpu.memory_space<vmem>>
        %parallel_loop3A_687 = tpu.vector_load_idx %parallel_loop3A_686[%parallel_loop3A_177] : memref<3120xf32, #tpu.memory_space<vmem>>[vector<16xi32>], vector<16xf32>,
        %parallel_loop3A_688 = arith.constant 896 : i32
        %parallel_loop3A_689 = arith.addi %parallel_loop3A_688, %parallel_loop3A_144 : i32
        %parallel_loop3A_690 = arith.constant 0 : i32
        %parallel_loop3A_691 = arith.constant 4 : i32
        %parallel_loop3A_692 = arith.constant 0 : i32
        %parallel_loop3A_693 = arith.index_cast %parallel_loop3A_690 : i32 to index
        %parallel_loop3A_694 = arith.index_cast %parallel_loop3A_691 : i32 to index
        %parallel_loop3A_695 = arith.index_cast %parallel_loop3A_692 : i32 to index
        %parallel_loop3A_696 = arith.index_cast %parallel_loop3A_689 : i32 to index
        %parallel_loop3A_697 = tpu.vector_load %arg17[%parallel_loop3A_693, %parallel_loop3A_694, %parallel_loop3A_695, %parallel_loop3A_696] {strides = array<i32>} : memref<1x8x1x1024xf32, #tpu.memory_space<vmem>>, vector<16xf32>,
        tpu.vector_store %arg17[%parallel_loop3A_693, %parallel_loop3A_694, %parallel_loop3A_695, %parallel_loop3A_696], %parallel_loop3A_687 {strides = array<i32>} : memref<1x8x1x1024xf32, #tpu.memory_space<vmem>>, vector<16xf32>,
        %parallel_loop3A_698 = arith.constant 40 : i32
        %parallel_loop3A_699 = tpu.memref_slice %arg14[%parallel_loop3A_698] : memref<3184xf32, #tpu.memory_space<vmem>> -> memref<3120xf32, #tpu.memory_space<vmem>>
        %parallel_loop3A_700 = tpu.vector_load_idx %parallel_loop3A_699[%parallel_loop3A_156] : memref<3120xf32, #tpu.memory_space<vmem>>[vector<16xi32>], vector<16xf32>,
        %parallel_loop3A_701 = arith.constant 0 : i32
        %parallel_loop3A_702 = arith.addi %parallel_loop3A_701, %parallel_loop3A_144 : i32
        %parallel_loop3A_703 = arith.constant 0 : i32
        %parallel_loop3A_704 = arith.constant 5 : i32
        %parallel_loop3A_705 = arith.constant 0 : i32
        %parallel_loop3A_706 = arith.index_cast %parallel_loop3A_703 : i32 to index
        %parallel_loop3A_707 = arith.index_cast %parallel_loop3A_704 : i32 to index
        %parallel_loop3A_708 = arith.index_cast %parallel_loop3A_705 : i32 to index
        %parallel_loop3A_709 = arith.index_cast %parallel_loop3A_702 : i32 to index
        %parallel_loop3A_710 = tpu.vector_load %arg17[%parallel_loop3A_706, %parallel_loop3A_707, %parallel_loop3A_708, %parallel_loop3A_709] {strides = array<i32>} : memref<1x8x1x1024xf32, #tpu.memory_space<vmem>>, vector<16xf32>,
        tpu.vector_store %arg17[%parallel_loop3A_706, %parallel_loop3A_707, %parallel_loop3A_708, %parallel_loop3A_709], %parallel_loop3A_700 {strides = array<i32>} : memref<1x8x1x1024xf32, #tpu.memory_space<vmem>>, vector<16xf32>,
        %parallel_loop3A_711 = arith.constant 40 : i32
        %parallel_loop3A_712 = tpu.memref_slice %arg14[%parallel_loop3A_711] : memref<3184xf32, #tpu.memory_space<vmem>> -> memref<3120xf32, #tpu.memory_space<vmem>>
        %parallel_loop3A_713 = tpu.vector_load_idx %parallel_loop3A_712[%parallel_loop3A_159] : memref<3120xf32, #tpu.memory_space<vmem>>[vector<16xi32>], vector<16xf32>,
        %parallel_loop3A_714 = arith.constant 128 : i32
        %parallel_loop3A_715 = arith.addi %parallel_loop3A_714, %parallel_loop3A_144 : i32
        %parallel_loop3A_716 = arith.constant 0 : i32
        %parallel_loop3A_717 = arith.constant 5 : i32
        %parallel_loop3A_718 = arith.constant 0 : i32
        %parallel_loop3A_719 = arith.index_cast %parallel_loop3A_716 : i32 to index
        %parallel_loop3A_720 = arith.index_cast %parallel_loop3A_717 : i32 to index
        %parallel_loop3A_721 = arith.index_cast %parallel_loop3A_718 : i32 to index
        %parallel_loop3A_722 = arith.index_cast %parallel_loop3A_715 : i32 to index
        %parallel_loop3A_723 = tpu.vector_load %arg17[%parallel_loop3A_719, %parallel_loop3A_720, %parallel_loop3A_721, %parallel_loop3A_722] {strides = array<i32>} : memref<1x8x1x1024xf32, #tpu.memory_space<vmem>>, vector<16xf32>,
        tpu.vector_store %arg17[%parallel_loop3A_719, %parallel_loop3A_720, %parallel_loop3A_721, %parallel_loop3A_722], %parallel_loop3A_713 {strides = array<i32>} : memref<1x8x1x1024xf32, #tpu.memory_space<vmem>>, vector<16xf32>,
        %parallel_loop3A_724 = arith.constant 40 : i32
        %parallel_loop3A_725 = tpu.memref_slice %arg14[%parallel_loop3A_724] : memref<3184xf32, #tpu.memory_space<vmem>> -> memref<3120xf32, #tpu.memory_space<vmem>>
        %parallel_loop3A_726 = tpu.vector_load_idx %parallel_loop3A_725[%parallel_loop3A_162] : memref<3120xf32, #tpu.memory_space<vmem>>[vector<16xi32>], vector<16xf32>,
        %parallel_loop3A_727 = arith.constant 256 : i32
        %parallel_loop3A_728 = arith.addi %parallel_loop3A_727, %parallel_loop3A_144 : i32
        %parallel_loop3A_729 = arith.constant 0 : i32
        %parallel_loop3A_730 = arith.constant 5 : i32
        %parallel_loop3A_731 = arith.constant 0 : i32
        %parallel_loop3A_732 = arith.index_cast %parallel_loop3A_729 : i32 to index
        %parallel_loop3A_733 = arith.index_cast %parallel_loop3A_730 : i32 to index
        %parallel_loop3A_734 = arith.index_cast %parallel_loop3A_731 : i32 to index
        %parallel_loop3A_735 = arith.index_cast %parallel_loop3A_728 : i32 to index
        %parallel_loop3A_736 = tpu.vector_load %arg17[%parallel_loop3A_732, %parallel_loop3A_733, %parallel_loop3A_734, %parallel_loop3A_735] {strides = array<i32>} : memref<1x8x1x1024xf32, #tpu.memory_space<vmem>>, vector<16xf32>,
        tpu.vector_store %arg17[%parallel_loop3A_732, %parallel_loop3A_733, %parallel_loop3A_734, %parallel_loop3A_735], %parallel_loop3A_726 {strides = array<i32>} : memref<1x8x1x1024xf32, #tpu.memory_space<vmem>>, vector<16xf32>,
        %parallel_loop3A_737 = arith.constant 40 : i32
        %parallel_loop3A_738 = tpu.memref_slice %arg14[%parallel_loop3A_737] : memref<3184xf32, #tpu.memory_space<vmem>> -> memref<3120xf32, #tpu.memory_space<vmem>>
        %parallel_loop3A_739 = tpu.vector_load_idx %parallel_loop3A_738[%parallel_loop3A_165] : memref<3120xf32, #tpu.memory_space<vmem>>[vector<16xi32>], vector<16xf32>,
        %parallel_loop3A_740 = arith.constant 384 : i32
        %parallel_loop3A_741 = arith.addi %parallel_loop3A_740, %parallel_loop3A_144 : i32
        %parallel_loop3A_742 = arith.constant 0 : i32
        %parallel_loop3A_743 = arith.constant 5 : i32
        %parallel_loop3A_744 = arith.constant 0 : i32
        %parallel_loop3A_745 = arith.index_cast %parallel_loop3A_742 : i32 to index
        %parallel_loop3A_746 = arith.index_cast %parallel_loop3A_743 : i32 to index
        %parallel_loop3A_747 = arith.index_cast %parallel_loop3A_744 : i32 to index
        %parallel_loop3A_748 = arith.index_cast %parallel_loop3A_741 : i32 to index
        %parallel_loop3A_749 = tpu.vector_load %arg17[%parallel_loop3A_745, %parallel_loop3A_746, %parallel_loop3A_747, %parallel_loop3A_748] {strides = array<i32>} : memref<1x8x1x1024xf32, #tpu.memory_space<vmem>>, vector<16xf32>,
        tpu.vector_store %arg17[%parallel_loop3A_745, %parallel_loop3A_746, %parallel_loop3A_747, %parallel_loop3A_748], %parallel_loop3A_739 {strides = array<i32>} : memref<1x8x1x1024xf32, #tpu.memory_space<vmem>>, vector<16xf32>,
        %parallel_loop3A_750 = arith.constant 40 : i32
        %parallel_loop3A_751 = tpu.memref_slice %arg14[%parallel_loop3A_750] : memref<3184xf32, #tpu.memory_space<vmem>> -> memref<3120xf32, #tpu.memory_space<vmem>>
        %parallel_loop3A_752 = tpu.vector_load_idx %parallel_loop3A_751[%parallel_loop3A_168] : memref<3120xf32, #tpu.memory_space<vmem>>[vector<16xi32>], vector<16xf32>,
        %parallel_loop3A_753 = arith.constant 512 : i32
        %parallel_loop3A_754 = arith.addi %parallel_loop3A_753, %parallel_loop3A_144 : i32
        %parallel_loop3A_755 = arith.constant 0 : i32
        %parallel_loop3A_756 = arith.constant 5 : i32
        %parallel_loop3A_757 = arith.constant 0 : i32
        %parallel_loop3A_758 = arith.index_cast %parallel_loop3A_755 : i32 to index
        %parallel_loop3A_759 = arith.index_cast %parallel_loop3A_756 : i32 to index
        %parallel_loop3A_760 = arith.index_cast %parallel_loop3A_757 : i32 to index
        %parallel_loop3A_761 = arith.index_cast %parallel_loop3A_754 : i32 to index
        %parallel_loop3A_762 = tpu.vector_load %arg17[%parallel_loop3A_758, %parallel_loop3A_759, %parallel_loop3A_760, %parallel_loop3A_761] {strides = array<i32>} : memref<1x8x1x1024xf32, #tpu.memory_space<vmem>>, vector<16xf32>,
        tpu.vector_store %arg17[%parallel_loop3A_758, %parallel_loop3A_759, %parallel_loop3A_760, %parallel_loop3A_761], %parallel_loop3A_752 {strides = array<i32>} : memref<1x8x1x1024xf32, #tpu.memory_space<vmem>>, vector<16xf32>,
        %parallel_loop3A_763 = arith.constant 40 : i32
        %parallel_loop3A_764 = tpu.memref_slice %arg14[%parallel_loop3A_763] : memref<3184xf32, #tpu.memory_space<vmem>> -> memref<3120xf32, #tpu.memory_space<vmem>>
        %parallel_loop3A_765 = tpu.vector_load_idx %parallel_loop3A_764[%parallel_loop3A_171] : memref<3120xf32, #tpu.memory_space<vmem>>[vector<16xi32>], vector<16xf32>,
        %parallel_loop3A_766 = arith.constant 640 : i32
        %parallel_loop3A_767 = arith.addi %parallel_loop3A_766, %parallel_loop3A_144 : i32
        %parallel_loop3A_768 = arith.constant 0 : i32
        %parallel_loop3A_769 = arith.constant 5 : i32
        %parallel_loop3A_770 = arith.constant 0 : i32
        %parallel_loop3A_771 = arith.index_cast %parallel_loop3A_768 : i32 to index
        %parallel_loop3A_772 = arith.index_cast %parallel_loop3A_769 : i32 to index
        %parallel_loop3A_773 = arith.index_cast %parallel_loop3A_770 : i32 to index
        %parallel_loop3A_774 = arith.index_cast %parallel_loop3A_767 : i32 to index
        %parallel_loop3A_775 = tpu.vector_load %arg17[%parallel_loop3A_771, %parallel_loop3A_772, %parallel_loop3A_773, %parallel_loop3A_774] {strides = array<i32>} : memref<1x8x1x1024xf32, #tpu.memory_space<vmem>>, vector<16xf32>,
        tpu.vector_store %arg17[%parallel_loop3A_771, %parallel_loop3A_772, %parallel_loop3A_773, %parallel_loop3A_774], %parallel_loop3A_765 {strides = array<i32>} : memref<1x8x1x1024xf32, #tpu.memory_space<vmem>>, vector<16xf32>,
        %parallel_loop3A_776 = arith.constant 40 : i32
        %parallel_loop3A_777 = tpu.memref_slice %arg14[%parallel_loop3A_776] : memref<3184xf32, #tpu.memory_space<vmem>> -> memref<3120xf32, #tpu.memory_space<vmem>>
        %parallel_loop3A_778 = tpu.vector_load_idx %parallel_loop3A_777[%parallel_loop3A_174] : memref<3120xf32, #tpu.memory_space<vmem>>[vector<16xi32>], vector<16xf32>,
        %parallel_loop3A_779 = arith.constant 768 : i32
        %parallel_loop3A_780 = arith.addi %parallel_loop3A_779, %parallel_loop3A_144 : i32
        %parallel_loop3A_781 = arith.constant 0 : i32
        %parallel_loop3A_782 = arith.constant 5 : i32
        %parallel_loop3A_783 = arith.constant 0 : i32
        %parallel_loop3A_784 = arith.index_cast %parallel_loop3A_781 : i32 to index
        %parallel_loop3A_785 = arith.index_cast %parallel_loop3A_782 : i32 to index
        %parallel_loop3A_786 = arith.index_cast %parallel_loop3A_783 : i32 to index
        %parallel_loop3A_787 = arith.index_cast %parallel_loop3A_780 : i32 to index
        %parallel_loop3A_788 = tpu.vector_load %arg17[%parallel_loop3A_784, %parallel_loop3A_785, %parallel_loop3A_786, %parallel_loop3A_787] {strides = array<i32>} : memref<1x8x1x1024xf32, #tpu.memory_space<vmem>>, vector<16xf32>,
        tpu.vector_store %arg17[%parallel_loop3A_784, %parallel_loop3A_785, %parallel_loop3A_786, %parallel_loop3A_787], %parallel_loop3A_778 {strides = array<i32>} : memref<1x8x1x1024xf32, #tpu.memory_space<vmem>>, vector<16xf32>,
        %parallel_loop3A_789 = arith.constant 40 : i32
        %parallel_loop3A_790 = tpu.memref_slice %arg14[%parallel_loop3A_789] : memref<3184xf32, #tpu.memory_space<vmem>> -> memref<3120xf32, #tpu.memory_space<vmem>>
        %parallel_loop3A_791 = tpu.vector_load_idx %parallel_loop3A_790[%parallel_loop3A_177] : memref<3120xf32, #tpu.memory_space<vmem>>[vector<16xi32>], vector<16xf32>,
        %parallel_loop3A_792 = arith.constant 896 : i32
        %parallel_loop3A_793 = arith.addi %parallel_loop3A_792, %parallel_loop3A_144 : i32
        %parallel_loop3A_794 = arith.constant 0 : i32
        %parallel_loop3A_795 = arith.constant 5 : i32
        %parallel_loop3A_796 = arith.constant 0 : i32
        %parallel_loop3A_797 = arith.index_cast %parallel_loop3A_794 : i32 to index
        %parallel_loop3A_798 = arith.index_cast %parallel_loop3A_795 : i32 to index
        %parallel_loop3A_799 = arith.index_cast %parallel_loop3A_796 : i32 to index
        %parallel_loop3A_800 = arith.index_cast %parallel_loop3A_793 : i32 to index
        %parallel_loop3A_801 = tpu.vector_load %arg17[%parallel_loop3A_797, %parallel_loop3A_798, %parallel_loop3A_799, %parallel_loop3A_800] {strides = array<i32>} : memref<1x8x1x1024xf32, #tpu.memory_space<vmem>>, vector<16xf32>,
        tpu.vector_store %arg17[%parallel_loop3A_797, %parallel_loop3A_798, %parallel_loop3A_799, %parallel_loop3A_800], %parallel_loop3A_791 {strides = array<i32>} : memref<1x8x1x1024xf32, #tpu.memory_space<vmem>>, vector<16xf32>,
        %parallel_loop3A_802 = arith.constant 48 : i32
        %parallel_loop3A_803 = tpu.memref_slice %arg14[%parallel_loop3A_802] : memref<3184xf32, #tpu.memory_space<vmem>> -> memref<3120xf32, #tpu.memory_space<vmem>>
        %parallel_loop3A_804 = tpu.vector_load_idx %parallel_loop3A_803[%parallel_loop3A_156] : memref<3120xf32, #tpu.memory_space<vmem>>[vector<16xi32>], vector<16xf32>,
        %parallel_loop3A_805 = arith.constant 0 : i32
        %parallel_loop3A_806 = arith.addi %parallel_loop3A_805, %parallel_loop3A_144 : i32
        %parallel_loop3A_807 = arith.constant 0 : i32
        %parallel_loop3A_808 = arith.constant 6 : i32
        %parallel_loop3A_809 = arith.constant 0 : i32
        %parallel_loop3A_810 = arith.index_cast %parallel_loop3A_807 : i32 to index
        %parallel_loop3A_811 = arith.index_cast %parallel_loop3A_808 : i32 to index
        %parallel_loop3A_812 = arith.index_cast %parallel_loop3A_809 : i32 to index
        %parallel_loop3A_813 = arith.index_cast %parallel_loop3A_806 : i32 to index
        %parallel_loop3A_814 = tpu.vector_load %arg17[%parallel_loop3A_810, %parallel_loop3A_811, %parallel_loop3A_812, %parallel_loop3A_813] {strides = array<i32>} : memref<1x8x1x1024xf32, #tpu.memory_space<vmem>>, vector<16xf32>,
        tpu.vector_store %arg17[%parallel_loop3A_810, %parallel_loop3A_811, %parallel_loop3A_812, %parallel_loop3A_813], %parallel_loop3A_804 {strides = array<i32>} : memref<1x8x1x1024xf32, #tpu.memory_space<vmem>>, vector<16xf32>,
        %parallel_loop3A_815 = arith.constant 48 : i32
        %parallel_loop3A_816 = tpu.memref_slice %arg14[%parallel_loop3A_815] : memref<3184xf32, #tpu.memory_space<vmem>> -> memref<3120xf32, #tpu.memory_space<vmem>>
        %parallel_loop3A_817 = tpu.vector_load_idx %parallel_loop3A_816[%parallel_loop3A_159] : memref<3120xf32, #tpu.memory_space<vmem>>[vector<16xi32>], vector<16xf32>,
        %parallel_loop3A_818 = arith.constant 128 : i32
        %parallel_loop3A_819 = arith.addi %parallel_loop3A_818, %parallel_loop3A_144 : i32
        %parallel_loop3A_820 = arith.constant 0 : i32
        %parallel_loop3A_821 = arith.constant 6 : i32
        %parallel_loop3A_822 = arith.constant 0 : i32
        %parallel_loop3A_823 = arith.index_cast %parallel_loop3A_820 : i32 to index
        %parallel_loop3A_824 = arith.index_cast %parallel_loop3A_821 : i32 to index
        %parallel_loop3A_825 = arith.index_cast %parallel_loop3A_822 : i32 to index
        %parallel_loop3A_826 = arith.index_cast %parallel_loop3A_819 : i32 to index
        %parallel_loop3A_827 = tpu.vector_load %arg17[%parallel_loop3A_823, %parallel_loop3A_824, %parallel_loop3A_825, %parallel_loop3A_826] {strides = array<i32>} : memref<1x8x1x1024xf32, #tpu.memory_space<vmem>>, vector<16xf32>,
        tpu.vector_store %arg17[%parallel_loop3A_823, %parallel_loop3A_824, %parallel_loop3A_825, %parallel_loop3A_826], %parallel_loop3A_817 {strides = array<i32>} : memref<1x8x1x1024xf32, #tpu.memory_space<vmem>>, vector<16xf32>,
        %parallel_loop3A_828 = arith.constant 48 : i32
        %parallel_loop3A_829 = tpu.memref_slice %arg14[%parallel_loop3A_828] : memref<3184xf32, #tpu.memory_space<vmem>> -> memref<3120xf32, #tpu.memory_space<vmem>>
        %parallel_loop3A_830 = tpu.vector_load_idx %parallel_loop3A_829[%parallel_loop3A_162] : memref<3120xf32, #tpu.memory_space<vmem>>[vector<16xi32>], vector<16xf32>,
        %parallel_loop3A_831 = arith.constant 256 : i32
        %parallel_loop3A_832 = arith.addi %parallel_loop3A_831, %parallel_loop3A_144 : i32
        %parallel_loop3A_833 = arith.constant 0 : i32
        %parallel_loop3A_834 = arith.constant 6 : i32
        %parallel_loop3A_835 = arith.constant 0 : i32
        %parallel_loop3A_836 = arith.index_cast %parallel_loop3A_833 : i32 to index
        %parallel_loop3A_837 = arith.index_cast %parallel_loop3A_834 : i32 to index
        %parallel_loop3A_838 = arith.index_cast %parallel_loop3A_835 : i32 to index
        %parallel_loop3A_839 = arith.index_cast %parallel_loop3A_832 : i32 to index
        %parallel_loop3A_840 = tpu.vector_load %arg17[%parallel_loop3A_836, %parallel_loop3A_837, %parallel_loop3A_838, %parallel_loop3A_839] {strides = array<i32>} : memref<1x8x1x1024xf32, #tpu.memory_space<vmem>>, vector<16xf32>,
        tpu.vector_store %arg17[%parallel_loop3A_836, %parallel_loop3A_837, %parallel_loop3A_838, %parallel_loop3A_839], %parallel_loop3A_830 {strides = array<i32>} : memref<1x8x1x1024xf32, #tpu.memory_space<vmem>>, vector<16xf32>,
        %parallel_loop3A_841 = arith.constant 48 : i32
        %parallel_loop3A_842 = tpu.memref_slice %arg14[%parallel_loop3A_841] : memref<3184xf32, #tpu.memory_space<vmem>> -> memref<3120xf32, #tpu.memory_space<vmem>>
        %parallel_loop3A_843 = tpu.vector_load_idx %parallel_loop3A_842[%parallel_loop3A_165] : memref<3120xf32, #tpu.memory_space<vmem>>[vector<16xi32>], vector<16xf32>,
        %parallel_loop3A_844 = arith.constant 384 : i32
        %parallel_loop3A_845 = arith.addi %parallel_loop3A_844, %parallel_loop3A_144 : i32
        %parallel_loop3A_846 = arith.constant 0 : i32
        %parallel_loop3A_847 = arith.constant 6 : i32
        %parallel_loop3A_848 = arith.constant 0 : i32
        %parallel_loop3A_849 = arith.index_cast %parallel_loop3A_846 : i32 to index
        %parallel_loop3A_850 = arith.index_cast %parallel_loop3A_847 : i32 to index
        %parallel_loop3A_851 = arith.index_cast %parallel_loop3A_848 : i32 to index
        %parallel_loop3A_852 = arith.index_cast %parallel_loop3A_845 : i32 to index
        %parallel_loop3A_853 = tpu.vector_load %arg17[%parallel_loop3A_849, %parallel_loop3A_850, %parallel_loop3A_851, %parallel_loop3A_852] {strides = array<i32>} : memref<1x8x1x1024xf32, #tpu.memory_space<vmem>>, vector<16xf32>,
        tpu.vector_store %arg17[%parallel_loop3A_849, %parallel_loop3A_850, %parallel_loop3A_851, %parallel_loop3A_852], %parallel_loop3A_843 {strides = array<i32>} : memref<1x8x1x1024xf32, #tpu.memory_space<vmem>>, vector<16xf32>,
        %parallel_loop3A_854 = arith.constant 48 : i32
        %parallel_loop3A_855 = tpu.memref_slice %arg14[%parallel_loop3A_854] : memref<3184xf32, #tpu.memory_space<vmem>> -> memref<3120xf32, #tpu.memory_space<vmem>>
        %parallel_loop3A_856 = tpu.vector_load_idx %parallel_loop3A_855[%parallel_loop3A_168] : memref<3120xf32, #tpu.memory_space<vmem>>[vector<16xi32>], vector<16xf32>,
        %parallel_loop3A_857 = arith.constant 512 : i32
        %parallel_loop3A_858 = arith.addi %parallel_loop3A_857, %parallel_loop3A_144 : i32
        %parallel_loop3A_859 = arith.constant 0 : i32
        %parallel_loop3A_860 = arith.constant 6 : i32
        %parallel_loop3A_861 = arith.constant 0 : i32
        %parallel_loop3A_862 = arith.index_cast %parallel_loop3A_859 : i32 to index
        %parallel_loop3A_863 = arith.index_cast %parallel_loop3A_860 : i32 to index
        %parallel_loop3A_864 = arith.index_cast %parallel_loop3A_861 : i32 to index
        %parallel_loop3A_865 = arith.index_cast %parallel_loop3A_858 : i32 to index
        %parallel_loop3A_866 = tpu.vector_load %arg17[%parallel_loop3A_862, %parallel_loop3A_863, %parallel_loop3A_864, %parallel_loop3A_865] {strides = array<i32>} : memref<1x8x1x1024xf32, #tpu.memory_space<vmem>>, vector<16xf32>,
        tpu.vector_store %arg17[%parallel_loop3A_862, %parallel_loop3A_863, %parallel_loop3A_864, %parallel_loop3A_865], %parallel_loop3A_856 {strides = array<i32>} : memref<1x8x1x1024xf32, #tpu.memory_space<vmem>>, vector<16xf32>,
        %parallel_loop3A_867 = arith.constant 48 : i32
        %parallel_loop3A_868 = tpu.memref_slice %arg14[%parallel_loop3A_867] : memref<3184xf32, #tpu.memory_space<vmem>> -> memref<3120xf32, #tpu.memory_space<vmem>>
        %parallel_loop3A_869 = tpu.vector_load_idx %parallel_loop3A_868[%parallel_loop3A_171] : memref<3120xf32, #tpu.memory_space<vmem>>[vector<16xi32>], vector<16xf32>,
        %parallel_loop3A_870 = arith.constant 640 : i32
        %parallel_loop3A_871 = arith.addi %parallel_loop3A_870, %parallel_loop3A_144 : i32
        %parallel_loop3A_872 = arith.constant 0 : i32
        %parallel_loop3A_873 = arith.constant 6 : i32
        %parallel_loop3A_874 = arith.constant 0 : i32
        %parallel_loop3A_875 = arith.index_cast %parallel_loop3A_872 : i32 to index
        %parallel_loop3A_876 = arith.index_cast %parallel_loop3A_873 : i32 to index
        %parallel_loop3A_877 = arith.index_cast %parallel_loop3A_874 : i32 to index
        %parallel_loop3A_878 = arith.index_cast %parallel_loop3A_871 : i32 to index
        %parallel_loop3A_879 = tpu.vector_load %arg17[%parallel_loop3A_875, %parallel_loop3A_876, %parallel_loop3A_877, %parallel_loop3A_878] {strides = array<i32>} : memref<1x8x1x1024xf32, #tpu.memory_space<vmem>>, vector<16xf32>,
        tpu.vector_store %arg17[%parallel_loop3A_875, %parallel_loop3A_876, %parallel_loop3A_877, %parallel_loop3A_878], %parallel_loop3A_869 {strides = array<i32>} : memref<1x8x1x1024xf32, #tpu.memory_space<vmem>>, vector<16xf32>,
        %parallel_loop3A_880 = arith.constant 48 : i32
        %parallel_loop3A_881 = tpu.memref_slice %arg14[%parallel_loop3A_880] : memref<3184xf32, #tpu.memory_space<vmem>> -> memref<3120xf32, #tpu.memory_space<vmem>>
        %parallel_loop3A_882 = tpu.vector_load_idx %parallel_loop3A_881[%parallel_loop3A_174] : memref<3120xf32, #tpu.memory_space<vmem>>[vector<16xi32>], vector<16xf32>,
        %parallel_loop3A_883 = arith.constant 768 : i32
        %parallel_loop3A_884 = arith.addi %parallel_loop3A_883, %parallel_loop3A_144 : i32
        %parallel_loop3A_885 = arith.constant 0 : i32
        %parallel_loop3A_886 = arith.constant 6 : i32
        %parallel_loop3A_887 = arith.constant 0 : i32
        %parallel_loop3A_888 = arith.index_cast %parallel_loop3A_885 : i32 to index
        %parallel_loop3A_889 = arith.index_cast %parallel_loop3A_886 : i32 to index
        %parallel_loop3A_890 = arith.index_cast %parallel_loop3A_887 : i32 to index
        %parallel_loop3A_891 = arith.index_cast %parallel_loop3A_884 : i32 to index
        %parallel_loop3A_892 = tpu.vector_load %arg17[%parallel_loop3A_888, %parallel_loop3A_889, %parallel_loop3A_890, %parallel_loop3A_891] {strides = array<i32>} : memref<1x8x1x1024xf32, #tpu.memory_space<vmem>>, vector<16xf32>,
        tpu.vector_store %arg17[%parallel_loop3A_888, %parallel_loop3A_889, %parallel_loop3A_890, %parallel_loop3A_891], %parallel_loop3A_882 {strides = array<i32>} : memref<1x8x1x1024xf32, #tpu.memory_space<vmem>>, vector<16xf32>,
        %parallel_loop3A_893 = arith.constant 48 : i32
        %parallel_loop3A_894 = tpu.memref_slice %arg14[%parallel_loop3A_893] : memref<3184xf32, #tpu.memory_space<vmem>> -> memref<3120xf32, #tpu.memory_space<vmem>>
        %parallel_loop3A_895 = tpu.vector_load_idx %parallel_loop3A_894[%parallel_loop3A_177] : memref<3120xf32, #tpu.memory_space<vmem>>[vector<16xi32>], vector<16xf32>,
        %parallel_loop3A_896 = arith.constant 896 : i32
        %parallel_loop3A_897 = arith.addi %parallel_loop3A_896, %parallel_loop3A_144 : i32
        %parallel_loop3A_898 = arith.constant 0 : i32
        %parallel_loop3A_899 = arith.constant 6 : i32
        %parallel_loop3A_900 = arith.constant 0 : i32
        %parallel_loop3A_901 = arith.index_cast %parallel_loop3A_898 : i32 to index
        %parallel_loop3A_902 = arith.index_cast %parallel_loop3A_899 : i32 to index
        %parallel_loop3A_903 = arith.index_cast %parallel_loop3A_900 : i32 to index
        %parallel_loop3A_904 = arith.index_cast %parallel_loop3A_897 : i32 to index
        %parallel_loop3A_905 = tpu.vector_load %arg17[%parallel_loop3A_901, %parallel_loop3A_902, %parallel_loop3A_903, %parallel_loop3A_904] {strides = array<i32>} : memref<1x8x1x1024xf32, #tpu.memory_space<vmem>>, vector<16xf32>,
        tpu.vector_store %arg17[%parallel_loop3A_901, %parallel_loop3A_902, %parallel_loop3A_903, %parallel_loop3A_904], %parallel_loop3A_895 {strides = array<i32>} : memref<1x8x1x1024xf32, #tpu.memory_space<vmem>>, vector<16xf32>,
        %parallel_loop3A_906 = arith.constant 56 : i32
        %parallel_loop3A_907 = tpu.memref_slice %arg14[%parallel_loop3A_906] : memref<3184xf32, #tpu.memory_space<vmem>> -> memref<3120xf32, #tpu.memory_space<vmem>>
        %parallel_loop3A_908 = tpu.vector_load_idx %parallel_loop3A_907[%parallel_loop3A_156] : memref<3120xf32, #tpu.memory_space<vmem>>[vector<16xi32>], vector<16xf32>,
        %parallel_loop3A_909 = arith.constant 0 : i32
        %parallel_loop3A_910 = arith.addi %parallel_loop3A_909, %parallel_loop3A_144 : i32
        %parallel_loop3A_911 = arith.constant 0 : i32
        %parallel_loop3A_912 = arith.constant 7 : i32
        %parallel_loop3A_913 = arith.constant 0 : i32
        %parallel_loop3A_914 = arith.index_cast %parallel_loop3A_911 : i32 to index
        %parallel_loop3A_915 = arith.index_cast %parallel_loop3A_912 : i32 to index
        %parallel_loop3A_916 = arith.index_cast %parallel_loop3A_913 : i32 to index
        %parallel_loop3A_917 = arith.index_cast %parallel_loop3A_910 : i32 to index
        %parallel_loop3A_918 = tpu.vector_load %arg17[%parallel_loop3A_914, %parallel_loop3A_915, %parallel_loop3A_916, %parallel_loop3A_917] {strides = array<i32>} : memref<1x8x1x1024xf32, #tpu.memory_space<vmem>>, vector<16xf32>,
        tpu.vector_store %arg17[%parallel_loop3A_914, %parallel_loop3A_915, %parallel_loop3A_916, %parallel_loop3A_917], %parallel_loop3A_908 {strides = array<i32>} : memref<1x8x1x1024xf32, #tpu.memory_space<vmem>>, vector<16xf32>,
        %parallel_loop3A_919 = arith.constant 56 : i32
        %parallel_loop3A_920 = tpu.memref_slice %arg14[%parallel_loop3A_919] : memref<3184xf32, #tpu.memory_space<vmem>> -> memref<3120xf32, #tpu.memory_space<vmem>>
        %parallel_loop3A_921 = tpu.vector_load_idx %parallel_loop3A_920[%parallel_loop3A_159] : memref<3120xf32, #tpu.memory_space<vmem>>[vector<16xi32>], vector<16xf32>,
        %parallel_loop3A_922 = arith.constant 128 : i32
        %parallel_loop3A_923 = arith.addi %parallel_loop3A_922, %parallel_loop3A_144 : i32
        %parallel_loop3A_924 = arith.constant 0 : i32
        %parallel_loop3A_925 = arith.constant 7 : i32
        %parallel_loop3A_926 = arith.constant 0 : i32
        %parallel_loop3A_927 = arith.index_cast %parallel_loop3A_924 : i32 to index
        %parallel_loop3A_928 = arith.index_cast %parallel_loop3A_925 : i32 to index
        %parallel_loop3A_929 = arith.index_cast %parallel_loop3A_926 : i32 to index
        %parallel_loop3A_930 = arith.index_cast %parallel_loop3A_923 : i32 to index
        %parallel_loop3A_931 = tpu.vector_load %arg17[%parallel_loop3A_927, %parallel_loop3A_928, %parallel_loop3A_929, %parallel_loop3A_930] {strides = array<i32>} : memref<1x8x1x1024xf32, #tpu.memory_space<vmem>>, vector<16xf32>,
        tpu.vector_store %arg17[%parallel_loop3A_927, %parallel_loop3A_928, %parallel_loop3A_929, %parallel_loop3A_930], %parallel_loop3A_921 {strides = array<i32>} : memref<1x8x1x1024xf32, #tpu.memory_space<vmem>>, vector<16xf32>,
        %parallel_loop3A_932 = arith.constant 56 : i32
        %parallel_loop3A_933 = tpu.memref_slice %arg14[%parallel_loop3A_932] : memref<3184xf32, #tpu.memory_space<vmem>> -> memref<3120xf32, #tpu.memory_space<vmem>>
        %parallel_loop3A_934 = tpu.vector_load_idx %parallel_loop3A_933[%parallel_loop3A_162] : memref<3120xf32, #tpu.memory_space<vmem>>[vector<16xi32>], vector<16xf32>,
        %parallel_loop3A_935 = arith.constant 256 : i32
        %parallel_loop3A_936 = arith.addi %parallel_loop3A_935, %parallel_loop3A_144 : i32
        %parallel_loop3A_937 = arith.constant 0 : i32
        %parallel_loop3A_938 = arith.constant 7 : i32
        %parallel_loop3A_939 = arith.constant 0 : i32
        %parallel_loop3A_940 = arith.index_cast %parallel_loop3A_937 : i32 to index
        %parallel_loop3A_941 = arith.index_cast %parallel_loop3A_938 : i32 to index
        %parallel_loop3A_942 = arith.index_cast %parallel_loop3A_939 : i32 to index
        %parallel_loop3A_943 = arith.index_cast %parallel_loop3A_936 : i32 to index
        %parallel_loop3A_944 = tpu.vector_load %arg17[%parallel_loop3A_940, %parallel_loop3A_941, %parallel_loop3A_942, %parallel_loop3A_943] {strides = array<i32>} : memref<1x8x1x1024xf32, #tpu.memory_space<vmem>>, vector<16xf32>,
        tpu.vector_store %arg17[%parallel_loop3A_940, %parallel_loop3A_941, %parallel_loop3A_942, %parallel_loop3A_943], %parallel_loop3A_934 {strides = array<i32>} : memref<1x8x1x1024xf32, #tpu.memory_space<vmem>>, vector<16xf32>,
        %parallel_loop3A_945 = arith.constant 56 : i32
        %parallel_loop3A_946 = tpu.memref_slice %arg14[%parallel_loop3A_945] : memref<3184xf32, #tpu.memory_space<vmem>> -> memref<3120xf32, #tpu.memory_space<vmem>>
        %parallel_loop3A_947 = tpu.vector_load_idx %parallel_loop3A_946[%parallel_loop3A_165] : memref<3120xf32, #tpu.memory_space<vmem>>[vector<16xi32>], vector<16xf32>,
        %parallel_loop3A_948 = arith.constant 384 : i32
        %parallel_loop3A_949 = arith.addi %parallel_loop3A_948, %parallel_loop3A_144 : i32
        %parallel_loop3A_950 = arith.constant 0 : i32
        %parallel_loop3A_951 = arith.constant 7 : i32
        %parallel_loop3A_952 = arith.constant 0 : i32
        %parallel_loop3A_953 = arith.index_cast %parallel_loop3A_950 : i32 to index
        %parallel_loop3A_954 = arith.index_cast %parallel_loop3A_951 : i32 to index
        %parallel_loop3A_955 = arith.index_cast %parallel_loop3A_952 : i32 to index
        %parallel_loop3A_956 = arith.index_cast %parallel_loop3A_949 : i32 to index
        %parallel_loop3A_957 = tpu.vector_load %arg17[%parallel_loop3A_953, %parallel_loop3A_954, %parallel_loop3A_955, %parallel_loop3A_956] {strides = array<i32>} : memref<1x8x1x1024xf32, #tpu.memory_space<vmem>>, vector<16xf32>,
        tpu.vector_store %arg17[%parallel_loop3A_953, %parallel_loop3A_954, %parallel_loop3A_955, %parallel_loop3A_956], %parallel_loop3A_947 {strides = array<i32>} : memref<1x8x1x1024xf32, #tpu.memory_space<vmem>>, vector<16xf32>,
        %parallel_loop3A_958 = arith.constant 56 : i32
        %parallel_loop3A_959 = tpu.memref_slice %arg14[%parallel_loop3A_958] : memref<3184xf32, #tpu.memory_space<vmem>> -> memref<3120xf32, #tpu.memory_space<vmem>>
        %parallel_loop3A_960 = tpu.vector_load_idx %parallel_loop3A_959[%parallel_loop3A_168] : memref<3120xf32, #tpu.memory_space<vmem>>[vector<16xi32>], vector<16xf32>,
        %parallel_loop3A_961 = arith.constant 512 : i32
        %parallel_loop3A_962 = arith.addi %parallel_loop3A_961, %parallel_loop3A_144 : i32
        %parallel_loop3A_963 = arith.constant 0 : i32
        %parallel_loop3A_964 = arith.constant 7 : i32
        %parallel_loop3A_965 = arith.constant 0 : i32
        %parallel_loop3A_966 = arith.index_cast %parallel_loop3A_963 : i32 to index
        %parallel_loop3A_967 = arith.index_cast %parallel_loop3A_964 : i32 to index
        %parallel_loop3A_968 = arith.index_cast %parallel_loop3A_965 : i32 to index
        %parallel_loop3A_969 = arith.index_cast %parallel_loop3A_962 : i32 to index
        %parallel_loop3A_970 = tpu.vector_load %arg17[%parallel_loop3A_966, %parallel_loop3A_967, %parallel_loop3A_968, %parallel_loop3A_969] {strides = array<i32>} : memref<1x8x1x1024xf32, #tpu.memory_space<vmem>>, vector<16xf32>,
        tpu.vector_store %arg17[%parallel_loop3A_966, %parallel_loop3A_967, %parallel_loop3A_968, %parallel_loop3A_969], %parallel_loop3A_960 {strides = array<i32>} : memref<1x8x1x1024xf32, #tpu.memory_space<vmem>>, vector<16xf32>,
        %parallel_loop3A_971 = arith.constant 56 : i32
        %parallel_loop3A_972 = tpu.memref_slice %arg14[%parallel_loop3A_971] : memref<3184xf32, #tpu.memory_space<vmem>> -> memref<3120xf32, #tpu.memory_space<vmem>>
        %parallel_loop3A_973 = tpu.vector_load_idx %parallel_loop3A_972[%parallel_loop3A_171] : memref<3120xf32, #tpu.memory_space<vmem>>[vector<16xi32>], vector<16xf32>,
        %parallel_loop3A_974 = arith.constant 640 : i32
        %parallel_loop3A_975 = arith.addi %parallel_loop3A_974, %parallel_loop3A_144 : i32
        %parallel_loop3A_976 = arith.constant 0 : i32
        %parallel_loop3A_977 = arith.constant 7 : i32
        %parallel_loop3A_978 = arith.constant 0 : i32
        %parallel_loop3A_979 = arith.index_cast %parallel_loop3A_976 : i32 to index
        %parallel_loop3A_980 = arith.index_cast %parallel_loop3A_977 : i32 to index
        %parallel_loop3A_981 = arith.index_cast %parallel_loop3A_978 : i32 to index
        %parallel_loop3A_982 = arith.index_cast %parallel_loop3A_975 : i32 to index
        %parallel_loop3A_983 = tpu.vector_load %arg17[%parallel_loop3A_979, %parallel_loop3A_980, %parallel_loop3A_981, %parallel_loop3A_982] {strides = array<i32>} : memref<1x8x1x1024xf32, #tpu.memory_space<vmem>>, vector<16xf32>,
        tpu.vector_store %arg17[%parallel_loop3A_979, %parallel_loop3A_980, %parallel_loop3A_981, %parallel_loop3A_982], %parallel_loop3A_973 {strides = array<i32>} : memref<1x8x1x1024xf32, #tpu.memory_space<vmem>>, vector<16xf32>,
        %parallel_loop3A_984 = arith.constant 56 : i32
        %parallel_loop3A_985 = tpu.memref_slice %arg14[%parallel_loop3A_984] : memref<3184xf32, #tpu.memory_space<vmem>> -> memref<3120xf32, #tpu.memory_space<vmem>>
        %parallel_loop3A_986 = tpu.vector_load_idx %parallel_loop3A_985[%parallel_loop3A_174] : memref<3120xf32, #tpu.memory_space<vmem>>[vector<16xi32>], vector<16xf32>,
        %parallel_loop3A_987 = arith.constant 768 : i32
        %parallel_loop3A_988 = arith.addi %parallel_loop3A_987, %parallel_loop3A_144 : i32
        %parallel_loop3A_989 = arith.constant 0 : i32
        %parallel_loop3A_990 = arith.constant 7 : i32
        %parallel_loop3A_991 = arith.constant 0 : i32
        %parallel_loop3A_992 = arith.index_cast %parallel_loop3A_989 : i32 to index
        %parallel_loop3A_993 = arith.index_cast %parallel_loop3A_990 : i32 to index
        %parallel_loop3A_994 = arith.index_cast %parallel_loop3A_991 : i32 to index
        %parallel_loop3A_995 = arith.index_cast %parallel_loop3A_988 : i32 to index
        %parallel_loop3A_996 = tpu.vector_load %arg17[%parallel_loop3A_992, %parallel_loop3A_993, %parallel_loop3A_994, %parallel_loop3A_995] {strides = array<i32>} : memref<1x8x1x1024xf32, #tpu.memory_space<vmem>>, vector<16xf32>,
        tpu.vector_store %arg17[%parallel_loop3A_992, %parallel_loop3A_993, %parallel_loop3A_994, %parallel_loop3A_995], %parallel_loop3A_986 {strides = array<i32>} : memref<1x8x1x1024xf32, #tpu.memory_space<vmem>>, vector<16xf32>,
        %parallel_loop3A_997 = arith.constant 56 : i32
        %parallel_loop3A_998 = tpu.memref_slice %arg14[%parallel_loop3A_997] : memref<3184xf32, #tpu.memory_space<vmem>> -> memref<3120xf32, #tpu.memory_space<vmem>>
        %parallel_loop3A_999 = tpu.vector_load_idx %parallel_loop3A_998[%parallel_loop3A_177] : memref<3120xf32, #tpu.memory_space<vmem>>[vector<16xi32>], vector<16xf32>,
        %parallel_loop3A_1000 = arith.constant 896 : i32
        %parallel_loop3A_1001 = arith.addi %parallel_loop3A_1000, %parallel_loop3A_144 : i32
        %parallel_loop3A_1002 = arith.constant 0 : i32
        %parallel_loop3A_1003 = arith.constant 7 : i32
        %parallel_loop3A_1004 = arith.constant 0 : i32
        %parallel_loop3A_1005 = arith.index_cast %parallel_loop3A_1002 : i32 to index
        %parallel_loop3A_1006 = arith.index_cast %parallel_loop3A_1003 : i32 to index
        %parallel_loop3A_1007 = arith.index_cast %parallel_loop3A_1004 : i32 to index
        %parallel_loop3A_1008 = arith.index_cast %parallel_loop3A_1001 : i32 to index
        %parallel_loop3A_1009 = tpu.vector_load %arg17[%parallel_loop3A_1005, %parallel_loop3A_1006, %parallel_loop3A_1007, %parallel_loop3A_1008] {strides = array<i32>} : memref<1x8x1x1024xf32, #tpu.memory_space<vmem>>, vector<16xf32>,
        tpu.vector_store %arg17[%parallel_loop3A_1005, %parallel_loop3A_1006, %parallel_loop3A_1007, %parallel_loop3A_1008], %parallel_loop3A_999 {strides = array<i32>} : memref<1x8x1x1024xf32, #tpu.memory_space<vmem>>, vector<16xf32>,
      } {sc.loop_unroll_factor = 1 : i64, sc.parallel_access}
      %mul3A_126 = arith.constant 4 : i32
      %mul3A_127 = arith.muli %add3A, %mul3A_126 : i32
      %add3A_128 = arith.addi %mul3A_127, %scan3A_83 : i32
      %dma_start3A_129 = arith.constant 2 : i32
      %dma_start3A_130 = arith.constant 0 : i32
      %dma_start3A_131 = arith.constant 0 : i32
      %dma_start3A_132 = tpu.memref_slice %arg8[%dma_start3A_129, %dma_start3A_130, %add3A_128, %dma_start3A_131] : memref<3x8x128x1024xf32, #tpu.memory_space<hbm>> -> memref<1x8x1x1024xf32, #tpu.memory_space<hbm>>
      %dma_start3A_133 = arith.constant 2 : i32
      %dma_start3A_134 = arith.constant 0 : i32
      %dma_start3A_135 = arith.constant 0 : i32
      %dma_start3A_136 = tpu.memref_slice %arg8[%dma_start3A_133, %dma_start3A_134, %add3A_128, %dma_start3A_135] : memref<3x8x128x1024xf32, #tpu.memory_space<hbm>> -> memref<1x8x1x1024xf32, #tpu.memory_space<hbm>>
      tpu.enqueue_dma source(%arg17 : memref<1x8x1x1024xf32, #tpu.memory_space<vmem>>) target(%dma_start3A_136 : memref<1x8x1x1024xf32, #tpu.memory_space<hbm>>) target_semaphore(%arg21 : memref<!tpu.dma_semaphore, #tpu.memory_space<semaphore_mem>>)
    }
    %scan3A_41 = arith.constant 4 : i32
    %mul3A_42 = arith.constant 4 : i32
    %mul3A_43 = arith.muli %add3A, %mul3A_42 : i32
    %add3A_44 = arith.constant 4 : i32
    %add3A_45 = arith.addi %mul3A_43, %add3A_44 : i32
    %sub3A = arith.constant 1 : i32
    %sub3A_46 = arith.subi %add3A_45, %sub3A : i32
    %dma_wait3A_47 = arith.constant 0 : i32
    %dma_wait3A_48 = arith.constant 0 : i32
    %dma_wait3A_49 = arith.constant 0 : i32
    %dma_wait3A_50 = tpu.memref_slice %arg8[%dma_wait3A_47, %dma_wait3A_48, %sub3A_46, %dma_wait3A_49] : memref<3x8x128x1024xf32, #tpu.memory_space<hbm>> -> memref<1x8x1x1024xf32, #tpu.memory_space<hbm>>
    %dma_wait3A_51 = arith.constant 0 : i32
    %dma_wait3A_52 = arith.constant 0 : i32
    %dma_wait3A_53 = arith.constant 0 : i32
    %dma_wait3A_54 = tpu.memref_slice %arg8[%dma_wait3A_51, %dma_wait3A_52, %sub3A_46, %dma_wait3A_53] : memref<3x8x128x1024xf32, #tpu.memory_space<hbm>> -> memref<1x8x1x1024xf32, #tpu.memory_space<hbm>>
    tpu.wait_dma2 semaphore(%arg19 : memref<!tpu.dma_semaphore, #tpu.memory_space<semaphore_mem>>) src(%arg15 : memref<1x8x1x1024xf32, #tpu.memory_space<vmem>>) dst(%dma_wait3A_54 : memref<1x8x1x1024xf32, #tpu.memory_space<hbm>>)
    %mul3A_55 = arith.constant 4 : i32
    %mul3A_56 = arith.muli %add3A, %mul3A_55 : i32
    %add3A_57 = arith.constant 4 : i32
    %add3A_58 = arith.addi %mul3A_56, %add3A_57 : i32
    %sub3A_59 = arith.constant 1 : i32
    %sub3A_60 = arith.subi %add3A_58, %sub3A_59 : i32
    %dma_wait3A_61 = arith.constant 1 : i32
    %dma_wait3A_62 = arith.constant 0 : i32
    %dma_wait3A_63 = arith.constant 0 : i32
    %dma_wait3A_64 = tpu.memref_slice %arg8[%dma_wait3A_61, %dma_wait3A_62, %sub3A_60, %dma_wait3A_63] : memref<3x8x128x1024xf32, #tpu.memory_space<hbm>> -> memref<1x8x1x1024xf32, #tpu.memory_space<hbm>>
    %dma_wait3A_65 = arith.constant 1 : i32
    %dma_wait3A_66 = arith.constant 0 : i32
    %dma_wait3A_67 = arith.constant 0 : i32
    %dma_wait3A_68 = tpu.memref_slice %arg8[%dma_wait3A_65, %dma_wait3A_66, %sub3A_60, %dma_wait3A_67] : memref<3x8x128x1024xf32, #tpu.memory_space<hbm>> -> memref<1x8x1x1024xf32, #tpu.memory_space<hbm>>
    tpu.wait_dma2 semaphore(%arg20 : memref<!tpu.dma_semaphore, #tpu.memory_space<semaphore_mem>>) src(%arg16 : memref<1x8x1x1024xf32, #tpu.memory_space<vmem>>) dst(%dma_wait3A_68 : memref<1x8x1x1024xf32, #tpu.memory_space<hbm>>)
    %mul3A_69 = arith.constant 4 : i32
    %mul3A_70 = arith.muli %add3A, %mul3A_69 : i32
    %add3A_71 = arith.constant 4 : i32
    %add3A_72 = arith.addi %mul3A_70, %add3A_71 : i32
    %sub3A_73 = arith.constant 1 : i32
    %sub3A_74 = arith.subi %add3A_72, %sub3A_73 : i32
    %dma_wait3A_75 = arith.constant 2 : i32
    %dma_wait3A_76 = arith.constant 0 : i32
    %dma_wait3A_77 = arith.constant 0 : i32
    %dma_wait3A_78 = tpu.memref_slice %arg8[%dma_wait3A_75, %dma_wait3A_76, %sub3A_74, %dma_wait3A_77] : memref<3x8x128x1024xf32, #tpu.memory_space<hbm>> -> memref<1x8x1x1024xf32, #tpu.memory_space<hbm>>
    %dma_wait3A_79 = arith.constant 2 : i32
    %dma_wait3A_80 = arith.constant 0 : i32
    %dma_wait3A_81 = arith.constant 0 : i32
    %dma_wait3A_82 = tpu.memref_slice %arg8[%dma_wait3A_79, %dma_wait3A_80, %sub3A_74, %dma_wait3A_81] : memref<3x8x128x1024xf32, #tpu.memory_space<hbm>> -> memref<1x8x1x1024xf32, #tpu.memory_space<hbm>>
    tpu.wait_dma2 semaphore(%arg21 : memref<!tpu.dma_semaphore, #tpu.memory_space<semaphore_mem>>) src(%arg17 : memref<1x8x1x1024xf32, #tpu.memory_space<vmem>>) dst(%dma_wait3A_82 : memref<1x8x1x1024xf32, #tpu.memory_space<hbm>>)
    return
  }
}

</mosaic_0001>

<sc_bundles>
// kernel: kernel.3.cloned.1.call-start
scs
__scs_entry_jumppad:
0x0: {  	(pc) =	sbr.rel $0x88, $3  }
0x1: {  	(tag) =	ssettag $0x0;
	lr =	simm.s32 $0x1  }
0x2: {  	[smem:$0x3F9B] =	sst lr;
	_ =	strace $0xD0000000  }
0x3: {  	_ = 	snop  }
0x4: {  	_ = 	snop  }
0x5: {  	_ = 	snop  }
0x6: {  	_ = 	snop  }
0x7: {  	_ = 	snop  }
__scs_overlays_trampoline_lowered:
0x8: {  	[smem:$0x3FAA] =	sst s0  }
0x9: {  	[smem:$0x3FAB] =	sst s1  }
0xa: {  	[smem:$0x3FAC] =	sst s2  }
0xb: {  	[smem:$0x3FAD] =	sst s3  }
0xc: {  	[smem:$0x3FAE] =	sst s4  }
0xd: {  	[smem:$0x3FAF] =	sst s5  }
0xe: {  	[smem:$0x3FB0] =	sst s6  }
0xf: {  	[smem:$0x3FB1] =	sst s7  }
0x10: {  	[smem:$0x3FB2] =	sst s8  }
0x11: {  	[smem:$0x3FB3] =	sst s9;
	s0 =	simm.s32 @!p0 $0x0  }
0x12: {  	s1 =	sld [smem:$0x3F99];
	s0 =	simm.s32 @p0 $0x1  }
0x13: {  	[smem:$0x3FB4] =	sst s0;
	s0 =	simm.s32 @!p1 $0x0  }
0x14: {  	s2 =	sld [smem:$0x3F98];
	s0 =	simm.s32 @p1 $0x1  }
0x15: {  	[smem:$0x3FB5] =	sst s0;
	s0 =	simm.s32 @!p2 $0x0  }
0x16: {  	s3 =	sld [smem:$0x3FDB];
	s0 =	simm.s32 @p2 $0x1  }
0x17: {  	s4 =	simm.s32 $0x1BF5;
	[smem:$0x3FB7] =	sst s0  }
0x18: {  	s0 =	sld [smem:$0x3F9A];
	_ =	swait.ge [sflag:s4], $0x0  }
0x19: {  	s7 =	sld [smem:$0x3F9B]  }
0x1a: {  	s8 =	sadd.s32 $0xFFFFE003, lr  }
0x1b: {  	s9 =	sadd.s32 $0xFFFFFEF7, lr;
	s5 =	simm.s32 $0xFFFFFFFF;
	p2 =	slt.u32 s8, $0xFFFFF086  }
0x1c: {  	p1 =	slt.u32 s9, $0xF7A;
	s5 =	simm.s32 @!p2 $0x0  }
0x1d: {  	s5 =	simm.s32 @p1 $0x1;
	p0 =	seq.s32 s7, s2  }
0x1e: {  	s7 =	smul.u32 @!p0 $0xF7A, s2;
	p2 =	seq.s32 @!p0 s5, $0x0  }
0x1f: {  	s9 =	smul.u32 $0xF7A, s1;
	s8 =	simm.s32 @!p0 $0x1BF5;
	p2 =	por !p2, p0  }
0x20: {  	[sflag:s8] =	ssyncset.s32 @!p0 $0xFFFFF086;
	s6 =	sadd.s32 @!p0 s3, s7;
	s7 =	simm.s32 @!p0 $0x108  }
0x21: {  	s3 =	sadd.s32 s3, s9;
	s6 =	sadd.s32 @!p0 $0x88, s6;
	s7 =	simm.s32 @p2 $0x1082  }
0x22: {  	[simem:s7], [sflag:s8] =	dma.local @!p0 [hbm:s6], $0xF7A  }
0x23: {  	s9 =	sor.u32 $0xD0000000, s2;
	s6 =	simm.s32 $0x108;
	_ =	swait.ge @!p0 [sflag:s8], $0x0  }
0x24: {  	s3 =	sadd.s32 $0x88, s3;
	s6 =	simm.s32 @!p1 $0x1082;
	[sflag:s4] =	ssyncset.s32 $0xFFFFF086  }
0x25: {  	[simem:s6], [sflag:s4] =	dma.local [hbm:s3], $0xF7A  }
0x26: {  	[smem:$0x3F9B] =	sst s1;
	(tag) =	ssettag s2;
	_ =	strace s9  }
0x27: {  	s1 =	sld [smem:$0x3FAB]  }
0x28: {  	s2 =	sld [smem:$0x3FAC]  }
0x29: {  	s4 =	sld [smem:$0x3FAE]  }
0x2a: {  	p0 =	seq.s32 s5, $0x0;
	s5 =	sld [smem:$0x3FAF]  }
0x2b: {  	s6 =	sld [smem:$0x3FB0]  }
0x2c: {  	s7 =	sld [smem:$0x3FB1]  }
0x2d: {  	s3 =	simm.s32 $0x108;
	s8 =	sld [smem:$0x3FB2]  }
0x2e: {  	s3 =	simm.s32 @!p0 $0x1082;
	s9 =	sld [smem:$0x3FB3]  }
0x2f: {  	lr =	sadd.s32 s0, s3;
	s0 =	sld [smem:$0x3FAA]  }
0x30: {  	s3 =	sld [smem:$0x3FAD]  }
0x31: {  	[smem:$0x3FB6] =	sst s10  }
0x32: {  	s10 =	sld [smem:$0x3FB4];
	_ =	sdelay $0x3  }
0x33: {  	p0 =	seq.s32 s10, $0x1;
	s10 =	sld [smem:$0x3FB6];
	_ =	sdelay $0x3  }
0x34: {  	[smem:$0x3FB6] =	sst s10  }
0x35: {  	s10 =	sld [smem:$0x3FB5];
	_ =	sdelay $0x3  }
0x36: {  	p1 =	seq.s32 s10, $0x1;
	s10 =	sld [smem:$0x3FB6];
	_ =	sdelay $0x3  }
0x37: {  	[smem:$0x3FB6] =	sst s10  }
0x38: {  	s10 =	sld [smem:$0x3FB7]  }
0x39: {  	_ = 	snop;
	(pc) =	sbr.ind lr, $3  }
0x3a: {  	_ = 	snop  }
0x3b: {  	_ = 	snop  }
0x3c: {  	p2 =	seq.s32 s10, $0x1;
	s10 =	sld [smem:$0x3FB6]  }
0x3d: {  	_ =	shalt  }
0x3e: {  	_ =	shalt  }
0x3f: {  	_ =	shalt  }
0x40: {  	_ =	shalt  }
0x41: {  	_ =	shalt  }
0x42: {  	_ =	shalt  }
0x43: {  	_ =	shalt  }
0x44: {  	_ =	shalt  }
0x45: {  	_ =	shalt  }
0x46: {  	_ =	shalt  }
0x47: {  	_ =	shalt  }
0x48: {  	_ =	shalt  }
0x49: {  	_ =	shalt  }
0x4a: {  	_ =	shalt  }
0x4b: {  	_ =	shalt  }
0x4c: {  	_ =	shalt  }
0x4d: {  	_ =	shalt  }
0x4e: {  	_ =	shalt  }
0x4f: {  	_ =	shalt  }
0x50: {  	_ =	shalt  }
0x51: {  	_ =	shalt  }
0x52: {  	_ =	shalt  }
0x53: {  	_ =	shalt  }
0x54: {  	_ =	shalt  }
0x55: {  	_ =	shalt  }
0x56: {  	_ =	shalt  }
0x57: {  	_ =	shalt  }
0x58: {  	_ =	shalt  }
0x59: {  	_ =	shalt  }
0x5a: {  	_ =	shalt  }
0x5b: {  	_ =	shalt  }
0x5c: {  	_ =	shalt  }
0x5d: {  	_ =	shalt  }
0x5e: {  	_ =	shalt  }
0x5f: {  	_ =	shalt  }
0x60: {  	_ =	shalt  }
0x61: {  	_ =	shalt  }
0x62: {  	_ =	shalt  }
0x63: {  	_ =	shalt  }
0x64: {  	_ =	shalt  }
0x65: {  	_ =	shalt  }
0x66: {  	_ =	shalt  }
0x67: {  	_ =	shalt  }
0x68: {  	_ =	shalt  }
0x69: {  	_ =	shalt  }
0x6a: {  	_ =	shalt  }
0x6b: {  	_ =	shalt  }
0x6c: {  	_ =	shalt  }
0x6d: {  	_ =	shalt  }
0x6e: {  	_ =	shalt  }
0x6f: {  	_ =	shalt  }
0x70: {  	_ =	shalt  }
0x71: {  	_ =	shalt  }
0x72: {  	_ =	shalt  }
0x73: {  	_ =	shalt  }
0x74: {  	_ =	shalt  }
0x75: {  	_ =	shalt  }
0x76: {  	_ =	shalt  }
0x77: {  	_ =	shalt  }
0x78: {  	_ =	shalt  }
0x79: {  	_ =	shalt  }
0x7a: {  	_ =	shalt  }
0x7b: {  	_ =	shalt  }
0x7c: {  	_ =	shalt  }
0x7d: {  	_ =	shalt  }
0x7e: {  	_ =	shalt  }
0x7f: {  	_ =	shalt  }
0x80: {  	_ =	shalt  }
0x81: {  	_ =	shalt  }
0x82: {  	_ =	shalt  }
0x83: {  	_ =	shalt  }
0x84: {  	_ =	shalt  }
0x85: {  	_ =	shalt  }
0x86: {  	_ =	shalt  }
0x87: {  	_ =	shalt  }
.Lfunc_end0:
.L_simem_size_0:
called_computation_lowered:
.L_overlay_start_0:
0x88: {  	s2 =	sld [smem:$0x3FD9]  }
0x89: {  	s3 =	sld [smem:$0x3FFE];
	_ =	sdelay $0x1  }
0x8a: {  	s1 =	srdreg.scid  }
0x8b: {  	s0 =	sand.u32 $0x1, s1  }
0x8c: {  	s17 =	sshll.u32 s0, $0xA;
	s2 =	sadd.s32 s3, s2  }
0x8d: {  	s2 =	sadd.s32 s2, s17  }
0x8e: {  	[smem:$0x3FC2] =	sst s2  }
0x8f: {  	_ = 	snop  }
0x90: {  	s2 =	sld [smem:$0x3FC9]  }
0x91: {  	s18 =	sld [smem:$0x3FC8]  }
0x92: {  	s4 =	sld [smem:$0x3FC7]  }
0x93: {  	s5 =	sld [smem:$0x3FD0];
	(tm) =	ssettm $0x1  }
0x94: {  	s6 =	sld [smem:$0x3FFB];
	_ =	sdelay $0x3  }
0x95: {  	_ =	strace s6  }
0x96: {  	s6 =	sld [smem:$0x3FFC];
	_ =	sdelay $0x3  }
0x97: {  	_ =	strace s6  }
0x98: {  	s6 =	sld [smem:$0x3FFD];
	_ =	sdelay $0x3  }
0x99: {  	_ =	strace s6  }
0x9a: {  	_ =	strace $0x8FFFFFFF  }
0x9b: {  	s19 =	sld [smem:$0x3FDB];
	_ =	sdelay $0x1  }
0x9c: {  	s7 =	simm.s32 $_scs_section_size  }
0x9d: {  	s8 =	simm.s32 $_size__tile_overlayer_lowered;
	s9 =	simm.s32 $_tile_overlayer_lowered  }
0x9e: {  	s22 =	simm.s32 $0x1BFF;
	s21 =	sshll.u32 s9, $0x1;
	s6 =	sadd.s32 s7, s19  }
0x9f: {  	s10 =	simm.s32 $0x0;
	s20 =	sshll.u32 s8, $0x1;
	s8 =	sadd.s32 s21, s6  }
0xa0: {  	[timem:s10], [sflag:s22] =	dma.local [hbm:s8], s20  }
0xa1: {  	_ =	swait.ge [sflag:s22], s20  }
0xa2: {  	s7 =	ssub.s32 $0x0, s20;
	[sflag:s22] =	ssyncset.done $0x0  }
0xa3: {  	[sflag:s22] =	ssyncadd.s32 s7;
	_ =	sdelay $0x1  }
0xa4: {  	s23 =	simm.s32 $0x1B8B  }
0xa5: {  	_ =	swait.ge [sflag:s23], $0x1  }
0xa6: {  	[sflag:s23] =	ssyncset.done $0x0  }
0xa7: {  	s25 =	simm.s32 $0x1B8E;
	s24 =	sld [smem:$0x3FFE];
	[sflag:s23] =	ssyncadd.s32 $0xFFFFFFFF  }
0xa8: {  	s26 =	simm.s32 $execute0_lowered;
	[smem:$0x3FD2] =	sst s25  }
0xa9: {  	s8 =	sshll.u32 s26, $0x1;
	_ =	strace $0x80000046;
	[dreg:$0x1] =	wrdreg $0xFFFFFFFF  }
0xaa: {  	s28 =	simm.s32 $_size_execute0_lowered;
	s6 =	sadd.s32 s6, s8;
	[dreg:$0x0] =	wrdreg $0x0  }
0xab: {  	s8 =	sshll.u32 s28, $0x1;
	[dreg:$0x2] =	wrdreg s6  }
0xac: {  	[dreg:$0x3] =	wrdreg s8  }
0xad: {  	[dreg:$0x4] =	wrdreg $0xC0  }
0xae: {  	_ =	task [dreg:s10], $0x5FFFF  }
0xaf: {  	[dreg:$0x1] =	wrdreg $0xFFFFFFFF  }
0xb0: {  	[dreg:$0x0] =	wrdreg $0x60  }
0xb1: {  	[dreg:$0x2] =	wrdreg s2  }
0xb2: {  	[dreg:$0x3] =	wrdreg s18  }
0xb3: {  	[dreg:$0x4] =	wrdreg s4  }
0xb4: {  	[dreg:$0x5] =	wrdreg s24  }
0xb5: {  	[dreg:$0x6] =	wrdreg s5  }
0xb6: {  	[dreg:$0x7] =	wrdreg $0x9  }
0xb7: {  	_ =	task.clear_ibuf [dreg:s10], $0x8FFFF;
	_ =	strace $0x90000046  }
0xb8: {  	s29 =	simm.s32 $0x9;
	_ =	strace $0x80000048  }
0xb9: {  	_ =	swait.ge [sflag:s29], $0x1  }
0xba: {  	[sflag:s29] =	ssyncadd.s32 $0xFFFFFFFF  }
0xbb: {  	_ =	strace $0x90000048  }
0xbc: {  	_ =	sfence  }
0xbd: {  	s30 =	sld [smem:$0x0];
	_ =	sdelay $0x2  }
0xbe: {  	s31 =	sshll.u32 s1, $0xD;
	s1 =	sshrl.u32 s1, $0x2  }
0xbf: {  	s3 =	sand.u32 $0x4000, s31;
	s1 =	sadd.s32 s1, s30  }
0xc0: {  	s0 =	sor.u32 s3, s0;
	s1 =	sshll.u32 s1, $0x11  }
0xc1: {  	s0 =	sor.u32 s1, s0  }
0xc2: {  	s0 =	sadd.s32 $0x8F2B, s0  }
0xc3: {  	[sflag:s0] =	ssyncadd.remote.s32 $0x1  }
0xc4: {  	_ =	sfence.sel $0xFFFF  }
0xc5: {  	[dreg:$0x0] =	wrdreg $0xFFFFFFFF;
	(pc) =	sbr.abs _section_cstart, $3  }
0xc6: {  	[dreg:$0x1] =	wrdreg $0xFFFFFFFF  }
0xc7: {  	_ =	task.clear_ibuf [dreg:s10], $0x2FFFF;
	_ =	strace $0x9FFFFFFF  }
0xc8: {  	(tm) =	ssettm $0x7FFFFFFF  }
0xc9: {  	_ =	shalt  }
tec
execute0_lowered:
.L_overlay_start_1:
0x0: {  	(tag) =	ssettag $0x1  }
0x1: {  	s0 =	rddreg [dreg:$0x0]  }
0x2: {  	s1 =	rddreg [dreg:$0x1]  }
0x3: {  	s2 =	rddreg [dreg:$0x2]  }
0x4: {  	s3 =	rddreg [dreg:$0x3]  }
0x5: {  	s7 =	rddreg [dreg:$0x4]  }
0x6: {  	s4 =	simm.s32 $0x0;
	s18 =	srdreg.scid;
	s11 =	simm.s32 $0x600  }
0x7: {  	v0 =	vlaneseq.u32;
	s16 =	simm.s32 $0x10470;
	s15 =	simm.s32 $0x11E58;
	s17 =	simm.s32 $0x608  }
0x8: {  	s5 =	stileid.u32;
	v58 =	vimm.s32 $0x7654321;
	s29 =	simm.s32 $0x10478;
	[smem:$0x7FF] =	sst s4;
	v6 =	vmul.u32 $0x41, v0;
	v0 =	vand.u32 $0x7, v0  }
0x9: {  	s30 =	simm.s32 $0x10480;
	s31 =	simm.s32 $0x10488;
	_ =	strace $0x80000047;
	[tilespmem:$0x1FF50] =	vst v0  }
0xa: {  	s8 =	simm.s32 $0x11E68;
	s9 =	simm.s32 $0x11E70;
	s13 =	simm.s32 $0x11E78;
	v1 =	vadd.s32 $0x2, v6;
	[tilespmem:$0x1FF70] =	vst v6  }
0xb: {  	v59 =	vimm.s32 $0x10765432;
	s12 =	simm.s32 $0x0;
	s6 =	sadd.s32 $0xA00, s3;
	s4 =	sand.u32 $0x1, s18;
	v56 =	vadd.s32 $0x3, v6;
	[tilespmem:$0x1FF00] =	vst v1  }
0xc: {  	v3 =	vimm.s32 $0x21076543;
	s5 =	sshll.u32 s5, $0x1;
	s19 =	sadd.s32 $0x600, s3;
	[dreg:$0x6] =	wrdreg s6;
	v57 =	vadd.s32 $0x4, v6;
	[tilespmem:$0x1FF10] =	vst v56  }
0xd: {  	v60 =	vimm.s32 $0x32107654;
	s3 =	sadd.s32 $0x400, s3;
	s25 =	sadd.s32 $0x20000, s7;
	[dreg:$0x7] =	wrdreg s19;
	v2 =	vadd.s32 $0x5, v6;
	[tilespmem:$0x1FF20] =	vst v57  }
0xe: {  	v5 =	vimm.s32 $0x65432107;
	s26 =	sadd.s32 $0x40000, s7;
	s18 =	simm.s32 $0x610;
	v3 =	vunpack.c.l.s4.s8 v3;
	[dreg:$0x8] =	wrdreg s3;
	v4 =	vadd.s32 $0x6, v6;
	[tilespmem:$0x1FF30] =	vst v2  }
0xf: {  	v61 =	vimm.s32 $0x43210765;
	s7 =	simm.s32 $0x11E60;
	v5 =	vunpack.c.l.s4.s8 v5;
	s20 =	ssub.s32 $0x2, s4;
	[dreg:$0xd] =	wrdreg s25;
	v7 =	vadd.s32 $0x1, v6;
	[tilespmem:$0x1FF40] =	vst v4  }
0x10: {  	s4 =	sor.u32 s4, s5;
	[dreg:$0xe] =	wrdreg s26;
	s19 =	simm.s32 $0x618;
	v0 =	vunpack.c.l.s4.s8 v61;
	v11 =	vadd.s32 $0x7, v6;
	v12 =	vunpack.c.0.s8.s32 v3;
	[tilespmem:$0x1FF80] =	vst v7  }
0x11: {  	v63 =	vimm.s32 $0x54321076;
	s21 =	sshrl.u32 s20, $0x1;
	s5 =	sshll.u32 s4, $0x6;
	s24 =	sshll.u32 s4, $0x9;
	v13 =	vunpack.c.0.s8.s32 v5;
	v1 =	vunpack.c.l.s4.s8 v58;
	[tilespmem:$0x1FF90] =	vst v11  }
0x12: {  	v62 =	vunpack.c.l.s4.s8 v59;
	s4 =	simm.s32 $0x104A0;
	s3 =	ssub.s32 s20, s21;
	s0 =	sadd.s32 s0, s5;
	v4 =	vunpack.c.l.s4.s8 v60;
	v59 =	vunpack.c.0.s8.s32 v0;
	[tilespmem:$0x1FFB0] =	vst v12  }
0x13: {  	s22 =	sadd.s32 s1, s5;
	s23 =	sadd.s32 s2, s5;
	[dreg:$0xc] =	wrdreg s24;
	v2 =	vunpack.c.l.s4.s8 v63;
	[tilespmem:$0x1FFF0] =	vst v13;
	v1 =	vunpack.c.0.s8.s32 v1  }
0x14: {  	s20 =	simm.s32 $0x620;
	s21 =	simm.s32 $0x628;
	[dreg:$0x9] =	wrdreg s0;
	v15 =	vunpack.c.0.s8.s32 v4;
	[tilespmem:$0x1FFD0] =	vst v59  }
0x15: {  	s2 =	simm.s32 $0x10498;
	s5 =	simm.s32 $0x104A8;
	[dreg:$0xa] =	wrdreg s22;
	v10 =	vunpack.c.0.s8.s32 v2;
	[tilespmem:$0x1FF60] =	vst v1  }
0x16: {  	s24 =	simm.s32 $0x11E88;
	s1 =	simm.s32 $0x11E90;
	[dreg:$0xb] =	wrdreg s23;
	v1 =	vunpack.c.0.s8.s32 v62;
	[tilespmem:$0x1FFC0] =	vst v15  }
0x17: {  	s28 =	smax.u32 s3, $0x1;
	s22 =	simm.s32 $0x630;
	s23 =	simm.s32 $0x638;
	[tilespmem:$0x1FFE0] =	vst v10  }
0x18: {  	s0 =	simm.s32 $0x10490;
	s3 =	simm.s32 $0x11E80;
	[dreg:$0xf] =	wrdreg s28;
	[tilespmem:$0x1FFA0] =	vst v1  }
.LBB2_1:
0x19: {  	[dreg:$0x10] =	wrdreg s12  }
0x1a: {  	s10 =	rddreg [dreg:$0x6]  }
0x1b: {  	s6 =	simm.s32 $0x0;
	s14 =	rddreg [dreg:$0x7]  }
0x1c: {  	[tilespmem:s11], [sflag:$0x1] =	stream.linear.gather [hbm4b:s10+s6], $0xFE29, $0x38;
	[tilespmem:$0x18AC8] =	vst v63  }
0x1d: {  	s25 =	rddreg [dreg:$0x8]  }
0x1e: {  	[tilespmem:s16], [sflag:$0x1] =	stream.linear.gather [hbm4b:s14+s6], $0x19A5, $0x38;
	[tilespmem:$0x18AC8] =	vst v63  }
0x1f: {  	s26 =	rddreg [dreg:$0x9]  }
0x20: {  	[tilespmem:s15], [sflag:$0x1] =	stream.linear.gather [hbm4b:s25+s6], $0xC30, $0x38;
	[tilespmem:$0x18AC8] =	vst v63  }
0x21: {  	s28 =	rddreg [dreg:$0xa]  }
0x22: {  	[tilespmem:s6], [sflag:$0x1] =	stream.linear.gather [hbm4b:s26+s6], $0x200, $0x38;
	[tilespmem:$0x18AC8] =	vst v63  }
0x23: {  	s14 =	simm.s32 $0x200;
	s16 =	rddreg [dreg:$0xb];
	s15 =	simm.s32 $0x200  }
0x24: {  	[tilespmem:s14], [sflag:$0x1] =	stream.linear.gather [hbm4b:s28+s6], $0x200, $0x38;
	[tilespmem:$0x18AC8] =	vst v63  }
0x25: {  	s25 =	simm.s32 $0x400;
	[dreg:$0x11] =	wrdreg s15;
	s26 =	simm.s32 $0x1  }
0x26: {  	[tilespmem:s25], [sflag:$0x1] =	stream.linear.gather [hbm4b:s16+s6], $0x200, $0x38;
	[tilespmem:$0x18AC8] =	vst v63  }
0x27: {  	_ =	swait.ge [sflag:s26], $0xFE29  }
0x28: {  	[sflag:s26] =	ssyncset.done $0x0  }
0x29: {  	[sflag:s26] =	ssyncadd.s32 $0xFFFF01D7  }
0x2a: {  	_ =	swait.ge [sflag:s26], $0x19A5  }
0x2b: {  	[sflag:s26] =	ssyncset.done $0x0  }
0x2c: {  	[sflag:s26] =	ssyncadd.s32 $0xFFFFE65B  }
0x2d: {  	_ =	swait.ge [sflag:s26], $0xC30  }
0x2e: {  	[sflag:s26] =	ssyncset.done $0x0  }
0x2f: {  	[sflag:s26] =	ssyncadd.s32 $0xFFFFF3D0  }
0x30: {  	_ =	swait.ge [sflag:s26], $0x200  }
0x31: {  	[sflag:s26] =	ssyncset.done $0x0  }
0x32: {  	[sflag:s26] =	ssyncadd.s32 $0xFFFFFE00  }
0x33: {  	_ =	swait.ge [sflag:s26], $0x200  }
0x34: {  	[sflag:s26] =	ssyncset.done $0x0  }
0x35: {  	[sflag:s26] =	ssyncadd.s32 $0xFFFFFE00  }
0x36: {  	_ =	swait.ge [sflag:s26], $0x200  }
0x37: {  	s12 =	simm.s32 $0x0;
	s28 =	simm.s32 $0x400;
	[sflag:s26] =	ssyncset.done $0x0  }
0x38: {  	s10 =	simm.s32 $0x0;
	[dreg:$0x12] =	wrdreg s28;
	[sflag:s26] =	ssyncadd.s32 $0xFFFFFE00  }
.LBB2_2:
0x39: {  	[dreg:$0x14] =	wrdreg s12;
	p0 =	seq.s32 s12, $0x0;
	v58 =	vmov s10  }
0x3a: {  	[dreg:$0x13] =	wrdreg s10;
	s6 =	simm.s32 @!p0 $0x2  }
0x3b: {  	_ =	swait.ge @!p0 [sflag:s6], $0x2000  }
0x3c: {  	[sflag:s6] =	ssyncset.done @!p0 $0x0  }
0x3d: {  	[sflag:s6] =	ssyncadd.s32 @!p0 $0xFFFFE000;
	s6 =	simm.s32 $0x0  }
0x3e: {  	v0 =	vld.idx.msk [tilespmem:v58+s6+$0x0 ss:$0x1], $0xffff;
	_ =	sdelay $0x4  }
0x3f: {  	v35 =	vmul.u32 $0x41, v0;
	_ =	sdelay $0x5  }
0x40: {  	v0 =	vld.idx.msk [tilespmem:v35+s11+$0x0], $0xffff  }
0x41: {  	v31 =	vadd.s32 $0x1, v35;
	_ =	sdelay $0x3  }
0x42: {  	[tilespmem:s6+$0x12AC8] =	vst v0  }
0x43: {  	v0 =	vld.idx.msk [tilespmem:v31+s11+$0x0], $0xffff  }
0x44: {  	v26 =	vadd.s32 $0x2, v35;
	_ =	sdelay $0x3  }
0x45: {  	[tilespmem:s6+$0x12B48] =	vst v0  }
0x46: {  	v0 =	vld.idx.msk [tilespmem:v26+s11+$0x0], $0xffff  }
0x47: {  	v21 =	vadd.s32 $0x3, v35;
	_ =	sdelay $0x3  }
0x48: {  	[tilespmem:s6+$0x12BC8] =	vst v0  }
0x49: {  	v0 =	vld.idx.msk [tilespmem:v21+s11+$0x0], $0xffff  }
0x4a: {  	v19 =	vadd.s32 $0x4, v35;
	_ =	sdelay $0x3  }
0x4b: {  	[tilespmem:s6+$0x12C48] =	vst v0  }
0x4c: {  	v0 =	vld.idx.msk [tilespmem:v19+s11+$0x0], $0xffff  }
0x4d: {  	v18 =	vadd.s32 $0x5, v35;
	_ =	sdelay $0x3  }
0x4e: {  	[tilespmem:s6+$0x12CC8] =	vst v0  }
0x4f: {  	v0 =	vld.idx.msk [tilespmem:v18+s11+$0x0], $0xffff  }
0x50: {  	v17 =	vadd.s32 $0x6, v35;
	_ =	sdelay $0x3  }
0x51: {  	[tilespmem:s6+$0x12D48] =	vst v0  }
0x52: {  	v0 =	vld.idx.msk [tilespmem:v17+s11+$0x0], $0xffff  }
0x53: {  	v16 =	vadd.s32 $0x7, v35;
	_ =	sdelay $0x2  }
0x54: {  	s26 =	simm.s32 $0x10  }
0x55: {  	v1 =	vld.idx.msk [tilespmem:v58+s26+$0x0 ss:$0x1], $0xffff;
	[tilespmem:s6+$0x12DC8] =	vst v0  }
0x56: {  	v0 =	vld.idx.msk [tilespmem:v16+s11+$0x0], $0xffff;
	_ =	sdelay $0x4  }
0x57: {  	v40 =	vmul.u32 $0x41, v1;
	[tilespmem:s6+$0x12E48] =	vst v0  }
0x58: {  	v0 =	vld.idx.msk [tilespmem:v35+s17+$0x0], $0xffff;
	_ =	sdelay $0x4  }
0x59: {  	[tilespmem:s6+$0x12EC8] =	vst v0;
	v0 =	vld.idx.msk [tilespmem:v40+s11+$0x0], $0xffff  }
0x5a: {  	v38 =	vadd.s32 $0x1, v40;
	v1 =	vld.idx.msk [tilespmem:v31+s17+$0x0], $0xffff;
	_ =	sdelay $0x3  }
0x5b: {  	[tilespmem:s26+$0x12AC8] =	vst v0  }
0x5c: {  	[tilespmem:s6+$0x12F48] =	vst v1;
	v0 =	vld.idx.msk [tilespmem:v38+s11+$0x0], $0xffff  }
0x5d: {  	v37 =	vadd.s32 $0x2, v40;
	v1 =	vld.idx.msk [tilespmem:v26+s17+$0x0], $0xffff;
	_ =	sdelay $0x3  }
0x5e: {  	[tilespmem:s26+$0x12B48] =	vst v0  }
0x5f: {  	[tilespmem:s6+$0x12FC8] =	vst v1;
	v0 =	vld.idx.msk [tilespmem:v37+s11+$0x0], $0xffff  }
0x60: {  	v36 =	vadd.s32 $0x3, v40;
	v1 =	vld.idx.msk [tilespmem:v21+s17+$0x0], $0xffff;
	_ =	sdelay $0x3  }
0x61: {  	[tilespmem:s26+$0x12BC8] =	vst v0  }
0x62: {  	[tilespmem:s6+$0x13048] =	vst v1;
	v0 =	vld.idx.msk [tilespmem:v36+s11+$0x0], $0xffff  }
0x63: {  	v34 =	vadd.s32 $0x4, v40;
	v1 =	vld.idx.msk [tilespmem:v19+s17+$0x0], $0xffff;
	_ =	sdelay $0x3  }
0x64: {  	[tilespmem:s26+$0x12C48] =	vst v0  }
0x65: {  	[tilespmem:s6+$0x130C8] =	vst v1;
	v0 =	vld.idx.msk [tilespmem:v34+s11+$0x0], $0xffff  }
0x66: {  	v30 =	vadd.s32 $0x5, v40;
	v1 =	vld.idx.msk [tilespmem:v18+s17+$0x0], $0xffff;
	_ =	sdelay $0x3  }
0x67: {  	[tilespmem:s26+$0x12CC8] =	vst v0  }
0x68: {  	[tilespmem:s6+$0x13148] =	vst v1;
	v0 =	vld.idx.msk [tilespmem:v30+s11+$0x0], $0xffff  }
0x69: {  	v27 =	vadd.s32 $0x6, v40;
	v1 =	vld.idx.msk [tilespmem:v17+s17+$0x0], $0xffff;
	_ =	sdelay $0x3  }
0x6a: {  	[tilespmem:s26+$0x12D48] =	vst v0  }
0x6b: {  	[tilespmem:s6+$0x131C8] =	vst v1;
	v0 =	vld.idx.msk [tilespmem:v27+s11+$0x0], $0xffff  }
0x6c: {  	v22 =	vadd.s32 $0x7, v40;
	v1 =	vld.idx.msk [tilespmem:v16+s17+$0x0], $0xffff;
	_ =	sdelay $0x2  }
0x6d: {  	s12 =	simm.s32 $0x20  }
0x6e: {  	v2 =	vld.idx.msk [tilespmem:v58+s12+$0x0 ss:$0x1], $0xffff;
	[tilespmem:s26+$0x12DC8] =	vst v0  }
0x6f: {  	[tilespmem:s6+$0x13248] =	vst v1;
	v0 =	vld.idx.msk [tilespmem:v22+s11+$0x0], $0xffff  }
0x70: {  	v1 =	vld.idx.msk [tilespmem:v35+s18+$0x0], $0xffff;
	_ =	sdelay $0x3  }
0x71: {  	v48 =	vmul.u32 $0x41, v2;
	[tilespmem:s26+$0x12E48] =	vst v0  }
0x72: {  	[tilespmem:s6+$0x132C8] =	vst v1;
	v0 =	vld.idx.msk [tilespmem:v40+s17+$0x0], $0xffff  }
0x73: {  	v1 =	vld.idx.msk [tilespmem:v31+s18+$0x0], $0xffff;
	_ =	sdelay $0x3  }
0x74: {  	v2 =	vld.idx.msk [tilespmem:v48+s11+$0x0], $0xffff;
	[tilespmem:s26+$0x12EC8] =	vst v0  }
0x75: {  	v46 =	vadd.s32 $0x1, v48;
	[tilespmem:s6+$0x13348] =	vst v1;
	v0 =	vld.idx.msk [tilespmem:v38+s17+$0x0], $0xffff  }
0x76: {  	v1 =	vld.idx.msk [tilespmem:v26+s18+$0x0], $0xffff;
	_ =	sdelay $0x2  }
0x77: {  	[tilespmem:s12+$0x12AC8] =	vst v2  }
0x78: {  	v2 =	vld.idx.msk [tilespmem:v46+s11+$0x0], $0xffff;
	[tilespmem:s26+$0x12F48] =	vst v0  }
0x79: {  	v45 =	vadd.s32 $0x2, v48;
	[tilespmem:s6+$0x133C8] =	vst v1;
	v0 =	vld.idx.msk [tilespmem:v37+s17+$0x0], $0xffff  }
0x7a: {  	v1 =	vld.idx.msk [tilespmem:v21+s18+$0x0], $0xffff;
	_ =	sdelay $0x2  }
0x7b: {  	[tilespmem:s12+$0x12B48] =	vst v2  }
0x7c: {  	v2 =	vld.idx.msk [tilespmem:v45+s11+$0x0], $0xffff;
	[tilespmem:s26+$0x12FC8] =	vst v0  }
0x7d: {  	v44 =	vadd.s32 $0x3, v48;
	[tilespmem:s6+$0x13448] =	vst v1;
	v0 =	vld.idx.msk [tilespmem:v36+s17+$0x0], $0xffff  }
0x7e: {  	v1 =	vld.idx.msk [tilespmem:v19+s18+$0x0], $0xffff;
	_ =	sdelay $0x2  }
0x7f: {  	[tilespmem:s12+$0x12BC8] =	vst v2  }
0x80: {  	v2 =	vld.idx.msk [tilespmem:v44+s11+$0x0], $0xffff;
	[tilespmem:s26+$0x13048] =	vst v0  }
0x81: {  	v43 =	vadd.s32 $0x4, v48;
	[tilespmem:s6+$0x134C8] =	vst v1;
	v0 =	vld.idx.msk [tilespmem:v34+s17+$0x0], $0xffff  }
0x82: {  	v1 =	vld.idx.msk [tilespmem:v18+s18+$0x0], $0xffff;
	_ =	sdelay $0x2  }
0x83: {  	[tilespmem:s12+$0x12C48] =	vst v2  }
0x84: {  	v2 =	vld.idx.msk [tilespmem:v43+s11+$0x0], $0xffff;
	[tilespmem:s26+$0x130C8] =	vst v0  }
0x85: {  	v42 =	vadd.s32 $0x5, v48;
	[tilespmem:s6+$0x13548] =	vst v1;
	v0 =	vld.idx.msk [tilespmem:v30+s17+$0x0], $0xffff  }
0x86: {  	v1 =	vld.idx.msk [tilespmem:v17+s18+$0x0], $0xffff;
	_ =	sdelay $0x2  }
0x87: {  	[tilespmem:s12+$0x12CC8] =	vst v2  }
0x88: {  	v2 =	vld.idx.msk [tilespmem:v42+s11+$0x0], $0xffff;
	[tilespmem:s26+$0x13148] =	vst v0  }
0x89: {  	v41 =	vadd.s32 $0x6, v48;
	[tilespmem:s6+$0x135C8] =	vst v1;
	v0 =	vld.idx.msk [tilespmem:v27+s17+$0x0], $0xffff  }
0x8a: {  	v1 =	vld.idx.msk [tilespmem:v16+s18+$0x0], $0xffff;
	_ =	sdelay $0x2  }
0x8b: {  	[tilespmem:s12+$0x12D48] =	vst v2  }
0x8c: {  	v2 =	vld.idx.msk [tilespmem:v41+s11+$0x0], $0xffff;
	[tilespmem:s26+$0x131C8] =	vst v0  }
0x8d: {  	v39 =	vadd.s32 $0x7, v48;
	[tilespmem:s6+$0x13648] =	vst v1;
	v0 =	vld.idx.msk [tilespmem:v22+s17+$0x0], $0xffff  }
0x8e: {  	v1 =	vld.idx.msk [tilespmem:v35+s19+$0x0], $0xffff;
	_ =	sdelay $0x2  }
0x8f: {  	[tilespmem:s12+$0x12DC8] =	vst v2  }
0x90: {  	v2 =	vld.idx.msk [tilespmem:v39+s11+$0x0], $0xffff;
	[tilespmem:s26+$0x13248] =	vst v0  }
0x91: {  	[tilespmem:s6+$0x136C8] =	vst v1;
	v0 =	vld.idx.msk [tilespmem:v40+s18+$0x0], $0xffff  }
0x92: {  	v1 =	vld.idx.msk [tilespmem:v31+s19+$0x0], $0xffff;
	_ =	sdelay $0x1  }
0x93: {  	s25 =	simm.s32 $0x30  }
0x94: {  	v3 =	vld.idx.msk [tilespmem:v58+s25+$0x0 ss:$0x1], $0xffff;
	[tilespmem:s12+$0x12E48] =	vst v2  }
0x95: {  	v2 =	vld.idx.msk [tilespmem:v48+s17+$0x0], $0xffff;
	[tilespmem:s26+$0x132C8] =	vst v0  }
0x96: {  	[tilespmem:s6+$0x13748] =	vst v1;
	v0 =	vld.idx.msk [tilespmem:v38+s18+$0x0], $0xffff  }
0x97: {  	v1 =	vld.idx.msk [tilespmem:v26+s19+$0x0], $0xffff;
	_ =	sdelay $0x2  }
0x98: {  	[tilespmem:s12+$0x12EC8] =	vst v2  }
0x99: {  	v2 =	vld.idx.msk [tilespmem:v46+s17+$0x0], $0xffff;
	[tilespmem:s26+$0x13348] =	vst v0  }
0x9a: {  	v20 =	vmul.u32 $0x41, v3;
	v0 =	vld.idx.msk [tilespmem:v37+s18+$0x0], $0xffff;
	[tilespmem:s6+$0x137C8] =	vst v1  }
0x9b: {  	v1 =	vld.idx.msk [tilespmem:v21+s19+$0x0], $0xffff;
	_ =	sdelay $0x2  }
0x9c: {  	[tilespmem:s12+$0x12F48] =	vst v2  }
0x9d: {  	v2 =	vld.idx.msk [tilespmem:v45+s17+$0x0], $0xffff;
	[tilespmem:s26+$0x133C8] =	vst v0  }
0x9e: {  	[tilespmem:s6+$0x13848] =	vst v1;
	v1 =	vld.idx.msk [tilespmem:v20+s11+$0x0], $0xffff  }
0x9f: {  	v23 =	vadd.s32 $0x1, v20;
	v0 =	vld.idx.msk [tilespmem:v36+s18+$0x0], $0xffff  }
0xa0: {  	v3 =	vld.idx.msk [tilespmem:v19+s19+$0x0], $0xffff;
	_ =	sdelay $0x1  }
0xa1: {  	[tilespmem:s12+$0x12FC8] =	vst v2  }
0xa2: {  	v2 =	vld.idx.msk [tilespmem:v44+s17+$0x0], $0xffff;
	[tilespmem:s25+$0x12AC8] =	vst v1  }
0xa3: {  	[tilespmem:s26+$0x13448] =	vst v0;
	v1 =	vld.idx.msk [tilespmem:v23+s11+$0x0], $0xffff  }
0xa4: {  	v24 =	vadd.s32 $0x2, v20;
	v0 =	vld.idx.msk [tilespmem:v34+s18+$0x0], $0xffff;
	[tilespmem:s6+$0x138C8] =	vst v3  }
0xa5: {  	v3 =	vld.idx.msk [tilespmem:v18+s19+$0x0], $0xffff;
	_ =	sdelay $0x1  }
0xa6: {  	[tilespmem:s12+$0x13048] =	vst v2  }
0xa7: {  	v2 =	vld.idx.msk [tilespmem:v43+s17+$0x0], $0xffff;
	[tilespmem:s25+$0x12B48] =	vst v1  }
0xa8: {  	[tilespmem:s26+$0x134C8] =	vst v0;
	v1 =	vld.idx.msk [tilespmem:v24+s11+$0x0], $0xffff  }
0xa9: {  	v25 =	vadd.s32 $0x3, v20;
	v0 =	vld.idx.msk [tilespmem:v30+s18+$0x0], $0xffff;
	[tilespmem:s6+$0x13948] =	vst v3  }
0xaa: {  	v3 =	vld.idx.msk [tilespmem:v17+s19+$0x0], $0xffff;
	_ =	sdelay $0x1  }
0xab: {  	[tilespmem:s12+$0x130C8] =	vst v2  }
0xac: {  	v2 =	vld.idx.msk [tilespmem:v42+s17+$0x0], $0xffff;
	[tilespmem:s25+$0x12BC8] =	vst v1  }
0xad: {  	[tilespmem:s26+$0x13548] =	vst v0;
	v1 =	vld.idx.msk [tilespmem:v25+s11+$0x0], $0xffff  }
0xae: {  	v28 =	vadd.s32 $0x4, v20;
	v0 =	vld.idx.msk [tilespmem:v27+s18+$0x0], $0xffff;
	[tilespmem:s6+$0x139C8] =	vst v3  }
0xaf: {  	v3 =	vld.idx.msk [tilespmem:v16+s19+$0x0], $0xffff;
	_ =	sdelay $0x1  }
0xb0: {  	[tilespmem:s12+$0x13148] =	vst v2  }
0xb1: {  	v2 =	vld.idx.msk [tilespmem:v41+s17+$0x0], $0xffff;
	[tilespmem:s25+$0x12C48] =	vst v1  }
0xb2: {  	[tilespmem:s26+$0x135C8] =	vst v0;
	v1 =	vld.idx.msk [tilespmem:v28+s11+$0x0], $0xffff  }
0xb3: {  	v29 =	vadd.s32 $0x5, v20;
	v0 =	vld.idx.msk [tilespmem:v22+s18+$0x0], $0xffff;
	[tilespmem:s6+$0x13A48] =	vst v3  }
0xb4: {  	v3 =	vld.idx.msk [tilespmem:v35+s20+$0x0], $0xffff;
	_ =	sdelay $0x1  }
0xb5: {  	[tilespmem:s12+$0x131C8] =	vst v2  }
0xb6: {  	v2 =	vld.idx.msk [tilespmem:v39+s17+$0x0], $0xffff;
	[tilespmem:s25+$0x12CC8] =	vst v1  }
0xb7: {  	[tilespmem:s26+$0x13648] =	vst v0;
	v1 =	vld.idx.msk [tilespmem:v29+s11+$0x0], $0xffff  }
0xb8: {  	v32 =	vadd.s32 $0x6, v20;
	v0 =	vld.idx.msk [tilespmem:v40+s19+$0x0], $0xffff;
	[tilespmem:s6+$0x13AC8] =	vst v3  }
0xb9: {  	v3 =	vld.idx.msk [tilespmem:v31+s20+$0x0], $0xffff;
	_ =	sdelay $0x1  }
0xba: {  	[tilespmem:s12+$0x13248] =	vst v2  }
0xbb: {  	v2 =	vld.idx.msk [tilespmem:v48+s18+$0x0], $0xffff;
	[tilespmem:s25+$0x12D48] =	vst v1  }
0xbc: {  	[tilespmem:s26+$0x136C8] =	vst v0;
	v1 =	vld.idx.msk [tilespmem:v32+s11+$0x0], $0xffff  }
0xbd: {  	v33 =	vadd.s32 $0x7, v20;
	v0 =	vld.idx.msk [tilespmem:v38+s19+$0x0], $0xffff;
	[tilespmem:s6+$0x13B48] =	vst v3  }
0xbe: {  	v3 =	vld.idx.msk [tilespmem:v26+s20+$0x0], $0xffff  }
0xbf: {  	s28 =	simm.s32 $0x40  }
0xc0: {  	v4 =	vld.idx.msk [tilespmem:v58+s28+$0x0 ss:$0x1], $0xffff;
	[tilespmem:s12+$0x132C8] =	vst v2  }
0xc1: {  	v2 =	vld.idx.msk [tilespmem:v46+s18+$0x0], $0xffff;
	[tilespmem:s25+$0x12DC8] =	vst v1  }
0xc2: {  	[tilespmem:s26+$0x13748] =	vst v0;
	v1 =	vld.idx.msk [tilespmem:v33+s11+$0x0], $0xffff  }
0xc3: {  	v0 =	vld.idx.msk [tilespmem:v37+s19+$0x0], $0xffff;
	[tilespmem:s6+$0x13BC8] =	vst v3  }
0xc4: {  	v3 =	vld.idx.msk [tilespmem:v21+s20+$0x0], $0xffff;
	_ =	sdelay $0x1  }
0xc5: {  	v47 =	vmul.u32 $0x41, v4;
	[tilespmem:s12+$0x13348] =	vst v2  }
0xc6: {  	v2 =	vld.idx.msk [tilespmem:v45+s18+$0x0], $0xffff;
	[tilespmem:s25+$0x12E48] =	vst v1  }
0xc7: {  	[tilespmem:s26+$0x137C8] =	vst v0;
	v1 =	vld.idx.msk [tilespmem:v20+s17+$0x0], $0xffff  }
0xc8: {  	v0 =	vld.idx.msk [tilespmem:v36+s19+$0x0], $0xffff;
	[tilespmem:s6+$0x13C48] =	vst v3  }
0xc9: {  	v3 =	vld.idx.msk [tilespmem:v19+s20+$0x0], $0xffff;
	_ =	sdelay $0x1  }
0xca: {  	v4 =	vld.idx.msk [tilespmem:v47+s11+$0x0], $0xffff;
	[tilespmem:s12+$0x133C8] =	vst v2  }
0xcb: {  	v49 =	vadd.s32 $0x1, v47;
	v2 =	vld.idx.msk [tilespmem:v44+s18+$0x0], $0xffff;
	[tilespmem:s25+$0x12EC8] =	vst v1  }
0xcc: {  	[tilespmem:s26+$0x13848] =	vst v0;
	v1 =	vld.idx.msk [tilespmem:v23+s17+$0x0], $0xffff  }
0xcd: {  	v0 =	vld.idx.msk [tilespmem:v34+s19+$0x0], $0xffff;
	[tilespmem:s6+$0x13CC8] =	vst v3  }
0xce: {  	v3 =	vld.idx.msk [tilespmem:v18+s20+$0x0], $0xffff  }
0xcf: {  	[tilespmem:s28+$0x12AC8] =	vst v4  }
0xd0: {  	v4 =	vld.idx.msk [tilespmem:v49+s11+$0x0], $0xffff;
	[tilespmem:s12+$0x13448] =	vst v2  }
0xd1: {  	v50 =	vadd.s32 $0x2, v47;
	v2 =	vld.idx.msk [tilespmem:v43+s18+$0x0], $0xffff;
	[tilespmem:s25+$0x12F48] =	vst v1  }
0xd2: {  	[tilespmem:s26+$0x138C8] =	vst v0;
	v1 =	vld.idx.msk [tilespmem:v24+s17+$0x0], $0xffff  }
0xd3: {  	v0 =	vld.idx.msk [tilespmem:v30+s19+$0x0], $0xffff;
	[tilespmem:s6+$0x13D48] =	vst v3  }
0xd4: {  	v3 =	vld.idx.msk [tilespmem:v17+s20+$0x0], $0xffff  }
0xd5: {  	[tilespmem:s28+$0x12B48] =	vst v4  }
0xd6: {  	v4 =	vld.idx.msk [tilespmem:v50+s11+$0x0], $0xffff;
	[tilespmem:s12+$0x134C8] =	vst v2  }
0xd7: {  	v51 =	vadd.s32 $0x3, v47;
	v2 =	vld.idx.msk [tilespmem:v42+s18+$0x0], $0xffff;
	[tilespmem:s25+$0x12FC8] =	vst v1  }
0xd8: {  	[tilespmem:s26+$0x13948] =	vst v0;
	v1 =	vld.idx.msk [tilespmem:v25+s17+$0x0], $0xffff  }
0xd9: {  	v0 =	vld.idx.msk [tilespmem:v27+s19+$0x0], $0xffff;
	[tilespmem:s6+$0x13DC8] =	vst v3  }
0xda: {  	v3 =	vld.idx.msk [tilespmem:v16+s20+$0x0], $0xffff  }
0xdb: {  	[tilespmem:s28+$0x12BC8] =	vst v4  }
0xdc: {  	v4 =	vld.idx.msk [tilespmem:v51+s11+$0x0], $0xffff;
	[tilespmem:s12+$0x13548] =	vst v2  }
0xdd: {  	v52 =	vadd.s32 $0x4, v47;
	v2 =	vld.idx.msk [tilespmem:v41+s18+$0x0], $0xffff;
	[tilespmem:s25+$0x13048] =	vst v1  }
0xde: {  	[tilespmem:s26+$0x139C8] =	vst v0;
	v1 =	vld.idx.msk [tilespmem:v28+s17+$0x0], $0xffff  }
0xdf: {  	v0 =	vld.idx.msk [tilespmem:v22+s19+$0x0], $0xffff;
	[tilespmem:s6+$0x13E48] =	vst v3  }
0xe0: {  	v3 =	vld.idx.msk [tilespmem:v35+s21+$0x0], $0xffff  }
0xe1: {  	[tilespmem:s28+$0x12C48] =	vst v4  }
0xe2: {  	v4 =	vld.idx.msk [tilespmem:v52+s11+$0x0], $0xffff;
	[tilespmem:s12+$0x135C8] =	vst v2  }
0xe3: {  	v53 =	vadd.s32 $0x5, v47;
	v2 =	vld.idx.msk [tilespmem:v39+s18+$0x0], $0xffff;
	[tilespmem:s25+$0x130C8] =	vst v1  }
0xe4: {  	[tilespmem:s26+$0x13A48] =	vst v0;
	v1 =	vld.idx.msk [tilespmem:v29+s17+$0x0], $0xffff  }
0xe5: {  	v0 =	vld.idx.msk [tilespmem:v40+s20+$0x0], $0xffff;
	[tilespmem:s6+$0x13EC8] =	vst v3  }
0xe6: {  	v3 =	vld.idx.msk [tilespmem:v31+s21+$0x0], $0xffff  }
0xe7: {  	[tilespmem:s28+$0x12CC8] =	vst v4  }
0xe8: {  	v4 =	vld.idx.msk [tilespmem:v53+s11+$0x0], $0xffff;
	[tilespmem:s12+$0x13648] =	vst v2  }
0xe9: {  	v54 =	vadd.s32 $0x6, v47;
	v2 =	vld.idx.msk [tilespmem:v48+s19+$0x0], $0xffff;
	[tilespmem:s25+$0x13148] =	vst v1  }
0xea: {  	[tilespmem:s26+$0x13AC8] =	vst v0;
	v1 =	vld.idx.msk [tilespmem:v32+s17+$0x0], $0xffff  }
0xeb: {  	v0 =	vld.idx.msk [tilespmem:v38+s20+$0x0], $0xffff;
	[tilespmem:s6+$0x13F48] =	vst v3  }
0xec: {  	v3 =	vld.idx.msk [tilespmem:v26+s21+$0x0], $0xffff  }
0xed: {  	[tilespmem:s28+$0x12D48] =	vst v4  }
0xee: {  	v4 =	vld.idx.msk [tilespmem:v54+s11+$0x0], $0xffff;
	[tilespmem:s12+$0x136C8] =	vst v2  }
0xef: {  	v55 =	vadd.s32 $0x7, v47;
	v2 =	vld.idx.msk [tilespmem:v46+s19+$0x0], $0xffff;
	[tilespmem:s25+$0x131C8] =	vst v1  }
0xf0: {  	[tilespmem:s26+$0x13B48] =	vst v0;
	v1 =	vld.idx.msk [tilespmem:v33+s17+$0x0], $0xffff  }
0xf1: {  	v0 =	vld.idx.msk [tilespmem:v37+s20+$0x0], $0xffff;
	[tilespmem:s6+$0x13FC8] =	vst v3  }
0xf2: {  	v3 =	vld.idx.msk [tilespmem:v21+s21+$0x0], $0xffff  }
0xf3: {  	[tilespmem:s28+$0x12DC8] =	vst v4  }
0xf4: {  	v4 =	vld.idx.msk [tilespmem:v55+s11+$0x0], $0xffff;
	[tilespmem:s12+$0x13748] =	vst v2  }
0xf5: {  	v2 =	vld.idx.msk [tilespmem:v45+s19+$0x0], $0xffff;
	[tilespmem:s25+$0x13248] =	vst v1  }
0xf6: {  	[tilespmem:s26+$0x13BC8] =	vst v0;
	v1 =	vld.idx.msk [tilespmem:v20+s18+$0x0], $0xffff  }
0xf7: {  	v0 =	vld.idx.msk [tilespmem:v36+s20+$0x0], $0xffff;
	[tilespmem:s6+$0x14048] =	vst v3  }
0xf8: {  	s10 =	simm.s32 $0x50;
	v3 =	vld.idx.msk [tilespmem:v19+s21+$0x0], $0xffff  }
0xf9: {  	v5 =	vld.idx.msk [tilespmem:v58+s10+$0x0 ss:$0x1], $0xffff;
	[tilespmem:s28+$0x12E48] =	vst v4  }
0xfa: {  	v4 =	vld.idx.msk [tilespmem:v47+s17+$0x0], $0xffff;
	[tilespmem:s12+$0x137C8] =	vst v2  }
0xfb: {  	v2 =	vld.idx.msk [tilespmem:v44+s19+$0x0], $0xffff;
	[tilespmem:s25+$0x132C8] =	vst v1  }
0xfc: {  	[tilespmem:s26+$0x13C48] =	vst v0;
	v1 =	vld.idx.msk [tilespmem:v23+s18+$0x0], $0xffff  }
0xfd: {  	v0 =	vld.idx.msk [tilespmem:v34+s20+$0x0], $0xffff;
	[tilespmem:s6+$0x140C8] =	vst v3  }
0xfe: {  	v3 =	vld.idx.msk [tilespmem:v18+s21+$0x0], $0xffff  }
0xff: {  	v56 =	vmul.u32 $0x41, v5;
	[tilespmem:s28+$0x12EC8] =	vst v4  }
0x100: {  	[tilespmem:s12+$0x13848] =	vst v2  }
0x101: {  	v4 =	vld.idx.msk [tilespmem:v49+s17+$0x0], $0xffff;
	[tilespmem:s25+$0x13348] =	vst v1  }
0x102: {  	[tilespmem:s26+$0x13CC8] =	vst v0;
	v1 =	vld.idx.msk [tilespmem:v24+s18+$0x0], $0xffff  }
0x103: {  	[tilespmem:s6+$0x14148] =	vst v3;
	v3 =	vld.idx.msk [tilespmem:v43+s19+$0x0], $0xffff  }
0x104: {  	v0 =	vld.idx.msk [tilespmem:v30+s20+$0x0], $0xffff  }
0x105: {  	v5 =	vld.idx.msk [tilespmem:v56+s11+$0x0], $0xffff  }
0x106: {  	v57 =	vadd.s32 $0x1, v56;
	[tilespmem:s28+$0x12F48] =	vst v4;
	v2 =	vld.idx.msk [tilespmem:v17+s21+$0x0], $0xffff  }
0x107: {  	v4 =	vld.idx.msk [tilespmem:v50+s17+$0x0], $0xffff;
	[tilespmem:s25+$0x133C8] =	vst v1  }
0x108: {  	[tilespmem:s12+$0x138C8] =	vst v3;
	v1 =	vld.idx.msk [tilespmem:v25+s18+$0x0], $0xffff  }
0x109: {  	[tilespmem:s26+$0x13D48] =	vst v0;
	v3 =	vld.idx.msk [tilespmem:v42+s19+$0x0], $0xffff  }
0x10a: {  	[tilespmem:s10+$0x12AC8] =	vst v5;
	v0 =	vld.idx.msk [tilespmem:v27+s20+$0x0], $0xffff  }
0x10b: {  	v5 =	vld.idx.msk [tilespmem:v57+s11+$0x0], $0xffff;
	[tilespmem:s6+$0x141C8] =	vst v2  }
0x10c: {  	v59 =	vadd.s32 $0x2, v56;
	[tilespmem:s28+$0x12FC8] =	vst v4;
	v2 =	vld.idx.msk [tilespmem:v16+s21+$0x0], $0xffff  }
0x10d: {  	v4 =	vld.idx.msk [tilespmem:v51+s17+$0x0], $0xffff;
	[tilespmem:s25+$0x13448] =	vst v1  }
0x10e: {  	[tilespmem:s12+$0x13948] =	vst v3;
	v1 =	vld.idx.msk [tilespmem:v28+s18+$0x0], $0xffff  }
0x10f: {  	[tilespmem:s26+$0x13DC8] =	vst v0;
	v3 =	vld.idx.msk [tilespmem:v41+s19+$0x0], $0xffff  }
0x110: {  	[tilespmem:s10+$0x12B48] =	vst v5;
	v0 =	vld.idx.msk [tilespmem:v22+s20+$0x0], $0xffff  }
0x111: {  	v5 =	vld.idx.msk [tilespmem:v59+s11+$0x0], $0xffff;
	[tilespmem:s6+$0x14248] =	vst v2  }
0x112: {  	v60 =	vadd.s32 $0x3, v56;
	[tilespmem:s28+$0x13048] =	vst v4;
	v2 =	vld.idx.msk [tilespmem:v35+s22+$0x0], $0xffff  }
0x113: {  	v4 =	vld.idx.msk [tilespmem:v52+s17+$0x0], $0xffff;
	[tilespmem:s25+$0x134C8] =	vst v1  }
0x114: {  	[tilespmem:s12+$0x139C8] =	vst v3;
	v1 =	vld.idx.msk [tilespmem:v29+s18+$0x0], $0xffff  }
0x115: {  	[tilespmem:s26+$0x13E48] =	vst v0;
	v3 =	vld.idx.msk [tilespmem:v39+s19+$0x0], $0xffff  }
0x116: {  	[tilespmem:s10+$0x12BC8] =	vst v5;
	v0 =	vld.idx.msk [tilespmem:v40+s21+$0x0], $0xffff  }
0x117: {  	v5 =	vld.idx.msk [tilespmem:v60+s11+$0x0], $0xffff;
	[tilespmem:s6+$0x142C8] =	vst v2  }
0x118: {  	v61 =	vadd.s32 $0x4, v56;
	[tilespmem:s28+$0x130C8] =	vst v4;
	v2 =	vld.idx.msk [tilespmem:v31+s22+$0x0], $0xffff  }
0x119: {  	v4 =	vld.idx.msk [tilespmem:v53+s17+$0x0], $0xffff;
	[tilespmem:s25+$0x13548] =	vst v1  }
0x11a: {  	[tilespmem:s12+$0x13A48] =	vst v3;
	v1 =	vld.idx.msk [tilespmem:v32+s18+$0x0], $0xffff  }
0x11b: {  	[tilespmem:s26+$0x13EC8] =	vst v0;
	v3 =	vld.idx.msk [tilespmem:v48+s20+$0x0], $0xffff  }
0x11c: {  	[tilespmem:s10+$0x12C48] =	vst v5;
	v0 =	vld.idx.msk [tilespmem:v38+s21+$0x0], $0xffff  }
0x11d: {  	v5 =	vld.idx.msk [tilespmem:v61+s11+$0x0], $0xffff;
	[tilespmem:s6+$0x14348] =	vst v2  }
0x11e: {  	v62 =	vadd.s32 $0x5, v56;
	[tilespmem:s28+$0x13148] =	vst v4;
	v2 =	vld.idx.msk [tilespmem:v26+s22+$0x0], $0xffff  }
0x11f: {  	v4 =	vld.idx.msk [tilespmem:v54+s17+$0x0], $0xffff;
	[tilespmem:s25+$0x135C8] =	vst v1  }
0x120: {  	[tilespmem:s12+$0x13AC8] =	vst v3;
	v1 =	vld.idx.msk [tilespmem:v33+s18+$0x0], $0xffff  }
0x121: {  	[tilespmem:s26+$0x13F48] =	vst v0;
	v3 =	vld.idx.msk [tilespmem:v46+s20+$0x0], $0xffff  }
0x122: {  	[tilespmem:s10+$0x12CC8] =	vst v5;
	v0 =	vld.idx.msk [tilespmem:v37+s21+$0x0], $0xffff  }
0x123: {  	v5 =	vld.idx.msk [tilespmem:v62+s11+$0x0], $0xffff;
	[tilespmem:s6+$0x143C8] =	vst v2  }
0x124: {  	[tilespmem:s28+$0x131C8] =	vst v4;
	v2 =	vld.idx.msk [tilespmem:v21+s22+$0x0], $0xffff  }
0x125: {  	v4 =	vld.idx.msk [tilespmem:v55+s17+$0x0], $0xffff;
	[tilespmem:s25+$0x13648] =	vst v1  }
0x126: {  	v63 =	vadd.s32 $0x6, v56;
	[tilespmem:s12+$0x13B48] =	vst v3;
	v1 =	vld.idx.msk [tilespmem:v20+s19+$0x0], $0xffff  }
0x127: {  	[tilespmem:s26+$0x13FC8] =	vst v0;
	v3 =	vld.idx.msk [tilespmem:v45+s20+$0x0], $0xffff  }
0x128: {  	[tilespmem:s10+$0x12D48] =	vst v5;
	v0 =	vld.idx.msk [tilespmem:v36+s21+$0x0], $0xffff  }
0x129: {  	[tilespmem:s6+$0x14448] =	vst v2  }
0x12a: {  	[tilespmem:s28+$0x13248] =	vst v4;
	v2 =	vld.idx.msk [tilespmem:v19+s22+$0x0], $0xffff  }
0x12b: {  	v6 =	vld.idx.msk [tilespmem:v63+s11+$0x0], $0xffff;
	[tilespmem:s25+$0x136C8] =	vst v1  }
0x12c: {  	[tilespmem:s12+$0x13BC8] =	vst v3;
	v3 =	vld.idx.msk [tilespmem:v47+s18+$0x0], $0xffff  }
0x12d: {  	[tilespmem:s26+$0x14048] =	vst v0;
	v0 =	vadd.s32 $0x7, v56;
	v5 =	vld.idx.msk [tilespmem:v23+s19+$0x0], $0xffff;
	_ =	sdelay $0x1  }
0x12e: {  	v7 =	vld.idx.msk [tilespmem:v34+s21+$0x0], $0xffff;
	[tilespmem:s6+$0x144C8] =	vst v2  }
0x12f: {  	[tilespmem:s10+$0x12DC8] =	vst v6;
	v8 =	vld.idx.msk [tilespmem:v18+s22+$0x0], $0xffff  }
0x130: {  	v1 =	vld.idx.msk [tilespmem:v44+s20+$0x0], $0xffff;
	[tilespmem:s28+$0x132C8] =	vst v3  }
0x131: {  	[tilespmem:s25+$0x13748] =	vst v5;
	v5 =	vld.idx.msk [tilespmem:v0+s11+$0x0], $0xffff  }
0x132: {  	v6 =	vld.idx.msk [tilespmem:v49+s18+$0x0], $0xffff  }
0x133: {  	[tilespmem:s26+$0x140C8] =	vst v7;
	v4 =	vld.idx.msk [tilespmem:v24+s19+$0x0], $0xffff  }
0x134: {  	v2 =	vld.idx.msk [tilespmem:v30+s21+$0x0], $0xffff;
	[tilespmem:s6+$0x14548] =	vst v8  }
0x135: {  	[tilespmem:s12+$0x13C48] =	vst v1;
	v1 =	vld.idx.msk [tilespmem:v17+s22+$0x0], $0xffff  }
0x136: {  	s16 =	simm.s32 $0x600;
	s11 =	simm.s32 $0x180;
	v3 =	vld.idx.msk [tilespmem:v43+s20+$0x0], $0xffff  }
.LBB2_3:
0x137: {  	s15 =	sshra.s32 s11, $0x2;
	p1 =	sne.s32 s11, $0x1C0;
	s11 =	sadd.s32 $0x40, s11  }
0x138: {  	s14 =	smov.u32 s25;
	v7 =	vld.idx.msk [tilespmem:v58+s15+$0x0 ss:$0x1], $0xffff;
	[tilespmem:s25+$0x137C8] =	vst v4;
	s25 =	smov.u32 s28;
	s28 =	smov.u32 s10  }
0x139: {  	s10 =	smov.u32 s15;
	[tilespmem:s28+$0x12E48] =	vst v5;
	v4 =	vld.idx.msk [tilespmem:v25+s19+$0x0], $0xffff  }
0x13a: {  	v5 =	vld.idx.msk [tilespmem:v56+s17+$0x0], $0xffff;
	[tilespmem:s6+$0x145C8] =	vst v1  }
0x13b: {  	[tilespmem:s12+$0x13CC8] =	vst v3;
	v1 =	vld.idx.msk [tilespmem:v16+s22+$0x0], $0xffff  }
0x13c: {  	[tilespmem:s25+$0x13348] =	vst v6;
	v3 =	vld.idx.msk [tilespmem:v42+s20+$0x0], $0xffff  }
0x13d: {  	v6 =	vld.idx.msk [tilespmem:v50+s18+$0x0], $0xffff  }
0x13e: {  	v7 =	vmul.u32 $0x41, v7;
	[tilespmem:s26+$0x14148] =	vst v2  }
0x13f: {  	[tilespmem:s14+$0x13848] =	vst v4;
	v2 =	vld.idx.msk [tilespmem:v27+s21+$0x0], $0xffff  }
0x140: {  	[tilespmem:s28+$0x12EC8] =	vst v5;
	v4 =	vld.idx.msk [tilespmem:v28+s19+$0x0], $0xffff  }
0x141: {  	v5 =	vld.idx.msk [tilespmem:v57+s17+$0x0], $0xffff;
	[tilespmem:s6+$0x14648] =	vst v1  }
0x142: {  	[tilespmem:s12+$0x13D48] =	vst v3;
	v1 =	vld.idx.msk [tilespmem:v35+s23+$0x0], $0xffff;
	v35 =	vmovc v40;
	v40 =	vmovc v48;
	v48 =	vmov v20;
	v20 =	vmov v47;
	v47 =	vmov v56  }
0x143: {  	v56 =	vmov v7;
	[tilespmem:s25+$0x133C8] =	vst v6;
	v3 =	vld.idx.msk [tilespmem:v41+s20+$0x0], $0xffff  }
0x144: {  	v6 =	vld.idx.msk [tilespmem:v51+s18+$0x0], $0xffff  }
0x145: {  	v7 =	vld.idx.msk [tilespmem:v7+s16+$0x0], $0xffff;
	[tilespmem:s26+$0x141C8] =	vst v2  }
0x146: {  	[tilespmem:s14+$0x138C8] =	vst v4;
	v2 =	vld.idx.msk [tilespmem:v22+s21+$0x0], $0xffff  }
0x147: {  	v4 =	vadd.s32 $0x1, v56;
	[tilespmem:s28+$0x12F48] =	vst v5;
	v5 =	vld.idx.msk [tilespmem:v29+s19+$0x0], $0xffff  }
0x148: {  	v8 =	vld.idx.msk [tilespmem:v59+s17+$0x0], $0xffff;
	[tilespmem:s6+$0x146C8] =	vst v1  }
0x149: {  	[tilespmem:s12+$0x13DC8] =	vst v3;
	v1 =	vld.idx.msk [tilespmem:v31+s23+$0x0], $0xffff;
	v31 =	vmovc v38;
	v38 =	vmovc v46;
	v46 =	vmov v23;
	v23 =	vmov v49;
	v49 =	vmov v57  }
0x14a: {  	v57 =	vmov v4;
	[tilespmem:s25+$0x13448] =	vst v6;
	v3 =	vld.idx.msk [tilespmem:v39+s20+$0x0], $0xffff  }
0x14b: {  	[tilespmem:s10+$0x12AC8] =	vst v7;
	v6 =	vld.idx.msk [tilespmem:v52+s18+$0x0], $0xffff  }
0x14c: {  	v4 =	vld.idx.msk [tilespmem:v4+s16+$0x0], $0xffff;
	[tilespmem:s26+$0x14248] =	vst v2  }
0x14d: {  	[tilespmem:s14+$0x13948] =	vst v5;
	v2 =	vld.idx.msk [tilespmem:v35+s22+$0x0], $0xffff  }
0x14e: {  	v5 =	vadd.s32 $0x2, v56;
	[tilespmem:s28+$0x12FC8] =	vst v8;
	v7 =	vld.idx.msk [tilespmem:v32+s19+$0x0], $0xffff  }
0x14f: {  	v8 =	vld.idx.msk [tilespmem:v60+s17+$0x0], $0xffff;
	[tilespmem:s6+$0x14748] =	vst v1  }
0x150: {  	[tilespmem:s12+$0x13E48] =	vst v3;
	v1 =	vld.idx.msk [tilespmem:v26+s23+$0x0], $0xffff;
	v26 =	vmovc v37;
	v37 =	vmovc v45;
	v45 =	vmov v24;
	v24 =	vmov v50;
	v50 =	vmov v59  }
0x151: {  	v59 =	vmov v5;
	[tilespmem:s25+$0x134C8] =	vst v6;
	v3 =	vld.idx.msk [tilespmem:v40+s21+$0x0], $0xffff  }
0x152: {  	[tilespmem:s10+$0x12B48] =	vst v4;
	v4 =	vld.idx.msk [tilespmem:v53+s18+$0x0], $0xffff  }
0x153: {  	v5 =	vld.idx.msk [tilespmem:v5+s16+$0x0], $0xffff;
	[tilespmem:s26+$0x142C8] =	vst v2  }
0x154: {  	[tilespmem:s14+$0x139C8] =	vst v7;
	v2 =	vld.idx.msk [tilespmem:v31+s22+$0x0], $0xffff  }
0x155: {  	v6 =	vadd.s32 $0x3, v56;
	[tilespmem:s28+$0x13048] =	vst v8;
	v7 =	vld.idx.msk [tilespmem:v33+s19+$0x0], $0xffff  }
0x156: {  	v8 =	vld.idx.msk [tilespmem:v61+s17+$0x0], $0xffff;
	[tilespmem:s6+$0x147C8] =	vst v1  }
0x157: {  	[tilespmem:s12+$0x13EC8] =	vst v3;
	v1 =	vld.idx.msk [tilespmem:v21+s23+$0x0], $0xffff;
	v21 =	vmovc v36;
	v36 =	vmovc v44;
	v44 =	vmov v25;
	v25 =	vmov v51;
	v51 =	vmov v60  }
0x158: {  	v60 =	vmov v6;
	[tilespmem:s25+$0x13548] =	vst v4;
	v3 =	vld.idx.msk [tilespmem:v38+s21+$0x0], $0xffff  }
0x159: {  	[tilespmem:s10+$0x12BC8] =	vst v5;
	v4 =	vld.idx.msk [tilespmem:v54+s18+$0x0], $0xffff  }
0x15a: {  	v5 =	vld.idx.msk [tilespmem:v6+s16+$0x0], $0xffff;
	[tilespmem:s26+$0x14348] =	vst v2  }
0x15b: {  	[tilespmem:s14+$0x13A48] =	vst v7;
	v2 =	vld.idx.msk [tilespmem:v26+s22+$0x0], $0xffff  }
0x15c: {  	v6 =	vadd.s32 $0x4, v56;
	[tilespmem:s28+$0x130C8] =	vst v8;
	v7 =	vld.idx.msk [tilespmem:v48+s20+$0x0], $0xffff  }
0x15d: {  	v8 =	vld.idx.msk [tilespmem:v62+s17+$0x0], $0xffff;
	[tilespmem:s6+$0x14848] =	vst v1  }
0x15e: {  	[tilespmem:s12+$0x13F48] =	vst v3;
	v1 =	vld.idx.msk [tilespmem:v19+s23+$0x0], $0xffff;
	v19 =	vmovc v34;
	v34 =	vmovc v43;
	v43 =	vmov v28;
	v28 =	vmov v52;
	v52 =	vmov v61  }
0x15f: {  	v61 =	vmov v6;
	[tilespmem:s25+$0x135C8] =	vst v4;
	v3 =	vld.idx.msk [tilespmem:v37+s21+$0x0], $0xffff  }
0x160: {  	[tilespmem:s10+$0x12C48] =	vst v5;
	v4 =	vld.idx.msk [tilespmem:v55+s18+$0x0], $0xffff  }
0x161: {  	v5 =	vld.idx.msk [tilespmem:v6+s16+$0x0], $0xffff;
	[tilespmem:s26+$0x143C8] =	vst v2  }
0x162: {  	[tilespmem:s14+$0x13AC8] =	vst v7;
	v2 =	vld.idx.msk [tilespmem:v21+s22+$0x0], $0xffff  }
0x163: {  	v6 =	vadd.s32 $0x5, v56;
	[tilespmem:s28+$0x13148] =	vst v8;
	v7 =	vld.idx.msk [tilespmem:v46+s20+$0x0], $0xffff  }
0x164: {  	v8 =	vld.idx.msk [tilespmem:v63+s17+$0x0], $0xffff;
	[tilespmem:s6+$0x148C8] =	vst v1  }
0x165: {  	[tilespmem:s12+$0x13FC8] =	vst v3;
	v1 =	vld.idx.msk [tilespmem:v18+s23+$0x0], $0xffff;
	v18 =	vmovc v30;
	v30 =	vmovc v42;
	v42 =	vmov v29;
	v29 =	vmov v53;
	v53 =	vmov v62  }
0x166: {  	v62 =	vmov v6;
	[tilespmem:s25+$0x13648] =	vst v4;
	v3 =	vld.idx.msk [tilespmem:v36+s21+$0x0], $0xffff  }
0x167: {  	[tilespmem:s10+$0x12CC8] =	vst v5;
	v4 =	vld.idx.msk [tilespmem:v20+s19+$0x0], $0xffff  }
0x168: {  	v5 =	vld.idx.msk [tilespmem:v6+s16+$0x0], $0xffff;
	[tilespmem:s26+$0x14448] =	vst v2  }
0x169: {  	[tilespmem:s14+$0x13B48] =	vst v7;
	v2 =	vld.idx.msk [tilespmem:v19+s22+$0x0], $0xffff  }
0x16a: {  	v6 =	vadd.s32 $0x6, v56;
	[tilespmem:s28+$0x131C8] =	vst v8;
	v7 =	vld.idx.msk [tilespmem:v45+s20+$0x0], $0xffff  }
0x16b: {  	v8 =	vld.idx.msk [tilespmem:v0+s17+$0x0], $0xffff;
	[tilespmem:s6+$0x14948] =	vst v1  }
0x16c: {  	[tilespmem:s12+$0x14048] =	vst v3;
	v1 =	vld.idx.msk [tilespmem:v17+s23+$0x0], $0xffff;
	v17 =	vmovc v27;
	v27 =	vmovc v41;
	v41 =	vmov v32;
	v32 =	vmov v54;
	v54 =	vmov v63  }
0x16d: {  	v63 =	vmov v6;
	[tilespmem:s25+$0x136C8] =	vst v4;
	v3 =	vld.idx.msk [tilespmem:v34+s21+$0x0], $0xffff  }
0x16e: {  	[tilespmem:s10+$0x12D48] =	vst v5;
	v4 =	vld.idx.msk [tilespmem:v23+s19+$0x0], $0xffff  }
0x16f: {  	v5 =	vld.idx.msk [tilespmem:v6+s16+$0x0], $0xffff;
	[tilespmem:s26+$0x144C8] =	vst v2  }
0x170: {  	[tilespmem:s14+$0x13BC8] =	vst v7;
	v6 =	vld.idx.msk [tilespmem:v18+s22+$0x0], $0xffff  }
0x171: {  	v7 =	vadd.s32 $0x7, v56;
	[tilespmem:s28+$0x13248] =	vst v8;
	v8 =	vld.idx.msk [tilespmem:v44+s20+$0x0], $0xffff  }
0x172: {  	v9 =	vld.idx.msk [tilespmem:v47+s18+$0x0], $0xffff;
	[tilespmem:s6+$0x149C8] =	vst v1  }
0x173: {  	[tilespmem:s12+$0x140C8] =	vst v3;
	v10 =	vld.idx.msk [tilespmem:v16+s23+$0x0], $0xffff;
	v16 =	vmovc v22;
	v22 =	vmovc v39;
	v39 =	vmov v33;
	v33 =	vmov v55;
	v55 =	vmov v0  }
0x174: {  	v0 =	vmov v7;
	[tilespmem:s25+$0x13748] =	vst v4;
	v2 =	vld.idx.msk [tilespmem:v30+s21+$0x0], $0xffff  }
.Ltmp0:
0x175: {  	[tilespmem:s10+$0x12DC8] =	vst v5;
	v4 =	vld.idx.msk [tilespmem:v24+s19+$0x0], $0xffff;
	(pc) =	sbr.rel @p1 .LBB2_3-.Ltmp0, $4  }
0x176: {  	v5 =	vld.idx.msk [tilespmem:v7+s16+$0x0], $0xffff;
	[tilespmem:s26+$0x14548] =	vst v6  }
0x177: {  	[tilespmem:s14+$0x13C48] =	vst v8;
	v1 =	vld.idx.msk [tilespmem:v17+s22+$0x0], $0xffff  }
0x178: {  	[tilespmem:s28+$0x132C8] =	vst v9;
	v3 =	vld.idx.msk [tilespmem:v43+s20+$0x0], $0xffff  }
0x179: {  	v6 =	vld.idx.msk [tilespmem:v49+s18+$0x0], $0xffff;
	[tilespmem:s6+$0x14A48] =	vst v10;
	s6 =	smov.u32 s26;
	s26 =	smov.u32 s12;
	s12 =	smov.u32 s14  }
0x17a: {  	_ =	sdelay $0x2  }
0x17b: {  	[tilespmem:s10+$0x12E48] =	vst v5  }
0x17c: {  	v5 =	vld.idx.msk [tilespmem:v56+s17+$0x0], $0xffff;
	_ =	sdelay $0x2  }
0x17d: {  	[tilespmem:s25+$0x137C8] =	vst v4  }
0x17e: {  	[tilespmem:s28+$0x13348] =	vst v6  }
0x17f: {  	v6 =	vld.idx.msk [tilespmem:v25+s19+$0x0], $0xffff;
	[tilespmem:s10+$0x12EC8] =	vst v5  }
0x180: {  	v5 =	vld.idx.msk [tilespmem:v57+s17+$0x0], $0xffff;
	_ =	sdelay $0x3  }
0x181: {  	[tilespmem:s25+$0x13848] =	vst v6  }
0x182: {  	v6 =	vld.idx.msk [tilespmem:v28+s19+$0x0], $0xffff;
	[tilespmem:s10+$0x12F48] =	vst v5  }
0x183: {  	v5 =	vld.idx.msk [tilespmem:v59+s17+$0x0], $0xffff;
	_ =	sdelay $0x3  }
0x184: {  	[tilespmem:s25+$0x138C8] =	vst v6  }
0x185: {  	v6 =	vld.idx.msk [tilespmem:v29+s19+$0x0], $0xffff;
	[tilespmem:s10+$0x12FC8] =	vst v5  }
0x186: {  	v5 =	vld.idx.msk [tilespmem:v60+s17+$0x0], $0xffff;
	_ =	sdelay $0x3  }
0x187: {  	v4 =	vld.idx.msk [tilespmem:v50+s18+$0x0], $0xffff;
	[tilespmem:s25+$0x13948] =	vst v6  }
0x188: {  	v6 =	vld.idx.msk [tilespmem:v32+s19+$0x0], $0xffff;
	[tilespmem:s10+$0x13048] =	vst v5  }
0x189: {  	v5 =	vld.idx.msk [tilespmem:v61+s17+$0x0], $0xffff;
	_ =	sdelay $0x1  }
0x18a: {  	[tilespmem:s12+$0x13CC8] =	vst v3  }
0x18b: {  	v3 =	vld.idx.msk [tilespmem:v42+s20+$0x0], $0xffff;
	[tilespmem:s28+$0x133C8] =	vst v4  }
0x18c: {  	v4 =	vld.idx.msk [tilespmem:v51+s18+$0x0], $0xffff;
	[tilespmem:s25+$0x139C8] =	vst v6  }
0x18d: {  	v6 =	vld.idx.msk [tilespmem:v33+s19+$0x0], $0xffff;
	[tilespmem:s10+$0x130C8] =	vst v5  }
0x18e: {  	v5 =	vld.idx.msk [tilespmem:v62+s17+$0x0], $0xffff;
	_ =	sdelay $0x1  }
0x18f: {  	[tilespmem:s12+$0x13D48] =	vst v3  }
0x190: {  	v3 =	vld.idx.msk [tilespmem:v41+s20+$0x0], $0xffff;
	[tilespmem:s28+$0x13448] =	vst v4  }
0x191: {  	v4 =	vld.idx.msk [tilespmem:v52+s18+$0x0], $0xffff;
	[tilespmem:s25+$0x13A48] =	vst v6  }
0x192: {  	v6 =	vld.idx.msk [tilespmem:v20+s20+$0x0], $0xffff;
	[tilespmem:s10+$0x13148] =	vst v5  }
0x193: {  	v5 =	vld.idx.msk [tilespmem:v63+s17+$0x0], $0xffff;
	_ =	sdelay $0x1  }
0x194: {  	[tilespmem:s12+$0x13DC8] =	vst v3  }
0x195: {  	v3 =	vld.idx.msk [tilespmem:v39+s20+$0x0], $0xffff;
	[tilespmem:s28+$0x134C8] =	vst v4  }
0x196: {  	v4 =	vld.idx.msk [tilespmem:v53+s18+$0x0], $0xffff;
	[tilespmem:s25+$0x13AC8] =	vst v6  }
0x197: {  	v6 =	vld.idx.msk [tilespmem:v23+s20+$0x0], $0xffff;
	[tilespmem:s10+$0x131C8] =	vst v5  }
0x198: {  	v5 =	vld.idx.msk [tilespmem:v0+s17+$0x0], $0xffff;
	_ =	sdelay $0x1  }
0x199: {  	[tilespmem:s12+$0x13E48] =	vst v3  }
0x19a: {  	v3 =	vld.idx.msk [tilespmem:v48+s21+$0x0], $0xffff;
	[tilespmem:s28+$0x13548] =	vst v4  }
0x19b: {  	v4 =	vld.idx.msk [tilespmem:v54+s18+$0x0], $0xffff;
	[tilespmem:s25+$0x13B48] =	vst v6  }
0x19c: {  	v6 =	vld.idx.msk [tilespmem:v24+s20+$0x0], $0xffff;
	[tilespmem:s10+$0x13248] =	vst v5  }
0x19d: {  	v5 =	vld.idx.msk [tilespmem:v56+s18+$0x0], $0xffff;
	_ =	sdelay $0x1  }
0x19e: {  	[tilespmem:s12+$0x13EC8] =	vst v3  }
0x19f: {  	v3 =	vld.idx.msk [tilespmem:v46+s21+$0x0], $0xffff;
	[tilespmem:s28+$0x135C8] =	vst v4  }
0x1a0: {  	v4 =	vld.idx.msk [tilespmem:v55+s18+$0x0], $0xffff;
	[tilespmem:s25+$0x13BC8] =	vst v6  }
0x1a1: {  	v6 =	vld.idx.msk [tilespmem:v25+s20+$0x0], $0xffff;
	[tilespmem:s10+$0x132C8] =	vst v5  }
0x1a2: {  	v5 =	vld.idx.msk [tilespmem:v57+s18+$0x0], $0xffff;
	_ =	sdelay $0x1  }
0x1a3: {  	[tilespmem:s12+$0x13F48] =	vst v3  }
0x1a4: {  	v3 =	vld.idx.msk [tilespmem:v45+s21+$0x0], $0xffff;
	[tilespmem:s28+$0x13648] =	vst v4  }
0x1a5: {  	v4 =	vld.idx.msk [tilespmem:v47+s19+$0x0], $0xffff;
	[tilespmem:s25+$0x13C48] =	vst v6  }
0x1a6: {  	v6 =	vld.idx.msk [tilespmem:v28+s20+$0x0], $0xffff;
	[tilespmem:s10+$0x13348] =	vst v5  }
0x1a7: {  	v5 =	vld.idx.msk [tilespmem:v59+s18+$0x0], $0xffff;
	_ =	sdelay $0x1  }
0x1a8: {  	[tilespmem:s12+$0x13FC8] =	vst v3  }
0x1a9: {  	v3 =	vld.idx.msk [tilespmem:v44+s21+$0x0], $0xffff;
	[tilespmem:s28+$0x136C8] =	vst v4  }
0x1aa: {  	v4 =	vld.idx.msk [tilespmem:v49+s19+$0x0], $0xffff;
	[tilespmem:s25+$0x13CC8] =	vst v6  }
0x1ab: {  	v6 =	vld.idx.msk [tilespmem:v29+s20+$0x0], $0xffff;
	[tilespmem:s10+$0x133C8] =	vst v5  }
0x1ac: {  	v5 =	vld.idx.msk [tilespmem:v60+s18+$0x0], $0xffff;
	_ =	sdelay $0x1  }
0x1ad: {  	[tilespmem:s12+$0x14048] =	vst v3  }
0x1ae: {  	v3 =	vld.idx.msk [tilespmem:v43+s21+$0x0], $0xffff;
	[tilespmem:s28+$0x13748] =	vst v4  }
0x1af: {  	v4 =	vld.idx.msk [tilespmem:v50+s19+$0x0], $0xffff;
	[tilespmem:s25+$0x13D48] =	vst v6  }
0x1b0: {  	v6 =	vld.idx.msk [tilespmem:v32+s20+$0x0], $0xffff;
	[tilespmem:s10+$0x13448] =	vst v5  }
0x1b1: {  	v5 =	vld.idx.msk [tilespmem:v61+s18+$0x0], $0xffff  }
0x1b2: {  	[tilespmem:s26+$0x14148] =	vst v2  }
0x1b3: {  	v2 =	vld.idx.msk [tilespmem:v27+s21+$0x0], $0xffff;
	[tilespmem:s12+$0x140C8] =	vst v3  }
0x1b4: {  	v3 =	vld.idx.msk [tilespmem:v42+s21+$0x0], $0xffff;
	[tilespmem:s28+$0x137C8] =	vst v4  }
0x1b5: {  	v4 =	vld.idx.msk [tilespmem:v51+s19+$0x0], $0xffff;
	[tilespmem:s25+$0x13DC8] =	vst v6  }
0x1b6: {  	v6 =	vld.idx.msk [tilespmem:v33+s20+$0x0], $0xffff;
	[tilespmem:s10+$0x134C8] =	vst v5  }
0x1b7: {  	v5 =	vld.idx.msk [tilespmem:v62+s18+$0x0], $0xffff  }
0x1b8: {  	[tilespmem:s26+$0x141C8] =	vst v2  }
0x1b9: {  	v2 =	vld.idx.msk [tilespmem:v22+s21+$0x0], $0xffff;
	[tilespmem:s12+$0x14148] =	vst v3  }
0x1ba: {  	v3 =	vld.idx.msk [tilespmem:v41+s21+$0x0], $0xffff;
	[tilespmem:s28+$0x13848] =	vst v4  }
0x1bb: {  	v4 =	vld.idx.msk [tilespmem:v52+s19+$0x0], $0xffff;
	[tilespmem:s25+$0x13E48] =	vst v6  }
0x1bc: {  	v6 =	vld.idx.msk [tilespmem:v20+s21+$0x0], $0xffff;
	[tilespmem:s10+$0x13548] =	vst v5  }
0x1bd: {  	v5 =	vld.idx.msk [tilespmem:v63+s18+$0x0], $0xffff  }
0x1be: {  	[tilespmem:s26+$0x14248] =	vst v2  }
0x1bf: {  	v2 =	vld.idx.msk [tilespmem:v40+s22+$0x0], $0xffff;
	[tilespmem:s12+$0x141C8] =	vst v3  }
0x1c0: {  	v3 =	vld.idx.msk [tilespmem:v39+s21+$0x0], $0xffff;
	[tilespmem:s28+$0x138C8] =	vst v4  }
0x1c1: {  	v4 =	vld.idx.msk [tilespmem:v53+s19+$0x0], $0xffff;
	[tilespmem:s25+$0x13EC8] =	vst v6  }
0x1c2: {  	v6 =	vld.idx.msk [tilespmem:v23+s21+$0x0], $0xffff;
	[tilespmem:s10+$0x135C8] =	vst v5  }
0x1c3: {  	v5 =	vld.idx.msk [tilespmem:v0+s18+$0x0], $0xffff  }
0x1c4: {  	[tilespmem:s26+$0x142C8] =	vst v2  }
0x1c5: {  	v2 =	vld.idx.msk [tilespmem:v38+s22+$0x0], $0xffff;
	[tilespmem:s12+$0x14248] =	vst v3  }
0x1c6: {  	v3 =	vld.idx.msk [tilespmem:v48+s22+$0x0], $0xffff;
	[tilespmem:s28+$0x13948] =	vst v4  }
0x1c7: {  	v4 =	vld.idx.msk [tilespmem:v54+s19+$0x0], $0xffff;
	[tilespmem:s25+$0x13F48] =	vst v6  }
0x1c8: {  	v6 =	vld.idx.msk [tilespmem:v24+s21+$0x0], $0xffff;
	[tilespmem:s10+$0x13648] =	vst v5  }
0x1c9: {  	v5 =	vld.idx.msk [tilespmem:v56+s19+$0x0], $0xffff  }
0x1ca: {  	[tilespmem:s26+$0x14348] =	vst v2  }
0x1cb: {  	v2 =	vld.idx.msk [tilespmem:v37+s22+$0x0], $0xffff;
	[tilespmem:s12+$0x142C8] =	vst v3  }
0x1cc: {  	v3 =	vld.idx.msk [tilespmem:v46+s22+$0x0], $0xffff;
	[tilespmem:s28+$0x139C8] =	vst v4  }
0x1cd: {  	v4 =	vld.idx.msk [tilespmem:v55+s19+$0x0], $0xffff;
	[tilespmem:s25+$0x13FC8] =	vst v6  }
0x1ce: {  	v6 =	vld.idx.msk [tilespmem:v25+s21+$0x0], $0xffff;
	[tilespmem:s10+$0x136C8] =	vst v5  }
0x1cf: {  	v5 =	vld.idx.msk [tilespmem:v57+s19+$0x0], $0xffff  }
0x1d0: {  	[tilespmem:s26+$0x143C8] =	vst v2  }
0x1d1: {  	v2 =	vld.idx.msk [tilespmem:v36+s22+$0x0], $0xffff;
	[tilespmem:s12+$0x14348] =	vst v3  }
0x1d2: {  	v3 =	vld.idx.msk [tilespmem:v45+s22+$0x0], $0xffff;
	[tilespmem:s28+$0x13A48] =	vst v4  }
0x1d3: {  	v4 =	vld.idx.msk [tilespmem:v47+s20+$0x0], $0xffff;
	[tilespmem:s25+$0x14048] =	vst v6  }
0x1d4: {  	v6 =	vld.idx.msk [tilespmem:v28+s21+$0x0], $0xffff;
	[tilespmem:s10+$0x13748] =	vst v5  }
0x1d5: {  	[tilespmem:s6+$0x145C8] =	vst v1;
	v1 =	vld.idx.msk [tilespmem:v59+s19+$0x0], $0xffff  }
0x1d6: {  	[tilespmem:s26+$0x14448] =	vst v2;
	v5 =	vld.idx.msk [tilespmem:v16+s22+$0x0], $0xffff  }
0x1d7: {  	v2 =	vld.idx.msk [tilespmem:v34+s22+$0x0], $0xffff;
	[tilespmem:s12+$0x143C8] =	vst v3  }
0x1d8: {  	v3 =	vld.idx.msk [tilespmem:v44+s22+$0x0], $0xffff;
	[tilespmem:s28+$0x13AC8] =	vst v4  }
0x1d9: {  	v4 =	vld.idx.msk [tilespmem:v49+s20+$0x0], $0xffff;
	[tilespmem:s25+$0x140C8] =	vst v6  }
0x1da: {  	v6 =	vld.idx.msk [tilespmem:v29+s21+$0x0], $0xffff;
	[tilespmem:s10+$0x137C8] =	vst v1  }
0x1db: {  	[tilespmem:s6+$0x14648] =	vst v5;
	v1 =	vld.idx.msk [tilespmem:v60+s19+$0x0], $0xffff  }
0x1dc: {  	[tilespmem:s26+$0x144C8] =	vst v2;
	v5 =	vld.idx.msk [tilespmem:v35+s23+$0x0], $0xffff  }
0x1dd: {  	v2 =	vld.idx.msk [tilespmem:v30+s22+$0x0], $0xffff;
	[tilespmem:s12+$0x14448] =	vst v3  }
0x1de: {  	v3 =	vld.idx.msk [tilespmem:v43+s22+$0x0], $0xffff;
	[tilespmem:s28+$0x13B48] =	vst v4  }
0x1df: {  	[tilespmem:s25+$0x14148] =	vst v6  }
0x1e0: {  	v4 =	vld.idx.msk [tilespmem:v50+s20+$0x0], $0xffff;
	[tilespmem:s10+$0x13848] =	vst v1  }
0x1e1: {  	[tilespmem:s6+$0x146C8] =	vst v5;
	v5 =	vld.idx.msk [tilespmem:v61+s19+$0x0], $0xffff  }
0x1e2: {  	[tilespmem:s26+$0x14548] =	vst v2;
	v1 =	vld.idx.msk [tilespmem:v32+s21+$0x0], $0xffff  }
0x1e3: {  	v2 =	vld.idx.msk [tilespmem:v27+s22+$0x0], $0xffff;
	[tilespmem:s12+$0x144C8] =	vst v3  }
0x1e4: {  	v3 =	vld.idx.msk [tilespmem:v42+s22+$0x0], $0xffff  }
0x1e5: {  	[tilespmem:s28+$0x13BC8] =	vst v4  }
0x1e6: {  	v4 =	vld.idx.msk [tilespmem:v51+s20+$0x0], $0xffff;
	[tilespmem:s10+$0x138C8] =	vst v5  }
0x1e7: {  	[tilespmem:s25+$0x141C8] =	vst v1;
	v5 =	vld.idx.msk [tilespmem:v62+s19+$0x0], $0xffff  }
0x1e8: {  	[tilespmem:s26+$0x145C8] =	vst v2;
	v1 =	vld.idx.msk [tilespmem:v33+s21+$0x0], $0xffff  }
0x1e9: {  	v2 =	vld.idx.msk [tilespmem:v22+s22+$0x0], $0xffff;
	[tilespmem:s12+$0x14548] =	vst v3  }
0x1ea: {  	v3 =	vld.idx.msk [tilespmem:v41+s22+$0x0], $0xffff  }
0x1eb: {  	[tilespmem:s28+$0x13C48] =	vst v4  }
0x1ec: {  	v4 =	vld.idx.msk [tilespmem:v52+s20+$0x0], $0xffff;
	[tilespmem:s10+$0x13948] =	vst v5  }
0x1ed: {  	[tilespmem:s25+$0x14248] =	vst v1;
	v5 =	vld.idx.msk [tilespmem:v63+s19+$0x0], $0xffff  }
0x1ee: {  	[tilespmem:s26+$0x14648] =	vst v2;
	v1 =	vld.idx.msk [tilespmem:v20+s22+$0x0], $0xffff  }
0x1ef: {  	v2 =	vld.idx.msk [tilespmem:v40+s23+$0x0], $0xffff;
	[tilespmem:s12+$0x145C8] =	vst v3  }
0x1f0: {  	v3 =	vld.idx.msk [tilespmem:v39+s22+$0x0], $0xffff  }
0x1f1: {  	[tilespmem:s28+$0x13CC8] =	vst v4  }
0x1f2: {  	v4 =	vld.idx.msk [tilespmem:v53+s20+$0x0], $0xffff;
	[tilespmem:s10+$0x139C8] =	vst v5  }
0x1f3: {  	[tilespmem:s25+$0x142C8] =	vst v1;
	v5 =	vld.idx.msk [tilespmem:v0+s19+$0x0], $0xffff  }
0x1f4: {  	[tilespmem:s26+$0x146C8] =	vst v2;
	v1 =	vld.idx.msk [tilespmem:v23+s22+$0x0], $0xffff  }
0x1f5: {  	v2 =	vld.idx.msk [tilespmem:v38+s23+$0x0], $0xffff;
	[tilespmem:s12+$0x14648] =	vst v3  }
0x1f6: {  	v3 =	vld.idx.msk [tilespmem:v48+s23+$0x0], $0xffff  }
0x1f7: {  	v6 =	vld.idx.msk [tilespmem:v31+s23+$0x0], $0xffff;
	[tilespmem:s28+$0x13D48] =	vst v4  }
0x1f8: {  	v4 =	vld.idx.msk [tilespmem:v54+s20+$0x0], $0xffff;
	[tilespmem:s10+$0x13A48] =	vst v5  }
0x1f9: {  	[tilespmem:s25+$0x14348] =	vst v1;
	v5 =	vld.idx.msk [tilespmem:v56+s20+$0x0], $0xffff  }
0x1fa: {  	[tilespmem:s26+$0x14748] =	vst v2;
	v1 =	vld.idx.msk [tilespmem:v24+s22+$0x0], $0xffff  }
0x1fb: {  	v2 =	vld.idx.msk [tilespmem:v37+s23+$0x0], $0xffff;
	[tilespmem:s12+$0x146C8] =	vst v3  }
0x1fc: {  	v3 =	vld.idx.msk [tilespmem:v46+s23+$0x0], $0xffff;
	[tilespmem:s6+$0x14748] =	vst v6  }
0x1fd: {  	v6 =	vld.idx.msk [tilespmem:v26+s23+$0x0], $0xffff;
	[tilespmem:s28+$0x13DC8] =	vst v4  }
0x1fe: {  	v4 =	vld.idx.msk [tilespmem:v55+s20+$0x0], $0xffff;
	[tilespmem:s10+$0x13AC8] =	vst v5  }
0x1ff: {  	[tilespmem:s25+$0x143C8] =	vst v1;
	v5 =	vld.idx.msk [tilespmem:v57+s20+$0x0], $0xffff  }
0x200: {  	[tilespmem:s26+$0x147C8] =	vst v2;
	v1 =	vld.idx.msk [tilespmem:v25+s22+$0x0], $0xffff  }
0x201: {  	v2 =	vld.idx.msk [tilespmem:v36+s23+$0x0], $0xffff;
	[tilespmem:s12+$0x14748] =	vst v3  }
0x202: {  	v3 =	vld.idx.msk [tilespmem:v45+s23+$0x0], $0xffff;
	[tilespmem:s6+$0x147C8] =	vst v6  }
0x203: {  	v6 =	vld.idx.msk [tilespmem:v21+s23+$0x0], $0xffff;
	[tilespmem:s28+$0x13E48] =	vst v4  }
0x204: {  	v4 =	vld.idx.msk [tilespmem:v47+s21+$0x0], $0xffff;
	[tilespmem:s10+$0x13B48] =	vst v5  }
0x205: {  	[tilespmem:s25+$0x14448] =	vst v1;
	v5 =	vld.idx.msk [tilespmem:v59+s20+$0x0], $0xffff  }
0x206: {  	[tilespmem:s26+$0x14848] =	vst v2;
	v1 =	vld.idx.msk [tilespmem:v28+s22+$0x0], $0xffff  }
0x207: {  	v2 =	vld.idx.msk [tilespmem:v34+s23+$0x0], $0xffff;
	[tilespmem:s12+$0x147C8] =	vst v3  }
0x208: {  	v3 =	vld.idx.msk [tilespmem:v44+s23+$0x0], $0xffff;
	[tilespmem:s6+$0x14848] =	vst v6  }
0x209: {  	v6 =	vld.idx.msk [tilespmem:v19+s23+$0x0], $0xffff;
	[tilespmem:s28+$0x13EC8] =	vst v4  }
0x20a: {  	v4 =	vld.idx.msk [tilespmem:v49+s21+$0x0], $0xffff;
	[tilespmem:s10+$0x13BC8] =	vst v5  }
0x20b: {  	[tilespmem:s25+$0x144C8] =	vst v1;
	v5 =	vld.idx.msk [tilespmem:v60+s20+$0x0], $0xffff  }
0x20c: {  	[tilespmem:s26+$0x148C8] =	vst v2;
	v1 =	vld.idx.msk [tilespmem:v29+s22+$0x0], $0xffff  }
0x20d: {  	v2 =	vld.idx.msk [tilespmem:v30+s23+$0x0], $0xffff;
	[tilespmem:s12+$0x14848] =	vst v3  }
0x20e: {  	v3 =	vld.idx.msk [tilespmem:v43+s23+$0x0], $0xffff;
	[tilespmem:s6+$0x148C8] =	vst v6  }
0x20f: {  	v6 =	vld.idx.msk [tilespmem:v18+s23+$0x0], $0xffff;
	[tilespmem:s28+$0x13F48] =	vst v4  }
0x210: {  	v4 =	vld.idx.msk [tilespmem:v50+s21+$0x0], $0xffff;
	[tilespmem:s10+$0x13C48] =	vst v5  }
0x211: {  	[tilespmem:s25+$0x14548] =	vst v1;
	v1 =	vld.idx.msk [tilespmem:v61+s20+$0x0], $0xffff  }
0x212: {  	[tilespmem:s26+$0x14948] =	vst v2  }
0x213: {  	v2 =	vld.idx.msk [tilespmem:v27+s23+$0x0], $0xffff;
	[tilespmem:s12+$0x148C8] =	vst v3  }
0x214: {  	v3 =	vld.idx.msk [tilespmem:v42+s23+$0x0], $0xffff;
	[tilespmem:s6+$0x14948] =	vst v6  }
0x215: {  	v6 =	vld.idx.msk [tilespmem:v17+s23+$0x0], $0xffff;
	[tilespmem:s28+$0x13FC8] =	vst v4  }
0x216: {  	v4 =	vld.idx.msk [tilespmem:v51+s21+$0x0], $0xffff;
	[tilespmem:s10+$0x13CC8] =	vst v1  }
0x217: {  	v1 =	vld.idx.msk [tilespmem:v62+s20+$0x0], $0xffff  }
0x218: {  	[tilespmem:s26+$0x149C8] =	vst v2  }
0x219: {  	v2 =	vld.idx.msk [tilespmem:v22+s23+$0x0], $0xffff;
	[tilespmem:s12+$0x14948] =	vst v3  }
0x21a: {  	v3 =	vld.idx.msk [tilespmem:v41+s23+$0x0], $0xffff;
	[tilespmem:s6+$0x149C8] =	vst v6  }
0x21b: {  	v6 =	vld.idx.msk [tilespmem:v16+s23+$0x0], $0xffff;
	[tilespmem:s28+$0x14048] =	vst v4  }
0x21c: {  	v4 =	vld.idx.msk [tilespmem:v52+s21+$0x0], $0xffff;
	[tilespmem:s10+$0x13D48] =	vst v1  }
0x21d: {  	v1 =	vld.idx.msk [tilespmem:v63+s20+$0x0], $0xffff  }
0x21e: {  	[tilespmem:s26+$0x14A48] =	vst v2  }
0x21f: {  	[tilespmem:s12+$0x149C8] =	vst v3  }
0x220: {  	[tilespmem:s6+$0x14A48] =	vst v6  }
0x221: {  	v2 =	vld.idx.msk [tilespmem:v39+s23+$0x0], $0xffff;
	[tilespmem:s28+$0x140C8] =	vst v4  }
0x222: {  	v3 =	vld.idx.msk [tilespmem:v53+s21+$0x0], $0xffff;
	[tilespmem:s10+$0x13DC8] =	vst v1  }
0x223: {  	v1 =	vld.idx.msk [tilespmem:v0+s20+$0x0], $0xffff;
	_ =	sdelay $0x4  }
0x224: {  	[tilespmem:s10+$0x13E48] =	vst v1  }
0x225: {  	v1 =	vld.idx.msk [tilespmem:v56+s21+$0x0], $0xffff;
	_ =	sdelay $0x4  }
0x226: {  	[tilespmem:s10+$0x13EC8] =	vst v1  }
0x227: {  	v1 =	vld.idx.msk [tilespmem:v57+s21+$0x0], $0xffff;
	_ =	sdelay $0x4  }
0x228: {  	[tilespmem:s10+$0x13F48] =	vst v1  }
0x229: {  	v1 =	vld.idx.msk [tilespmem:v59+s21+$0x0], $0xffff;
	_ =	sdelay $0x4  }
0x22a: {  	[tilespmem:s10+$0x13FC8] =	vst v1  }
0x22b: {  	v1 =	vld.idx.msk [tilespmem:v60+s21+$0x0], $0xffff;
	_ =	sdelay $0x4  }
0x22c: {  	[tilespmem:s10+$0x14048] =	vst v1  }
0x22d: {  	v1 =	vld.idx.msk [tilespmem:v61+s21+$0x0], $0xffff;
	_ =	sdelay $0x4  }
0x22e: {  	[tilespmem:s10+$0x140C8] =	vst v1  }
0x22f: {  	v1 =	vld.idx.msk [tilespmem:v62+s21+$0x0], $0xffff;
	_ =	sdelay $0x2  }
0x230: {  	[tilespmem:s28+$0x14148] =	vst v3  }
0x231: {  	v3 =	vld.idx.msk [tilespmem:v54+s21+$0x0], $0xffff  }
0x232: {  	[tilespmem:s10+$0x14148] =	vst v1  }
0x233: {  	v1 =	vld.idx.msk [tilespmem:v63+s21+$0x0], $0xffff;
	_ =	sdelay $0x2  }
0x234: {  	[tilespmem:s28+$0x141C8] =	vst v3  }
0x235: {  	v3 =	vld.idx.msk [tilespmem:v55+s21+$0x0], $0xffff  }
0x236: {  	[tilespmem:s10+$0x141C8] =	vst v1  }
0x237: {  	v1 =	vld.idx.msk [tilespmem:v0+s21+$0x0], $0xffff;
	_ =	sdelay $0x2  }
0x238: {  	[tilespmem:s28+$0x14248] =	vst v3  }
0x239: {  	v3 =	vld.idx.msk [tilespmem:v47+s22+$0x0], $0xffff  }
0x23a: {  	[tilespmem:s10+$0x14248] =	vst v1  }
0x23b: {  	v1 =	vld.idx.msk [tilespmem:v56+s22+$0x0], $0xffff;
	_ =	sdelay $0x2  }
0x23c: {  	[tilespmem:s28+$0x142C8] =	vst v3  }
0x23d: {  	v3 =	vld.idx.msk [tilespmem:v49+s22+$0x0], $0xffff  }
0x23e: {  	[tilespmem:s10+$0x142C8] =	vst v1  }
0x23f: {  	v1 =	vld.idx.msk [tilespmem:v57+s22+$0x0], $0xffff;
	_ =	sdelay $0x2  }
0x240: {  	[tilespmem:s28+$0x14348] =	vst v3  }
0x241: {  	v3 =	vld.idx.msk [tilespmem:v50+s22+$0x0], $0xffff  }
0x242: {  	[tilespmem:s10+$0x14348] =	vst v1  }
0x243: {  	v1 =	vld.idx.msk [tilespmem:v59+s22+$0x0], $0xffff;
	_ =	sdelay $0x2  }
0x244: {  	[tilespmem:s28+$0x143C8] =	vst v3  }
0x245: {  	v3 =	vld.idx.msk [tilespmem:v51+s22+$0x0], $0xffff  }
0x246: {  	[tilespmem:s10+$0x143C8] =	vst v1  }
0x247: {  	v1 =	vld.idx.msk [tilespmem:v60+s22+$0x0], $0xffff;
	_ =	sdelay $0x2  }
0x248: {  	[tilespmem:s28+$0x14448] =	vst v3  }
0x249: {  	v3 =	vld.idx.msk [tilespmem:v52+s22+$0x0], $0xffff  }
0x24a: {  	[tilespmem:s10+$0x14448] =	vst v1  }
0x24b: {  	v1 =	vld.idx.msk [tilespmem:v61+s22+$0x0], $0xffff;
	_ =	sdelay $0x2  }
0x24c: {  	[tilespmem:s28+$0x144C8] =	vst v3  }
0x24d: {  	v3 =	vld.idx.msk [tilespmem:v53+s22+$0x0], $0xffff  }
0x24e: {  	[tilespmem:s10+$0x144C8] =	vst v1  }
0x24f: {  	v1 =	vld.idx.msk [tilespmem:v62+s22+$0x0], $0xffff;
	_ =	sdelay $0x2  }
0x250: {  	v4 =	vld.idx.msk [tilespmem:v32+s22+$0x0], $0xffff;
	[tilespmem:s28+$0x14548] =	vst v3  }
0x251: {  	v3 =	vld.idx.msk [tilespmem:v54+s22+$0x0], $0xffff  }
0x252: {  	[tilespmem:s10+$0x14548] =	vst v1  }
0x253: {  	v1 =	vld.idx.msk [tilespmem:v63+s22+$0x0], $0xffff;
	_ =	sdelay $0x1  }
0x254: {  	[tilespmem:s25+$0x145C8] =	vst v4  }
0x255: {  	v4 =	vld.idx.msk [tilespmem:v33+s22+$0x0], $0xffff;
	[tilespmem:s28+$0x145C8] =	vst v3  }
0x256: {  	v3 =	vld.idx.msk [tilespmem:v55+s22+$0x0], $0xffff  }
0x257: {  	[tilespmem:s10+$0x145C8] =	vst v1  }
0x258: {  	v1 =	vld.idx.msk [tilespmem:v0+s22+$0x0], $0xffff;
	_ =	sdelay $0x1  }
0x259: {  	[tilespmem:s25+$0x14648] =	vst v4  }
0x25a: {  	v4 =	vld.idx.msk [tilespmem:v20+s23+$0x0], $0xffff;
	[tilespmem:s28+$0x14648] =	vst v3  }
0x25b: {  	v3 =	vld.idx.msk [tilespmem:v47+s23+$0x0], $0xffff  }
0x25c: {  	[tilespmem:s10+$0x14648] =	vst v1  }
0x25d: {  	v1 =	vld.idx.msk [tilespmem:v56+s23+$0x0], $0xffff;
	_ =	sdelay $0x1  }
0x25e: {  	[tilespmem:s25+$0x146C8] =	vst v4  }
0x25f: {  	v4 =	vld.idx.msk [tilespmem:v23+s23+$0x0], $0xffff;
	[tilespmem:s28+$0x146C8] =	vst v3  }
0x260: {  	v3 =	vld.idx.msk [tilespmem:v49+s23+$0x0], $0xffff  }
0x261: {  	[tilespmem:s10+$0x146C8] =	vst v1  }
0x262: {  	v1 =	vld.idx.msk [tilespmem:v57+s23+$0x0], $0xffff;
	_ =	sdelay $0x1  }
0x263: {  	[tilespmem:s25+$0x14748] =	vst v4  }
0x264: {  	v4 =	vld.idx.msk [tilespmem:v24+s23+$0x0], $0xffff;
	[tilespmem:s28+$0x14748] =	vst v3  }
0x265: {  	v3 =	vld.idx.msk [tilespmem:v50+s23+$0x0], $0xffff  }
0x266: {  	[tilespmem:s10+$0x14748] =	vst v1  }
0x267: {  	v1 =	vld.idx.msk [tilespmem:v59+s23+$0x0], $0xffff;
	_ =	sdelay $0x1  }
0x268: {  	[tilespmem:s25+$0x147C8] =	vst v4  }
0x269: {  	v4 =	vld.idx.msk [tilespmem:v25+s23+$0x0], $0xffff;
	[tilespmem:s28+$0x147C8] =	vst v3  }
0x26a: {  	v3 =	vld.idx.msk [tilespmem:v51+s23+$0x0], $0xffff  }
0x26b: {  	[tilespmem:s10+$0x147C8] =	vst v1  }
0x26c: {  	v1 =	vld.idx.msk [tilespmem:v60+s23+$0x0], $0xffff;
	_ =	sdelay $0x1  }
0x26d: {  	[tilespmem:s25+$0x14848] =	vst v4  }
0x26e: {  	v4 =	vld.idx.msk [tilespmem:v28+s23+$0x0], $0xffff;
	[tilespmem:s28+$0x14848] =	vst v3  }
0x26f: {  	v3 =	vld.idx.msk [tilespmem:v52+s23+$0x0], $0xffff  }
0x270: {  	[tilespmem:s10+$0x14848] =	vst v1  }
0x271: {  	v1 =	vld.idx.msk [tilespmem:v61+s23+$0x0], $0xffff;
	_ =	sdelay $0x1  }
0x272: {  	[tilespmem:s25+$0x148C8] =	vst v4  }
0x273: {  	v4 =	vld.idx.msk [tilespmem:v29+s23+$0x0], $0xffff;
	[tilespmem:s28+$0x148C8] =	vst v3  }
0x274: {  	v3 =	vld.idx.msk [tilespmem:v53+s23+$0x0], $0xffff  }
0x275: {  	[tilespmem:s10+$0x148C8] =	vst v1  }
0x276: {  	v1 =	vld.idx.msk [tilespmem:v62+s23+$0x0], $0xffff;
	_ =	sdelay $0x1  }
0x277: {  	[tilespmem:s25+$0x14948] =	vst v4  }
0x278: {  	v4 =	vld.idx.msk [tilespmem:v32+s23+$0x0], $0xffff;
	[tilespmem:s28+$0x14948] =	vst v3  }
0x279: {  	v3 =	vld.idx.msk [tilespmem:v54+s23+$0x0], $0xffff  }
0x27a: {  	[tilespmem:s10+$0x14948] =	vst v1  }
0x27b: {  	v1 =	vld.idx.msk [tilespmem:v63+s23+$0x0], $0xffff;
	_ =	sdelay $0x1  }
0x27c: {  	[tilespmem:s25+$0x149C8] =	vst v4  }
0x27d: {  	v4 =	vld.idx.msk [tilespmem:v33+s23+$0x0], $0xffff;
	[tilespmem:s28+$0x149C8] =	vst v3  }
0x27e: {  	v3 =	vld.idx.msk [tilespmem:v55+s23+$0x0], $0xffff  }
0x27f: {  	[tilespmem:s10+$0x149C8] =	vst v1  }
0x280: {  	v0 =	vld.idx.msk [tilespmem:v0+s23+$0x0], $0xffff  }
0x281: {  	[tilespmem:s12+$0x14A48] =	vst v2  }
0x282: {  	[tilespmem:s25+$0x14A48] =	vst v4  }
0x283: {  	s12 =	rddreg [dreg:$0x14];
	[tilespmem:s28+$0x14A48] =	vst v3  }
0x284: {  	s15 =	simm.s32 $0x400;
	s6 =	sshll.u32 s12, $0x7;
	s11 =	rddreg [dreg:$0xc]  }
0x285: {  	s16 =	simm.s32 $0x20000;
	s14 =	rddreg [dreg:$0x4];
	s11 =	sadd.s32 s11, s6;
	[tilespmem:s10+$0x14A48] =	vst v0  }
0x286: {  	s25 =	simm.s32 $0x12AC8;
	s6 =	sadd.s32 s14, s11;
	s26 =	rddreg [dreg:$0x11]  }
0x287: {  	[hbm4b:s6+s15] =	stream.strided.scatter [tilespmem:s25], [sflag:$0x2], $0x2000, s16, s15, $0x38;
	v56 =	vmov s26;
	[tilespmem:$0x18AC8] =	vst v63  }
0x288: {  	[dreg:$0x15] =	wrdreg s11;
	s6 =	simm.s32 @!p0 $0x3  }
0x289: {  	_ =	swait.ge @!p0 [sflag:s6], $0x2000  }
0x28a: {  	[sflag:s6] =	ssyncset.done @!p0 $0x0  }
0x28b: {  	s25 =	simm.s32 $0x0;
	[sflag:s6] =	ssyncadd.s32 @!p0 $0xFFFFE000  }
0x28c: {  	v0 =	vld.idx.msk [tilespmem:v56+s25+$0x0 ss:$0x1], $0xffff;
	_ =	sdelay $0x4  }
0x28d: {  	v43 =	vmul.u32 $0x41, v0;
	_ =	sdelay $0x4  }
0x28e: {  	s16 =	simm.s32 $0x10470  }
0x28f: {  	v0 =	vld.idx.msk [tilespmem:v43+s16+$0x0], $0xffff  }
0x290: {  	v40 =	vadd.s32 $0x1, v43;
	_ =	sdelay $0x3  }
0x291: {  	[tilespmem:s25+$0x14AC8] =	vst v0  }
0x292: {  	v0 =	vld.idx.msk [tilespmem:v40+s16+$0x0], $0xffff  }
0x293: {  	v38 =	vadd.s32 $0x2, v43;
	_ =	sdelay $0x3  }
0x294: {  	[tilespmem:s25+$0x14B48] =	vst v0  }
0x295: {  	v0 =	vld.idx.msk [tilespmem:v38+s16+$0x0], $0xffff  }
0x296: {  	v36 =	vadd.s32 $0x3, v43;
	_ =	sdelay $0x3  }
0x297: {  	[tilespmem:s25+$0x14BC8] =	vst v0  }
0x298: {  	v0 =	vld.idx.msk [tilespmem:v36+s16+$0x0], $0xffff  }
0x299: {  	v35 =	vadd.s32 $0x4, v43;
	_ =	sdelay $0x3  }
0x29a: {  	[tilespmem:s25+$0x14C48] =	vst v0  }
0x29b: {  	v0 =	vld.idx.msk [tilespmem:v35+s16+$0x0], $0xffff  }
0x29c: {  	v34 =	vadd.s32 $0x5, v43;
	_ =	sdelay $0x3  }
0x29d: {  	[tilespmem:s25+$0x14CC8] =	vst v0  }
0x29e: {  	v0 =	vld.idx.msk [tilespmem:v34+s16+$0x0], $0xffff  }
0x29f: {  	v33 =	vadd.s32 $0x6, v43;
	_ =	sdelay $0x3  }
0x2a0: {  	[tilespmem:s25+$0x14D48] =	vst v0  }
0x2a1: {  	v0 =	vld.idx.msk [tilespmem:v33+s16+$0x0], $0xffff  }
0x2a2: {  	v32 =	vadd.s32 $0x7, v43;
	_ =	sdelay $0x2  }
0x2a3: {  	s26 =	simm.s32 $0x10  }
0x2a4: {  	v1 =	vld.idx.msk [tilespmem:v56+s26+$0x0 ss:$0x1], $0xffff;
	[tilespmem:s25+$0x14DC8] =	vst v0  }
0x2a5: {  	v0 =	vld.idx.msk [tilespmem:v32+s16+$0x0], $0xffff;
	_ =	sdelay $0x4  }
0x2a6: {  	v54 =	vmul.u32 $0x41, v1;
	[tilespmem:s25+$0x14E48] =	vst v0  }
0x2a7: {  	v0 =	vld.idx.msk [tilespmem:v43+s29+$0x0], $0xffff;
	_ =	sdelay $0x4  }
0x2a8: {  	[tilespmem:s25+$0x14EC8] =	vst v0;
	v0 =	vld.idx.msk [tilespmem:v54+s16+$0x0], $0xffff  }
0x2a9: {  	v50 =	vadd.s32 $0x1, v54  }
0x2aa: {  	v1 =	vld.idx.msk [tilespmem:v40+s29+$0x0], $0xffff;
	_ =	sdelay $0x2  }
0x2ab: {  	[tilespmem:s26+$0x14AC8] =	vst v0  }
0x2ac: {  	v0 =	vld.idx.msk [tilespmem:v50+s16+$0x0], $0xffff  }
0x2ad: {  	v47 =	vadd.s32 $0x2, v54;
	[tilespmem:s25+$0x14F48] =	vst v1  }
0x2ae: {  	v1 =	vld.idx.msk [tilespmem:v38+s29+$0x0], $0xffff;
	_ =	sdelay $0x2  }
0x2af: {  	[tilespmem:s26+$0x14B48] =	vst v0  }
0x2b0: {  	v0 =	vld.idx.msk [tilespmem:v47+s16+$0x0], $0xffff  }
0x2b1: {  	v44 =	vadd.s32 $0x3, v54;
	[tilespmem:s25+$0x14FC8] =	vst v1  }
0x2b2: {  	v1 =	vld.idx.msk [tilespmem:v36+s29+$0x0], $0xffff;
	_ =	sdelay $0x2  }
0x2b3: {  	[tilespmem:s26+$0x14BC8] =	vst v0  }
0x2b4: {  	v0 =	vld.idx.msk [tilespmem:v44+s16+$0x0], $0xffff  }
0x2b5: {  	v42 =	vadd.s32 $0x4, v54;
	[tilespmem:s25+$0x15048] =	vst v1  }
0x2b6: {  	v1 =	vld.idx.msk [tilespmem:v35+s29+$0x0], $0xffff;
	_ =	sdelay $0x2  }
0x2b7: {  	[tilespmem:s26+$0x14C48] =	vst v0  }
0x2b8: {  	v0 =	vld.idx.msk [tilespmem:v42+s16+$0x0], $0xffff  }
0x2b9: {  	v41 =	vadd.s32 $0x5, v54;
	[tilespmem:s25+$0x150C8] =	vst v1  }
0x2ba: {  	v1 =	vld.idx.msk [tilespmem:v34+s29+$0x0], $0xffff;
	_ =	sdelay $0x2  }
0x2bb: {  	[tilespmem:s26+$0x14CC8] =	vst v0  }
0x2bc: {  	v0 =	vld.idx.msk [tilespmem:v41+s16+$0x0], $0xffff  }
0x2bd: {  	v39 =	vadd.s32 $0x6, v54;
	[tilespmem:s25+$0x15148] =	vst v1  }
0x2be: {  	v1 =	vld.idx.msk [tilespmem:v33+s29+$0x0], $0xffff;
	_ =	sdelay $0x2  }
0x2bf: {  	[tilespmem:s26+$0x14D48] =	vst v0  }
0x2c0: {  	v0 =	vld.idx.msk [tilespmem:v39+s16+$0x0], $0xffff  }
0x2c1: {  	v37 =	vadd.s32 $0x7, v54;
	[tilespmem:s25+$0x151C8] =	vst v1  }
0x2c2: {  	v1 =	vld.idx.msk [tilespmem:v32+s29+$0x0], $0xffff;
	_ =	sdelay $0x2  }
0x2c3: {  	[tilespmem:s26+$0x14DC8] =	vst v0  }
0x2c4: {  	v0 =	vld.idx.msk [tilespmem:v37+s16+$0x0], $0xffff  }
0x2c5: {  	[tilespmem:s25+$0x15248] =	vst v1  }
0x2c6: {  	v1 =	vld.idx.msk [tilespmem:v43+s30+$0x0], $0xffff  }
0x2c7: {  	s12 =	simm.s32 $0x20  }
0x2c8: {  	v2 =	vld.idx.msk [tilespmem:v56+s12+$0x0 ss:$0x1], $0xffff  }
0x2c9: {  	[tilespmem:s26+$0x14E48] =	vst v0  }
0x2ca: {  	v0 =	vld.idx.msk [tilespmem:v54+s29+$0x0], $0xffff  }
0x2cb: {  	[tilespmem:s25+$0x152C8] =	vst v1  }
0x2cc: {  	v1 =	vld.idx.msk [tilespmem:v40+s30+$0x0], $0xffff  }
0x2cd: {  	v23 =	vmul.u32 $0x41, v2;
	_ =	sdelay $0x1  }
0x2ce: {  	[tilespmem:s26+$0x14EC8] =	vst v0  }
0x2cf: {  	v0 =	vld.idx.msk [tilespmem:v50+s29+$0x0], $0xffff  }
0x2d0: {  	[tilespmem:s25+$0x15348] =	vst v1  }
0x2d1: {  	v1 =	vld.idx.msk [tilespmem:v38+s30+$0x0], $0xffff  }
0x2d2: {  	v2 =	vld.idx.msk [tilespmem:v23+s16+$0x0], $0xffff  }
0x2d3: {  	v22 =	vadd.s32 $0x1, v23  }
0x2d4: {  	[tilespmem:s26+$0x14F48] =	vst v0  }
0x2d5: {  	v0 =	vld.idx.msk [tilespmem:v47+s29+$0x0], $0xffff  }
0x2d6: {  	[tilespmem:s25+$0x153C8] =	vst v1  }
0x2d7: {  	[tilespmem:s12+$0x14AC8] =	vst v2;
	v1 =	vld.idx.msk [tilespmem:v36+s30+$0x0], $0xffff  }
0x2d8: {  	v2 =	vld.idx.msk [tilespmem:v22+s16+$0x0], $0xffff  }
0x2d9: {  	v21 =	vadd.s32 $0x2, v23  }
0x2da: {  	[tilespmem:s26+$0x14FC8] =	vst v0  }
0x2db: {  	v0 =	vld.idx.msk [tilespmem:v44+s29+$0x0], $0xffff  }
0x2dc: {  	[tilespmem:s25+$0x15448] =	vst v1  }
0x2dd: {  	[tilespmem:s12+$0x14B48] =	vst v2;
	v1 =	vld.idx.msk [tilespmem:v35+s30+$0x0], $0xffff  }
0x2de: {  	v2 =	vld.idx.msk [tilespmem:v21+s16+$0x0], $0xffff  }
0x2df: {  	v20 =	vadd.s32 $0x3, v23  }
0x2e0: {  	[tilespmem:s26+$0x15048] =	vst v0  }
0x2e1: {  	v0 =	vld.idx.msk [tilespmem:v42+s29+$0x0], $0xffff  }
0x2e2: {  	[tilespmem:s25+$0x154C8] =	vst v1  }
0x2e3: {  	[tilespmem:s12+$0x14BC8] =	vst v2;
	v1 =	vld.idx.msk [tilespmem:v34+s30+$0x0], $0xffff  }
0x2e4: {  	v2 =	vld.idx.msk [tilespmem:v20+s16+$0x0], $0xffff  }
0x2e5: {  	v19 =	vadd.s32 $0x4, v23  }
0x2e6: {  	[tilespmem:s26+$0x150C8] =	vst v0  }
0x2e7: {  	v0 =	vld.idx.msk [tilespmem:v41+s29+$0x0], $0xffff  }
0x2e8: {  	[tilespmem:s25+$0x15548] =	vst v1  }
0x2e9: {  	[tilespmem:s12+$0x14C48] =	vst v2;
	v1 =	vld.idx.msk [tilespmem:v33+s30+$0x0], $0xffff  }
0x2ea: {  	v2 =	vld.idx.msk [tilespmem:v19+s16+$0x0], $0xffff  }
0x2eb: {  	v18 =	vadd.s32 $0x5, v23  }
0x2ec: {  	[tilespmem:s26+$0x15148] =	vst v0  }
0x2ed: {  	v0 =	vld.idx.msk [tilespmem:v39+s29+$0x0], $0xffff  }
0x2ee: {  	[tilespmem:s25+$0x155C8] =	vst v1  }
0x2ef: {  	[tilespmem:s12+$0x14CC8] =	vst v2;
	v1 =	vld.idx.msk [tilespmem:v32+s30+$0x0], $0xffff  }
0x2f0: {  	v2 =	vld.idx.msk [tilespmem:v18+s16+$0x0], $0xffff  }
0x2f1: {  	v17 =	vadd.s32 $0x6, v23  }
0x2f2: {  	[tilespmem:s26+$0x151C8] =	vst v0  }
0x2f3: {  	v0 =	vld.idx.msk [tilespmem:v37+s29+$0x0], $0xffff  }
0x2f4: {  	[tilespmem:s25+$0x15648] =	vst v1  }
0x2f5: {  	[tilespmem:s12+$0x14D48] =	vst v2;
	v1 =	vld.idx.msk [tilespmem:v43+s31+$0x0], $0xffff  }
0x2f6: {  	v2 =	vld.idx.msk [tilespmem:v17+s16+$0x0], $0xffff  }
0x2f7: {  	v16 =	vadd.s32 $0x7, v23  }
0x2f8: {  	[tilespmem:s26+$0x15248] =	vst v0  }
0x2f9: {  	v0 =	vld.idx.msk [tilespmem:v54+s30+$0x0], $0xffff  }
0x2fa: {  	[tilespmem:s25+$0x156C8] =	vst v1  }
0x2fb: {  	[tilespmem:s12+$0x14DC8] =	vst v2;
	v1 =	vld.idx.msk [tilespmem:v40+s31+$0x0], $0xffff  }
0x2fc: {  	v2 =	vld.idx.msk [tilespmem:v16+s16+$0x0], $0xffff;
	_ =	sdelay $0x1  }
0x2fd: {  	[tilespmem:s26+$0x152C8] =	vst v0  }
0x2fe: {  	s6 =	simm.s32 $0x30;
	v0 =	vld.idx.msk [tilespmem:v50+s30+$0x0], $0xffff  }
0x2ff: {  	v3 =	vld.idx.msk [tilespmem:v56+s6+$0x0 ss:$0x1], $0xffff;
	[tilespmem:s25+$0x15748] =	vst v1  }
0x300: {  	[tilespmem:s12+$0x14E48] =	vst v2;
	v1 =	vld.idx.msk [tilespmem:v38+s31+$0x0], $0xffff  }
0x301: {  	v2 =	vld.idx.msk [tilespmem:v23+s29+$0x0], $0xffff;
	_ =	sdelay $0x1  }
0x302: {  	[tilespmem:s26+$0x15348] =	vst v0  }
0x303: {  	v0 =	vld.idx.msk [tilespmem:v47+s30+$0x0], $0xffff  }
0x304: {  	v24 =	vmul.u32 $0x41, v3;
	[tilespmem:s25+$0x157C8] =	vst v1  }
0x305: {  	[tilespmem:s12+$0x14EC8] =	vst v2;
	v1 =	vld.idx.msk [tilespmem:v36+s31+$0x0], $0xffff  }
0x306: {  	v2 =	vld.idx.msk [tilespmem:v22+s29+$0x0], $0xffff;
	_ =	sdelay $0x1  }
0x307: {  	[tilespmem:s26+$0x153C8] =	vst v0  }
0x308: {  	v0 =	vld.idx.msk [tilespmem:v44+s30+$0x0], $0xffff  }
0x309: {  	[tilespmem:s25+$0x15848] =	vst v1;
	v1 =	vld.idx.msk [tilespmem:v24+s16+$0x0], $0xffff  }
0x30a: {  	v25 =	vadd.s32 $0x1, v24;
	[tilespmem:s12+$0x14F48] =	vst v2  }
0x30b: {  	v2 =	vld.idx.msk [tilespmem:v21+s29+$0x0], $0xffff  }
0x30c: {  	v3 =	vld.idx.msk [tilespmem:v35+s31+$0x0], $0xffff  }
0x30d: {  	[tilespmem:s26+$0x15448] =	vst v0  }
0x30e: {  	[tilespmem:s6+$0x14AC8] =	vst v1;
	v0 =	vld.idx.msk [tilespmem:v42+s30+$0x0], $0xffff  }
0x30f: {  	v1 =	vld.idx.msk [tilespmem:v25+s16+$0x0], $0xffff  }
0x310: {  	v26 =	vadd.s32 $0x2, v24;
	[tilespmem:s12+$0x14FC8] =	vst v2  }
0x311: {  	v2 =	vld.idx.msk [tilespmem:v20+s29+$0x0], $0xffff;
	[tilespmem:s25+$0x158C8] =	vst v3  }
0x312: {  	v3 =	vld.idx.msk [tilespmem:v34+s31+$0x0], $0xffff  }
0x313: {  	[tilespmem:s26+$0x154C8] =	vst v0  }
0x314: {  	[tilespmem:s6+$0x14B48] =	vst v1;
	v0 =	vld.idx.msk [tilespmem:v41+s30+$0x0], $0xffff  }
0x315: {  	v1 =	vld.idx.msk [tilespmem:v26+s16+$0x0], $0xffff  }
0x316: {  	v27 =	vadd.s32 $0x3, v24;
	[tilespmem:s12+$0x15048] =	vst v2  }
0x317: {  	v2 =	vld.idx.msk [tilespmem:v19+s29+$0x0], $0xffff;
	[tilespmem:s25+$0x15948] =	vst v3  }
0x318: {  	v3 =	vld.idx.msk [tilespmem:v33+s31+$0x0], $0xffff  }
0x319: {  	[tilespmem:s26+$0x15548] =	vst v0  }
0x31a: {  	[tilespmem:s6+$0x14BC8] =	vst v1;
	v0 =	vld.idx.msk [tilespmem:v39+s30+$0x0], $0xffff  }
0x31b: {  	v1 =	vld.idx.msk [tilespmem:v27+s16+$0x0], $0xffff  }
0x31c: {  	v28 =	vadd.s32 $0x4, v24;
	[tilespmem:s12+$0x150C8] =	vst v2  }
0x31d: {  	v2 =	vld.idx.msk [tilespmem:v18+s29+$0x0], $0xffff;
	[tilespmem:s25+$0x159C8] =	vst v3  }
0x31e: {  	v3 =	vld.idx.msk [tilespmem:v32+s31+$0x0], $0xffff  }
0x31f: {  	[tilespmem:s26+$0x155C8] =	vst v0  }
0x320: {  	[tilespmem:s6+$0x14C48] =	vst v1;
	v0 =	vld.idx.msk [tilespmem:v37+s30+$0x0], $0xffff  }
0x321: {  	v1 =	vld.idx.msk [tilespmem:v28+s16+$0x0], $0xffff  }
0x322: {  	v29 =	vadd.s32 $0x5, v24;
	[tilespmem:s12+$0x15148] =	vst v2  }
0x323: {  	v2 =	vld.idx.msk [tilespmem:v17+s29+$0x0], $0xffff;
	[tilespmem:s25+$0x15A48] =	vst v3  }
0x324: {  	v3 =	vld.idx.msk [tilespmem:v43+s0+$0x0], $0xffff  }
0x325: {  	[tilespmem:s26+$0x15648] =	vst v0  }
0x326: {  	[tilespmem:s6+$0x14CC8] =	vst v1;
	v0 =	vld.idx.msk [tilespmem:v54+s31+$0x0], $0xffff  }
0x327: {  	v1 =	vld.idx.msk [tilespmem:v29+s16+$0x0], $0xffff  }
0x328: {  	v30 =	vadd.s32 $0x6, v24;
	[tilespmem:s12+$0x151C8] =	vst v2  }
0x329: {  	v2 =	vld.idx.msk [tilespmem:v16+s29+$0x0], $0xffff;
	[tilespmem:s25+$0x15AC8] =	vst v3  }
0x32a: {  	v3 =	vld.idx.msk [tilespmem:v40+s0+$0x0], $0xffff  }
0x32b: {  	[tilespmem:s26+$0x156C8] =	vst v0  }
0x32c: {  	[tilespmem:s6+$0x14D48] =	vst v1;
	v0 =	vld.idx.msk [tilespmem:v50+s31+$0x0], $0xffff  }
0x32d: {  	v1 =	vld.idx.msk [tilespmem:v30+s16+$0x0], $0xffff  }
0x32e: {  	v31 =	vadd.s32 $0x7, v24;
	[tilespmem:s12+$0x15248] =	vst v2  }
0x32f: {  	v2 =	vld.idx.msk [tilespmem:v23+s30+$0x0], $0xffff;
	[tilespmem:s25+$0x15B48] =	vst v3  }
0x330: {  	s28 =	simm.s32 $0x40;
	v3 =	vld.idx.msk [tilespmem:v38+s0+$0x0], $0xffff  }
0x331: {  	v4 =	vld.idx.msk [tilespmem:v56+s28+$0x0 ss:$0x1], $0xffff;
	[tilespmem:s26+$0x15748] =	vst v0  }
0x332: {  	[tilespmem:s6+$0x14DC8] =	vst v1;
	v0 =	vld.idx.msk [tilespmem:v47+s31+$0x0], $0xffff  }
0x333: {  	v1 =	vld.idx.msk [tilespmem:v31+s16+$0x0], $0xffff  }
0x334: {  	[tilespmem:s12+$0x152C8] =	vst v2  }
0x335: {  	v2 =	vld.idx.msk [tilespmem:v22+s30+$0x0], $0xffff;
	[tilespmem:s25+$0x15BC8] =	vst v3  }
0x336: {  	v3 =	vld.idx.msk [tilespmem:v36+s0+$0x0], $0xffff  }
0x337: {  	v45 =	vmul.u32 $0x41, v4;
	[tilespmem:s26+$0x157C8] =	vst v0  }
0x338: {  	[tilespmem:s6+$0x14E48] =	vst v1;
	v0 =	vld.idx.msk [tilespmem:v44+s31+$0x0], $0xffff  }
0x339: {  	v1 =	vld.idx.msk [tilespmem:v24+s29+$0x0], $0xffff  }
0x33a: {  	[tilespmem:s12+$0x15348] =	vst v2  }
0x33b: {  	v2 =	vld.idx.msk [tilespmem:v21+s30+$0x0], $0xffff;
	[tilespmem:s25+$0x15C48] =	vst v3  }
0x33c: {  	v3 =	vld.idx.msk [tilespmem:v35+s0+$0x0], $0xffff  }
0x33d: {  	v4 =	vld.idx.msk [tilespmem:v45+s16+$0x0], $0xffff;
	[tilespmem:s26+$0x15848] =	vst v0  }
0x33e: {  	v46 =	vadd.s32 $0x1, v45;
	[tilespmem:s6+$0x14EC8] =	vst v1;
	v0 =	vld.idx.msk [tilespmem:v42+s31+$0x0], $0xffff  }
0x33f: {  	v1 =	vld.idx.msk [tilespmem:v25+s29+$0x0], $0xffff  }
0x340: {  	[tilespmem:s12+$0x153C8] =	vst v2  }
0x341: {  	v2 =	vld.idx.msk [tilespmem:v20+s30+$0x0], $0xffff;
	[tilespmem:s25+$0x15CC8] =	vst v3  }
0x342: {  	[tilespmem:s28+$0x14AC8] =	vst v4;
	v3 =	vld.idx.msk [tilespmem:v34+s0+$0x0], $0xffff  }
0x343: {  	v4 =	vld.idx.msk [tilespmem:v46+s16+$0x0], $0xffff;
	[tilespmem:s26+$0x158C8] =	vst v0  }
0x344: {  	v48 =	vadd.s32 $0x2, v45;
	[tilespmem:s6+$0x14F48] =	vst v1;
	v0 =	vld.idx.msk [tilespmem:v41+s31+$0x0], $0xffff  }
0x345: {  	v1 =	vld.idx.msk [tilespmem:v26+s29+$0x0], $0xffff  }
0x346: {  	[tilespmem:s12+$0x15448] =	vst v2  }
0x347: {  	v2 =	vld.idx.msk [tilespmem:v19+s30+$0x0], $0xffff;
	[tilespmem:s25+$0x15D48] =	vst v3  }
0x348: {  	[tilespmem:s28+$0x14B48] =	vst v4;
	v3 =	vld.idx.msk [tilespmem:v33+s0+$0x0], $0xffff  }
0x349: {  	v4 =	vld.idx.msk [tilespmem:v48+s16+$0x0], $0xffff;
	[tilespmem:s26+$0x15948] =	vst v0  }
0x34a: {  	v49 =	vadd.s32 $0x3, v45;
	[tilespmem:s6+$0x14FC8] =	vst v1;
	v0 =	vld.idx.msk [tilespmem:v39+s31+$0x0], $0xffff  }
0x34b: {  	v1 =	vld.idx.msk [tilespmem:v27+s29+$0x0], $0xffff  }
0x34c: {  	[tilespmem:s12+$0x154C8] =	vst v2  }
0x34d: {  	v2 =	vld.idx.msk [tilespmem:v18+s30+$0x0], $0xffff;
	[tilespmem:s25+$0x15DC8] =	vst v3  }
0x34e: {  	[tilespmem:s28+$0x14BC8] =	vst v4;
	v3 =	vld.idx.msk [tilespmem:v32+s0+$0x0], $0xffff  }
0x34f: {  	v4 =	vld.idx.msk [tilespmem:v49+s16+$0x0], $0xffff;
	[tilespmem:s26+$0x159C8] =	vst v0  }
0x350: {  	v51 =	vadd.s32 $0x4, v45;
	[tilespmem:s6+$0x15048] =	vst v1;
	v0 =	vld.idx.msk [tilespmem:v37+s31+$0x0], $0xffff  }
0x351: {  	v1 =	vld.idx.msk [tilespmem:v28+s29+$0x0], $0xffff  }
0x352: {  	[tilespmem:s12+$0x15548] =	vst v2  }
0x353: {  	v2 =	vld.idx.msk [tilespmem:v17+s30+$0x0], $0xffff;
	[tilespmem:s25+$0x15E48] =	vst v3  }
0x354: {  	[tilespmem:s28+$0x14C48] =	vst v4;
	v3 =	vld.idx.msk [tilespmem:v43+s2+$0x0], $0xffff  }
0x355: {  	v4 =	vld.idx.msk [tilespmem:v51+s16+$0x0], $0xffff;
	[tilespmem:s26+$0x15A48] =	vst v0  }
0x356: {  	v52 =	vadd.s32 $0x5, v45;
	[tilespmem:s6+$0x150C8] =	vst v1;
	v0 =	vld.idx.msk [tilespmem:v54+s0+$0x0], $0xffff  }
0x357: {  	v1 =	vld.idx.msk [tilespmem:v29+s29+$0x0], $0xffff  }
0x358: {  	[tilespmem:s12+$0x155C8] =	vst v2  }
0x359: {  	v2 =	vld.idx.msk [tilespmem:v16+s30+$0x0], $0xffff;
	[tilespmem:s25+$0x15EC8] =	vst v3  }
0x35a: {  	[tilespmem:s28+$0x14CC8] =	vst v4;
	v3 =	vld.idx.msk [tilespmem:v40+s2+$0x0], $0xffff  }
0x35b: {  	v4 =	vld.idx.msk [tilespmem:v52+s16+$0x0], $0xffff;
	[tilespmem:s26+$0x15AC8] =	vst v0  }
0x35c: {  	v53 =	vadd.s32 $0x6, v45;
	[tilespmem:s6+$0x15148] =	vst v1;
	v0 =	vld.idx.msk [tilespmem:v50+s0+$0x0], $0xffff  }
0x35d: {  	v1 =	vld.idx.msk [tilespmem:v30+s29+$0x0], $0xffff  }
0x35e: {  	[tilespmem:s12+$0x15648] =	vst v2  }
0x35f: {  	v2 =	vld.idx.msk [tilespmem:v23+s31+$0x0], $0xffff;
	[tilespmem:s25+$0x15F48] =	vst v3  }
0x360: {  	[tilespmem:s28+$0x14D48] =	vst v4;
	v3 =	vld.idx.msk [tilespmem:v38+s2+$0x0], $0xffff  }
0x361: {  	v4 =	vld.idx.msk [tilespmem:v53+s16+$0x0], $0xffff;
	[tilespmem:s26+$0x15B48] =	vst v0  }
0x362: {  	v55 =	vadd.s32 $0x7, v45;
	[tilespmem:s6+$0x151C8] =	vst v1;
	v0 =	vld.idx.msk [tilespmem:v47+s0+$0x0], $0xffff  }
0x363: {  	v1 =	vld.idx.msk [tilespmem:v31+s29+$0x0], $0xffff  }
0x364: {  	[tilespmem:s12+$0x156C8] =	vst v2  }
0x365: {  	v2 =	vld.idx.msk [tilespmem:v22+s31+$0x0], $0xffff;
	[tilespmem:s25+$0x15FC8] =	vst v3  }
0x366: {  	[tilespmem:s28+$0x14DC8] =	vst v4;
	v3 =	vld.idx.msk [tilespmem:v36+s2+$0x0], $0xffff  }
0x367: {  	v4 =	vld.idx.msk [tilespmem:v55+s16+$0x0], $0xffff;
	[tilespmem:s26+$0x15BC8] =	vst v0  }
0x368: {  	[tilespmem:s6+$0x15248] =	vst v1;
	v0 =	vld.idx.msk [tilespmem:v44+s0+$0x0], $0xffff  }
0x369: {  	s10 =	simm.s32 $0x50;
	v1 =	vld.idx.msk [tilespmem:v24+s30+$0x0], $0xffff  }
0x36a: {  	v5 =	vld.idx.msk [tilespmem:v56+s10+$0x0 ss:$0x1], $0xffff;
	[tilespmem:s12+$0x15748] =	vst v2  }
0x36b: {  	v2 =	vld.idx.msk [tilespmem:v21+s31+$0x0], $0xffff;
	[tilespmem:s25+$0x16048] =	vst v3  }
0x36c: {  	[tilespmem:s28+$0x14E48] =	vst v4;
	v3 =	vld.idx.msk [tilespmem:v35+s2+$0x0], $0xffff  }
0x36d: {  	v4 =	vld.idx.msk [tilespmem:v45+s29+$0x0], $0xffff;
	[tilespmem:s26+$0x15C48] =	vst v0  }
0x36e: {  	[tilespmem:s6+$0x152C8] =	vst v1;
	v0 =	vld.idx.msk [tilespmem:v42+s0+$0x0], $0xffff  }
0x36f: {  	v1 =	vld.idx.msk [tilespmem:v25+s30+$0x0], $0xffff  }
0x370: {  	v57 =	vmul.u32 $0x41, v5;
	[tilespmem:s12+$0x157C8] =	vst v2  }
0x371: {  	v2 =	vld.idx.msk [tilespmem:v20+s31+$0x0], $0xffff;
	[tilespmem:s25+$0x160C8] =	vst v3  }
0x372: {  	[tilespmem:s28+$0x14EC8] =	vst v4;
	v3 =	vld.idx.msk [tilespmem:v34+s2+$0x0], $0xffff  }
0x373: {  	v4 =	vld.idx.msk [tilespmem:v46+s29+$0x0], $0xffff;
	[tilespmem:s26+$0x15CC8] =	vst v0  }
0x374: {  	[tilespmem:s6+$0x15348] =	vst v1;
	v0 =	vld.idx.msk [tilespmem:v41+s0+$0x0], $0xffff  }
0x375: {  	v1 =	vld.idx.msk [tilespmem:v26+s30+$0x0], $0xffff  }
0x376: {  	v5 =	vld.idx.msk [tilespmem:v57+s16+$0x0], $0xffff;
	[tilespmem:s12+$0x15848] =	vst v2  }
0x377: {  	v58 =	vadd.s32 $0x1, v57;
	[tilespmem:s25+$0x16148] =	vst v3;
	v3 =	vld.idx.msk [tilespmem:v19+s31+$0x0], $0xffff  }
0x378: {  	[tilespmem:s28+$0x14F48] =	vst v4;
	v2 =	vld.idx.msk [tilespmem:v33+s2+$0x0], $0xffff  }
0x379: {  	v4 =	vld.idx.msk [tilespmem:v48+s29+$0x0], $0xffff;
	[tilespmem:s26+$0x15D48] =	vst v0  }
0x37a: {  	[tilespmem:s6+$0x153C8] =	vst v1;
	v0 =	vld.idx.msk [tilespmem:v39+s0+$0x0], $0xffff  }
0x37b: {  	[tilespmem:s10+$0x14AC8] =	vst v5;
	v1 =	vld.idx.msk [tilespmem:v27+s30+$0x0], $0xffff  }
0x37c: {  	v5 =	vld.idx.msk [tilespmem:v58+s16+$0x0], $0xffff;
	[tilespmem:s12+$0x158C8] =	vst v3  }
0x37d: {  	v59 =	vadd.s32 $0x2, v57;
	[tilespmem:s25+$0x161C8] =	vst v2;
	v3 =	vld.idx.msk [tilespmem:v18+s31+$0x0], $0xffff  }
0x37e: {  	[tilespmem:s28+$0x14FC8] =	vst v4;
	v2 =	vld.idx.msk [tilespmem:v32+s2+$0x0], $0xffff  }
0x37f: {  	v4 =	vld.idx.msk [tilespmem:v49+s29+$0x0], $0xffff;
	[tilespmem:s26+$0x15DC8] =	vst v0  }
0x380: {  	[tilespmem:s6+$0x15448] =	vst v1;
	v0 =	vld.idx.msk [tilespmem:v37+s0+$0x0], $0xffff  }
0x381: {  	[tilespmem:s10+$0x14B48] =	vst v5;
	v1 =	vld.idx.msk [tilespmem:v28+s30+$0x0], $0xffff  }
0x382: {  	v5 =	vld.idx.msk [tilespmem:v59+s16+$0x0], $0xffff;
	[tilespmem:s12+$0x15948] =	vst v3  }
0x383: {  	v60 =	vadd.s32 $0x3, v57;
	[tilespmem:s25+$0x16248] =	vst v2;
	v3 =	vld.idx.msk [tilespmem:v17+s31+$0x0], $0xffff  }
0x384: {  	[tilespmem:s28+$0x15048] =	vst v4;
	v2 =	vld.idx.msk [tilespmem:v43+s4+$0x0], $0xffff  }
0x385: {  	v4 =	vld.idx.msk [tilespmem:v51+s29+$0x0], $0xffff;
	[tilespmem:s26+$0x15E48] =	vst v0  }
0x386: {  	[tilespmem:s6+$0x154C8] =	vst v1;
	v0 =	vld.idx.msk [tilespmem:v54+s2+$0x0], $0xffff  }
0x387: {  	[tilespmem:s10+$0x14BC8] =	vst v5;
	v1 =	vld.idx.msk [tilespmem:v29+s30+$0x0], $0xffff  }
0x388: {  	v5 =	vld.idx.msk [tilespmem:v60+s16+$0x0], $0xffff;
	[tilespmem:s12+$0x159C8] =	vst v3  }
0x389: {  	v61 =	vadd.s32 $0x4, v57;
	[tilespmem:s25+$0x162C8] =	vst v2;
	v3 =	vld.idx.msk [tilespmem:v16+s31+$0x0], $0xffff  }
0x38a: {  	[tilespmem:s28+$0x150C8] =	vst v4;
	v2 =	vld.idx.msk [tilespmem:v40+s4+$0x0], $0xffff  }
0x38b: {  	v4 =	vld.idx.msk [tilespmem:v52+s29+$0x0], $0xffff;
	[tilespmem:s26+$0x15EC8] =	vst v0  }
0x38c: {  	[tilespmem:s6+$0x15548] =	vst v1;
	v0 =	vld.idx.msk [tilespmem:v50+s2+$0x0], $0xffff  }
0x38d: {  	[tilespmem:s10+$0x14C48] =	vst v5;
	v1 =	vld.idx.msk [tilespmem:v30+s30+$0x0], $0xffff  }
0x38e: {  	v5 =	vld.idx.msk [tilespmem:v61+s16+$0x0], $0xffff;
	[tilespmem:s12+$0x15A48] =	vst v3  }
0x38f: {  	v62 =	vadd.s32 $0x5, v57;
	[tilespmem:s25+$0x16348] =	vst v2;
	v3 =	vld.idx.msk [tilespmem:v23+s0+$0x0], $0xffff  }
0x390: {  	[tilespmem:s28+$0x15148] =	vst v4;
	v2 =	vld.idx.msk [tilespmem:v38+s4+$0x0], $0xffff  }
0x391: {  	v4 =	vld.idx.msk [tilespmem:v53+s29+$0x0], $0xffff;
	[tilespmem:s26+$0x15F48] =	vst v0  }
0x392: {  	[tilespmem:s6+$0x155C8] =	vst v1;
	v0 =	vld.idx.msk [tilespmem:v47+s2+$0x0], $0xffff  }
0x393: {  	[tilespmem:s10+$0x14CC8] =	vst v5;
	v1 =	vld.idx.msk [tilespmem:v31+s30+$0x0], $0xffff  }
0x394: {  	v5 =	vld.idx.msk [tilespmem:v62+s16+$0x0], $0xffff;
	[tilespmem:s12+$0x15AC8] =	vst v3  }
0x395: {  	v63 =	vadd.s32 $0x6, v57;
	[tilespmem:s25+$0x163C8] =	vst v2;
	v3 =	vld.idx.msk [tilespmem:v22+s0+$0x0], $0xffff  }
0x396: {  	[tilespmem:s28+$0x151C8] =	vst v4;
	v2 =	vld.idx.msk [tilespmem:v36+s4+$0x0], $0xffff  }
0x397: {  	v4 =	vld.idx.msk [tilespmem:v55+s29+$0x0], $0xffff;
	[tilespmem:s26+$0x15FC8] =	vst v0  }
0x398: {  	[tilespmem:s6+$0x15648] =	vst v1;
	v0 =	vld.idx.msk [tilespmem:v44+s2+$0x0], $0xffff  }
0x399: {  	[tilespmem:s10+$0x14D48] =	vst v5;
	v1 =	vld.idx.msk [tilespmem:v24+s31+$0x0], $0xffff  }
0x39a: {  	v6 =	vld.idx.msk [tilespmem:v63+s16+$0x0], $0xffff;
	[tilespmem:s12+$0x15B48] =	vst v3  }
0x39b: {  	[tilespmem:s25+$0x16448] =	vst v2;
	v3 =	vld.idx.msk [tilespmem:v21+s0+$0x0], $0xffff  }
0x39c: {  	[tilespmem:s28+$0x15248] =	vst v4;
	v2 =	vld.idx.msk [tilespmem:v35+s4+$0x0], $0xffff  }
0x39d: {  	v8 =	vld.idx.msk [tilespmem:v45+s30+$0x0], $0xffff;
	[tilespmem:s26+$0x16048] =	vst v0  }
0x39e: {  	[tilespmem:s6+$0x156C8] =	vst v1;
	v1 =	vld.idx.msk [tilespmem:v42+s2+$0x0], $0xffff  }
0x39f: {  	[tilespmem:s10+$0x14DC8] =	vst v6;
	v0 =	vadd.s32 $0x7, v57;
	v5 =	vld.idx.msk [tilespmem:v25+s31+$0x0], $0xffff  }
0x3a0: {  	[tilespmem:s12+$0x15BC8] =	vst v3  }
0x3a1: {  	[tilespmem:s25+$0x164C8] =	vst v2;
	v7 =	vld.idx.msk [tilespmem:v20+s0+$0x0], $0xffff  }
0x3a2: {  	[tilespmem:s28+$0x152C8] =	vst v8;
	v3 =	vld.idx.msk [tilespmem:v34+s4+$0x0], $0xffff  }
0x3a3: {  	v6 =	vld.idx.msk [tilespmem:v46+s30+$0x0], $0xffff;
	[tilespmem:s26+$0x160C8] =	vst v1  }
0x3a4: {  	[tilespmem:s6+$0x15748] =	vst v5;
	v5 =	vld.idx.msk [tilespmem:v0+s16+$0x0], $0xffff  }
0x3a5: {  	v2 =	vld.idx.msk [tilespmem:v41+s2+$0x0], $0xffff  }
0x3a6: {  	[tilespmem:s12+$0x15C48] =	vst v7;
	v4 =	vld.idx.msk [tilespmem:v26+s31+$0x0], $0xffff  }
0x3a7: {  	[tilespmem:s25+$0x16548] =	vst v3;
	v3 =	vld.idx.msk [tilespmem:v19+s0+$0x0], $0xffff  }
0x3a8: {  	v1 =	vld.idx.msk [tilespmem:v33+s4+$0x0], $0xffff  }
0x3a9: {  	s11 =	simm.s32 $0x180;
	v12 =	vld [tilespmem:$0x1FF60]  }
.LBB2_5:
0x3aa: {  	s15 =	sshra.s32 s11, $0x2;
	p1 =	sne.s32 s11, $0x1C0;
	s11 =	sadd.s32 $0x40, s11  }
0x3ab: {  	s14 =	smov.u32 s6;
	v7 =	vld.idx.msk [tilespmem:v56+s15+$0x0 ss:$0x1], $0xffff;
	[tilespmem:s6+$0x157C8] =	vst v4;
	s6 =	smov.u32 s28;
	s28 =	smov.u32 s10  }
0x3ac: {  	s10 =	smov.u32 s15;
	[tilespmem:s28+$0x14E48] =	vst v5;
	v4 =	vld.idx.msk [tilespmem:v27+s31+$0x0], $0xffff  }
0x3ad: {  	v5 =	vld.idx.msk [tilespmem:v57+s29+$0x0], $0xffff;
	[tilespmem:s25+$0x165C8] =	vst v1  }
0x3ae: {  	[tilespmem:s12+$0x15CC8] =	vst v3;
	v1 =	vld.idx.msk [tilespmem:v32+s4+$0x0], $0xffff  }
0x3af: {  	[tilespmem:s6+$0x15348] =	vst v6;
	v3 =	vld.idx.msk [tilespmem:v18+s0+$0x0], $0xffff  }
0x3b0: {  	v6 =	vld.idx.msk [tilespmem:v48+s30+$0x0], $0xffff  }
0x3b1: {  	v7 =	vmul.u32 $0x41, v7;
	[tilespmem:s26+$0x16148] =	vst v2  }
0x3b2: {  	[tilespmem:s14+$0x15848] =	vst v4;
	v2 =	vld.idx.msk [tilespmem:v39+s2+$0x0], $0xffff  }
0x3b3: {  	[tilespmem:s28+$0x14EC8] =	vst v5;
	v4 =	vld.idx.msk [tilespmem:v28+s31+$0x0], $0xffff  }
0x3b4: {  	v5 =	vld.idx.msk [tilespmem:v58+s29+$0x0], $0xffff;
	[tilespmem:s25+$0x16648] =	vst v1  }
0x3b5: {  	[tilespmem:s12+$0x15D48] =	vst v3;
	v1 =	vld.idx.msk [tilespmem:v43+s5+$0x0], $0xffff;
	v43 =	vmovc v54;
	v54 =	vmovc v23;
	v23 =	vmov v24;
	v24 =	vmov v45;
	v45 =	vmov v57  }
0x3b6: {  	v57 =	vmov v7;
	[tilespmem:s6+$0x153C8] =	vst v6;
	v3 =	vld.idx.msk [tilespmem:v17+s0+$0x0], $0xffff  }
0x3b7: {  	v6 =	vld.idx.msk [tilespmem:v49+s30+$0x0], $0xffff  }
0x3b8: {  	v7 =	vld.idx.msk [tilespmem:v7+s16+$0x0], $0xffff;
	[tilespmem:s26+$0x161C8] =	vst v2  }
0x3b9: {  	[tilespmem:s14+$0x158C8] =	vst v4;
	v2 =	vld.idx.msk [tilespmem:v37+s2+$0x0], $0xffff  }
0x3ba: {  	v4 =	vadd.s32 $0x1, v57;
	[tilespmem:s28+$0x14F48] =	vst v5;
	v5 =	vld.idx.msk [tilespmem:v29+s31+$0x0], $0xffff  }
0x3bb: {  	v8 =	vld.idx.msk [tilespmem:v59+s29+$0x0], $0xffff;
	[tilespmem:s25+$0x166C8] =	vst v1  }
0x3bc: {  	[tilespmem:s12+$0x15DC8] =	vst v3;
	v1 =	vld.idx.msk [tilespmem:v40+s5+$0x0], $0xffff;
	v40 =	vmovc v50;
	v50 =	vmovc v22;
	v22 =	vmov v25;
	v25 =	vmov v46;
	v46 =	vmov v58  }
0x3bd: {  	v58 =	vmov v4;
	[tilespmem:s6+$0x15448] =	vst v6;
	v3 =	vld.idx.msk [tilespmem:v16+s0+$0x0], $0xffff  }
0x3be: {  	[tilespmem:s10+$0x14AC8] =	vst v7;
	v6 =	vld.idx.msk [tilespmem:v51+s30+$0x0], $0xffff  }
0x3bf: {  	v4 =	vld.idx.msk [tilespmem:v4+s16+$0x0], $0xffff;
	[tilespmem:s26+$0x16248] =	vst v2  }
0x3c0: {  	[tilespmem:s14+$0x15948] =	vst v5;
	v2 =	vld.idx.msk [tilespmem:v43+s4+$0x0], $0xffff  }
0x3c1: {  	v5 =	vadd.s32 $0x2, v57;
	[tilespmem:s28+$0x14FC8] =	vst v8;
	v7 =	vld.idx.msk [tilespmem:v30+s31+$0x0], $0xffff  }
0x3c2: {  	v8 =	vld.idx.msk [tilespmem:v60+s29+$0x0], $0xffff;
	[tilespmem:s25+$0x16748] =	vst v1  }
0x3c3: {  	[tilespmem:s12+$0x15E48] =	vst v3;
	v1 =	vld.idx.msk [tilespmem:v38+s5+$0x0], $0xffff;
	v38 =	vmovc v47;
	v47 =	vmovc v21;
	v21 =	vmov v26;
	v26 =	vmov v48;
	v48 =	vmov v59  }
0x3c4: {  	v59 =	vmov v5;
	[tilespmem:s6+$0x154C8] =	vst v6;
	v3 =	vld.idx.msk [tilespmem:v54+s2+$0x0], $0xffff  }
0x3c5: {  	[tilespmem:s10+$0x14B48] =	vst v4;
	v4 =	vld.idx.msk [tilespmem:v52+s30+$0x0], $0xffff  }
0x3c6: {  	v5 =	vld.idx.msk [tilespmem:v5+s16+$0x0], $0xffff;
	[tilespmem:s26+$0x162C8] =	vst v2  }
0x3c7: {  	[tilespmem:s14+$0x159C8] =	vst v7;
	v2 =	vld.idx.msk [tilespmem:v40+s4+$0x0], $0xffff  }
0x3c8: {  	v6 =	vadd.s32 $0x3, v57;
	[tilespmem:s28+$0x15048] =	vst v8;
	v7 =	vld.idx.msk [tilespmem:v31+s31+$0x0], $0xffff  }
0x3c9: {  	v8 =	vld.idx.msk [tilespmem:v61+s29+$0x0], $0xffff;
	[tilespmem:s25+$0x167C8] =	vst v1  }
0x3ca: {  	[tilespmem:s12+$0x15EC8] =	vst v3;
	v1 =	vld.idx.msk [tilespmem:v36+s5+$0x0], $0xffff;
	v36 =	vmovc v44;
	v44 =	vmovc v20;
	v20 =	vmov v27;
	v27 =	vmov v49;
	v49 =	vmov v60  }
0x3cb: {  	v60 =	vmov v6;
	[tilespmem:s6+$0x15548] =	vst v4;
	v3 =	vld.idx.msk [tilespmem:v50+s2+$0x0], $0xffff  }
0x3cc: {  	[tilespmem:s10+$0x14BC8] =	vst v5;
	v4 =	vld.idx.msk [tilespmem:v53+s30+$0x0], $0xffff  }
0x3cd: {  	v5 =	vld.idx.msk [tilespmem:v6+s16+$0x0], $0xffff;
	[tilespmem:s26+$0x16348] =	vst v2  }
0x3ce: {  	[tilespmem:s14+$0x15A48] =	vst v7;
	v2 =	vld.idx.msk [tilespmem:v38+s4+$0x0], $0xffff  }
0x3cf: {  	v6 =	vadd.s32 $0x4, v57;
	[tilespmem:s28+$0x150C8] =	vst v8;
	v7 =	vld.idx.msk [tilespmem:v23+s0+$0x0], $0xffff  }
0x3d0: {  	v8 =	vld.idx.msk [tilespmem:v62+s29+$0x0], $0xffff;
	[tilespmem:s25+$0x16848] =	vst v1  }
0x3d1: {  	[tilespmem:s12+$0x15F48] =	vst v3;
	v1 =	vld.idx.msk [tilespmem:v35+s5+$0x0], $0xffff;
	v35 =	vmovc v42;
	v42 =	vmovc v19;
	v19 =	vmov v28;
	v28 =	vmov v51;
	v51 =	vmov v61  }
0x3d2: {  	v61 =	vmov v6;
	[tilespmem:s6+$0x155C8] =	vst v4;
	v3 =	vld.idx.msk [tilespmem:v47+s2+$0x0], $0xffff  }
0x3d3: {  	[tilespmem:s10+$0x14C48] =	vst v5;
	v4 =	vld.idx.msk [tilespmem:v55+s30+$0x0], $0xffff  }
0x3d4: {  	v5 =	vld.idx.msk [tilespmem:v6+s16+$0x0], $0xffff;
	[tilespmem:s26+$0x163C8] =	vst v2  }
0x3d5: {  	[tilespmem:s14+$0x15AC8] =	vst v7;
	v2 =	vld.idx.msk [tilespmem:v36+s4+$0x0], $0xffff  }
0x3d6: {  	v6 =	vadd.s32 $0x5, v57;
	[tilespmem:s28+$0x15148] =	vst v8;
	v7 =	vld.idx.msk [tilespmem:v22+s0+$0x0], $0xffff  }
0x3d7: {  	v8 =	vld.idx.msk [tilespmem:v63+s29+$0x0], $0xffff;
	[tilespmem:s25+$0x168C8] =	vst v1  }
0x3d8: {  	[tilespmem:s12+$0x15FC8] =	vst v3;
	v1 =	vld.idx.msk [tilespmem:v34+s5+$0x0], $0xffff;
	v34 =	vmovc v41;
	v41 =	vmovc v18;
	v18 =	vmov v29;
	v29 =	vmov v52;
	v52 =	vmov v62  }
0x3d9: {  	v62 =	vmov v6;
	[tilespmem:s6+$0x15648] =	vst v4;
	v3 =	vld.idx.msk [tilespmem:v44+s2+$0x0], $0xffff  }
0x3da: {  	[tilespmem:s10+$0x14CC8] =	vst v5;
	v4 =	vld.idx.msk [tilespmem:v24+s31+$0x0], $0xffff  }
0x3db: {  	v5 =	vld.idx.msk [tilespmem:v6+s16+$0x0], $0xffff;
	[tilespmem:s26+$0x16448] =	vst v2  }
0x3dc: {  	[tilespmem:s14+$0x15B48] =	vst v7;
	v2 =	vld.idx.msk [tilespmem:v35+s4+$0x0], $0xffff  }
0x3dd: {  	v6 =	vadd.s32 $0x6, v57;
	[tilespmem:s28+$0x151C8] =	vst v8;
	v7 =	vld.idx.msk [tilespmem:v21+s0+$0x0], $0xffff  }
0x3de: {  	v8 =	vld.idx.msk [tilespmem:v0+s29+$0x0], $0xffff;
	[tilespmem:s25+$0x16948] =	vst v1  }
0x3df: {  	[tilespmem:s12+$0x16048] =	vst v3;
	v1 =	vld.idx.msk [tilespmem:v33+s5+$0x0], $0xffff;
	v33 =	vmovc v39;
	v39 =	vmovc v17;
	v17 =	vmov v30;
	v30 =	vmov v53;
	v53 =	vmov v63  }
0x3e0: {  	v63 =	vmov v6;
	[tilespmem:s6+$0x156C8] =	vst v4;
	v3 =	vld.idx.msk [tilespmem:v42+s2+$0x0], $0xffff  }
0x3e1: {  	[tilespmem:s10+$0x14D48] =	vst v5;
	v4 =	vld.idx.msk [tilespmem:v25+s31+$0x0], $0xffff  }
0x3e2: {  	v5 =	vld.idx.msk [tilespmem:v6+s16+$0x0], $0xffff;
	[tilespmem:s26+$0x164C8] =	vst v2  }
0x3e3: {  	[tilespmem:s14+$0x15BC8] =	vst v7;
	v6 =	vld.idx.msk [tilespmem:v34+s4+$0x0], $0xffff  }
0x3e4: {  	v7 =	vadd.s32 $0x7, v57;
	[tilespmem:s28+$0x15248] =	vst v8;
	v8 =	vld.idx.msk [tilespmem:v20+s0+$0x0], $0xffff  }
0x3e5: {  	v9 =	vld.idx.msk [tilespmem:v45+s30+$0x0], $0xffff;
	[tilespmem:s25+$0x169C8] =	vst v1  }
0x3e6: {  	[tilespmem:s12+$0x160C8] =	vst v3;
	v10 =	vld.idx.msk [tilespmem:v32+s5+$0x0], $0xffff;
	v32 =	vmovc v37;
	v37 =	vmovc v16;
	v16 =	vmov v31;
	v31 =	vmov v55;
	v55 =	vmov v0  }
0x3e7: {  	v0 =	vmov v7;
	[tilespmem:s6+$0x15748] =	vst v4;
	v2 =	vld.idx.msk [tilespmem:v41+s2+$0x0], $0xffff  }
.Ltmp1:
0x3e8: {  	[tilespmem:s10+$0x14DC8] =	vst v5;
	v4 =	vld.idx.msk [tilespmem:v26+s31+$0x0], $0xffff;
	(pc) =	sbr.rel @p1 .LBB2_5-.Ltmp1, $4  }
0x3e9: {  	v5 =	vld.idx.msk [tilespmem:v7+s16+$0x0], $0xffff;
	[tilespmem:s26+$0x16548] =	vst v6  }
0x3ea: {  	[tilespmem:s14+$0x15C48] =	vst v8;
	v1 =	vld.idx.msk [tilespmem:v33+s4+$0x0], $0xffff  }
0x3eb: {  	[tilespmem:s28+$0x152C8] =	vst v9;
	v3 =	vld.idx.msk [tilespmem:v19+s0+$0x0], $0xffff  }
0x3ec: {  	v6 =	vld.idx.msk [tilespmem:v46+s30+$0x0], $0xffff;
	[tilespmem:s25+$0x16A48] =	vst v10;
	s25 =	smov.u32 s26;
	s26 =	smov.u32 s12;
	s12 =	smov.u32 s14  }
0x3ed: {  	_ =	sdelay $0x2  }
0x3ee: {  	[tilespmem:s10+$0x14E48] =	vst v5  }
0x3ef: {  	v5 =	vld.idx.msk [tilespmem:v57+s29+$0x0], $0xffff;
	_ =	sdelay $0x2  }
0x3f0: {  	[tilespmem:s28+$0x15348] =	vst v6  }
0x3f1: {  	[tilespmem:s6+$0x157C8] =	vst v4;
	v4 =	vld.idx.msk [tilespmem:v48+s30+$0x0], $0xffff  }
0x3f2: {  	v6 =	vld.idx.msk [tilespmem:v27+s31+$0x0], $0xffff;
	[tilespmem:s10+$0x14EC8] =	vst v5  }
0x3f3: {  	v5 =	vld.idx.msk [tilespmem:v58+s29+$0x0], $0xffff  }
0x3f4: {  	[tilespmem:s26+$0x16148] =	vst v2  }
0x3f5: {  	v2 =	vld.idx.msk [tilespmem:v39+s2+$0x0], $0xffff;
	[tilespmem:s12+$0x15CC8] =	vst v3  }
0x3f6: {  	v3 =	vld.idx.msk [tilespmem:v18+s0+$0x0], $0xffff;
	[tilespmem:s28+$0x153C8] =	vst v4  }
0x3f7: {  	[tilespmem:s6+$0x15848] =	vst v6;
	v4 =	vld.idx.msk [tilespmem:v49+s30+$0x0], $0xffff  }
0x3f8: {  	v6 =	vld.idx.msk [tilespmem:v28+s31+$0x0], $0xffff;
	[tilespmem:s10+$0x14F48] =	vst v5  }
0x3f9: {  	v5 =	vld.idx.msk [tilespmem:v59+s29+$0x0], $0xffff  }
0x3fa: {  	[tilespmem:s26+$0x161C8] =	vst v2  }
0x3fb: {  	v2 =	vld.idx.msk [tilespmem:v37+s2+$0x0], $0xffff;
	[tilespmem:s12+$0x15D48] =	vst v3  }
0x3fc: {  	v3 =	vld.idx.msk [tilespmem:v17+s0+$0x0], $0xffff;
	[tilespmem:s28+$0x15448] =	vst v4  }
0x3fd: {  	[tilespmem:s6+$0x158C8] =	vst v6;
	v4 =	vld.idx.msk [tilespmem:v51+s30+$0x0], $0xffff  }
0x3fe: {  	v6 =	vld.idx.msk [tilespmem:v29+s31+$0x0], $0xffff;
	[tilespmem:s10+$0x14FC8] =	vst v5  }
0x3ff: {  	v5 =	vld.idx.msk [tilespmem:v60+s29+$0x0], $0xffff  }
0x400: {  	[tilespmem:s26+$0x16248] =	vst v2  }
0x401: {  	v2 =	vld.idx.msk [tilespmem:v54+s4+$0x0], $0xffff;
	[tilespmem:s12+$0x15DC8] =	vst v3  }
0x402: {  	v3 =	vld.idx.msk [tilespmem:v16+s0+$0x0], $0xffff;
	[tilespmem:s28+$0x154C8] =	vst v4  }
0x403: {  	[tilespmem:s6+$0x15948] =	vst v6;
	v4 =	vld.idx.msk [tilespmem:v52+s30+$0x0], $0xffff  }
0x404: {  	v6 =	vld.idx.msk [tilespmem:v30+s31+$0x0], $0xffff;
	[tilespmem:s10+$0x15048] =	vst v5  }
0x405: {  	v5 =	vld.idx.msk [tilespmem:v61+s29+$0x0], $0xffff  }
0x406: {  	[tilespmem:s26+$0x162C8] =	vst v2  }
0x407: {  	v2 =	vld.idx.msk [tilespmem:v50+s4+$0x0], $0xffff;
	[tilespmem:s12+$0x15E48] =	vst v3  }
0x408: {  	v3 =	vld.idx.msk [tilespmem:v23+s2+$0x0], $0xffff;
	[tilespmem:s28+$0x15548] =	vst v4  }
0x409: {  	[tilespmem:s6+$0x159C8] =	vst v6;
	v4 =	vld.idx.msk [tilespmem:v53+s30+$0x0], $0xffff  }
0x40a: {  	v6 =	vld.idx.msk [tilespmem:v31+s31+$0x0], $0xffff;
	[tilespmem:s10+$0x150C8] =	vst v5  }
0x40b: {  	v5 =	vld.idx.msk [tilespmem:v62+s29+$0x0], $0xffff  }
0x40c: {  	[tilespmem:s26+$0x16348] =	vst v2  }
0x40d: {  	v2 =	vld.idx.msk [tilespmem:v47+s4+$0x0], $0xffff;
	[tilespmem:s12+$0x15EC8] =	vst v3  }
0x40e: {  	v3 =	vld.idx.msk [tilespmem:v22+s2+$0x0], $0xffff;
	[tilespmem:s28+$0x155C8] =	vst v4  }
0x40f: {  	[tilespmem:s6+$0x15A48] =	vst v6;
	v4 =	vld.idx.msk [tilespmem:v55+s30+$0x0], $0xffff  }
0x410: {  	v6 =	vld.idx.msk [tilespmem:v24+s0+$0x0], $0xffff;
	[tilespmem:s10+$0x15148] =	vst v5  }
0x411: {  	v5 =	vld.idx.msk [tilespmem:v63+s29+$0x0], $0xffff  }
0x412: {  	[tilespmem:s26+$0x163C8] =	vst v2  }
0x413: {  	v2 =	vld.idx.msk [tilespmem:v44+s4+$0x0], $0xffff;
	[tilespmem:s12+$0x15F48] =	vst v3  }
0x414: {  	v3 =	vld.idx.msk [tilespmem:v21+s2+$0x0], $0xffff;
	[tilespmem:s28+$0x15648] =	vst v4  }
0x415: {  	[tilespmem:s6+$0x15AC8] =	vst v6;
	v4 =	vld.idx.msk [tilespmem:v45+s31+$0x0], $0xffff  }
0x416: {  	v6 =	vld.idx.msk [tilespmem:v25+s0+$0x0], $0xffff;
	[tilespmem:s10+$0x151C8] =	vst v5  }
0x417: {  	v5 =	vld.idx.msk [tilespmem:v0+s29+$0x0], $0xffff  }
0x418: {  	[tilespmem:s26+$0x16448] =	vst v2  }
0x419: {  	v2 =	vld.idx.msk [tilespmem:v42+s4+$0x0], $0xffff;
	[tilespmem:s12+$0x15FC8] =	vst v3  }
0x41a: {  	v3 =	vld.idx.msk [tilespmem:v20+s2+$0x0], $0xffff;
	[tilespmem:s28+$0x156C8] =	vst v4  }
0x41b: {  	[tilespmem:s6+$0x15B48] =	vst v6;
	v4 =	vld.idx.msk [tilespmem:v46+s31+$0x0], $0xffff  }
0x41c: {  	v6 =	vld.idx.msk [tilespmem:v26+s0+$0x0], $0xffff;
	[tilespmem:s10+$0x15248] =	vst v5  }
0x41d: {  	v5 =	vld.idx.msk [tilespmem:v57+s30+$0x0], $0xffff  }
0x41e: {  	[tilespmem:s26+$0x164C8] =	vst v2  }
0x41f: {  	v2 =	vld.idx.msk [tilespmem:v41+s4+$0x0], $0xffff;
	[tilespmem:s12+$0x16048] =	vst v3  }
0x420: {  	v3 =	vld.idx.msk [tilespmem:v19+s2+$0x0], $0xffff;
	[tilespmem:s28+$0x15748] =	vst v4  }
0x421: {  	[tilespmem:s6+$0x15BC8] =	vst v6;
	v4 =	vld.idx.msk [tilespmem:v48+s31+$0x0], $0xffff  }
0x422: {  	v6 =	vld.idx.msk [tilespmem:v27+s0+$0x0], $0xffff;
	[tilespmem:s10+$0x152C8] =	vst v5  }
0x423: {  	v5 =	vld.idx.msk [tilespmem:v58+s30+$0x0], $0xffff  }
0x424: {  	[tilespmem:s26+$0x16548] =	vst v2  }
0x425: {  	v2 =	vld.idx.msk [tilespmem:v39+s4+$0x0], $0xffff;
	[tilespmem:s12+$0x160C8] =	vst v3  }
0x426: {  	v3 =	vld.idx.msk [tilespmem:v18+s2+$0x0], $0xffff;
	[tilespmem:s28+$0x157C8] =	vst v4  }
0x427: {  	[tilespmem:s6+$0x15C48] =	vst v6;
	v4 =	vld.idx.msk [tilespmem:v49+s31+$0x0], $0xffff  }
0x428: {  	[tilespmem:s10+$0x15348] =	vst v5;
	v5 =	vld.idx.msk [tilespmem:v28+s0+$0x0], $0xffff  }
0x429: {  	[tilespmem:s25+$0x165C8] =	vst v1;
	v1 =	vld.idx.msk [tilespmem:v59+s30+$0x0], $0xffff  }
0x42a: {  	[tilespmem:s26+$0x165C8] =	vst v2;
	v2 =	vld.idx.msk [tilespmem:v32+s4+$0x0], $0xffff  }
0x42b: {  	[tilespmem:s12+$0x16148] =	vst v3;
	v3 =	vld.idx.msk [tilespmem:v37+s4+$0x0], $0xffff  }
0x42c: {  	[tilespmem:s28+$0x15848] =	vst v4;
	v4 =	vld.idx.msk [tilespmem:v17+s2+$0x0], $0xffff  }
0x42d: {  	[tilespmem:s6+$0x15CC8] =	vst v5;
	v5 =	vld.idx.msk [tilespmem:v51+s31+$0x0], $0xffff  }
0x42e: {  	[tilespmem:s10+$0x153C8] =	vst v1;
	v1 =	vld.idx.msk [tilespmem:v29+s0+$0x0], $0xffff  }
0x42f: {  	[tilespmem:s25+$0x16648] =	vst v2;
	v2 =	vld.idx.msk [tilespmem:v60+s30+$0x0], $0xffff  }
0x430: {  	[tilespmem:s26+$0x16648] =	vst v3;
	v3 =	vld.idx.msk [tilespmem:v43+s5+$0x0], $0xffff  }
0x431: {  	[tilespmem:s12+$0x161C8] =	vst v4;
	v4 =	vld.idx.msk [tilespmem:v54+s5+$0x0], $0xffff  }
0x432: {  	[tilespmem:s28+$0x158C8] =	vst v5;
	v5 =	vld.idx.msk [tilespmem:v16+s2+$0x0], $0xffff  }
0x433: {  	[tilespmem:s6+$0x15D48] =	vst v1;
	v1 =	vld.idx.msk [tilespmem:v52+s31+$0x0], $0xffff  }
0x434: {  	[tilespmem:s10+$0x15448] =	vst v2;
	v2 =	vld.idx.msk [tilespmem:v30+s0+$0x0], $0xffff  }
0x435: {  	[tilespmem:s25+$0x166C8] =	vst v3;
	v3 =	vld.idx.msk [tilespmem:v61+s30+$0x0], $0xffff  }
0x436: {  	[tilespmem:s26+$0x166C8] =	vst v4;
	v4 =	vld.idx.msk [tilespmem:v40+s5+$0x0], $0xffff  }
0x437: {  	[tilespmem:s12+$0x16248] =	vst v5;
	v5 =	vld.idx.msk [tilespmem:v50+s5+$0x0], $0xffff  }
0x438: {  	[tilespmem:s28+$0x15948] =	vst v1;
	v1 =	vld.idx.msk [tilespmem:v23+s4+$0x0], $0xffff  }
0x439: {  	[tilespmem:s6+$0x15DC8] =	vst v2  }
0x43a: {  	[tilespmem:s10+$0x154C8] =	vst v3;
	v3 =	vld.idx.msk [tilespmem:v31+s0+$0x0], $0xffff  }
0x43b: {  	[tilespmem:s25+$0x16748] =	vst v4;
	v4 =	vld.idx.msk [tilespmem:v62+s30+$0x0], $0xffff  }
0x43c: {  	[tilespmem:s26+$0x16748] =	vst v5;
	v5 =	vld.idx.msk [tilespmem:v38+s5+$0x0], $0xffff  }
0x43d: {  	[tilespmem:s12+$0x162C8] =	vst v1;
	v1 =	vld.idx.msk [tilespmem:v47+s5+$0x0], $0xffff;
	_ =	sdelay $0x1  }
0x43e: {  	[tilespmem:s6+$0x15E48] =	vst v3  }
0x43f: {  	[tilespmem:s10+$0x15548] =	vst v4;
	v4 =	vld.idx.msk [tilespmem:v24+s2+$0x0], $0xffff  }
0x440: {  	[tilespmem:s25+$0x167C8] =	vst v5;
	v5 =	vld.idx.msk [tilespmem:v63+s30+$0x0], $0xffff  }
0x441: {  	[tilespmem:s26+$0x167C8] =	vst v1;
	v1 =	vld.idx.msk [tilespmem:v36+s5+$0x0], $0xffff;
	_ =	sdelay $0x2  }
0x442: {  	[tilespmem:s6+$0x15EC8] =	vst v4  }
0x443: {  	[tilespmem:s10+$0x155C8] =	vst v5  }
0x444: {  	[tilespmem:s25+$0x16848] =	vst v1;
	v1 =	vld.idx.msk [tilespmem:v0+s30+$0x0], $0xffff  }
0x445: {  	v4 =	vld.idx.msk [tilespmem:v25+s2+$0x0], $0xffff;
	_ =	sdelay $0x3  }
0x446: {  	[tilespmem:s10+$0x15648] =	vst v1  }
0x447: {  	[tilespmem:s6+$0x15F48] =	vst v4;
	v1 =	vld.idx.msk [tilespmem:v57+s31+$0x0], $0xffff  }
0x448: {  	v4 =	vld.idx.msk [tilespmem:v26+s2+$0x0], $0xffff;
	_ =	sdelay $0x3  }
0x449: {  	[tilespmem:s10+$0x156C8] =	vst v1  }
0x44a: {  	[tilespmem:s6+$0x15FC8] =	vst v4;
	v1 =	vld.idx.msk [tilespmem:v58+s31+$0x0], $0xffff  }
0x44b: {  	v4 =	vld.idx.msk [tilespmem:v27+s2+$0x0], $0xffff;
	_ =	sdelay $0x3  }
0x44c: {  	[tilespmem:s10+$0x15748] =	vst v1  }
0x44d: {  	[tilespmem:s6+$0x16048] =	vst v4;
	v1 =	vld.idx.msk [tilespmem:v59+s31+$0x0], $0xffff  }
0x44e: {  	v4 =	vld.idx.msk [tilespmem:v28+s2+$0x0], $0xffff;
	_ =	sdelay $0x3  }
0x44f: {  	[tilespmem:s10+$0x157C8] =	vst v1  }
0x450: {  	[tilespmem:s6+$0x160C8] =	vst v4;
	v1 =	vld.idx.msk [tilespmem:v60+s31+$0x0], $0xffff  }
0x451: {  	v4 =	vld.idx.msk [tilespmem:v29+s2+$0x0], $0xffff;
	_ =	sdelay $0x3  }
0x452: {  	[tilespmem:s10+$0x15848] =	vst v1  }
0x453: {  	[tilespmem:s6+$0x16148] =	vst v4;
	v4 =	vld.idx.msk [tilespmem:v61+s31+$0x0], $0xffff;
	_ =	sdelay $0x4  }
0x454: {  	[tilespmem:s10+$0x158C8] =	vst v4  }
0x455: {  	v4 =	vld.idx.msk [tilespmem:v62+s31+$0x0], $0xffff;
	_ =	sdelay $0x3  }
0x456: {  	v2 =	vld.idx.msk [tilespmem:v53+s31+$0x0], $0xffff  }
0x457: {  	[tilespmem:s10+$0x15948] =	vst v4  }
0x458: {  	v4 =	vld.idx.msk [tilespmem:v63+s31+$0x0], $0xffff;
	_ =	sdelay $0x2  }
0x459: {  	[tilespmem:s28+$0x159C8] =	vst v2;
	v2 =	vld.idx.msk [tilespmem:v22+s4+$0x0], $0xffff  }
0x45a: {  	v3 =	vld.idx.msk [tilespmem:v55+s31+$0x0], $0xffff  }
0x45b: {  	[tilespmem:s10+$0x159C8] =	vst v4  }
0x45c: {  	v4 =	vld.idx.msk [tilespmem:v0+s31+$0x0], $0xffff;
	_ =	sdelay $0x1  }
0x45d: {  	[tilespmem:s12+$0x16348] =	vst v2  }
0x45e: {  	[tilespmem:s28+$0x15A48] =	vst v3;
	v2 =	vld.idx.msk [tilespmem:v21+s4+$0x0], $0xffff  }
0x45f: {  	v3 =	vld.idx.msk [tilespmem:v45+s0+$0x0], $0xffff  }
0x460: {  	v6 =	vld.idx.msk [tilespmem:v44+s5+$0x0], $0xffff;
	[tilespmem:s10+$0x15A48] =	vst v4  }
0x461: {  	v4 =	vld.idx.msk [tilespmem:v57+s0+$0x0], $0xffff;
	_ =	sdelay $0x1  }
0x462: {  	v5 =	vld.idx.msk [tilespmem:v35+s5+$0x0], $0xffff;
	[tilespmem:s12+$0x163C8] =	vst v2  }
0x463: {  	[tilespmem:s28+$0x15AC8] =	vst v3;
	v2 =	vld.idx.msk [tilespmem:v20+s4+$0x0], $0xffff  }
0x464: {  	[tilespmem:s26+$0x16848] =	vst v6;
	v3 =	vld.idx.msk [tilespmem:v46+s0+$0x0], $0xffff  }
0x465: {  	v6 =	vld.idx.msk [tilespmem:v42+s5+$0x0], $0xffff;
	[tilespmem:s10+$0x15AC8] =	vst v4  }
0x466: {  	v4 =	vld.idx.msk [tilespmem:v58+s0+$0x0], $0xffff  }
0x467: {  	[tilespmem:s25+$0x168C8] =	vst v5  }
0x468: {  	v5 =	vld.idx.msk [tilespmem:v34+s5+$0x0], $0xffff;
	[tilespmem:s12+$0x16448] =	vst v2  }
0x469: {  	[tilespmem:s28+$0x15B48] =	vst v3;
	v2 =	vld.idx.msk [tilespmem:v19+s4+$0x0], $0xffff  }
0x46a: {  	[tilespmem:s26+$0x168C8] =	vst v6;
	v3 =	vld.idx.msk [tilespmem:v48+s0+$0x0], $0xffff  }
0x46b: {  	v6 =	vld.idx.msk [tilespmem:v41+s5+$0x0], $0xffff;
	[tilespmem:s10+$0x15B48] =	vst v4  }
0x46c: {  	v4 =	vld.idx.msk [tilespmem:v59+s0+$0x0], $0xffff  }
0x46d: {  	[tilespmem:s25+$0x16948] =	vst v5  }
0x46e: {  	v5 =	vld.idx.msk [tilespmem:v33+s5+$0x0], $0xffff;
	[tilespmem:s12+$0x164C8] =	vst v2  }
0x46f: {  	[tilespmem:s28+$0x15BC8] =	vst v3;
	v2 =	vld.idx.msk [tilespmem:v18+s4+$0x0], $0xffff  }
0x470: {  	[tilespmem:s26+$0x16948] =	vst v6;
	v3 =	vld.idx.msk [tilespmem:v49+s0+$0x0], $0xffff  }
0x471: {  	v6 =	vld.idx.msk [tilespmem:v39+s5+$0x0], $0xffff;
	[tilespmem:s10+$0x15BC8] =	vst v4  }
0x472: {  	v4 =	vld.idx.msk [tilespmem:v60+s0+$0x0], $0xffff  }
0x473: {  	[tilespmem:s25+$0x169C8] =	vst v5  }
0x474: {  	v5 =	vld.idx.msk [tilespmem:v32+s5+$0x0], $0xffff;
	[tilespmem:s12+$0x16548] =	vst v2  }
0x475: {  	[tilespmem:s28+$0x15C48] =	vst v3;
	v2 =	vld.idx.msk [tilespmem:v17+s4+$0x0], $0xffff  }
0x476: {  	[tilespmem:s26+$0x169C8] =	vst v6;
	v3 =	vld.idx.msk [tilespmem:v51+s0+$0x0], $0xffff  }
0x477: {  	v6 =	vld.idx.msk [tilespmem:v37+s5+$0x0], $0xffff;
	[tilespmem:s10+$0x15C48] =	vst v4  }
0x478: {  	v4 =	vld.idx.msk [tilespmem:v61+s0+$0x0], $0xffff  }
0x479: {  	[tilespmem:s25+$0x16A48] =	vst v5  }
0x47a: {  	[tilespmem:s12+$0x165C8] =	vst v2  }
0x47b: {  	[tilespmem:s28+$0x15CC8] =	vst v3;
	v2 =	vld.idx.msk [tilespmem:v16+s4+$0x0], $0xffff  }
0x47c: {  	[tilespmem:s26+$0x16A48] =	vst v6;
	v3 =	vld.idx.msk [tilespmem:v52+s0+$0x0], $0xffff  }
0x47d: {  	v1 =	vld.idx.msk [tilespmem:v30+s2+$0x0], $0xffff;
	[tilespmem:s10+$0x15CC8] =	vst v4  }
0x47e: {  	v4 =	vld.idx.msk [tilespmem:v62+s0+$0x0], $0xffff;
	_ =	sdelay $0x3  }
0x47f: {  	[tilespmem:s28+$0x15D48] =	vst v3  }
0x480: {  	v3 =	vld.idx.msk [tilespmem:v53+s0+$0x0], $0xffff;
	[tilespmem:s10+$0x15D48] =	vst v4  }
0x481: {  	v4 =	vld.idx.msk [tilespmem:v63+s0+$0x0], $0xffff;
	_ =	sdelay $0x3  }
0x482: {  	[tilespmem:s28+$0x15DC8] =	vst v3  }
0x483: {  	v3 =	vld.idx.msk [tilespmem:v55+s0+$0x0], $0xffff;
	[tilespmem:s10+$0x15DC8] =	vst v4  }
0x484: {  	v4 =	vld.idx.msk [tilespmem:v0+s0+$0x0], $0xffff;
	_ =	sdelay $0x3  }
0x485: {  	[tilespmem:s28+$0x15E48] =	vst v3  }
0x486: {  	v3 =	vld.idx.msk [tilespmem:v45+s2+$0x0], $0xffff;
	[tilespmem:s10+$0x15E48] =	vst v4  }
0x487: {  	v4 =	vld.idx.msk [tilespmem:v57+s2+$0x0], $0xffff;
	_ =	sdelay $0x3  }
0x488: {  	[tilespmem:s28+$0x15EC8] =	vst v3  }
0x489: {  	v3 =	vld.idx.msk [tilespmem:v46+s2+$0x0], $0xffff;
	[tilespmem:s10+$0x15EC8] =	vst v4  }
0x48a: {  	v4 =	vld.idx.msk [tilespmem:v58+s2+$0x0], $0xffff;
	_ =	sdelay $0x3  }
0x48b: {  	[tilespmem:s28+$0x15F48] =	vst v3  }
0x48c: {  	v3 =	vld.idx.msk [tilespmem:v48+s2+$0x0], $0xffff;
	[tilespmem:s10+$0x15F48] =	vst v4  }
0x48d: {  	v4 =	vld.idx.msk [tilespmem:v59+s2+$0x0], $0xffff;
	_ =	sdelay $0x3  }
0x48e: {  	[tilespmem:s28+$0x15FC8] =	vst v3  }
0x48f: {  	v3 =	vld.idx.msk [tilespmem:v49+s2+$0x0], $0xffff;
	[tilespmem:s10+$0x15FC8] =	vst v4  }
0x490: {  	v4 =	vld.idx.msk [tilespmem:v60+s2+$0x0], $0xffff;
	_ =	sdelay $0x3  }
0x491: {  	[tilespmem:s28+$0x16048] =	vst v3  }
0x492: {  	v3 =	vld.idx.msk [tilespmem:v51+s2+$0x0], $0xffff;
	[tilespmem:s10+$0x16048] =	vst v4  }
0x493: {  	v4 =	vld.idx.msk [tilespmem:v61+s2+$0x0], $0xffff;
	_ =	sdelay $0x3  }
0x494: {  	[tilespmem:s28+$0x160C8] =	vst v3  }
0x495: {  	v3 =	vld.idx.msk [tilespmem:v52+s2+$0x0], $0xffff;
	[tilespmem:s10+$0x160C8] =	vst v4  }
0x496: {  	v4 =	vld.idx.msk [tilespmem:v62+s2+$0x0], $0xffff;
	_ =	sdelay $0x3  }
0x497: {  	[tilespmem:s28+$0x16148] =	vst v3  }
0x498: {  	v3 =	vld.idx.msk [tilespmem:v53+s2+$0x0], $0xffff;
	[tilespmem:s10+$0x16148] =	vst v4  }
0x499: {  	v4 =	vld.idx.msk [tilespmem:v63+s2+$0x0], $0xffff;
	_ =	sdelay $0x2  }
0x49a: {  	[tilespmem:s6+$0x161C8] =	vst v1  }
0x49b: {  	v1 =	vld.idx.msk [tilespmem:v31+s2+$0x0], $0xffff;
	[tilespmem:s28+$0x161C8] =	vst v3  }
0x49c: {  	v3 =	vld.idx.msk [tilespmem:v55+s2+$0x0], $0xffff;
	[tilespmem:s10+$0x161C8] =	vst v4  }
0x49d: {  	v4 =	vld.idx.msk [tilespmem:v0+s2+$0x0], $0xffff;
	_ =	sdelay $0x2  }
0x49e: {  	[tilespmem:s6+$0x16248] =	vst v1  }
0x49f: {  	v1 =	vld.idx.msk [tilespmem:v24+s4+$0x0], $0xffff;
	[tilespmem:s28+$0x16248] =	vst v3  }
0x4a0: {  	v3 =	vld.idx.msk [tilespmem:v45+s4+$0x0], $0xffff;
	[tilespmem:s10+$0x16248] =	vst v4  }
0x4a1: {  	v4 =	vld.idx.msk [tilespmem:v57+s4+$0x0], $0xffff;
	_ =	sdelay $0x2  }
0x4a2: {  	[tilespmem:s6+$0x162C8] =	vst v1  }
0x4a3: {  	v1 =	vld.idx.msk [tilespmem:v25+s4+$0x0], $0xffff;
	[tilespmem:s28+$0x162C8] =	vst v3  }
0x4a4: {  	v3 =	vld.idx.msk [tilespmem:v46+s4+$0x0], $0xffff;
	[tilespmem:s10+$0x162C8] =	vst v4  }
0x4a5: {  	v4 =	vld.idx.msk [tilespmem:v58+s4+$0x0], $0xffff;
	_ =	sdelay $0x2  }
0x4a6: {  	[tilespmem:s6+$0x16348] =	vst v1  }
0x4a7: {  	v1 =	vld.idx.msk [tilespmem:v26+s4+$0x0], $0xffff;
	[tilespmem:s28+$0x16348] =	vst v3  }
0x4a8: {  	v3 =	vld.idx.msk [tilespmem:v48+s4+$0x0], $0xffff;
	[tilespmem:s10+$0x16348] =	vst v4  }
0x4a9: {  	v4 =	vld.idx.msk [tilespmem:v59+s4+$0x0], $0xffff;
	_ =	sdelay $0x2  }
0x4aa: {  	[tilespmem:s6+$0x163C8] =	vst v1  }
0x4ab: {  	v1 =	vld.idx.msk [tilespmem:v27+s4+$0x0], $0xffff;
	[tilespmem:s28+$0x163C8] =	vst v3  }
0x4ac: {  	v3 =	vld.idx.msk [tilespmem:v49+s4+$0x0], $0xffff;
	[tilespmem:s10+$0x163C8] =	vst v4  }
0x4ad: {  	v4 =	vld.idx.msk [tilespmem:v60+s4+$0x0], $0xffff;
	_ =	sdelay $0x2  }
0x4ae: {  	[tilespmem:s6+$0x16448] =	vst v1  }
0x4af: {  	v1 =	vld.idx.msk [tilespmem:v28+s4+$0x0], $0xffff;
	[tilespmem:s28+$0x16448] =	vst v3  }
0x4b0: {  	v3 =	vld.idx.msk [tilespmem:v51+s4+$0x0], $0xffff;
	[tilespmem:s10+$0x16448] =	vst v4  }
0x4b1: {  	v4 =	vld.idx.msk [tilespmem:v61+s4+$0x0], $0xffff;
	_ =	sdelay $0x2  }
0x4b2: {  	[tilespmem:s6+$0x164C8] =	vst v1  }
0x4b3: {  	v1 =	vld.idx.msk [tilespmem:v29+s4+$0x0], $0xffff;
	[tilespmem:s28+$0x164C8] =	vst v3  }
0x4b4: {  	v3 =	vld.idx.msk [tilespmem:v52+s4+$0x0], $0xffff;
	[tilespmem:s10+$0x164C8] =	vst v4  }
0x4b5: {  	v4 =	vld.idx.msk [tilespmem:v62+s4+$0x0], $0xffff;
	_ =	sdelay $0x2  }
0x4b6: {  	[tilespmem:s6+$0x16548] =	vst v1  }
0x4b7: {  	v1 =	vld.idx.msk [tilespmem:v30+s4+$0x0], $0xffff;
	[tilespmem:s28+$0x16548] =	vst v3  }
0x4b8: {  	v3 =	vld.idx.msk [tilespmem:v53+s4+$0x0], $0xffff;
	[tilespmem:s10+$0x16548] =	vst v4  }
0x4b9: {  	v4 =	vld.idx.msk [tilespmem:v63+s4+$0x0], $0xffff;
	_ =	sdelay $0x2  }
0x4ba: {  	[tilespmem:s6+$0x165C8] =	vst v1  }
0x4bb: {  	v1 =	vld.idx.msk [tilespmem:v31+s4+$0x0], $0xffff;
	[tilespmem:s28+$0x165C8] =	vst v3  }
0x4bc: {  	v3 =	vld.idx.msk [tilespmem:v55+s4+$0x0], $0xffff;
	[tilespmem:s10+$0x165C8] =	vst v4  }
0x4bd: {  	v4 =	vld.idx.msk [tilespmem:v0+s4+$0x0], $0xffff;
	_ =	sdelay $0x1  }
0x4be: {  	[tilespmem:s12+$0x16648] =	vst v2  }
0x4bf: {  	v2 =	vld.idx.msk [tilespmem:v23+s5+$0x0], $0xffff;
	[tilespmem:s6+$0x16648] =	vst v1  }
0x4c0: {  	v1 =	vld.idx.msk [tilespmem:v24+s5+$0x0], $0xffff;
	[tilespmem:s28+$0x16648] =	vst v3  }
0x4c1: {  	v3 =	vld.idx.msk [tilespmem:v45+s5+$0x0], $0xffff;
	[tilespmem:s10+$0x16648] =	vst v4  }
0x4c2: {  	v4 =	vld.idx.msk [tilespmem:v57+s5+$0x0], $0xffff;
	_ =	sdelay $0x1  }
0x4c3: {  	[tilespmem:s12+$0x166C8] =	vst v2  }
0x4c4: {  	v2 =	vld.idx.msk [tilespmem:v22+s5+$0x0], $0xffff;
	[tilespmem:s6+$0x166C8] =	vst v1  }
0x4c5: {  	v1 =	vld.idx.msk [tilespmem:v25+s5+$0x0], $0xffff;
	[tilespmem:s28+$0x166C8] =	vst v3  }
0x4c6: {  	v3 =	vld.idx.msk [tilespmem:v46+s5+$0x0], $0xffff;
	[tilespmem:s10+$0x166C8] =	vst v4  }
0x4c7: {  	v4 =	vld.idx.msk [tilespmem:v58+s5+$0x0], $0xffff;
	_ =	sdelay $0x1  }
0x4c8: {  	[tilespmem:s12+$0x16748] =	vst v2  }
0x4c9: {  	v2 =	vld.idx.msk [tilespmem:v21+s5+$0x0], $0xffff;
	[tilespmem:s6+$0x16748] =	vst v1  }
0x4ca: {  	v1 =	vld.idx.msk [tilespmem:v26+s5+$0x0], $0xffff;
	[tilespmem:s28+$0x16748] =	vst v3  }
0x4cb: {  	v3 =	vld.idx.msk [tilespmem:v48+s5+$0x0], $0xffff;
	[tilespmem:s10+$0x16748] =	vst v4  }
0x4cc: {  	v4 =	vld.idx.msk [tilespmem:v59+s5+$0x0], $0xffff;
	_ =	sdelay $0x1  }
0x4cd: {  	[tilespmem:s12+$0x167C8] =	vst v2  }
0x4ce: {  	v2 =	vld.idx.msk [tilespmem:v20+s5+$0x0], $0xffff;
	[tilespmem:s6+$0x167C8] =	vst v1  }
0x4cf: {  	v1 =	vld.idx.msk [tilespmem:v27+s5+$0x0], $0xffff;
	[tilespmem:s28+$0x167C8] =	vst v3  }
0x4d0: {  	v3 =	vld.idx.msk [tilespmem:v49+s5+$0x0], $0xffff;
	[tilespmem:s10+$0x167C8] =	vst v4  }
0x4d1: {  	v4 =	vld.idx.msk [tilespmem:v60+s5+$0x0], $0xffff;
	_ =	sdelay $0x1  }
0x4d2: {  	[tilespmem:s12+$0x16848] =	vst v2  }
0x4d3: {  	v2 =	vld.idx.msk [tilespmem:v19+s5+$0x0], $0xffff;
	[tilespmem:s6+$0x16848] =	vst v1  }
0x4d4: {  	v1 =	vld.idx.msk [tilespmem:v28+s5+$0x0], $0xffff;
	[tilespmem:s28+$0x16848] =	vst v3  }
0x4d5: {  	v3 =	vld.idx.msk [tilespmem:v51+s5+$0x0], $0xffff;
	[tilespmem:s10+$0x16848] =	vst v4  }
0x4d6: {  	v4 =	vld.idx.msk [tilespmem:v61+s5+$0x0], $0xffff;
	_ =	sdelay $0x1  }
0x4d7: {  	[tilespmem:s12+$0x168C8] =	vst v2  }
0x4d8: {  	v2 =	vld.idx.msk [tilespmem:v18+s5+$0x0], $0xffff;
	[tilespmem:s6+$0x168C8] =	vst v1  }
0x4d9: {  	v1 =	vld.idx.msk [tilespmem:v29+s5+$0x0], $0xffff;
	[tilespmem:s28+$0x168C8] =	vst v3  }
0x4da: {  	v3 =	vld.idx.msk [tilespmem:v52+s5+$0x0], $0xffff;
	[tilespmem:s10+$0x168C8] =	vst v4  }
0x4db: {  	v4 =	vld.idx.msk [tilespmem:v62+s5+$0x0], $0xffff;
	_ =	sdelay $0x1  }
0x4dc: {  	[tilespmem:s12+$0x16948] =	vst v2  }
0x4dd: {  	v2 =	vld.idx.msk [tilespmem:v17+s5+$0x0], $0xffff;
	[tilespmem:s6+$0x16948] =	vst v1  }
0x4de: {  	v1 =	vld.idx.msk [tilespmem:v30+s5+$0x0], $0xffff;
	[tilespmem:s28+$0x16948] =	vst v3  }
0x4df: {  	v3 =	vld.idx.msk [tilespmem:v53+s5+$0x0], $0xffff;
	[tilespmem:s10+$0x16948] =	vst v4  }
0x4e0: {  	v4 =	vld.idx.msk [tilespmem:v63+s5+$0x0], $0xffff;
	_ =	sdelay $0x1  }
0x4e1: {  	[tilespmem:s12+$0x169C8] =	vst v2  }
0x4e2: {  	v2 =	vld.idx.msk [tilespmem:v16+s5+$0x0], $0xffff;
	[tilespmem:s6+$0x169C8] =	vst v1  }
0x4e3: {  	v1 =	vld.idx.msk [tilespmem:v31+s5+$0x0], $0xffff;
	[tilespmem:s28+$0x169C8] =	vst v3  }
0x4e4: {  	v3 =	vld.idx.msk [tilespmem:v55+s5+$0x0], $0xffff;
	[tilespmem:s10+$0x169C8] =	vst v4  }
0x4e5: {  	v0 =	vld.idx.msk [tilespmem:v0+s5+$0x0], $0xffff;
	_ =	sdelay $0x1  }
0x4e6: {  	[tilespmem:s12+$0x16A48] =	vst v2  }
0x4e7: {  	[tilespmem:s6+$0x16A48] =	vst v1  }
0x4e8: {  	[tilespmem:s28+$0x16A48] =	vst v3  }
0x4e9: {  	[tilespmem:s10+$0x16A48] =	vst v0  }
0x4ea: {  	s6 =	rddreg [dreg:$0xd]  }
0x4eb: {  	s15 =	simm.s32 $0x400;
	s11 =	simm.s32 $0x20000;
	s10 =	rddreg [dreg:$0x15]  }
0x4ec: {  	s25 =	simm.s32 $0x14AC8;
	s26 =	rddreg [dreg:$0x12];
	s6 =	sadd.s32 s10, s6  }
0x4ed: {  	v63 =	vmov s26;
	[hbm4b:s6+s15] =	stream.strided.scatter [tilespmem:s25], [sflag:$0x3], $0x2000, s11, s15, $0x38;
	[tilespmem:$0x18AC8] =	vst v63  }
0x4ee: {  	s6 =	simm.s32 @!p0 $0x4  }
0x4ef: {  	_ =	swait.ge @!p0 [sflag:s6], $0x2000  }
0x4f0: {  	[sflag:s6] =	ssyncset.done @!p0 $0x0  }
0x4f1: {  	s26 =	simm.s32 $0x0;
	[sflag:s6] =	ssyncadd.s32 @!p0 $0xFFFFE000  }
0x4f2: {  	v0 =	vld.idx.msk [tilespmem:v63+s26+$0x0 ss:$0x1], $0xffff;
	_ =	sdelay $0x1  }
0x4f3: {  	v8 =	vld [tilespmem:$0x1FF70];
	_ =	sdelay $0x1  }
0x4f4: {  	v7 =	vld [tilespmem:$0x1FF50]  }
0x4f5: {  	v0 =	vmul.u32 $0x410, v0;
	_ =	sdelay $0x1  }
0x4f6: {  	v1 =	vadd.s32 v8, v0  }
0x4f7: {  	v1 =	vand.u32 $0xFFFFFFF8, v1  }
0x4f8: {  	v6 =	vld [tilespmem:$0x1FF80];
	v23 =	vor.u32 v7, v1;
	_ =	sdelay $0x3  }
0x4f9: {  	s15 =	simm.s32 $0x11E58  }
0x4fa: {  	v1 =	vadd.s32 v6, v0;
	v2 =	vld.idx.msk [tilespmem:v23+s15+$0x0], $0xffff  }
0x4fb: {  	v1 =	vand.u32 $0xFFFFFFF8, v1  }
0x4fc: {  	v22 =	vor.u32 v12, v1;
	_ =	sdelay $0x2  }
0x4fd: {  	[tilespmem:s26+$0x16AC8] =	vst v2  }
0x4fe: {  	v9 =	vld [tilespmem:$0x1FF00]  }
0x4ff: {  	v2 =	vld.idx.msk [tilespmem:v22+s15+$0x0], $0xffff  }
0x500: {  	v14 =	vld [tilespmem:$0x1FFA0];
	_ =	sdelay $0x2  }
0x501: {  	v1 =	vadd.s32 v9, v0  }
0x502: {  	[tilespmem:s26+$0x16B48] =	vst v2;
	v1 =	vand.u32 $0xFFFFFFF8, v1  }
0x503: {  	v10 =	vld [tilespmem:$0x1FF10];
	v21 =	vor.u32 v14, v1;
	_ =	sdelay $0x1  }
0x504: {  	v51 =	vld [tilespmem:$0x1FFB0];
	_ =	sdelay $0x2  }
0x505: {  	v1 =	vadd.s32 v10, v0;
	v2 =	vld.idx.msk [tilespmem:v21+s15+$0x0], $0xffff  }
0x506: {  	v1 =	vand.u32 $0xFFFFFFF8, v1  }
0x507: {  	v20 =	vor.u32 v51, v1;
	_ =	sdelay $0x2  }
0x508: {  	[tilespmem:s26+$0x16BC8] =	vst v2  }
0x509: {  	v11 =	vld [tilespmem:$0x1FF20]  }
0x50a: {  	v2 =	vld.idx.msk [tilespmem:v20+s15+$0x0], $0xffff  }
0x50b: {  	v52 =	vld [tilespmem:$0x1FFC0];
	_ =	sdelay $0x2  }
0x50c: {  	v1 =	vadd.s32 v11, v0  }
0x50d: {  	[tilespmem:s26+$0x16C48] =	vst v2;
	v1 =	vand.u32 $0xFFFFFFF8, v1  }
0x50e: {  	v13 =	vld [tilespmem:$0x1FF30];
	v19 =	vor.u32 v52, v1;
	_ =	sdelay $0x1  }
0x50f: {  	v53 =	vld [tilespmem:$0x1FFD0];
	_ =	sdelay $0x2  }
0x510: {  	v1 =	vadd.s32 v13, v0;
	v2 =	vld.idx.msk [tilespmem:v19+s15+$0x0], $0xffff  }
0x511: {  	v1 =	vand.u32 $0xFFFFFFF8, v1  }
0x512: {  	v18 =	vor.u32 v53, v1;
	_ =	sdelay $0x2  }
0x513: {  	[tilespmem:s26+$0x16CC8] =	vst v2  }
0x514: {  	v60 =	vld [tilespmem:$0x1FF40]  }
0x515: {  	v2 =	vld.idx.msk [tilespmem:v18+s15+$0x0], $0xffff;
	_ =	sdelay $0x1  }
0x516: {  	v54 =	vld [tilespmem:$0x1FFE0];
	_ =	sdelay $0x2  }
0x517: {  	v1 =	vadd.s32 v60, v0;
	[tilespmem:s26+$0x16D48] =	vst v2  }
0x518: {  	v1 =	vand.u32 $0xFFFFFFF8, v1;
	v55 =	vld [tilespmem:$0x1FF90]  }
0x519: {  	v17 =	vor.u32 v54, v1  }
0x51a: {  	v57 =	vld [tilespmem:$0x1FFF0];
	_ =	sdelay $0x2  }
0x51b: {  	v0 =	vadd.s32 v55, v0  }
0x51c: {  	v1 =	vld.idx.msk [tilespmem:v17+s15+$0x0], $0xffff;
	v0 =	vand.u32 $0xFFFFFFF8, v0  }
0x51d: {  	v16 =	vor.u32 v57, v0;
	_ =	sdelay $0x3  }
0x51e: {  	[tilespmem:s26+$0x16DC8] =	vst v1  }
0x51f: {  	v0 =	vld.idx.msk [tilespmem:v16+s15+$0x0], $0xffff;
	_ =	sdelay $0x4  }
0x520: {  	[tilespmem:s26+$0x16E48] =	vst v0  }
0x521: {  	v0 =	vld.idx.msk [tilespmem:v23+s7+$0x0], $0xffff;
	_ =	sdelay $0x3  }
0x522: {  	s25 =	simm.s32 $0x10  }
0x523: {  	v1 =	vld.idx.msk [tilespmem:v63+s25+$0x0 ss:$0x1], $0xffff;
	[tilespmem:s26+$0x16EC8] =	vst v0  }
0x524: {  	v0 =	vld.idx.msk [tilespmem:v22+s7+$0x0], $0xffff;
	_ =	sdelay $0x3  }
0x525: {  	v1 =	vmul.u32 $0x410, v1  }
0x526: {  	[tilespmem:s26+$0x16F48] =	vst v0  }
0x527: {  	v2 =	vadd.s32 v8, v1;
	v0 =	vld.idx.msk [tilespmem:v21+s7+$0x0], $0xffff  }
0x528: {  	v2 =	vand.u32 $0xFFFFFFF8, v2  }
0x529: {  	v31 =	vor.u32 v7, v2;
	_ =	sdelay $0x2  }
0x52a: {  	[tilespmem:s26+$0x16FC8] =	vst v0  }
0x52b: {  	v2 =	vadd.s32 v6, v1;
	v0 =	vld.idx.msk [tilespmem:v20+s7+$0x0], $0xffff  }
0x52c: {  	v2 =	vand.u32 $0xFFFFFFF8, v2;
	v3 =	vld.idx.msk [tilespmem:v31+s15+$0x0], $0xffff  }
0x52d: {  	v30 =	vor.u32 v12, v2;
	_ =	sdelay $0x2  }
0x52e: {  	[tilespmem:s26+$0x17048] =	vst v0  }
0x52f: {  	v2 =	vadd.s32 v9, v1;
	[tilespmem:s25+$0x16AC8] =	vst v3;
	v0 =	vld.idx.msk [tilespmem:v19+s7+$0x0], $0xffff  }
0x530: {  	v2 =	vand.u32 $0xFFFFFFF8, v2;
	v3 =	vld.idx.msk [tilespmem:v30+s15+$0x0], $0xffff  }
0x531: {  	v29 =	vor.u32 v14, v2;
	_ =	sdelay $0x2  }
0x532: {  	[tilespmem:s26+$0x170C8] =	vst v0  }
0x533: {  	v2 =	vadd.s32 v10, v1;
	[tilespmem:s25+$0x16B48] =	vst v3;
	v0 =	vld.idx.msk [tilespmem:v18+s7+$0x0], $0xffff  }
0x534: {  	v2 =	vand.u32 $0xFFFFFFF8, v2;
	v3 =	vld.idx.msk [tilespmem:v29+s15+$0x0], $0xffff  }
0x535: {  	v28 =	vor.u32 v51, v2;
	_ =	sdelay $0x2  }
0x536: {  	[tilespmem:s26+$0x17148] =	vst v0  }
0x537: {  	v2 =	vadd.s32 v11, v1;
	[tilespmem:s25+$0x16BC8] =	vst v3;
	v0 =	vld.idx.msk [tilespmem:v17+s7+$0x0], $0xffff  }
0x538: {  	v2 =	vand.u32 $0xFFFFFFF8, v2;
	v3 =	vld.idx.msk [tilespmem:v28+s15+$0x0], $0xffff  }
0x539: {  	v27 =	vor.u32 v52, v2;
	_ =	sdelay $0x2  }
0x53a: {  	[tilespmem:s26+$0x171C8] =	vst v0  }
0x53b: {  	v2 =	vadd.s32 v13, v1;
	[tilespmem:s25+$0x16C48] =	vst v3;
	v0 =	vld.idx.msk [tilespmem:v16+s7+$0x0], $0xffff  }
0x53c: {  	v2 =	vand.u32 $0xFFFFFFF8, v2;
	v3 =	vld.idx.msk [tilespmem:v27+s15+$0x0], $0xffff  }
0x53d: {  	v26 =	vor.u32 v53, v2;
	_ =	sdelay $0x2  }
0x53e: {  	[tilespmem:s26+$0x17248] =	vst v0  }
0x53f: {  	v2 =	vadd.s32 v60, v1;
	[tilespmem:s25+$0x16CC8] =	vst v3;
	v0 =	vld.idx.msk [tilespmem:v23+s8+$0x0], $0xffff  }
0x540: {  	v2 =	vand.u32 $0xFFFFFFF8, v2;
	v3 =	vld.idx.msk [tilespmem:v26+s15+$0x0], $0xffff  }
0x541: {  	v25 =	vor.u32 v54, v2;
	_ =	sdelay $0x2  }
0x542: {  	[tilespmem:s26+$0x172C8] =	vst v0  }
0x543: {  	v1 =	vadd.s32 v55, v1;
	[tilespmem:s25+$0x16D48] =	vst v3;
	v0 =	vld.idx.msk [tilespmem:v22+s8+$0x0], $0xffff  }
0x544: {  	v1 =	vand.u32 $0xFFFFFFF8, v1;
	v2 =	vld.idx.msk [tilespmem:v25+s15+$0x0], $0xffff  }
0x545: {  	v24 =	vor.u32 v57, v1;
	_ =	sdelay $0x2  }
0x546: {  	[tilespmem:s26+$0x17348] =	vst v0  }
0x547: {  	[tilespmem:s25+$0x16DC8] =	vst v2;
	v0 =	vld.idx.msk [tilespmem:v21+s8+$0x0], $0xffff  }
0x548: {  	v1 =	vld.idx.msk [tilespmem:v24+s15+$0x0], $0xffff;
	_ =	sdelay $0x3  }
0x549: {  	[tilespmem:s26+$0x173C8] =	vst v0  }
0x54a: {  	[tilespmem:s25+$0x16E48] =	vst v1;
	v0 =	vld.idx.msk [tilespmem:v20+s8+$0x0], $0xffff  }
0x54b: {  	v1 =	vld.idx.msk [tilespmem:v31+s7+$0x0], $0xffff;
	_ =	sdelay $0x2  }
0x54c: {  	s12 =	simm.s32 $0x20  }
0x54d: {  	v2 =	vld.idx.msk [tilespmem:v63+s12+$0x0 ss:$0x1], $0xffff;
	[tilespmem:s26+$0x17448] =	vst v0  }
0x54e: {  	[tilespmem:s25+$0x16EC8] =	vst v1;
	v0 =	vld.idx.msk [tilespmem:v19+s8+$0x0], $0xffff  }
0x54f: {  	v1 =	vld.idx.msk [tilespmem:v30+s7+$0x0], $0xffff;
	_ =	sdelay $0x3  }
0x550: {  	[tilespmem:s26+$0x174C8] =	vst v0;
	v0 =	vmul.u32 $0x410, v2  }
0x551: {  	[tilespmem:s25+$0x16F48] =	vst v1;
	v1 =	vld.idx.msk [tilespmem:v18+s8+$0x0], $0xffff  }
0x552: {  	v2 =	vld.idx.msk [tilespmem:v29+s7+$0x0], $0xffff;
	v3 =	vadd.s32 v8, v0  }
0x553: {  	v3 =	vand.u32 $0xFFFFFFF8, v3  }
0x554: {  	v39 =	vor.u32 v7, v3;
	_ =	sdelay $0x1  }
0x555: {  	[tilespmem:s26+$0x17548] =	vst v1  }
0x556: {  	[tilespmem:s25+$0x16FC8] =	vst v2;
	v1 =	vld.idx.msk [tilespmem:v17+s8+$0x0], $0xffff  }
0x557: {  	v3 =	vadd.s32 v6, v0;
	v2 =	vld.idx.msk [tilespmem:v28+s7+$0x0], $0xffff  }
0x558: {  	v3 =	vand.u32 $0xFFFFFFF8, v3;
	v4 =	vld.idx.msk [tilespmem:v39+s15+$0x0], $0xffff  }
0x559: {  	v38 =	vor.u32 v12, v3;
	_ =	sdelay $0x1  }
0x55a: {  	[tilespmem:s26+$0x175C8] =	vst v1  }
0x55b: {  	[tilespmem:s25+$0x17048] =	vst v2;
	v1 =	vld.idx.msk [tilespmem:v16+s8+$0x0], $0xffff  }
0x55c: {  	v3 =	vadd.s32 v9, v0;
	v2 =	vld.idx.msk [tilespmem:v27+s7+$0x0], $0xffff;
	[tilespmem:s12+$0x16AC8] =	vst v4  }
0x55d: {  	v3 =	vand.u32 $0xFFFFFFF8, v3;
	v4 =	vld.idx.msk [tilespmem:v38+s15+$0x0], $0xffff  }
0x55e: {  	v37 =	vor.u32 v14, v3;
	_ =	sdelay $0x1  }
0x55f: {  	[tilespmem:s26+$0x17648] =	vst v1  }
0x560: {  	[tilespmem:s25+$0x170C8] =	vst v2;
	v1 =	vld.idx.msk [tilespmem:v23+s9+$0x0], $0xffff  }
0x561: {  	v3 =	vadd.s32 v10, v0;
	v2 =	vld.idx.msk [tilespmem:v26+s7+$0x0], $0xffff;
	[tilespmem:s12+$0x16B48] =	vst v4  }
0x562: {  	v3 =	vand.u32 $0xFFFFFFF8, v3;
	v4 =	vld.idx.msk [tilespmem:v37+s15+$0x0], $0xffff  }
0x563: {  	v36 =	vor.u32 v51, v3;
	_ =	sdelay $0x1  }
0x564: {  	[tilespmem:s26+$0x176C8] =	vst v1  }
0x565: {  	[tilespmem:s25+$0x17148] =	vst v2;
	v1 =	vld.idx.msk [tilespmem:v22+s9+$0x0], $0xffff  }
0x566: {  	v3 =	vadd.s32 v11, v0;
	v2 =	vld.idx.msk [tilespmem:v25+s7+$0x0], $0xffff;
	[tilespmem:s12+$0x16BC8] =	vst v4  }
0x567: {  	v3 =	vand.u32 $0xFFFFFFF8, v3;
	v4 =	vld.idx.msk [tilespmem:v36+s15+$0x0], $0xffff  }
0x568: {  	v35 =	vor.u32 v52, v3;
	_ =	sdelay $0x1  }
0x569: {  	[tilespmem:s26+$0x17748] =	vst v1  }
0x56a: {  	[tilespmem:s25+$0x171C8] =	vst v2;
	v1 =	vld.idx.msk [tilespmem:v21+s9+$0x0], $0xffff  }
0x56b: {  	v3 =	vadd.s32 v13, v0;
	v2 =	vld.idx.msk [tilespmem:v24+s7+$0x0], $0xffff;
	[tilespmem:s12+$0x16C48] =	vst v4  }
0x56c: {  	v3 =	vand.u32 $0xFFFFFFF8, v3;
	v4 =	vld.idx.msk [tilespmem:v35+s15+$0x0], $0xffff  }
0x56d: {  	v34 =	vor.u32 v53, v3;
	_ =	sdelay $0x1  }
0x56e: {  	[tilespmem:s26+$0x177C8] =	vst v1  }
0x56f: {  	[tilespmem:s25+$0x17248] =	vst v2;
	v1 =	vld.idx.msk [tilespmem:v20+s9+$0x0], $0xffff  }
0x570: {  	v3 =	vadd.s32 v60, v0;
	v2 =	vld.idx.msk [tilespmem:v31+s8+$0x0], $0xffff;
	[tilespmem:s12+$0x16CC8] =	vst v4  }
0x571: {  	v3 =	vand.u32 $0xFFFFFFF8, v3;
	v4 =	vld.idx.msk [tilespmem:v34+s15+$0x0], $0xffff  }
0x572: {  	v33 =	vor.u32 v54, v3;
	_ =	sdelay $0x1  }
0x573: {  	[tilespmem:s26+$0x17848] =	vst v1  }
0x574: {  	[tilespmem:s25+$0x172C8] =	vst v2;
	v1 =	vld.idx.msk [tilespmem:v19+s9+$0x0], $0xffff  }
0x575: {  	v0 =	vadd.s32 v55, v0;
	v2 =	vld.idx.msk [tilespmem:v30+s8+$0x0], $0xffff;
	[tilespmem:s12+$0x16D48] =	vst v4  }
0x576: {  	v0 =	vand.u32 $0xFFFFFFF8, v0;
	v3 =	vld.idx.msk [tilespmem:v33+s15+$0x0], $0xffff  }
0x577: {  	v32 =	vor.u32 v57, v0;
	_ =	sdelay $0x1  }
0x578: {  	[tilespmem:s26+$0x178C8] =	vst v1  }
0x579: {  	[tilespmem:s25+$0x17348] =	vst v2;
	v0 =	vld.idx.msk [tilespmem:v18+s9+$0x0], $0xffff  }
0x57a: {  	v1 =	vld.idx.msk [tilespmem:v29+s8+$0x0], $0xffff;
	[tilespmem:s12+$0x16DC8] =	vst v3  }
0x57b: {  	v2 =	vld.idx.msk [tilespmem:v32+s15+$0x0], $0xffff;
	_ =	sdelay $0x2  }
0x57c: {  	[tilespmem:s26+$0x17948] =	vst v0  }
0x57d: {  	[tilespmem:s25+$0x173C8] =	vst v1;
	v0 =	vld.idx.msk [tilespmem:v17+s9+$0x0], $0xffff  }
0x57e: {  	v1 =	vld.idx.msk [tilespmem:v28+s8+$0x0], $0xffff;
	[tilespmem:s12+$0x16E48] =	vst v2  }
0x57f: {  	v2 =	vld.idx.msk [tilespmem:v39+s7+$0x0], $0xffff;
	_ =	sdelay $0x1  }
0x580: {  	s6 =	simm.s32 $0x30  }
0x581: {  	v3 =	vld.idx.msk [tilespmem:v63+s6+$0x0 ss:$0x1], $0xffff;
	[tilespmem:s26+$0x179C8] =	vst v0  }
0x582: {  	[tilespmem:s25+$0x17448] =	vst v1;
	v0 =	vld.idx.msk [tilespmem:v16+s9+$0x0], $0xffff  }
0x583: {  	v1 =	vld.idx.msk [tilespmem:v27+s8+$0x0], $0xffff;
	[tilespmem:s12+$0x16EC8] =	vst v2  }
0x584: {  	v2 =	vld.idx.msk [tilespmem:v38+s7+$0x0], $0xffff;
	_ =	sdelay $0x2  }
0x585: {  	[tilespmem:s26+$0x17A48] =	vst v0  }
0x586: {  	[tilespmem:s25+$0x174C8] =	vst v1;
	v1 =	vmul.u32 $0x410, v3;
	v0 =	vld.idx.msk [tilespmem:v23+s13+$0x0], $0xffff  }
0x587: {  	[tilespmem:s12+$0x16F48] =	vst v2;
	v2 =	vld.idx.msk [tilespmem:v26+s8+$0x0], $0xffff  }
0x588: {  	v4 =	vadd.s32 v8, v1;
	v3 =	vld.idx.msk [tilespmem:v37+s7+$0x0], $0xffff  }
0x589: {  	v4 =	vand.u32 $0xFFFFFFF8, v4  }
0x58a: {  	v47 =	vor.u32 v7, v4  }
0x58b: {  	[tilespmem:s26+$0x17AC8] =	vst v0  }
0x58c: {  	[tilespmem:s25+$0x17548] =	vst v2;
	v0 =	vld.idx.msk [tilespmem:v22+s13+$0x0], $0xffff  }
0x58d: {  	[tilespmem:s12+$0x16FC8] =	vst v3;
	v2 =	vld.idx.msk [tilespmem:v25+s8+$0x0], $0xffff  }
0x58e: {  	v4 =	vadd.s32 v6, v1;
	v3 =	vld.idx.msk [tilespmem:v36+s7+$0x0], $0xffff  }
0x58f: {  	v4 =	vand.u32 $0xFFFFFFF8, v4;
	v5 =	vld.idx.msk [tilespmem:v47+s15+$0x0], $0xffff  }
0x590: {  	v46 =	vor.u32 v12, v4  }
0x591: {  	[tilespmem:s26+$0x17B48] =	vst v0  }
0x592: {  	[tilespmem:s25+$0x175C8] =	vst v2;
	v0 =	vld.idx.msk [tilespmem:v21+s13+$0x0], $0xffff  }
0x593: {  	[tilespmem:s12+$0x17048] =	vst v3;
	v2 =	vld.idx.msk [tilespmem:v24+s8+$0x0], $0xffff  }
0x594: {  	v4 =	vadd.s32 v9, v1;
	[tilespmem:s6+$0x16AC8] =	vst v5;
	v3 =	vld.idx.msk [tilespmem:v35+s7+$0x0], $0xffff  }
0x595: {  	v4 =	vand.u32 $0xFFFFFFF8, v4;
	v5 =	vld.idx.msk [tilespmem:v46+s15+$0x0], $0xffff  }
0x596: {  	v45 =	vor.u32 v14, v4  }
0x597: {  	[tilespmem:s26+$0x17BC8] =	vst v0  }
0x598: {  	[tilespmem:s25+$0x17648] =	vst v2;
	v0 =	vld.idx.msk [tilespmem:v20+s13+$0x0], $0xffff  }
0x599: {  	[tilespmem:s12+$0x170C8] =	vst v3;
	v2 =	vld.idx.msk [tilespmem:v31+s9+$0x0], $0xffff  }
0x59a: {  	v4 =	vadd.s32 v10, v1;
	[tilespmem:s6+$0x16B48] =	vst v5;
	v3 =	vld.idx.msk [tilespmem:v34+s7+$0x0], $0xffff  }
0x59b: {  	v4 =	vand.u32 $0xFFFFFFF8, v4;
	v5 =	vld.idx.msk [tilespmem:v45+s15+$0x0], $0xffff  }
0x59c: {  	v44 =	vor.u32 v51, v4  }
0x59d: {  	[tilespmem:s26+$0x17C48] =	vst v0  }
0x59e: {  	[tilespmem:s25+$0x176C8] =	vst v2;
	v0 =	vld.idx.msk [tilespmem:v19+s13+$0x0], $0xffff  }
0x59f: {  	[tilespmem:s12+$0x17148] =	vst v3;
	v2 =	vld.idx.msk [tilespmem:v30+s9+$0x0], $0xffff  }
0x5a0: {  	v4 =	vadd.s32 v11, v1;
	[tilespmem:s6+$0x16BC8] =	vst v5;
	v3 =	vld.idx.msk [tilespmem:v33+s7+$0x0], $0xffff  }
0x5a1: {  	v4 =	vand.u32 $0xFFFFFFF8, v4;
	v5 =	vld.idx.msk [tilespmem:v44+s15+$0x0], $0xffff  }
0x5a2: {  	v43 =	vor.u32 v52, v4  }
0x5a3: {  	[tilespmem:s26+$0x17CC8] =	vst v0  }
0x5a4: {  	[tilespmem:s25+$0x17748] =	vst v2;
	v0 =	vld.idx.msk [tilespmem:v18+s13+$0x0], $0xffff  }
0x5a5: {  	[tilespmem:s12+$0x171C8] =	vst v3;
	v2 =	vld.idx.msk [tilespmem:v29+s9+$0x0], $0xffff  }
0x5a6: {  	v4 =	vadd.s32 v13, v1;
	[tilespmem:s6+$0x16C48] =	vst v5;
	v3 =	vld.idx.msk [tilespmem:v32+s7+$0x0], $0xffff  }
0x5a7: {  	v4 =	vand.u32 $0xFFFFFFF8, v4;
	v5 =	vld.idx.msk [tilespmem:v43+s15+$0x0], $0xffff  }
0x5a8: {  	v42 =	vor.u32 v53, v4  }
0x5a9: {  	[tilespmem:s26+$0x17D48] =	vst v0  }
0x5aa: {  	[tilespmem:s25+$0x177C8] =	vst v2;
	v0 =	vld.idx.msk [tilespmem:v17+s13+$0x0], $0xffff  }
0x5ab: {  	[tilespmem:s12+$0x17248] =	vst v3;
	v2 =	vld.idx.msk [tilespmem:v28+s9+$0x0], $0xffff  }
0x5ac: {  	v4 =	vadd.s32 v60, v1;
	[tilespmem:s6+$0x16CC8] =	vst v5;
	v3 =	vld.idx.msk [tilespmem:v39+s8+$0x0], $0xffff  }
0x5ad: {  	v4 =	vand.u32 $0xFFFFFFF8, v4;
	v5 =	vld.idx.msk [tilespmem:v42+s15+$0x0], $0xffff  }
0x5ae: {  	v41 =	vor.u32 v54, v4  }
0x5af: {  	[tilespmem:s26+$0x17DC8] =	vst v0  }
0x5b0: {  	[tilespmem:s25+$0x17848] =	vst v2;
	v0 =	vld.idx.msk [tilespmem:v16+s13+$0x0], $0xffff  }
0x5b1: {  	[tilespmem:s12+$0x172C8] =	vst v3;
	v2 =	vld.idx.msk [tilespmem:v27+s9+$0x0], $0xffff  }
0x5b2: {  	v1 =	vadd.s32 v55, v1;
	[tilespmem:s6+$0x16D48] =	vst v5;
	v3 =	vld.idx.msk [tilespmem:v38+s8+$0x0], $0xffff  }
0x5b3: {  	v1 =	vand.u32 $0xFFFFFFF8, v1;
	v4 =	vld.idx.msk [tilespmem:v41+s15+$0x0], $0xffff  }
0x5b4: {  	v40 =	vor.u32 v57, v1  }
0x5b5: {  	[tilespmem:s26+$0x17E48] =	vst v0  }
0x5b6: {  	[tilespmem:s25+$0x178C8] =	vst v2;
	v0 =	vld.idx.msk [tilespmem:v23+s3+$0x0], $0xffff  }
0x5b7: {  	[tilespmem:s12+$0x17348] =	vst v3;
	v1 =	vld.idx.msk [tilespmem:v26+s9+$0x0], $0xffff  }
0x5b8: {  	[tilespmem:s6+$0x16DC8] =	vst v4;
	v2 =	vld.idx.msk [tilespmem:v37+s8+$0x0], $0xffff  }
0x5b9: {  	v3 =	vld.idx.msk [tilespmem:v40+s15+$0x0], $0xffff;
	_ =	sdelay $0x1  }
0x5ba: {  	[tilespmem:s26+$0x17EC8] =	vst v0  }
0x5bb: {  	[tilespmem:s25+$0x17948] =	vst v1;
	v0 =	vld.idx.msk [tilespmem:v22+s3+$0x0], $0xffff  }
0x5bc: {  	[tilespmem:s12+$0x173C8] =	vst v2;
	v1 =	vld.idx.msk [tilespmem:v25+s9+$0x0], $0xffff  }
0x5bd: {  	[tilespmem:s6+$0x16E48] =	vst v3;
	v2 =	vld.idx.msk [tilespmem:v36+s8+$0x0], $0xffff  }
0x5be: {  	v3 =	vld.idx.msk [tilespmem:v47+s7+$0x0], $0xffff  }
0x5bf: {  	s28 =	simm.s32 $0x40  }
0x5c0: {  	v4 =	vld.idx.msk [tilespmem:v63+s28+$0x0 ss:$0x1], $0xffff;
	[tilespmem:s26+$0x17F48] =	vst v0  }
0x5c1: {  	[tilespmem:s25+$0x179C8] =	vst v1;
	v0 =	vld.idx.msk [tilespmem:v21+s3+$0x0], $0xffff  }
0x5c2: {  	[tilespmem:s12+$0x17448] =	vst v2;
	v1 =	vld.idx.msk [tilespmem:v24+s9+$0x0], $0xffff  }
0x5c3: {  	[tilespmem:s6+$0x16EC8] =	vst v3;
	v2 =	vld.idx.msk [tilespmem:v35+s8+$0x0], $0xffff  }
0x5c4: {  	v3 =	vld.idx.msk [tilespmem:v46+s7+$0x0], $0xffff;
	_ =	sdelay $0x1  }
0x5c5: {  	[tilespmem:s26+$0x17FC8] =	vst v0  }
0x5c6: {  	[tilespmem:s25+$0x17A48] =	vst v1;
	v0 =	vld.idx.msk [tilespmem:v20+s3+$0x0], $0xffff  }
0x5c7: {  	[tilespmem:s12+$0x174C8] =	vst v2;
	v1 =	vld.idx.msk [tilespmem:v31+s13+$0x0], $0xffff;
	v2 =	vmul.u32 $0x410, v4  }
0x5c8: {  	[tilespmem:s6+$0x16F48] =	vst v3;
	v3 =	vld.idx.msk [tilespmem:v34+s8+$0x0], $0xffff  }
0x5c9: {  	v4 =	vld.idx.msk [tilespmem:v45+s7+$0x0], $0xffff;
	v5 =	vadd.s32 v8, v2  }
0x5ca: {  	v5 =	vand.u32 $0xFFFFFFF8, v5  }
0x5cb: {  	v49 =	vor.u32 v7, v5;
	[tilespmem:s26+$0x18048] =	vst v0  }
0x5cc: {  	[tilespmem:s25+$0x17AC8] =	vst v1;
	v0 =	vld.idx.msk [tilespmem:v19+s3+$0x0], $0xffff  }
0x5cd: {  	[tilespmem:s12+$0x17548] =	vst v3;
	v1 =	vld.idx.msk [tilespmem:v30+s13+$0x0], $0xffff  }
0x5ce: {  	[tilespmem:s6+$0x16FC8] =	vst v4;
	v3 =	vld.idx.msk [tilespmem:v33+s8+$0x0], $0xffff  }
0x5cf: {  	v5 =	vadd.s32 v6, v2;
	v4 =	vld.idx.msk [tilespmem:v44+s7+$0x0], $0xffff  }
0x5d0: {  	v5 =	vand.u32 $0xFFFFFFF8, v5;
	v6 =	vld.idx.msk [tilespmem:v49+s15+$0x0], $0xffff  }
0x5d1: {  	v48 =	vor.u32 v12, v5;
	[tilespmem:s26+$0x180C8] =	vst v0  }
0x5d2: {  	[tilespmem:s25+$0x17B48] =	vst v1;
	v0 =	vld.idx.msk [tilespmem:v18+s3+$0x0], $0xffff  }
0x5d3: {  	[tilespmem:s12+$0x175C8] =	vst v3;
	v1 =	vld.idx.msk [tilespmem:v29+s13+$0x0], $0xffff  }
0x5d4: {  	[tilespmem:s6+$0x17048] =	vst v4;
	v3 =	vld.idx.msk [tilespmem:v32+s8+$0x0], $0xffff  }
0x5d5: {  	v5 =	vadd.s32 v9, v2;
	v4 =	vld.idx.msk [tilespmem:v43+s7+$0x0], $0xffff;
	[tilespmem:s28+$0x16AC8] =	vst v6  }
0x5d6: {  	v5 =	vand.u32 $0xFFFFFFF8, v5;
	v6 =	vld.idx.msk [tilespmem:v48+s15+$0x0], $0xffff  }
0x5d7: {  	v50 =	vor.u32 v14, v5;
	[tilespmem:s26+$0x18148] =	vst v0  }
0x5d8: {  	[tilespmem:s25+$0x17BC8] =	vst v1;
	v0 =	vld.idx.msk [tilespmem:v17+s3+$0x0], $0xffff  }
0x5d9: {  	[tilespmem:s12+$0x17648] =	vst v3;
	v1 =	vld.idx.msk [tilespmem:v28+s13+$0x0], $0xffff  }
0x5da: {  	[tilespmem:s6+$0x170C8] =	vst v4;
	v3 =	vld.idx.msk [tilespmem:v39+s9+$0x0], $0xffff  }
0x5db: {  	v5 =	vadd.s32 v10, v2;
	v4 =	vld.idx.msk [tilespmem:v42+s7+$0x0], $0xffff;
	[tilespmem:s28+$0x16B48] =	vst v6  }
0x5dc: {  	v5 =	vand.u32 $0xFFFFFFF8, v5;
	v6 =	vld.idx.msk [tilespmem:v50+s15+$0x0], $0xffff  }
0x5dd: {  	v9 =	vmov v51;
	v51 =	vor.u32 v51, v5;
	[tilespmem:s26+$0x181C8] =	vst v0  }
0x5de: {  	[tilespmem:s25+$0x17C48] =	vst v1;
	v0 =	vld.idx.msk [tilespmem:v16+s3+$0x0], $0xffff  }
0x5df: {  	[tilespmem:s12+$0x176C8] =	vst v3;
	v1 =	vld.idx.msk [tilespmem:v27+s13+$0x0], $0xffff  }
0x5e0: {  	[tilespmem:s6+$0x17148] =	vst v4;
	v3 =	vld.idx.msk [tilespmem:v38+s9+$0x0], $0xffff  }
0x5e1: {  	v5 =	vadd.s32 v11, v2;
	v4 =	vld.idx.msk [tilespmem:v41+s7+$0x0], $0xffff;
	[tilespmem:s28+$0x16BC8] =	vst v6  }
0x5e2: {  	v5 =	vand.u32 $0xFFFFFFF8, v5;
	v6 =	vld.idx.msk [tilespmem:v51+s15+$0x0], $0xffff  }
0x5e3: {  	v15 =	vmov v52;
	v52 =	vor.u32 v52, v5;
	[tilespmem:s26+$0x18248] =	vst v0  }
0x5e4: {  	[tilespmem:s25+$0x17CC8] =	vst v1;
	v0 =	vld.idx.msk [tilespmem:v23+s24+$0x0], $0xffff  }
0x5e5: {  	[tilespmem:s12+$0x17748] =	vst v3;
	v1 =	vld.idx.msk [tilespmem:v26+s13+$0x0], $0xffff  }
0x5e6: {  	[tilespmem:s6+$0x171C8] =	vst v4;
	v3 =	vld.idx.msk [tilespmem:v37+s9+$0x0], $0xffff  }
0x5e7: {  	v5 =	vadd.s32 v13, v2;
	v4 =	vld.idx.msk [tilespmem:v40+s7+$0x0], $0xffff;
	[tilespmem:s28+$0x16C48] =	vst v6  }
0x5e8: {  	v5 =	vand.u32 $0xFFFFFFF8, v5;
	v6 =	vld.idx.msk [tilespmem:v52+s15+$0x0], $0xffff  }
0x5e9: {  	v59 =	vmov v53;
	v53 =	vor.u32 v53, v5;
	[tilespmem:s26+$0x182C8] =	vst v0  }
0x5ea: {  	[tilespmem:s25+$0x17D48] =	vst v1;
	v0 =	vld.idx.msk [tilespmem:v22+s24+$0x0], $0xffff  }
0x5eb: {  	[tilespmem:s12+$0x177C8] =	vst v3;
	v1 =	vld.idx.msk [tilespmem:v25+s13+$0x0], $0xffff  }
0x5ec: {  	[tilespmem:s6+$0x17248] =	vst v4;
	v3 =	vld.idx.msk [tilespmem:v36+s9+$0x0], $0xffff  }
0x5ed: {  	v5 =	vadd.s32 v60, v2;
	v4 =	vld.idx.msk [tilespmem:v47+s8+$0x0], $0xffff;
	[tilespmem:s28+$0x16CC8] =	vst v6  }
0x5ee: {  	v5 =	vand.u32 $0xFFFFFFF8, v5;
	v6 =	vld.idx.msk [tilespmem:v53+s15+$0x0], $0xffff  }
0x5ef: {  	v56 =	vmov v10;
	v10 =	vmov v54;
	v54 =	vor.u32 v54, v5;
	[tilespmem:s26+$0x18348] =	vst v0  }
0x5f0: {  	[tilespmem:s25+$0x17DC8] =	vst v1;
	v0 =	vld.idx.msk [tilespmem:v21+s24+$0x0], $0xffff  }
0x5f1: {  	[tilespmem:s12+$0x17848] =	vst v3;
	v1 =	vld.idx.msk [tilespmem:v24+s13+$0x0], $0xffff  }
0x5f2: {  	[tilespmem:s6+$0x172C8] =	vst v4;
	v3 =	vld.idx.msk [tilespmem:v35+s9+$0x0], $0xffff  }
0x5f3: {  	v2 =	vadd.s32 v55, v2;
	v4 =	vld.idx.msk [tilespmem:v46+s8+$0x0], $0xffff;
	[tilespmem:s28+$0x16D48] =	vst v6  }
0x5f4: {  	v2 =	vand.u32 $0xFFFFFFF8, v2;
	v5 =	vld.idx.msk [tilespmem:v54+s15+$0x0], $0xffff  }
0x5f5: {  	v62 =	vmov v11;
	v11 =	vmov v55;
	v55 =	vor.u32 v57, v2;
	[tilespmem:s26+$0x183C8] =	vst v0  }
0x5f6: {  	[tilespmem:s25+$0x17E48] =	vst v1;
	v0 =	vld.idx.msk [tilespmem:v20+s24+$0x0], $0xffff  }
0x5f7: {  	[tilespmem:s12+$0x178C8] =	vst v3;
	v1 =	vld.idx.msk [tilespmem:v31+s3+$0x0], $0xffff  }
0x5f8: {  	[tilespmem:s6+$0x17348] =	vst v4;
	v2 =	vld.idx.msk [tilespmem:v34+s9+$0x0], $0xffff  }
0x5f9: {  	v3 =	vld.idx.msk [tilespmem:v45+s8+$0x0], $0xffff;
	[tilespmem:s28+$0x16DC8] =	vst v5  }
0x5fa: {  	v4 =	vld.idx.msk [tilespmem:v55+s15+$0x0], $0xffff  }
0x5fb: {  	[tilespmem:s26+$0x18448] =	vst v0  }
0x5fc: {  	[tilespmem:s25+$0x17EC8] =	vst v1;
	v0 =	vld.idx.msk [tilespmem:v19+s24+$0x0], $0xffff  }
0x5fd: {  	[tilespmem:s12+$0x17948] =	vst v2;
	v1 =	vld.idx.msk [tilespmem:v30+s3+$0x0], $0xffff  }
0x5fe: {  	[tilespmem:s6+$0x173C8] =	vst v3;
	v2 =	vld.idx.msk [tilespmem:v33+s9+$0x0], $0xffff  }
0x5ff: {  	v3 =	vld.idx.msk [tilespmem:v44+s8+$0x0], $0xffff;
	[tilespmem:s28+$0x16E48] =	vst v4  }
0x600: {  	s10 =	simm.s32 $0x50;
	v4 =	vld.idx.msk [tilespmem:v49+s7+$0x0], $0xffff  }
0x601: {  	v58 =	vmov v13;
	v13 =	vmov v57;
	v57 =	vld.idx.msk [tilespmem:v63+s10+$0x0 ss:$0x1], $0xffff;
	[tilespmem:s26+$0x184C8] =	vst v0  }
0x602: {  	v61 =	vmov v60;
	v60 =	vmov v63;
	[tilespmem:s25+$0x17F48] =	vst v1;
	v63 =	vld.idx.msk [tilespmem:v18+s24+$0x0], $0xffff  }
0x603: {  	[tilespmem:s12+$0x179C8] =	vst v2;
	v0 =	vld.idx.msk [tilespmem:v29+s3+$0x0], $0xffff  }
0x604: {  	[tilespmem:s6+$0x17448] =	vst v3;
	v1 =	vld.idx.msk [tilespmem:v32+s9+$0x0], $0xffff  }
0x605: {  	s11 =	simm.s32 $0x180;
	v12 =	vmov v14;
	v2 =	vld.idx.msk [tilespmem:v43+s8+$0x0], $0xffff;
	[tilespmem:s28+$0x16EC8] =	vst v4  }
.LBB2_7:
0x606: {  	v3 =	vld.idx.msk [tilespmem:v48+s7+$0x0], $0xffff  }
0x607: {  	[tilespmem:s26+$0x18548] =	vst v63  }
0x608: {  	[tilespmem:s25+$0x17FC8] =	vst v0  }
0x609: {  	v4 =	vld.idx.msk [tilespmem:v17+s24+$0x0], $0xffff;
	[tilespmem:s12+$0x17A48] =	vst v1  }
0x60a: {  	v1 =	vld.idx.msk [tilespmem:v28+s3+$0x0], $0xffff;
	[tilespmem:s6+$0x174C8] =	vst v2  }
0x60b: {  	v0 =	vmul.u32 $0x410, v57;
	v2 =	vld.idx.msk [tilespmem:v39+s13+$0x0], $0xffff;
	[tilespmem:s28+$0x16F48] =	vst v3  }
0x60c: {  	v3 =	vld.idx.msk [tilespmem:v42+s8+$0x0], $0xffff  }
0x60d: {  	v6 =	vadd.s32 v8, v0;
	v5 =	vld.idx.msk [tilespmem:v50+s7+$0x0], $0xffff  }
0x60e: {  	v6 =	vand.u32 $0xFFFFFFF8, v6;
	[tilespmem:s26+$0x185C8] =	vst v4  }
0x60f: {  	v4 =	vor.u32 v7, v6;
	v7 =	vld [tilespmem:$0x1FF80];
	[tilespmem:s25+$0x18048] =	vst v1  }
0x610: {  	v1 =	vld.idx.msk [tilespmem:v16+s24+$0x0], $0xffff;
	[tilespmem:s12+$0x17AC8] =	vst v2  }
0x611: {  	v2 =	vld.idx.msk [tilespmem:v27+s3+$0x0], $0xffff;
	[tilespmem:s6+$0x17548] =	vst v3  }
0x612: {  	v3 =	vld.idx.msk [tilespmem:v38+s13+$0x0], $0xffff;
	[tilespmem:s28+$0x16FC8] =	vst v5  }
0x613: {  	v5 =	vld.idx.msk [tilespmem:v41+s8+$0x0], $0xffff  }
0x614: {  	v6 =	vld.idx.msk [tilespmem:v51+s7+$0x0], $0xffff  }
0x615: {  	v14 =	vmov v8;
	v8 =	vld.idx.msk [tilespmem:v4+s15+$0x0], $0xffff  }
0x616: {  	[tilespmem:s26+$0x18648] =	vst v1;
	v1 =	vld [tilespmem:$0x1FF60];
	_ =	sdelay $0x2  }
0x617: {  	v7 =	vadd.s32 v7, v0;
	[tilespmem:s25+$0x180C8] =	vst v2  }
0x618: {  	v7 =	vand.u32 $0xFFFFFFF8, v7;
	v2 =	vld.idx.msk [tilespmem:v23+s1+$0x0], $0xffff  }
0x619: {  	[tilespmem:s12+$0x17B48] =	vst v3;
	v1 =	vor.u32 v1, v7;
	v7 =	vld [tilespmem:$0x1FF00]  }
0x61a: {  	v3 =	vld.idx.msk [tilespmem:v26+s3+$0x0], $0xffff;
	[tilespmem:s6+$0x175C8] =	vst v5  }
0x61b: {  	v23 =	vmovc v31;
	v31 =	vmovc v39;
	v39 =	vmov v47;
	v47 =	vmov v49;
	v49 =	vmov v4;
	v4 =	vld.idx.msk [tilespmem:v37+s13+$0x0], $0xffff;
	[tilespmem:s28+$0x17048] =	vst v6  }
0x61c: {  	v5 =	vld.idx.msk [tilespmem:v40+s8+$0x0], $0xffff;
	[tilespmem:s10+$0x16AC8] =	vst v8  }
0x61d: {  	v6 =	vld.idx.msk [tilespmem:v52+s7+$0x0], $0xffff  }
0x61e: {  	v7 =	vadd.s32 v7, v0;
	v8 =	vld.idx.msk [tilespmem:v1+s15+$0x0], $0xffff;
	[tilespmem:s26+$0x186C8] =	vst v2  }
0x61f: {  	v7 =	vand.u32 $0xFFFFFFF8, v7;
	[tilespmem:s25+$0x18148] =	vst v3  }
0x620: {  	v2 =	vor.u32 v12, v7;
	v3 =	vld.idx.msk [tilespmem:v22+s1+$0x0], $0xffff;
	[tilespmem:s12+$0x17BC8] =	vst v4  }
0x621: {  	v4 =	vld.idx.msk [tilespmem:v25+s3+$0x0], $0xffff;
	[tilespmem:s6+$0x17648] =	vst v5  }
0x622: {  	v22 =	vmovc v30;
	v30 =	vmovc v38;
	v38 =	vmov v46;
	v46 =	vmov v48;
	v48 =	vmov v1;
	v1 =	vld.idx.msk [tilespmem:v36+s13+$0x0], $0xffff;
	[tilespmem:s28+$0x170C8] =	vst v6  }
0x623: {  	v5 =	vld.idx.msk [tilespmem:v39+s9+$0x0], $0xffff;
	[tilespmem:s10+$0x16B48] =	vst v8  }
0x624: {  	v6 =	vld.idx.msk [tilespmem:v53+s7+$0x0], $0xffff  }
0x625: {  	v7 =	vadd.s32 v56, v0;
	v8 =	vld.idx.msk [tilespmem:v2+s15+$0x0], $0xffff;
	[tilespmem:s26+$0x18748] =	vst v3  }
0x626: {  	v7 =	vand.u32 $0xFFFFFFF8, v7;
	[tilespmem:s25+$0x181C8] =	vst v4  }
0x627: {  	v3 =	vor.u32 v9, v7;
	v4 =	vld.idx.msk [tilespmem:v21+s1+$0x0], $0xffff;
	[tilespmem:s12+$0x17C48] =	vst v1  }
0x628: {  	v1 =	vld.idx.msk [tilespmem:v24+s3+$0x0], $0xffff;
	[tilespmem:s6+$0x176C8] =	vst v5  }
0x629: {  	v21 =	vmovc v29;
	v29 =	vmovc v37;
	v37 =	vmov v45;
	v45 =	vmov v50;
	v50 =	vmov v2;
	v2 =	vld.idx.msk [tilespmem:v35+s13+$0x0], $0xffff;
	[tilespmem:s28+$0x17148] =	vst v6  }
0x62a: {  	v5 =	vld.idx.msk [tilespmem:v38+s9+$0x0], $0xffff;
	[tilespmem:s10+$0x16BC8] =	vst v8  }
0x62b: {  	v6 =	vld.idx.msk [tilespmem:v54+s7+$0x0], $0xffff  }
0x62c: {  	v7 =	vadd.s32 v62, v0;
	v8 =	vld.idx.msk [tilespmem:v3+s15+$0x0], $0xffff;
	[tilespmem:s26+$0x187C8] =	vst v4  }
0x62d: {  	v7 =	vand.u32 $0xFFFFFFF8, v7;
	[tilespmem:s25+$0x18248] =	vst v1  }
0x62e: {  	v4 =	vor.u32 v15, v7;
	v1 =	vld.idx.msk [tilespmem:v20+s1+$0x0], $0xffff;
	[tilespmem:s12+$0x17CC8] =	vst v2  }
0x62f: {  	v2 =	vld.idx.msk [tilespmem:v23+s24+$0x0], $0xffff;
	[tilespmem:s6+$0x17748] =	vst v5  }
0x630: {  	v20 =	vmovc v28;
	v28 =	vmovc v36;
	v36 =	vmov v44;
	v44 =	vmov v51;
	v51 =	vmov v3;
	v3 =	vld.idx.msk [tilespmem:v34+s13+$0x0], $0xffff;
	[tilespmem:s28+$0x171C8] =	vst v6  }
0x631: {  	v5 =	vld.idx.msk [tilespmem:v37+s9+$0x0], $0xffff;
	[tilespmem:s10+$0x16C48] =	vst v8  }
0x632: {  	v6 =	vld.idx.msk [tilespmem:v55+s7+$0x0], $0xffff  }
0x633: {  	v7 =	vadd.s32 v58, v0;
	v8 =	vld.idx.msk [tilespmem:v4+s15+$0x0], $0xffff;
	[tilespmem:s26+$0x18848] =	vst v1  }
0x634: {  	v7 =	vand.u32 $0xFFFFFFF8, v7;
	[tilespmem:s25+$0x182C8] =	vst v2  }
0x635: {  	v1 =	vor.u32 v59, v7;
	v2 =	vld.idx.msk [tilespmem:v19+s1+$0x0], $0xffff;
	[tilespmem:s12+$0x17D48] =	vst v3  }
0x636: {  	v3 =	vld.idx.msk [tilespmem:v22+s24+$0x0], $0xffff;
	[tilespmem:s6+$0x177C8] =	vst v5  }
0x637: {  	v19 =	vmovc v27;
	v27 =	vmovc v35;
	v35 =	vmov v43;
	v43 =	vmov v52;
	v52 =	vmov v4;
	v4 =	vld.idx.msk [tilespmem:v33+s13+$0x0], $0xffff;
	[tilespmem:s28+$0x17248] =	vst v6  }
0x638: {  	v5 =	vld.idx.msk [tilespmem:v36+s9+$0x0], $0xffff;
	[tilespmem:s10+$0x16CC8] =	vst v8  }
0x639: {  	v6 =	vld.idx.msk [tilespmem:v47+s8+$0x0], $0xffff  }
0x63a: {  	v7 =	vadd.s32 v61, v0;
	v8 =	vld.idx.msk [tilespmem:v1+s15+$0x0], $0xffff;
	[tilespmem:s26+$0x188C8] =	vst v2  }
0x63b: {  	v7 =	vand.u32 $0xFFFFFFF8, v7;
	[tilespmem:s25+$0x18348] =	vst v3  }
0x63c: {  	v2 =	vor.u32 v10, v7;
	v3 =	vld.idx.msk [tilespmem:v18+s1+$0x0], $0xffff;
	[tilespmem:s12+$0x17DC8] =	vst v4  }
0x63d: {  	v4 =	vld.idx.msk [tilespmem:v21+s24+$0x0], $0xffff;
	[tilespmem:s6+$0x17848] =	vst v5  }
0x63e: {  	v18 =	vmovc v26;
	v26 =	vmovc v34;
	v34 =	vmov v42;
	v42 =	vmov v53;
	v53 =	vmov v1;
	v1 =	vld.idx.msk [tilespmem:v32+s13+$0x0], $0xffff;
	[tilespmem:s28+$0x172C8] =	vst v6  }
0x63f: {  	v5 =	vld.idx.msk [tilespmem:v35+s9+$0x0], $0xffff;
	[tilespmem:s10+$0x16D48] =	vst v8  }
0x640: {  	v6 =	vld.idx.msk [tilespmem:v46+s8+$0x0], $0xffff  }
0x641: {  	v0 =	vadd.s32 v11, v0;
	v7 =	vld.idx.msk [tilespmem:v2+s15+$0x0], $0xffff;
	[tilespmem:s26+$0x18948] =	vst v3  }
0x642: {  	v0 =	vand.u32 $0xFFFFFFF8, v0;
	[tilespmem:s25+$0x183C8] =	vst v4  }
0x643: {  	v0 =	vor.u32 v13, v0;
	v3 =	vld.idx.msk [tilespmem:v17+s1+$0x0], $0xffff;
	[tilespmem:s12+$0x17E48] =	vst v1  }
0x644: {  	v1 =	vld.idx.msk [tilespmem:v20+s24+$0x0], $0xffff;
	[tilespmem:s6+$0x178C8] =	vst v5  }
0x645: {  	v17 =	vmovc v25;
	v25 =	vmovc v33;
	v33 =	vmov v41;
	v41 =	vmov v54;
	v54 =	vmov v2;
	v2 =	vld.idx.msk [tilespmem:v31+s3+$0x0], $0xffff;
	[tilespmem:s28+$0x17348] =	vst v6  }
0x646: {  	v4 =	vld.idx.msk [tilespmem:v34+s9+$0x0], $0xffff;
	[tilespmem:s10+$0x16DC8] =	vst v7  }
0x647: {  	v5 =	vld.idx.msk [tilespmem:v45+s8+$0x0], $0xffff  }
0x648: {  	v6 =	vld.idx.msk [tilespmem:v0+s15+$0x0], $0xffff;
	[tilespmem:s26+$0x189C8] =	vst v3  }
0x649: {  	[tilespmem:s25+$0x18448] =	vst v1  }
0x64a: {  	v1 =	vld.idx.msk [tilespmem:v16+s1+$0x0], $0xffff;
	[tilespmem:s12+$0x17EC8] =	vst v2  }
0x64b: {  	v16 =	vmovc v24;
	v24 =	vmovc v32;
	v32 =	vmov v40;
	v40 =	vmov v55;
	v55 =	vmov v0;
	v0 =	vld.idx.msk [tilespmem:v19+s24+$0x0], $0xffff;
	[tilespmem:s6+$0x17948] =	vst v4  }
0x64c: {  	v2 =	vld.idx.msk [tilespmem:v30+s3+$0x0], $0xffff;
	[tilespmem:s28+$0x173C8] =	vst v5  }
0x64d: {  	v3 =	vld.idx.msk [tilespmem:v33+s9+$0x0], $0xffff;
	[tilespmem:s10+$0x16E48] =	vst v6  }
0x64e: {  	v4 =	vld.idx.msk [tilespmem:v44+s8+$0x0], $0xffff  }
0x64f: {  	s14 =	sshra.s32 s11, $0x2;
	v5 =	vld.idx.msk [tilespmem:v49+s7+$0x0], $0xffff;
	[tilespmem:s26+$0x18A48] =	vst v1;
	s26 =	smov.u32 s25  }
0x650: {  	p0 =	sne.s32 s11, $0x1C0;
	s25 =	smov.u32 s12;
	v57 =	vld.idx.msk [tilespmem:v60+s14+$0x0 ss:$0x1], $0xffff;
	[tilespmem:s26+$0x184C8] =	vst v0  }
.Ltmp2:
0x651: {  	v7 =	vld [tilespmem:$0x1FF50];
	s12 =	smov.u32 s6;
	[tilespmem:s25+$0x17F48] =	vst v2;
	(pc) =	sbr.rel @p0 .LBB2_7-.Ltmp2, $4  }
0x652: {  	s6 =	smov.u32 s28;
	v63 =	vld.idx.msk [tilespmem:v18+s24+$0x0], $0xffff;
	[tilespmem:s12+$0x179C8] =	vst v3  }
0x653: {  	s28 =	smov.u32 s10;
	v0 =	vld.idx.msk [tilespmem:v29+s3+$0x0], $0xffff;
	[tilespmem:s6+$0x17448] =	vst v4  }
0x654: {  	v1 =	vld.idx.msk [tilespmem:v32+s9+$0x0], $0xffff;
	[tilespmem:s28+$0x16EC8] =	vst v5  }
0x655: {  	s11 =	sadd.s32 $0x40, s11;
	v8 =	vmov v14;
	s10 =	smov.u32 s14;
	v2 =	vld.idx.msk [tilespmem:v43+s8+$0x0], $0xffff  }
0x656: {  	v3 =	vmul.u32 $0x410, v57;
	_ =	sdelay $0x1  }
0x657: {  	v4 =	vadd.s32 v8, v3  }
0x658: {  	v4 =	vand.u32 $0xFFFFFFF8, v4  }
0x659: {  	v60 =	vor.u32 v7, v4;
	_ =	sdelay $0x3  }
0x65a: {  	v8 =	vmov v61;
	v61 =	vld [tilespmem:$0x1FF80]  }
0x65b: {  	v5 =	vld.idx.msk [tilespmem:v60+s15+$0x0], $0xffff;
	_ =	sdelay $0x1  }
0x65c: {  	v6 =	vld [tilespmem:$0x1FF60];
	_ =	sdelay $0x2  }
0x65d: {  	v4 =	vadd.s32 v61, v3;
	[tilespmem:s10+$0x16AC8] =	vst v5  }
0x65e: {  	v4 =	vand.u32 $0xFFFFFFF8, v4;
	v14 =	vld [tilespmem:$0x1FF00]  }
0x65f: {  	v57 =	vor.u32 v6, v4;
	_ =	sdelay $0x3  }
0x660: {  	v4 =	vadd.s32 v14, v3  }
0x661: {  	v5 =	vld.idx.msk [tilespmem:v57+s15+$0x0], $0xffff;
	v4 =	vand.u32 $0xFFFFFFF8, v4  }
0x662: {  	v61 =	vor.u32 v12, v4;
	_ =	sdelay $0x3  }
0x663: {  	v7 =	vmov v58;
	v58 =	vadd.s32 v56, v3;
	[tilespmem:s10+$0x16B48] =	vst v5  }
0x664: {  	v4 =	vand.u32 $0xFFFFFFF8, v58;
	v5 =	vld.idx.msk [tilespmem:v61+s15+$0x0], $0xffff  }
0x665: {  	v9 =	vor.u32 v9, v4;
	_ =	sdelay $0x3  }
0x666: {  	v12 =	vadd.s32 v62, v3;
	[tilespmem:s10+$0x16BC8] =	vst v5  }
0x667: {  	v4 =	vand.u32 $0xFFFFFFF8, v12;
	v5 =	vld.idx.msk [tilespmem:v9+s15+$0x0], $0xffff  }
0x668: {  	v58 =	vor.u32 v15, v4;
	_ =	sdelay $0x3  }
0x669: {  	v14 =	vadd.s32 v7, v3;
	[tilespmem:s10+$0x16C48] =	vst v5  }
0x66a: {  	v4 =	vand.u32 $0xFFFFFFF8, v14;
	v5 =	vld.idx.msk [tilespmem:v58+s15+$0x0], $0xffff  }
0x66b: {  	v56 =	vor.u32 v59, v4;
	_ =	sdelay $0x3  }
0x66c: {  	v15 =	vadd.s32 v8, v3;
	[tilespmem:s10+$0x16CC8] =	vst v5  }
0x66d: {  	v4 =	vand.u32 $0xFFFFFFF8, v15;
	v5 =	vld.idx.msk [tilespmem:v56+s15+$0x0], $0xffff  }
0x66e: {  	v8 =	vor.u32 v10, v4;
	_ =	sdelay $0x3  }
0x66f: {  	v3 =	vadd.s32 v11, v3;
	[tilespmem:s10+$0x16D48] =	vst v5  }
0x670: {  	v3 =	vand.u32 $0xFFFFFFF8, v3;
	v4 =	vld.idx.msk [tilespmem:v8+s15+$0x0], $0xffff  }
0x671: {  	v5 =	vor.u32 v13, v3;
	_ =	sdelay $0x3  }
0x672: {  	[tilespmem:s10+$0x16DC8] =	vst v4  }
0x673: {  	v3 =	vld.idx.msk [tilespmem:v5+s15+$0x0], $0xffff;
	_ =	sdelay $0x4  }
0x674: {  	[tilespmem:s10+$0x16E48] =	vst v3  }
0x675: {  	v3 =	vld.idx.msk [tilespmem:v60+s7+$0x0], $0xffff;
	_ =	sdelay $0x4  }
0x676: {  	v59 =	vld.idx.msk [tilespmem:v48+s7+$0x0], $0xffff;
	[tilespmem:s10+$0x16EC8] =	vst v3  }
0x677: {  	v3 =	vld.idx.msk [tilespmem:v57+s7+$0x0], $0xffff;
	_ =	sdelay $0x3  }
0x678: {  	[tilespmem:s28+$0x16F48] =	vst v59  }
0x679: {  	v4 =	vld.idx.msk [tilespmem:v50+s7+$0x0], $0xffff;
	[tilespmem:s10+$0x16F48] =	vst v3  }
0x67a: {  	v3 =	vld.idx.msk [tilespmem:v61+s7+$0x0], $0xffff;
	_ =	sdelay $0x3  }
0x67b: {  	[tilespmem:s28+$0x16FC8] =	vst v4  }
0x67c: {  	v4 =	vld.idx.msk [tilespmem:v51+s7+$0x0], $0xffff;
	[tilespmem:s10+$0x16FC8] =	vst v3  }
0x67d: {  	v3 =	vld.idx.msk [tilespmem:v9+s7+$0x0], $0xffff;
	_ =	sdelay $0x3  }
0x67e: {  	[tilespmem:s28+$0x17048] =	vst v4  }
0x67f: {  	v4 =	vld.idx.msk [tilespmem:v52+s7+$0x0], $0xffff;
	[tilespmem:s10+$0x17048] =	vst v3  }
0x680: {  	v3 =	vld.idx.msk [tilespmem:v58+s7+$0x0], $0xffff;
	_ =	sdelay $0x3  }
0x681: {  	[tilespmem:s28+$0x170C8] =	vst v4  }
0x682: {  	v4 =	vld.idx.msk [tilespmem:v53+s7+$0x0], $0xffff;
	[tilespmem:s10+$0x170C8] =	vst v3  }
0x683: {  	v3 =	vld.idx.msk [tilespmem:v56+s7+$0x0], $0xffff;
	_ =	sdelay $0x3  }
0x684: {  	[tilespmem:s28+$0x17148] =	vst v4  }
0x685: {  	v4 =	vld.idx.msk [tilespmem:v54+s7+$0x0], $0xffff;
	[tilespmem:s10+$0x17148] =	vst v3  }
0x686: {  	v3 =	vld.idx.msk [tilespmem:v8+s7+$0x0], $0xffff;
	_ =	sdelay $0x3  }
0x687: {  	[tilespmem:s28+$0x171C8] =	vst v4  }
0x688: {  	v4 =	vld.idx.msk [tilespmem:v55+s7+$0x0], $0xffff;
	[tilespmem:s10+$0x171C8] =	vst v3  }
0x689: {  	v3 =	vld.idx.msk [tilespmem:v5+s7+$0x0], $0xffff;
	_ =	sdelay $0x3  }
0x68a: {  	[tilespmem:s28+$0x17248] =	vst v4  }
0x68b: {  	v4 =	vld.idx.msk [tilespmem:v49+s8+$0x0], $0xffff;
	[tilespmem:s10+$0x17248] =	vst v3  }
0x68c: {  	v3 =	vld.idx.msk [tilespmem:v60+s8+$0x0], $0xffff;
	_ =	sdelay $0x3  }
0x68d: {  	[tilespmem:s28+$0x172C8] =	vst v4  }
0x68e: {  	v4 =	vld.idx.msk [tilespmem:v48+s8+$0x0], $0xffff;
	[tilespmem:s10+$0x172C8] =	vst v3  }
0x68f: {  	v3 =	vld.idx.msk [tilespmem:v57+s8+$0x0], $0xffff;
	_ =	sdelay $0x3  }
0x690: {  	[tilespmem:s28+$0x17348] =	vst v4  }
0x691: {  	v4 =	vld.idx.msk [tilespmem:v50+s8+$0x0], $0xffff;
	[tilespmem:s10+$0x17348] =	vst v3  }
0x692: {  	v3 =	vld.idx.msk [tilespmem:v61+s8+$0x0], $0xffff;
	_ =	sdelay $0x3  }
0x693: {  	[tilespmem:s28+$0x173C8] =	vst v4  }
0x694: {  	v4 =	vld.idx.msk [tilespmem:v51+s8+$0x0], $0xffff;
	[tilespmem:s10+$0x173C8] =	vst v3  }
0x695: {  	v3 =	vld.idx.msk [tilespmem:v9+s8+$0x0], $0xffff;
	_ =	sdelay $0x3  }
0x696: {  	[tilespmem:s28+$0x17448] =	vst v4  }
0x697: {  	v4 =	vld.idx.msk [tilespmem:v52+s8+$0x0], $0xffff;
	[tilespmem:s10+$0x17448] =	vst v3  }
0x698: {  	v3 =	vld.idx.msk [tilespmem:v58+s8+$0x0], $0xffff;
	_ =	sdelay $0x2  }
0x699: {  	[tilespmem:s6+$0x174C8] =	vst v2  }
0x69a: {  	v2 =	vld.idx.msk [tilespmem:v42+s8+$0x0], $0xffff;
	[tilespmem:s28+$0x174C8] =	vst v4  }
0x69b: {  	v4 =	vld.idx.msk [tilespmem:v53+s8+$0x0], $0xffff;
	[tilespmem:s10+$0x174C8] =	vst v3  }
0x69c: {  	v3 =	vld.idx.msk [tilespmem:v56+s8+$0x0], $0xffff;
	_ =	sdelay $0x2  }
0x69d: {  	[tilespmem:s6+$0x17548] =	vst v2  }
0x69e: {  	v2 =	vld.idx.msk [tilespmem:v41+s8+$0x0], $0xffff;
	[tilespmem:s28+$0x17548] =	vst v4  }
0x69f: {  	v4 =	vld.idx.msk [tilespmem:v54+s8+$0x0], $0xffff;
	[tilespmem:s10+$0x17548] =	vst v3  }
0x6a0: {  	v3 =	vld.idx.msk [tilespmem:v8+s8+$0x0], $0xffff;
	_ =	sdelay $0x2  }
0x6a1: {  	[tilespmem:s6+$0x175C8] =	vst v2  }
0x6a2: {  	v2 =	vld.idx.msk [tilespmem:v40+s8+$0x0], $0xffff;
	[tilespmem:s28+$0x175C8] =	vst v4  }
0x6a3: {  	v4 =	vld.idx.msk [tilespmem:v55+s8+$0x0], $0xffff;
	[tilespmem:s10+$0x175C8] =	vst v3  }
0x6a4: {  	v3 =	vld.idx.msk [tilespmem:v5+s8+$0x0], $0xffff;
	_ =	sdelay $0x2  }
0x6a5: {  	[tilespmem:s6+$0x17648] =	vst v2  }
0x6a6: {  	v2 =	vld.idx.msk [tilespmem:v47+s9+$0x0], $0xffff;
	[tilespmem:s28+$0x17648] =	vst v4  }
0x6a7: {  	v4 =	vld.idx.msk [tilespmem:v49+s9+$0x0], $0xffff;
	[tilespmem:s10+$0x17648] =	vst v3  }
0x6a8: {  	v3 =	vld.idx.msk [tilespmem:v60+s9+$0x0], $0xffff;
	_ =	sdelay $0x2  }
0x6a9: {  	[tilespmem:s6+$0x176C8] =	vst v2  }
0x6aa: {  	v2 =	vld.idx.msk [tilespmem:v46+s9+$0x0], $0xffff;
	[tilespmem:s28+$0x176C8] =	vst v4  }
0x6ab: {  	v4 =	vld.idx.msk [tilespmem:v48+s9+$0x0], $0xffff;
	[tilespmem:s10+$0x176C8] =	vst v3  }
0x6ac: {  	v3 =	vld.idx.msk [tilespmem:v57+s9+$0x0], $0xffff;
	_ =	sdelay $0x2  }
0x6ad: {  	[tilespmem:s6+$0x17748] =	vst v2  }
0x6ae: {  	v2 =	vld.idx.msk [tilespmem:v45+s9+$0x0], $0xffff;
	[tilespmem:s28+$0x17748] =	vst v4  }
0x6af: {  	v4 =	vld.idx.msk [tilespmem:v50+s9+$0x0], $0xffff;
	[tilespmem:s10+$0x17748] =	vst v3  }
0x6b0: {  	v3 =	vld.idx.msk [tilespmem:v61+s9+$0x0], $0xffff;
	_ =	sdelay $0x2  }
0x6b1: {  	[tilespmem:s6+$0x177C8] =	vst v2  }
0x6b2: {  	v2 =	vld.idx.msk [tilespmem:v44+s9+$0x0], $0xffff;
	[tilespmem:s28+$0x177C8] =	vst v4  }
0x6b3: {  	v4 =	vld.idx.msk [tilespmem:v51+s9+$0x0], $0xffff;
	[tilespmem:s10+$0x177C8] =	vst v3  }
0x6b4: {  	v3 =	vld.idx.msk [tilespmem:v9+s9+$0x0], $0xffff;
	_ =	sdelay $0x2  }
0x6b5: {  	[tilespmem:s6+$0x17848] =	vst v2  }
0x6b6: {  	v2 =	vld.idx.msk [tilespmem:v43+s9+$0x0], $0xffff;
	[tilespmem:s28+$0x17848] =	vst v4  }
0x6b7: {  	v4 =	vld.idx.msk [tilespmem:v52+s9+$0x0], $0xffff;
	[tilespmem:s10+$0x17848] =	vst v3  }
0x6b8: {  	v3 =	vld.idx.msk [tilespmem:v58+s9+$0x0], $0xffff;
	_ =	sdelay $0x2  }
0x6b9: {  	[tilespmem:s6+$0x178C8] =	vst v2  }
0x6ba: {  	v2 =	vld.idx.msk [tilespmem:v42+s9+$0x0], $0xffff;
	[tilespmem:s28+$0x178C8] =	vst v4  }
0x6bb: {  	v4 =	vld.idx.msk [tilespmem:v53+s9+$0x0], $0xffff;
	[tilespmem:s10+$0x178C8] =	vst v3  }
0x6bc: {  	v3 =	vld.idx.msk [tilespmem:v56+s9+$0x0], $0xffff;
	_ =	sdelay $0x2  }
0x6bd: {  	[tilespmem:s6+$0x17948] =	vst v2  }
0x6be: {  	v2 =	vld.idx.msk [tilespmem:v41+s9+$0x0], $0xffff;
	[tilespmem:s28+$0x17948] =	vst v4  }
0x6bf: {  	v4 =	vld.idx.msk [tilespmem:v54+s9+$0x0], $0xffff;
	[tilespmem:s10+$0x17948] =	vst v3  }
0x6c0: {  	v3 =	vld.idx.msk [tilespmem:v8+s9+$0x0], $0xffff;
	_ =	sdelay $0x2  }
0x6c1: {  	[tilespmem:s6+$0x179C8] =	vst v2  }
0x6c2: {  	v2 =	vld.idx.msk [tilespmem:v40+s9+$0x0], $0xffff;
	[tilespmem:s28+$0x179C8] =	vst v4  }
0x6c3: {  	v4 =	vld.idx.msk [tilespmem:v55+s9+$0x0], $0xffff;
	[tilespmem:s10+$0x179C8] =	vst v3  }
0x6c4: {  	v3 =	vld.idx.msk [tilespmem:v5+s9+$0x0], $0xffff;
	_ =	sdelay $0x1  }
0x6c5: {  	[tilespmem:s12+$0x17A48] =	vst v1  }
0x6c6: {  	v1 =	vld.idx.msk [tilespmem:v39+s13+$0x0], $0xffff;
	[tilespmem:s6+$0x17A48] =	vst v2  }
0x6c7: {  	v2 =	vld.idx.msk [tilespmem:v47+s13+$0x0], $0xffff;
	[tilespmem:s28+$0x17A48] =	vst v4  }
0x6c8: {  	v4 =	vld.idx.msk [tilespmem:v49+s13+$0x0], $0xffff;
	[tilespmem:s10+$0x17A48] =	vst v3  }
0x6c9: {  	v3 =	vld.idx.msk [tilespmem:v60+s13+$0x0], $0xffff;
	_ =	sdelay $0x1  }
0x6ca: {  	[tilespmem:s12+$0x17AC8] =	vst v1  }
0x6cb: {  	v1 =	vld.idx.msk [tilespmem:v38+s13+$0x0], $0xffff;
	[tilespmem:s6+$0x17AC8] =	vst v2  }
0x6cc: {  	v2 =	vld.idx.msk [tilespmem:v46+s13+$0x0], $0xffff;
	[tilespmem:s28+$0x17AC8] =	vst v4  }
0x6cd: {  	v4 =	vld.idx.msk [tilespmem:v48+s13+$0x0], $0xffff;
	[tilespmem:s10+$0x17AC8] =	vst v3  }
0x6ce: {  	v3 =	vld.idx.msk [tilespmem:v57+s13+$0x0], $0xffff;
	_ =	sdelay $0x1  }
0x6cf: {  	[tilespmem:s12+$0x17B48] =	vst v1  }
0x6d0: {  	v1 =	vld.idx.msk [tilespmem:v37+s13+$0x0], $0xffff;
	[tilespmem:s6+$0x17B48] =	vst v2  }
0x6d1: {  	v2 =	vld.idx.msk [tilespmem:v45+s13+$0x0], $0xffff;
	[tilespmem:s28+$0x17B48] =	vst v4  }
0x6d2: {  	v4 =	vld.idx.msk [tilespmem:v50+s13+$0x0], $0xffff;
	[tilespmem:s10+$0x17B48] =	vst v3  }
0x6d3: {  	v3 =	vld.idx.msk [tilespmem:v61+s13+$0x0], $0xffff;
	_ =	sdelay $0x1  }
0x6d4: {  	[tilespmem:s12+$0x17BC8] =	vst v1  }
0x6d5: {  	v1 =	vld.idx.msk [tilespmem:v36+s13+$0x0], $0xffff;
	[tilespmem:s6+$0x17BC8] =	vst v2  }
0x6d6: {  	v2 =	vld.idx.msk [tilespmem:v44+s13+$0x0], $0xffff;
	[tilespmem:s28+$0x17BC8] =	vst v4  }
0x6d7: {  	v4 =	vld.idx.msk [tilespmem:v51+s13+$0x0], $0xffff;
	[tilespmem:s10+$0x17BC8] =	vst v3  }
0x6d8: {  	v3 =	vld.idx.msk [tilespmem:v9+s13+$0x0], $0xffff;
	_ =	sdelay $0x1  }
0x6d9: {  	[tilespmem:s12+$0x17C48] =	vst v1  }
0x6da: {  	v1 =	vld.idx.msk [tilespmem:v35+s13+$0x0], $0xffff;
	[tilespmem:s6+$0x17C48] =	vst v2  }
0x6db: {  	v2 =	vld.idx.msk [tilespmem:v43+s13+$0x0], $0xffff;
	[tilespmem:s28+$0x17C48] =	vst v4  }
0x6dc: {  	v4 =	vld.idx.msk [tilespmem:v52+s13+$0x0], $0xffff;
	[tilespmem:s10+$0x17C48] =	vst v3  }
0x6dd: {  	v3 =	vld.idx.msk [tilespmem:v58+s13+$0x0], $0xffff;
	_ =	sdelay $0x1  }
0x6de: {  	[tilespmem:s12+$0x17CC8] =	vst v1  }
0x6df: {  	v1 =	vld.idx.msk [tilespmem:v34+s13+$0x0], $0xffff;
	[tilespmem:s6+$0x17CC8] =	vst v2  }
0x6e0: {  	v2 =	vld.idx.msk [tilespmem:v42+s13+$0x0], $0xffff;
	[tilespmem:s28+$0x17CC8] =	vst v4  }
0x6e1: {  	v4 =	vld.idx.msk [tilespmem:v53+s13+$0x0], $0xffff;
	[tilespmem:s10+$0x17CC8] =	vst v3  }
0x6e2: {  	v3 =	vld.idx.msk [tilespmem:v56+s13+$0x0], $0xffff;
	_ =	sdelay $0x1  }
0x6e3: {  	[tilespmem:s12+$0x17D48] =	vst v1  }
0x6e4: {  	v1 =	vld.idx.msk [tilespmem:v33+s13+$0x0], $0xffff;
	[tilespmem:s6+$0x17D48] =	vst v2  }
0x6e5: {  	v2 =	vld.idx.msk [tilespmem:v41+s13+$0x0], $0xffff;
	[tilespmem:s28+$0x17D48] =	vst v4  }
0x6e6: {  	v4 =	vld.idx.msk [tilespmem:v54+s13+$0x0], $0xffff;
	[tilespmem:s10+$0x17D48] =	vst v3  }
0x6e7: {  	v3 =	vld.idx.msk [tilespmem:v8+s13+$0x0], $0xffff;
	_ =	sdelay $0x1  }
0x6e8: {  	[tilespmem:s12+$0x17DC8] =	vst v1  }
0x6e9: {  	v1 =	vld.idx.msk [tilespmem:v32+s13+$0x0], $0xffff;
	[tilespmem:s6+$0x17DC8] =	vst v2  }
0x6ea: {  	v2 =	vld.idx.msk [tilespmem:v40+s13+$0x0], $0xffff;
	[tilespmem:s28+$0x17DC8] =	vst v4  }
0x6eb: {  	v4 =	vld.idx.msk [tilespmem:v55+s13+$0x0], $0xffff;
	[tilespmem:s10+$0x17DC8] =	vst v3  }
0x6ec: {  	v3 =	vld.idx.msk [tilespmem:v5+s13+$0x0], $0xffff;
	_ =	sdelay $0x1  }
0x6ed: {  	[tilespmem:s12+$0x17E48] =	vst v1  }
0x6ee: {  	v1 =	vld.idx.msk [tilespmem:v39+s3+$0x0], $0xffff;
	[tilespmem:s6+$0x17E48] =	vst v2  }
0x6ef: {  	v2 =	vld.idx.msk [tilespmem:v47+s3+$0x0], $0xffff;
	[tilespmem:s28+$0x17E48] =	vst v4  }
0x6f0: {  	v4 =	vld.idx.msk [tilespmem:v49+s3+$0x0], $0xffff;
	[tilespmem:s10+$0x17E48] =	vst v3  }
0x6f1: {  	v3 =	vld.idx.msk [tilespmem:v60+s3+$0x0], $0xffff;
	_ =	sdelay $0x1  }
0x6f2: {  	[tilespmem:s12+$0x17EC8] =	vst v1  }
0x6f3: {  	v1 =	vld.idx.msk [tilespmem:v38+s3+$0x0], $0xffff;
	[tilespmem:s6+$0x17EC8] =	vst v2  }
0x6f4: {  	v2 =	vld.idx.msk [tilespmem:v46+s3+$0x0], $0xffff;
	[tilespmem:s28+$0x17EC8] =	vst v4  }
0x6f5: {  	v4 =	vld.idx.msk [tilespmem:v48+s3+$0x0], $0xffff;
	[tilespmem:s10+$0x17EC8] =	vst v3  }
0x6f6: {  	v3 =	vld.idx.msk [tilespmem:v57+s3+$0x0], $0xffff;
	_ =	sdelay $0x1  }
0x6f7: {  	[tilespmem:s12+$0x17F48] =	vst v1  }
0x6f8: {  	v1 =	vld.idx.msk [tilespmem:v37+s3+$0x0], $0xffff;
	[tilespmem:s6+$0x17F48] =	vst v2  }
0x6f9: {  	v2 =	vld.idx.msk [tilespmem:v45+s3+$0x0], $0xffff;
	[tilespmem:s28+$0x17F48] =	vst v4  }
0x6fa: {  	v4 =	vld.idx.msk [tilespmem:v50+s3+$0x0], $0xffff;
	[tilespmem:s10+$0x17F48] =	vst v3  }
0x6fb: {  	v3 =	vld.idx.msk [tilespmem:v61+s3+$0x0], $0xffff  }
0x6fc: {  	[tilespmem:s25+$0x17FC8] =	vst v0  }
0x6fd: {  	v0 =	vld.idx.msk [tilespmem:v28+s3+$0x0], $0xffff;
	[tilespmem:s12+$0x17FC8] =	vst v1  }
0x6fe: {  	v1 =	vld.idx.msk [tilespmem:v36+s3+$0x0], $0xffff;
	[tilespmem:s6+$0x17FC8] =	vst v2  }
0x6ff: {  	v2 =	vld.idx.msk [tilespmem:v44+s3+$0x0], $0xffff;
	[tilespmem:s28+$0x17FC8] =	vst v4  }
0x700: {  	v4 =	vld.idx.msk [tilespmem:v51+s3+$0x0], $0xffff;
	[tilespmem:s10+$0x17FC8] =	vst v3  }
0x701: {  	v3 =	vld.idx.msk [tilespmem:v9+s3+$0x0], $0xffff  }
0x702: {  	[tilespmem:s25+$0x18048] =	vst v0  }
0x703: {  	v0 =	vld.idx.msk [tilespmem:v27+s3+$0x0], $0xffff;
	[tilespmem:s12+$0x18048] =	vst v1  }
0x704: {  	v1 =	vld.idx.msk [tilespmem:v35+s3+$0x0], $0xffff;
	[tilespmem:s6+$0x18048] =	vst v2  }
0x705: {  	v2 =	vld.idx.msk [tilespmem:v43+s3+$0x0], $0xffff;
	[tilespmem:s28+$0x18048] =	vst v4  }
0x706: {  	v4 =	vld.idx.msk [tilespmem:v52+s3+$0x0], $0xffff;
	[tilespmem:s10+$0x18048] =	vst v3  }
0x707: {  	v3 =	vld.idx.msk [tilespmem:v58+s3+$0x0], $0xffff  }
0x708: {  	[tilespmem:s25+$0x180C8] =	vst v0  }
0x709: {  	v0 =	vld.idx.msk [tilespmem:v26+s3+$0x0], $0xffff;
	[tilespmem:s12+$0x180C8] =	vst v1  }
0x70a: {  	v1 =	vld.idx.msk [tilespmem:v34+s3+$0x0], $0xffff;
	[tilespmem:s6+$0x180C8] =	vst v2  }
0x70b: {  	v2 =	vld.idx.msk [tilespmem:v42+s3+$0x0], $0xffff;
	[tilespmem:s28+$0x180C8] =	vst v4  }
0x70c: {  	v4 =	vld.idx.msk [tilespmem:v53+s3+$0x0], $0xffff;
	[tilespmem:s10+$0x180C8] =	vst v3  }
0x70d: {  	v3 =	vld.idx.msk [tilespmem:v56+s3+$0x0], $0xffff  }
0x70e: {  	[tilespmem:s25+$0x18148] =	vst v0  }
0x70f: {  	v0 =	vld.idx.msk [tilespmem:v25+s3+$0x0], $0xffff;
	[tilespmem:s12+$0x18148] =	vst v1  }
0x710: {  	v1 =	vld.idx.msk [tilespmem:v33+s3+$0x0], $0xffff;
	[tilespmem:s6+$0x18148] =	vst v2  }
0x711: {  	v2 =	vld.idx.msk [tilespmem:v41+s3+$0x0], $0xffff;
	[tilespmem:s28+$0x18148] =	vst v4  }
0x712: {  	v4 =	vld.idx.msk [tilespmem:v54+s3+$0x0], $0xffff;
	[tilespmem:s10+$0x18148] =	vst v3  }
0x713: {  	v3 =	vld.idx.msk [tilespmem:v8+s3+$0x0], $0xffff  }
0x714: {  	[tilespmem:s25+$0x181C8] =	vst v0  }
0x715: {  	v0 =	vld.idx.msk [tilespmem:v24+s3+$0x0], $0xffff;
	[tilespmem:s12+$0x181C8] =	vst v1  }
0x716: {  	v1 =	vld.idx.msk [tilespmem:v32+s3+$0x0], $0xffff;
	[tilespmem:s6+$0x181C8] =	vst v2  }
0x717: {  	v2 =	vld.idx.msk [tilespmem:v40+s3+$0x0], $0xffff;
	[tilespmem:s28+$0x181C8] =	vst v4  }
0x718: {  	v4 =	vld.idx.msk [tilespmem:v55+s3+$0x0], $0xffff;
	[tilespmem:s10+$0x181C8] =	vst v3  }
0x719: {  	v3 =	vld.idx.msk [tilespmem:v5+s3+$0x0], $0xffff  }
0x71a: {  	[tilespmem:s25+$0x18248] =	vst v0  }
0x71b: {  	v0 =	vld.idx.msk [tilespmem:v31+s24+$0x0], $0xffff;
	[tilespmem:s12+$0x18248] =	vst v1  }
0x71c: {  	v1 =	vld.idx.msk [tilespmem:v39+s24+$0x0], $0xffff;
	[tilespmem:s6+$0x18248] =	vst v2  }
0x71d: {  	v2 =	vld.idx.msk [tilespmem:v47+s24+$0x0], $0xffff;
	[tilespmem:s28+$0x18248] =	vst v4  }
0x71e: {  	v4 =	vld.idx.msk [tilespmem:v49+s24+$0x0], $0xffff;
	[tilespmem:s10+$0x18248] =	vst v3  }
0x71f: {  	v3 =	vld.idx.msk [tilespmem:v60+s24+$0x0], $0xffff  }
0x720: {  	[tilespmem:s25+$0x182C8] =	vst v0  }
0x721: {  	v0 =	vld.idx.msk [tilespmem:v30+s24+$0x0], $0xffff;
	[tilespmem:s12+$0x182C8] =	vst v1  }
0x722: {  	v1 =	vld.idx.msk [tilespmem:v38+s24+$0x0], $0xffff;
	[tilespmem:s6+$0x182C8] =	vst v2  }
0x723: {  	v2 =	vld.idx.msk [tilespmem:v46+s24+$0x0], $0xffff;
	[tilespmem:s28+$0x182C8] =	vst v4  }
0x724: {  	v4 =	vld.idx.msk [tilespmem:v48+s24+$0x0], $0xffff;
	[tilespmem:s10+$0x182C8] =	vst v3  }
0x725: {  	v3 =	vld.idx.msk [tilespmem:v57+s24+$0x0], $0xffff  }
0x726: {  	[tilespmem:s25+$0x18348] =	vst v0  }
0x727: {  	v0 =	vld.idx.msk [tilespmem:v29+s24+$0x0], $0xffff;
	[tilespmem:s12+$0x18348] =	vst v1  }
0x728: {  	v1 =	vld.idx.msk [tilespmem:v37+s24+$0x0], $0xffff;
	[tilespmem:s6+$0x18348] =	vst v2  }
0x729: {  	v2 =	vld.idx.msk [tilespmem:v45+s24+$0x0], $0xffff;
	[tilespmem:s28+$0x18348] =	vst v4  }
0x72a: {  	v4 =	vld.idx.msk [tilespmem:v50+s24+$0x0], $0xffff;
	[tilespmem:s10+$0x18348] =	vst v3  }
0x72b: {  	v3 =	vld.idx.msk [tilespmem:v61+s24+$0x0], $0xffff  }
0x72c: {  	[tilespmem:s25+$0x183C8] =	vst v0  }
0x72d: {  	v0 =	vld.idx.msk [tilespmem:v28+s24+$0x0], $0xffff;
	[tilespmem:s12+$0x183C8] =	vst v1  }
0x72e: {  	v1 =	vld.idx.msk [tilespmem:v36+s24+$0x0], $0xffff;
	[tilespmem:s6+$0x183C8] =	vst v2  }
0x72f: {  	v2 =	vld.idx.msk [tilespmem:v44+s24+$0x0], $0xffff;
	[tilespmem:s28+$0x183C8] =	vst v4  }
0x730: {  	v4 =	vld.idx.msk [tilespmem:v51+s24+$0x0], $0xffff;
	[tilespmem:s10+$0x183C8] =	vst v3  }
0x731: {  	v3 =	vld.idx.msk [tilespmem:v9+s24+$0x0], $0xffff  }
0x732: {  	[tilespmem:s25+$0x18448] =	vst v0  }
0x733: {  	v0 =	vld.idx.msk [tilespmem:v27+s24+$0x0], $0xffff;
	[tilespmem:s12+$0x18448] =	vst v1  }
0x734: {  	v1 =	vld.idx.msk [tilespmem:v35+s24+$0x0], $0xffff;
	[tilespmem:s6+$0x18448] =	vst v2  }
0x735: {  	v2 =	vld.idx.msk [tilespmem:v43+s24+$0x0], $0xffff;
	[tilespmem:s28+$0x18448] =	vst v4  }
0x736: {  	v4 =	vld.idx.msk [tilespmem:v52+s24+$0x0], $0xffff;
	[tilespmem:s10+$0x18448] =	vst v3  }
0x737: {  	v3 =	vld.idx.msk [tilespmem:v58+s24+$0x0], $0xffff  }
0x738: {  	[tilespmem:s25+$0x184C8] =	vst v0  }
0x739: {  	v0 =	vld.idx.msk [tilespmem:v26+s24+$0x0], $0xffff;
	[tilespmem:s12+$0x184C8] =	vst v1  }
0x73a: {  	v1 =	vld.idx.msk [tilespmem:v34+s24+$0x0], $0xffff;
	[tilespmem:s6+$0x184C8] =	vst v2  }
0x73b: {  	v2 =	vld.idx.msk [tilespmem:v42+s24+$0x0], $0xffff;
	[tilespmem:s28+$0x184C8] =	vst v4  }
0x73c: {  	v62 =	vld.idx.msk [tilespmem:v53+s24+$0x0], $0xffff;
	[tilespmem:s10+$0x184C8] =	vst v3  }
0x73d: {  	[tilespmem:s26+$0x18548] =	vst v63;
	v63 =	vld.idx.msk [tilespmem:v56+s24+$0x0], $0xffff  }
0x73e: {  	v10 =	vld.idx.msk [tilespmem:v17+s24+$0x0], $0xffff;
	[tilespmem:s25+$0x18548] =	vst v0  }
0x73f: {  	v11 =	vld.idx.msk [tilespmem:v25+s24+$0x0], $0xffff;
	[tilespmem:s12+$0x18548] =	vst v1  }
0x740: {  	v12 =	vld.idx.msk [tilespmem:v33+s24+$0x0], $0xffff;
	[tilespmem:s6+$0x18548] =	vst v2  }
0x741: {  	v13 =	vld.idx.msk [tilespmem:v41+s24+$0x0], $0xffff;
	[tilespmem:s28+$0x18548] =	vst v62  }
0x742: {  	v14 =	vld.idx.msk [tilespmem:v54+s24+$0x0], $0xffff;
	[tilespmem:s10+$0x18548] =	vst v63  }
0x743: {  	[tilespmem:s26+$0x185C8] =	vst v10;
	v15 =	vld.idx.msk [tilespmem:v8+s24+$0x0], $0xffff  }
0x744: {  	v59 =	vld.idx.msk [tilespmem:v16+s24+$0x0], $0xffff;
	[tilespmem:s25+$0x185C8] =	vst v11  }
0x745: {  	[tilespmem:s12+$0x185C8] =	vst v12;
	v62 =	vld.idx.msk [tilespmem:v24+s24+$0x0], $0xffff  }
0x746: {  	[tilespmem:s6+$0x185C8] =	vst v13;
	v63 =	vld.idx.msk [tilespmem:v32+s24+$0x0], $0xffff  }
0x747: {  	v10 =	vld.idx.msk [tilespmem:v40+s24+$0x0], $0xffff;
	[tilespmem:s28+$0x185C8] =	vst v14  }
0x748: {  	v11 =	vld.idx.msk [tilespmem:v55+s24+$0x0], $0xffff;
	[tilespmem:s10+$0x185C8] =	vst v15  }
0x749: {  	[tilespmem:s26+$0x18648] =	vst v59;
	v12 =	vld.idx.msk [tilespmem:v5+s24+$0x0], $0xffff  }
0x74a: {  	v13 =	vld.idx.msk [tilespmem:v23+s1+$0x0], $0xffff;
	[tilespmem:s25+$0x18648] =	vst v62  }
0x74b: {  	v14 =	vld.idx.msk [tilespmem:v31+s1+$0x0], $0xffff;
	[tilespmem:s12+$0x18648] =	vst v63  }
0x74c: {  	[tilespmem:s6+$0x18648] =	vst v10;
	v15 =	vld.idx.msk [tilespmem:v39+s1+$0x0], $0xffff  }
0x74d: {  	v23 =	vld.idx.msk [tilespmem:v47+s1+$0x0], $0xffff;
	[tilespmem:s28+$0x18648] =	vst v11  }
0x74e: {  	v31 =	vld.idx.msk [tilespmem:v49+s1+$0x0], $0xffff;
	[tilespmem:s10+$0x18648] =	vst v12  }
0x74f: {  	[tilespmem:s26+$0x186C8] =	vst v13;
	v39 =	vld.idx.msk [tilespmem:v60+s1+$0x0], $0xffff  }
0x750: {  	v47 =	vld.idx.msk [tilespmem:v22+s1+$0x0], $0xffff;
	[tilespmem:s25+$0x186C8] =	vst v14  }
0x751: {  	v49 =	vld.idx.msk [tilespmem:v30+s1+$0x0], $0xffff;
	[tilespmem:s12+$0x186C8] =	vst v15  }
0x752: {  	[tilespmem:s6+$0x186C8] =	vst v23;
	v59 =	vld.idx.msk [tilespmem:v38+s1+$0x0], $0xffff  }
0x753: {  	[tilespmem:s28+$0x186C8] =	vst v31;
	v60 =	vld.idx.msk [tilespmem:v46+s1+$0x0], $0xffff  }
0x754: {  	v62 =	vld.idx.msk [tilespmem:v48+s1+$0x0], $0xffff;
	[tilespmem:s10+$0x186C8] =	vst v39  }
0x755: {  	[tilespmem:s26+$0x18748] =	vst v47;
	v63 =	vld.idx.msk [tilespmem:v57+s1+$0x0], $0xffff  }
0x756: {  	v10 =	vld.idx.msk [tilespmem:v21+s1+$0x0], $0xffff;
	[tilespmem:s25+$0x18748] =	vst v49  }
0x757: {  	v11 =	vld.idx.msk [tilespmem:v29+s1+$0x0], $0xffff;
	[tilespmem:s12+$0x18748] =	vst v59  }
0x758: {  	[tilespmem:s6+$0x18748] =	vst v60;
	v12 =	vld.idx.msk [tilespmem:v37+s1+$0x0], $0xffff  }
0x759: {  	[tilespmem:s28+$0x18748] =	vst v62;
	v13 =	vld.idx.msk [tilespmem:v45+s1+$0x0], $0xffff  }
0x75a: {  	v14 =	vld.idx.msk [tilespmem:v50+s1+$0x0], $0xffff;
	[tilespmem:s10+$0x18748] =	vst v63  }
0x75b: {  	[tilespmem:s26+$0x187C8] =	vst v10;
	v15 =	vld.idx.msk [tilespmem:v61+s1+$0x0], $0xffff  }
0x75c: {  	v21 =	vld.idx.msk [tilespmem:v20+s1+$0x0], $0xffff;
	[tilespmem:s25+$0x187C8] =	vst v11  }
0x75d: {  	v22 =	vld.idx.msk [tilespmem:v28+s1+$0x0], $0xffff;
	[tilespmem:s12+$0x187C8] =	vst v12  }
0x75e: {  	[tilespmem:s6+$0x187C8] =	vst v13;
	v23 =	vld.idx.msk [tilespmem:v36+s1+$0x0], $0xffff  }
0x75f: {  	[tilespmem:s28+$0x187C8] =	vst v14;
	v28 =	vld.idx.msk [tilespmem:v44+s1+$0x0], $0xffff  }
0x760: {  	v29 =	vld.idx.msk [tilespmem:v51+s1+$0x0], $0xffff;
	[tilespmem:s10+$0x187C8] =	vst v15  }
0x761: {  	[tilespmem:s26+$0x18848] =	vst v21;
	v30 =	vld.idx.msk [tilespmem:v9+s1+$0x0], $0xffff  }
0x762: {  	v31 =	vld.idx.msk [tilespmem:v19+s1+$0x0], $0xffff;
	[tilespmem:s25+$0x18848] =	vst v22  }
0x763: {  	v36 =	vld.idx.msk [tilespmem:v27+s1+$0x0], $0xffff;
	[tilespmem:s12+$0x18848] =	vst v23  }
0x764: {  	[tilespmem:s6+$0x18848] =	vst v28;
	v37 =	vld.idx.msk [tilespmem:v35+s1+$0x0], $0xffff  }
0x765: {  	[tilespmem:s28+$0x18848] =	vst v29;
	v38 =	vld.idx.msk [tilespmem:v43+s1+$0x0], $0xffff  }
0x766: {  	v39 =	vld.idx.msk [tilespmem:v52+s1+$0x0], $0xffff;
	[tilespmem:s10+$0x18848] =	vst v30  }
0x767: {  	[tilespmem:s26+$0x188C8] =	vst v31;
	v43 =	vld.idx.msk [tilespmem:v58+s1+$0x0], $0xffff  }
0x768: {  	v44 =	vld.idx.msk [tilespmem:v18+s1+$0x0], $0xffff;
	[tilespmem:s25+$0x188C8] =	vst v36  }
0x769: {  	v45 =	vld.idx.msk [tilespmem:v26+s1+$0x0], $0xffff;
	[tilespmem:s12+$0x188C8] =	vst v37  }
0x76a: {  	[tilespmem:s6+$0x188C8] =	vst v38;
	v46 =	vld.idx.msk [tilespmem:v34+s1+$0x0], $0xffff  }
0x76b: {  	[tilespmem:s28+$0x188C8] =	vst v39;
	v47 =	vld.idx.msk [tilespmem:v42+s1+$0x0], $0xffff  }
0x76c: {  	v48 =	vld.idx.msk [tilespmem:v53+s1+$0x0], $0xffff;
	[tilespmem:s10+$0x188C8] =	vst v43  }
0x76d: {  	[tilespmem:s26+$0x18948] =	vst v44;
	v49 =	vld.idx.msk [tilespmem:v56+s1+$0x0], $0xffff  }
0x76e: {  	v50 =	vld.idx.msk [tilespmem:v17+s1+$0x0], $0xffff;
	[tilespmem:s25+$0x18948] =	vst v45  }
0x76f: {  	v51 =	vld.idx.msk [tilespmem:v25+s1+$0x0], $0xffff;
	[tilespmem:s12+$0x18948] =	vst v46  }
0x770: {  	[tilespmem:s6+$0x18948] =	vst v47;
	v52 =	vld.idx.msk [tilespmem:v33+s1+$0x0], $0xffff  }
0x771: {  	[tilespmem:s28+$0x18948] =	vst v48;
	v53 =	vld.idx.msk [tilespmem:v41+s1+$0x0], $0xffff  }
0x772: {  	v56 =	vld.idx.msk [tilespmem:v54+s1+$0x0], $0xffff;
	[tilespmem:s10+$0x18948] =	vst v49  }
0x773: {  	[tilespmem:s26+$0x189C8] =	vst v50;
	v57 =	vld.idx.msk [tilespmem:v8+s1+$0x0], $0xffff  }
0x774: {  	v58 =	vld.idx.msk [tilespmem:v16+s1+$0x0], $0xffff;
	[tilespmem:s25+$0x189C8] =	vst v51  }
0x775: {  	v59 =	vld.idx.msk [tilespmem:v24+s1+$0x0], $0xffff;
	[tilespmem:s12+$0x189C8] =	vst v52  }
0x776: {  	[tilespmem:s6+$0x189C8] =	vst v53;
	v60 =	vld.idx.msk [tilespmem:v32+s1+$0x0], $0xffff  }
0x777: {  	[tilespmem:s28+$0x189C8] =	vst v56;
	v61 =	vld.idx.msk [tilespmem:v40+s1+$0x0], $0xffff  }
0x778: {  	v62 =	vld.idx.msk [tilespmem:v55+s1+$0x0], $0xffff;
	[tilespmem:s10+$0x189C8] =	vst v57  }
0x779: {  	[tilespmem:s26+$0x18A48] =	vst v58;
	v63 =	vld.idx.msk [tilespmem:v5+s1+$0x0], $0xffff  }
0x77a: {  	[tilespmem:s25+$0x18A48] =	vst v59  }
0x77b: {  	[tilespmem:s12+$0x18A48] =	vst v60  }
0x77c: {  	[tilespmem:s6+$0x18A48] =	vst v61  }
0x77d: {  	[tilespmem:s28+$0x18A48] =	vst v62  }
0x77e: {  	[tilespmem:s10+$0x18A48] =	vst v63  }
0x77f: {  	s6 =	rddreg [dreg:$0xe]  }
0x780: {  	s10 =	rddreg [dreg:$0x15]  }
0x781: {  	s11 =	simm.s32 $0x20000;
	s26 =	simm.s32 $0x400;
	s14 =	rddreg [dreg:$0x14]  }
0x782: {  	s28 =	simm.s32 $0x16AC8;
	s6 =	sadd.s32 s10, s6;
	s12 =	sadd.s32 $0x1, s14  }
0x783: {  	[hbm4b:s6+s26] =	stream.strided.scatter [tilespmem:s28], [sflag:$0x4], $0x2000, s11, s26, $0x38;
	[tilespmem:$0x18AC8] =	vst v63  }
0x784: {  	p0 =	sne.s32 s12, $0x4  }
.Ltmp3:
0x785: {  	s25 =	rddreg [dreg:$0x13];
	(pc) =	sbr.rel @p0 .LBB2_2-.Ltmp3, $4  }
0x786: {  	s26 =	rddreg [dreg:$0x11]  }
0x787: {  	s28 =	rddreg [dreg:$0x12];
	s6 =	sadd.s32 $0x80, s26  }
0x788: {  	[dreg:$0x11] =	wrdreg s6;
	s6 =	sadd.s32 $0x80, s28  }
0x789: {  	s10 =	sadd.s32 $0x80, s25;
	s11 =	simm.s32 $0x600;
	[dreg:$0x12] =	wrdreg s6  }
0x78a: {  	s6 =	simm.s32 $0x2  }
0x78b: {  	_ =	swait.ge [sflag:s6], $0x2000  }
0x78c: {  	[sflag:s6] =	ssyncset.done $0x0  }
0x78d: {  	s26 =	simm.s32 $0x3;
	[sflag:s6] =	ssyncadd.s32 $0xFFFFE000  }
0x78e: {  	_ =	swait.ge [sflag:s26], $0x2000  }
0x78f: {  	[sflag:s26] =	ssyncset.done $0x0  }
0x790: {  	s10 =	simm.s32 $0x4;
	[sflag:s26] =	ssyncadd.s32 $0xFFFFE000  }
0x791: {  	_ =	swait.ge [sflag:s10], $0x2000  }
0x792: {  	s12 =	rddreg [dreg:$0x10]  }
0x793: {  	s28 =	rddreg [dreg:$0xf];
	s12 =	sadd.s32 $0x1, s12  }
0x794: {  	p0 =	sne.s32 s12, s28  }
.Ltmp4:
0x795: {  	_ = 	snop;
	(pc) =	sbr.rel @p0 .LBB2_1-.Ltmp4, $3  }
0x796: {  	_ =	sdelay $0x1  }
0x797: {  	[sflag:s10] =	ssyncset.done $0x0  }
0x798: {  	[sflag:s10] =	ssyncadd.s32 $0xFFFFE000  }
0x799: {  	_ =	sfence.sel $0x180000  }
0x79a: {  	[bflag:$0x0] =	sbarrier.arrive $0xFFFF  }
0x79b: {  	_ =	strace $0x90000047  }
0x79c: {  	s0 =	stileid.u32;
	[bflag:$0x2] =	sbarrier.arrive $0xFFFF  }
0x79d: {  	p0 =	sne.s32 s0, $0x0;
	s0 =	rddreg [dreg:$0x5]  }
0x79e: {  	s0 =	sadd.s32 @!p0 $0x100000, s0  }
0x79f: {  	[sflag:s0] =	ssyncadd.tile.s32 @!p0 $0x1;
	_ =	shalt  }
.Lfunc_end2:
_tile_overlayer_lowered:
.L_overlay_start_2:
0x7a0: {  	(tag) =	ssettag $0x2  }
0x7a1: {  	s0 =	rddreg [dreg:$0x0];
	s2 =	stileid.u32  }
0x7a2: {  	s1 =	rddreg [dreg:$0x1];
	p0 =	sne.s32 s2, $0x0  }
0x7a3: {  	s3 =	rddreg [dreg:$0x2];
	[bflag:$0x3] =	sbarrier.arrive $0xFFFF;
	s2 =	simm.s32 @!p0 $0x1C05  }
0x7a4: {  	[timem:s3], [sflag:s2] =	dma.local @!p0 [hbm:s0], s1  }
0x7a5: {  	s0 =	simm.s32 @!p0 $0x5  }
0x7a6: {  	_ =	swait.ge @!p0 [sflag:s0], s1  }
0x7a7: {  	s1 =	ssub.s32 @!p0 $0x0, s1;
	[sflag:s0] =	ssyncset.done @!p0 $0x0  }
0x7a8: {  	[sflag:s0] =	ssyncadd.s32 @!p0 s1  }
0x7a9: {  	[bflag:$0x3] =	sbarrier.arrive $0xFFFF  }
0x7aa: {  	_ =	shalt  }

</sc_bundles>
